<compile_context>
chip_gen: v7x
topology: tpu7x:2x2x1
jax: 0.10.2.dev20260603
libtpu: 0.0.44.dev20260713+nightly
codegen_flags: <defaults>
</compile_context>

<pallas_src>
import functools
import math
import statistics as _stats

import jax
import jax.numpy as jnp
from jax import lax
from jax.experimental import pallas as pl
from jax.experimental.pallas import tpu as pltpu
from jax.experimental.pallas import tpu_sc as plsc

_EPS = 1e-12
_SEL_CAP = 64
_TARGET_RANK = 2048


def _pick_block(K: int) -> int:
    for blk in (4000, 1600, 1280, 1024, 2000, 800, 640, 512, 500, 400, 320,
                256, 250, 200, 160, 128, 125, 104, 100, 80, 64, 56, 50, 40,
                32, 25, 24, 20, 16, 10, 8):
        if K % blk == 0 and blk % 8 == 0:
            return blk
    return K


def _sc_gather_rows(keys, idx):
    K, D = keys.shape
    B = idx.shape[0]
    info = plsc.get_sparse_core_info()
    nw = info.num_cores * info.num_subcores
    b_per_w = B // nw
    mesh = plsc.VectorSubcoreMesh(core_axis_name="c", subcore_axis_name="s")

    @functools.partial(
        pl.kernel,
        mesh=mesh,
        out_type=jax.ShapeDtypeStruct((B, D), jnp.float32),
        scratch_types=[
            pltpu.VMEM((b_per_w,), jnp.int32),
            pltpu.VMEM((b_per_w, D), jnp.float32),
            pltpu.SemaphoreType.DMA,
        ],
    )
    def gather_kernel(keys_hbm, idx_hbm, out_hbm, idx_v, rows_v, sem):
        wid = lax.axis_index("s") * info.num_cores + lax.axis_index("c")
        base = wid * b_per_w
        pltpu.sync_copy(idx_hbm.at[pl.ds(base, b_per_w)], idx_v)
        pltpu.async_copy(keys_hbm.at[idx_v], rows_v, sem).wait()
        pltpu.sync_copy(rows_v, out_hbm.at[pl.ds(base, b_per_w)])

    return gather_kernel(keys, idx)


def _prep_body(yhat_ref, gtrows_ref, gtsim_ref, qn_ref, qn16_ref):
    y = yhat_ref[...]
    qn = y / (jnp.sqrt(jnp.sum(y * y, axis=1, keepdims=True)) + _EPS)
    qn_ref[...] = qn
    qn16_ref[...] = qn.astype(jnp.bfloat16)
    g = gtrows_ref[...]
    gn = g / (jnp.sqrt(jnp.sum(g * g, axis=1, keepdims=True)) + _EPS)
    gtsim_ref[...] = jnp.sum(qn * gn, axis=1, keepdims=True)


def _tc_prep(y_hat, gt_rows):
    B, D = y_hat.shape
    return pl.pallas_call(
        _prep_body,
        out_shape=(
            jax.ShapeDtypeStruct((B, 1), jnp.float32),
            jax.ShapeDtypeStruct((B, D), jnp.float32),
            jax.ShapeDtypeStruct((B, D), jnp.bfloat16),
        ),
    )(y_hat, gt_rows)


def _sc_select(gtsim, y_hat, gt_idx, thresh):
    B, D = y_hat.shape
    S = _SEL_CAP
    L = 16
    n_chunks = B // L
    s_chunks = S // L
    rows_per_tile = 8
    n_gather_tiles = S // rows_per_tile
    mesh = plsc.VectorSubcoreMesh(
        core_axis_name="c", subcore_axis_name="s", num_cores=1)

    @functools.partial(
        pl.kernel,
        mesh=mesh,
        compiler_params=pltpu.CompilerParams(needs_layout_passes=False),
        out_type=(
            jax.ShapeDtypeStruct((S, D), jnp.float32),
            jax.ShapeDtypeStruct((S,), jnp.float32),
            jax.ShapeDtypeStruct((S,), jnp.int32),
            jax.ShapeDtypeStruct((S,), jnp.int32),
            jax.ShapeDtypeStruct((B,), jnp.int32),
        ),
        scratch_types=[
            pltpu.VMEM((B,), jnp.float32),
            pltpu.VMEM((B,), jnp.int32),
            pltpu.VMEM((B,), jnp.int32),
            pltpu.VMEM((S,), jnp.int32),
            pltpu.VMEM((S,), jnp.float32),
            pltpu.VMEM((S,), jnp.int32),
            pltpu.VMEM((S,), jnp.int32),
            pltpu.VMEM((rows_per_tile,), jnp.int32),
            pltpu.VMEM((rows_per_tile, D), jnp.float32),
            pltpu.VMEM_SHARED((S,), jnp.int32),
            pltpu.SemaphoreType.DMA,
        ],
    )
    def select_kernel(gtsim_hbm, yhat_hbm, gtidx_hbm,
                      qsel_hbm, selg_hbm, seli_hbm, valid_hbm, flag_hbm,
                      gtsim_v, gtidx_v, flag_v, selidx_v, selg_v, seli_v,
                      valid_v, idx_v, rows_v, shared_idx, sem):
        w = lax.axis_index("s")

        @pl.when(w == 0)
        def _compact():
            pltpu.sync_copy(gtsim_hbm, gtsim_v)
            pltpu.sync_copy(gtidx_hbm, gtidx_v)
            for c in range(s_chunks):
                selidx_v[pl.ds(c * L, L)] = jnp.zeros((L,), jnp.int32)
                valid_v[pl.ds(c * L, L)] = jnp.zeros((L,), jnp.int32)

            ones = jnp.ones((L,), jnp.int32)
            off_v = jnp.zeros((L,), jnp.int32)
            thresh_v = jnp.full((L,), thresh, jnp.float32)
            cap_v = jnp.full((L,), S, jnp.int32)
            lane = lax.iota(jnp.int32, L)
            for c in range(n_chunks):
                v = gtsim_v[pl.ds(c * L, L)]
                m = v > thresh_v
                mi = m.astype(jnp.int32)
                cs = plsc.cumsum(mi)
                pos = cs - mi + off_v
                okm = m & (pos < cap_v)
                ids = jnp.full((L,), c * L, jnp.int32) + lane
                plsc.store_scatter(selidx_v, [pos], ids, mask=okm)
                plsc.store_scatter(valid_v, [pos], ones, mask=okm)
                flag_v[pl.ds(c * L, L)] = okm.astype(jnp.int32)
                off_v = off_v + plsc.cummax(lax.rev(cs, (0,)))
            for c in range(s_chunks):
                idxv = selidx_v[pl.ds(c * L, L)]
                selg_v[pl.ds(c * L, L)] = plsc.load_gather(gtsim_v, [idxv])
                seli_v[pl.ds(c * L, L)] = plsc.load_gather(gtidx_v, [idxv])
            pltpu.sync_copy(selg_v, selg_hbm)
            pltpu.sync_copy(seli_v, seli_hbm)
            pltpu.sync_copy(valid_v, valid_hbm)
            pltpu.sync_copy(flag_v, flag_hbm)
            pltpu.sync_copy(selidx_v, shared_idx)

        plsc.subcore_barrier()

        @pl.when(w < n_gather_tiles)
        def _gather_rows():
            base = w * rows_per_tile
            pltpu.sync_copy(shared_idx.at[pl.ds(base, rows_per_tile)], idx_v)
            pltpu.async_copy(yhat_hbm.at[idx_v], rows_v, sem).wait()
            pltpu.sync_copy(rows_v, qsel_hbm.at[pl.ds(base, rows_per_tile)])

    return select_kernel(gtsim, y_hat, gt_idx)


def _count_body(nsteps, blk, B, D, K, S,
                gtsim_ref, flag_ref, qn16_ref, keys_ref,
                qsel_in_ref, selg_ref, seli_ref, valid_ref,
                out_ref, qselh_ref, qsell_ref, cnt_ref, cnts_ref):
    step = pl.program_id(0)

    @pl.when(step == 0)
    def _prologue():
        qsel = qsel_in_ref[...]
        qh = qsel.astype(jnp.bfloat16)
        qselh_ref[...] = qh
        qsell_ref[...] = (qsel - qh.astype(jnp.float32)).astype(jnp.bfloat16)
        cnt_ref[...] = jnp.zeros_like(cnt_ref)
        cnts_ref[...] = jnp.zeros_like(cnts_ref)

    kb = keys_ref[...]
    inv = 1.0 / (jnp.sqrt(jnp.sum(kb * kb, axis=1, keepdims=True)) + _EPS)
    kn = kb * inv
    kn16 = kn.astype(jnp.bfloat16)

    sim = lax.dot_general(qn16_ref[...], kn16, (((1,), (1,)), ((), ())),
                          preferred_element_type=jnp.float32,
                          precision=lax.Precision.DEFAULT)
    cnt_ref[...] += jnp.sum((sim > gtsim_ref[...]).astype(jnp.int32),
                            axis=1, keepdims=True)

    knl = (kn - kn16.astype(jnp.float32)).astype(jnp.bfloat16)
    dnum = (((1,), (1,)), ((), ()))

    def _dot(a, b):
        return lax.dot_general(a, b, dnum,
                               preferred_element_type=jnp.float32,
                               precision=lax.Precision.DEFAULT)

    sims = (_dot(kn16, qselh_ref[...]) + _dot(knl, qselh_ref[...])
            + _dot(kn16, qsell_ref[...]))
    rows = step * blk + lax.broadcasted_iota(jnp.int32, (blk, S), 0)
    hits = (sims > selg_ref[...]) & (rows != seli_ref[...])
    if K % blk != 0:
        hits = hits & (rows < K)
    cnts_ref[...] += jnp.sum(hits.astype(jnp.int32), axis=0, keepdims=True)

    @pl.when(step == nsteps - 1)
    def _epilogue():
        rank_b = (cnt_ref[...] + 1).astype(jnp.float32)
        keep = (1 - flag_ref[...]).astype(jnp.float32)
        s_fast = jnp.sum(keep / rank_b)
        rank_s = (cnts_ref[...] + 1).astype(jnp.float32)
        s_exact = jnp.sum(valid_ref[...].astype(jnp.float32) / rank_s)
        out_ref[...] = ((s_fast + s_exact) / B).reshape(1, 1)


def kernel(y_hat, keys, gt_idx):
    B, D = y_hat.shape
    K = keys.shape[0]
    S = _SEL_CAP
    gt_idx = gt_idx.astype(jnp.int32)

    gt_rows = _sc_gather_rows(keys, gt_idx)
    gtsim, qn, qn16 = _tc_prep(y_hat, gt_rows)

    frac = min(max(_TARGET_RANK / K, 1e-6), 0.5)
    thresh = _stats.NormalDist().inv_cdf(1.0 - frac) / math.sqrt(D)

    qsel_raw, sel_gtsim, sel_gtidx, sel_valid, sel_flag = _sc_select(
        gtsim.reshape(B), qn, gt_idx, thresh)

    blk = _pick_block(K)
    nsteps = pl.cdiv(K, blk)
    body = functools.partial(_count_body, nsteps, blk, B, D, K, S)
    out = pl.pallas_call(
        body,
        grid=(nsteps,),
        compiler_params=pltpu.CompilerParams(
            vmem_limit_bytes=63 * 1024 * 1024),
        in_specs=[
            pl.BlockSpec((B, 1), lambda k: (0, 0)),
            pl.BlockSpec((B, 1), lambda k: (0, 0)),
            pl.BlockSpec((B, D), lambda k: (0, 0)),
            pl.BlockSpec((blk, D), lambda k: (k, 0)),
            pl.BlockSpec((S, D), lambda k: (0, 0)),
            pl.BlockSpec((1, S), lambda k: (0, 0)),
            pl.BlockSpec((1, S), lambda k: (0, 0)),
            pl.BlockSpec((1, S), lambda k: (0, 0)),
        ],
        out_specs=pl.BlockSpec((1, 1), lambda k: (0, 0)),
        out_shape=jax.ShapeDtypeStruct((1, 1), jnp.float32),
        scratch_shapes=[
            pltpu.VMEM((S, D), jnp.bfloat16),
            pltpu.VMEM((S, D), jnp.bfloat16),
            pltpu.VMEM((B, 1), jnp.int32),
            pltpu.VMEM((1, S), jnp.int32),
        ],
    )(gtsim, sel_flag.reshape(B, 1), qn16, keys,
      qsel_raw, sel_gtsim.reshape(1, S), sel_gtidx.reshape(1, S),
      sel_valid.reshape(1, S))
    return out.reshape(())

# --- scband reference (transcript-rebuilt; emitter-appended) ---
"""Pipeline reference for scband-mrr-64467459113221 (READ-ONLY COPY).

The authoritative reference and input builder live on the scoring server;
editing this copy changes nothing except your own understanding.
"""

import jax, jax.numpy as jnp
import numpy as np

B = 1024
K = 100000
D = 1024
LIMIT = 1000000

def setup_inputs(seed: int = 0) -> dict:
    key = jax.random.key(seed)
    k1, k2, k3 = jax.random.split(key, 3)
    y_hat = jax.random.normal(k1, (B, D), dtype=jnp.float32)
    keys = jax.random.normal(k2, (K, D), dtype=jnp.float32)
    gt_idx = jax.random.randint(k3, (B,), 0, K)
    return {"y_hat": y_hat, "keys": keys, "gt_idx": gt_idx}

def reference(y_hat, keys, gt_idx):
    # Exact-NN search with cosine similarity (InMemoryExactNNVectorDB default).
    qn = y_hat / (jnp.linalg.norm(y_hat, axis=1, keepdims=True) + 1e-12)
    kn = keys / (jnp.linalg.norm(keys, axis=1, keepdims=True) + 1e-12)
    sim = qn @ kn.T  # [B, K] full similarity matrix == exhaustive search
    # similarity of each query to its ground-truth product
    gt_sim = jnp.take_along_axis(sim, gt_idx[:, None], axis=1)  # [B, 1]
    # rank of the ground-truth product = 1 + number of products strictly more similar
    rank = 1 + jnp.sum(sim > gt_sim, axis=1)
    # products outside the search limit get rank limit+1 (mirrors ranks.get(..., limit+1))
    rank = jnp.where(rank <= LIMIT, rank, LIMIT + 1)
    mrr = jnp.mean(1.0 / rank.astype(jnp.float32))
    return mrr

if __name__ == "__main__":
    import jax
    _d = setup_inputs()
    print(jax.jit(kernel)(*tuple(_d.values())))

</pallas_src>

<mosaic_0001>
#map = affine_map<(d0, d1) -> (0, 0)>
#map1 = affine_map<(d0, d1) -> (0)>
module attributes {stable_mosaic.version = 14 : i64} {
  func.func @gather_kernel(%arg0: i32, %arg1: i32, %arg2: memref<100000x1024xf32, #tpu.memory_space<hbm>>, %arg3: memref<1024xi32, #tpu.memory_space<hbm>>, %arg4: memref<1024x1024xf32, #tpu.memory_space<hbm>>, %arg5: memref<32xi32, #tpu.memory_space<vmem>>, %arg6: memref<32x1024xf32, #tpu.memory_space<vmem>>, %arg7: memref<!tpu.dma_semaphore, #tpu.memory_space<semaphore_mem>>) attributes {dimension_semantics = [#tpu.dimension_semantics<core_parallel>, #tpu.dimension_semantics<subcore_parallel>], iteration_bounds = array<i64: 2, 16>, scalar_prefetch = 0 : i64, scratch_operands = 3 : i64, tpu.core_type = #tpu.core_type<sc_vector_subcore>, window_params = [{transform_indices = #map}, {transform_indices = #map1}, {transform_indices = #map}]} {
    %mul3A = arith.constant 2 : i32
    %mul3A_0 = arith.muli %arg1, %mul3A : i32
    %add3A = arith.addi %mul3A_0, %arg0 : i32
    %mul3A_1 = arith.constant 32 : i32
    %mul3A_2 = arith.muli %add3A, %mul3A_1 : i32
    "tpu.region"() ({
      %run_scoped3A = tpu.sem_alloc : memref<!tpu.dma_semaphore, #tpu.memory_space<semaphore_mem>>
      %dma_start3A_7 = tpu.memref_slice %arg3[%mul3A_2] : memref<1024xi32, #tpu.memory_space<hbm>> -> memref<32xi32, #tpu.memory_space<hbm>>
      %dma_start3A_8 = tpu.memref_slice %arg3[%mul3A_2] : memref<1024xi32, #tpu.memory_space<hbm>> -> memref<32xi32, #tpu.memory_space<hbm>>
      tpu.enqueue_dma source(%dma_start3A_8 : memref<32xi32, #tpu.memory_space<hbm>>) target(%arg5 : memref<32xi32, #tpu.memory_space<vmem>>) target_semaphore(%run_scoped3A : memref<!tpu.dma_semaphore, #tpu.memory_space<semaphore_mem>>)
      %dma_wait3A_9 = tpu.memref_slice %arg3[%mul3A_2] : memref<1024xi32, #tpu.memory_space<hbm>> -> memref<32xi32, #tpu.memory_space<hbm>>
      %dma_wait3A_10 = tpu.memref_slice %arg3[%mul3A_2] : memref<1024xi32, #tpu.memory_space<hbm>> -> memref<32xi32, #tpu.memory_space<hbm>>
      tpu.wait_dma2 semaphore(%run_scoped3A : memref<!tpu.dma_semaphore, #tpu.memory_space<semaphore_mem>>) src(%dma_wait3A_10 : memref<32xi32, #tpu.memory_space<hbm>>) dst(%arg5 : memref<32xi32, #tpu.memory_space<vmem>>)
      tpu.yield
    }) : () -> ()
    %dma_start3A = arith.constant 0 : i32
    %dma_start3A_3 = arith.constant 0 : i32
    %dma_start3A_4 = tpu.memref_slice %arg2[%dma_start3A, %dma_start3A_3] : memref<100000x1024xf32, #tpu.memory_space<hbm>> -> memref<100000x1024xf32, #tpu.memory_space<hbm>>
    tpu.enqueue_indirect_dma source(%dma_start3A_4 : memref<100000x1024xf32, #tpu.memory_space<hbm>>) target(%arg6 : memref<32x1024xf32, #tpu.memory_space<vmem>>) offsets(%arg5 : memref<32xi32, #tpu.memory_space<vmem>>) semaphore(%arg7 : memref<!tpu.dma_semaphore, #tpu.memory_space<semaphore_mem>>)
    %dma_wait3A = arith.constant 0 : i32
    %dma_wait3A_5 = arith.constant 0 : i32
    %dma_wait3A_6 = tpu.memref_slice %arg2[%dma_wait3A, %dma_wait3A_5] : memref<100000x1024xf32, #tpu.memory_space<hbm>> -> memref<100000x1024xf32, #tpu.memory_space<hbm>>
    tpu.wait_indirect_dma semaphore(%arg7 : memref<!tpu.dma_semaphore, #tpu.memory_space<semaphore_mem>>) src(%dma_wait3A_6 : memref<100000x1024xf32, #tpu.memory_space<hbm>>) dst(%arg6 : memref<32x1024xf32, #tpu.memory_space<vmem>>)
    "tpu.region"() ({
      %run_scoped3A = tpu.sem_alloc : memref<!tpu.dma_semaphore, #tpu.memory_space<semaphore_mem>>
      %dma_start3A_7 = arith.constant 0 : i32
      %dma_start3A_8 = tpu.memref_slice %arg4[%mul3A_2, %dma_start3A_7] : memref<1024x1024xf32, #tpu.memory_space<hbm>> -> memref<32x1024xf32, #tpu.memory_space<hbm>>
      %dma_start3A_9 = arith.constant 0 : i32
      %dma_start3A_10 = tpu.memref_slice %arg4[%mul3A_2, %dma_start3A_9] : memref<1024x1024xf32, #tpu.memory_space<hbm>> -> memref<32x1024xf32, #tpu.memory_space<hbm>>
      tpu.enqueue_dma source(%arg6 : memref<32x1024xf32, #tpu.memory_space<vmem>>) target(%dma_start3A_10 : memref<32x1024xf32, #tpu.memory_space<hbm>>) target_semaphore(%run_scoped3A : memref<!tpu.dma_semaphore, #tpu.memory_space<semaphore_mem>>)
      %dma_wait3A_11 = arith.constant 0 : i32
      %dma_wait3A_12 = tpu.memref_slice %arg4[%mul3A_2, %dma_wait3A_11] : memref<1024x1024xf32, #tpu.memory_space<hbm>> -> memref<32x1024xf32, #tpu.memory_space<hbm>>
      %dma_wait3A_13 = arith.constant 0 : i32
      %dma_wait3A_14 = tpu.memref_slice %arg4[%mul3A_2, %dma_wait3A_13] : memref<1024x1024xf32, #tpu.memory_space<hbm>> -> memref<32x1024xf32, #tpu.memory_space<hbm>>
      tpu.wait_dma2 semaphore(%run_scoped3A : memref<!tpu.dma_semaphore, #tpu.memory_space<semaphore_mem>>) src(%arg6 : memref<32x1024xf32, #tpu.memory_space<vmem>>) dst(%dma_wait3A_14 : memref<32x1024xf32, #tpu.memory_space<hbm>>)
      tpu.yield
    }) : () -> ()
    return
  }
}

#map = affine_map<(d0, d1) -> (0)>
#map1 = affine_map<(d0, d1) -> (0, 0)>
module attributes {stable_mosaic.version = 14 : i64} {
  func.func @select_kernel(%arg0: i32, %arg1: i32, %arg2: memref<1024xf32, #tpu.memory_space<hbm>>, %arg3: memref<1024x1024xf32, #tpu.memory_space<hbm>>, %arg4: memref<1024xi32, #tpu.memory_space<hbm>>, %arg5: memref<64x1024xf32, #tpu.memory_space<hbm>>, %arg6: memref<64xf32, #tpu.memory_space<hbm>>, %arg7: memref<64xi32, #tpu.memory_space<hbm>>, %arg8: memref<64xi32, #tpu.memory_space<hbm>>, %arg9: memref<1024xi32, #tpu.memory_space<hbm>>, %arg10: memref<1024xf32, #tpu.memory_space<vmem>>, %arg11: memref<1024xi32, #tpu.memory_space<vmem>>, %arg12: memref<1024xi32, #tpu.memory_space<vmem>>, %arg13: memref<64xi32, #tpu.memory_space<vmem>>, %arg14: memref<64xf32, #tpu.memory_space<vmem>>, %arg15: memref<64xi32, #tpu.memory_space<vmem>>, %arg16: memref<64xi32, #tpu.memory_space<vmem>>, %arg17: memref<8xi32, #tpu.memory_space<vmem>>, %arg18: memref<8x1024xf32, #tpu.memory_space<vmem>>, %arg19: memref<64xi32, #tpu.memory_space<vmem_shared>>, %arg20: memref<!tpu.dma_semaphore, #tpu.memory_space<semaphore_mem>>) attributes {dimension_semantics = [#tpu.dimension_semantics<core_parallel>, #tpu.dimension_semantics<subcore_parallel>], iteration_bounds = array<i64: 1, 16>, scalar_prefetch = 0 : i64, scratch_operands = 11 : i64, tpu.core_type = #tpu.core_type<sc_vector_subcore>, window_params = [{transform_indices = #map}, {transform_indices = #map1}, {transform_indices = #map}, {transform_indices = #map1}, {transform_indices = #map}, {transform_indices = #map}, {transform_indices = #map}, {transform_indices = #map}]} {
    %eq3A = arith.constant 0 : i32
    %eq3A_0 = arith.cmpi eq, %arg1, %eq3A : i32
    %convert_element_type3A = arith.extui %eq3A_0 : i1 to i32
    %cond3A = arith.constant 0 : i32
    %cond3A_1 = arith.cmpi ne, %convert_element_type3A, %cond3A : i32
    scf.if %cond3A_1 {
      "tpu.region"() ({
        %run_scoped3A = tpu.sem_alloc : memref<!tpu.dma_semaphore, #tpu.memory_space<semaphore_mem>>
        tpu.enqueue_dma source(%arg2 : memref<1024xf32, #tpu.memory_space<hbm>>) target(%arg10 : memref<1024xf32, #tpu.memory_space<vmem>>) target_semaphore(%run_scoped3A : memref<!tpu.dma_semaphore, #tpu.memory_space<semaphore_mem>>)
        tpu.wait_dma2 semaphore(%run_scoped3A : memref<!tpu.dma_semaphore, #tpu.memory_space<semaphore_mem>>) src(%arg2 : memref<1024xf32, #tpu.memory_space<hbm>>) dst(%arg10 : memref<1024xf32, #tpu.memory_space<vmem>>)
        tpu.yield
      }) : () -> ()
      "tpu.region"() ({
        %run_scoped3A = tpu.sem_alloc : memref<!tpu.dma_semaphore, #tpu.memory_space<semaphore_mem>>
        tpu.enqueue_dma source(%arg4 : memref<1024xi32, #tpu.memory_space<hbm>>) target(%arg11 : memref<1024xi32, #tpu.memory_space<vmem>>) target_semaphore(%run_scoped3A : memref<!tpu.dma_semaphore, #tpu.memory_space<semaphore_mem>>)
        tpu.wait_dma2 semaphore(%run_scoped3A : memref<!tpu.dma_semaphore, #tpu.memory_space<semaphore_mem>>) src(%arg4 : memref<1024xi32, #tpu.memory_space<hbm>>) dst(%arg11 : memref<1024xi32, #tpu.memory_space<vmem>>)
        tpu.yield
      }) : () -> ()
      %broadcast_in_dim3A = arith.constant 0 : i32
      %broadcast_in_dim3A_6 = vector.broadcast %broadcast_in_dim3A : i32 to vector<16xi32>
      %swap3A = arith.constant 0 : index
      %swap3A_7 = tpu.vector_load %arg13[%swap3A] {strides = array<i32>} : memref<64xi32, #tpu.memory_space<vmem>>, vector<16xi32>,
      tpu.vector_store %arg13[%swap3A], %broadcast_in_dim3A_6 {strides = array<i32>} : memref<64xi32, #tpu.memory_space<vmem>>, vector<16xi32>,
      %broadcast_in_dim3A_8 = arith.constant 0 : i32
      %broadcast_in_dim3A_9 = vector.broadcast %broadcast_in_dim3A_8 : i32 to vector<16xi32>
      %swap3A_10 = arith.constant 0 : index
      %swap3A_11 = tpu.vector_load %arg16[%swap3A_10] {strides = array<i32>} : memref<64xi32, #tpu.memory_space<vmem>>, vector<16xi32>,
      tpu.vector_store %arg16[%swap3A_10], %broadcast_in_dim3A_9 {strides = array<i32>} : memref<64xi32, #tpu.memory_space<vmem>>, vector<16xi32>,
      %broadcast_in_dim3A_12 = arith.constant 0 : i32
      %broadcast_in_dim3A_13 = vector.broadcast %broadcast_in_dim3A_12 : i32 to vector<16xi32>
      %swap3A_14 = arith.constant 16 : index
      %swap3A_15 = tpu.vector_load %arg13[%swap3A_14] {strides = array<i32>} : memref<64xi32, #tpu.memory_space<vmem>>, vector<16xi32>,
      tpu.vector_store %arg13[%swap3A_14], %broadcast_in_dim3A_13 {strides = array<i32>} : memref<64xi32, #tpu.memory_space<vmem>>, vector<16xi32>,
      %broadcast_in_dim3A_16 = arith.constant 0 : i32
      %broadcast_in_dim3A_17 = vector.broadcast %broadcast_in_dim3A_16 : i32 to vector<16xi32>
      %swap3A_18 = arith.constant 16 : index
      %swap3A_19 = tpu.vector_load %arg16[%swap3A_18] {strides = array<i32>} : memref<64xi32, #tpu.memory_space<vmem>>, vector<16xi32>,
      tpu.vector_store %arg16[%swap3A_18], %broadcast_in_dim3A_17 {strides = array<i32>} : memref<64xi32, #tpu.memory_space<vmem>>, vector<16xi32>,
      %broadcast_in_dim3A_20 = arith.constant 0 : i32
      %broadcast_in_dim3A_21 = vector.broadcast %broadcast_in_dim3A_20 : i32 to vector<16xi32>
      %swap3A_22 = arith.constant 32 : index
      %swap3A_23 = tpu.vector_load %arg13[%swap3A_22] {strides = array<i32>} : memref<64xi32, #tpu.memory_space<vmem>>, vector<16xi32>,
      tpu.vector_store %arg13[%swap3A_22], %broadcast_in_dim3A_21 {strides = array<i32>} : memref<64xi32, #tpu.memory_space<vmem>>, vector<16xi32>,
      %broadcast_in_dim3A_24 = arith.constant 0 : i32
      %broadcast_in_dim3A_25 = vector.broadcast %broadcast_in_dim3A_24 : i32 to vector<16xi32>
      %swap3A_26 = arith.constant 32 : index
      %swap3A_27 = tpu.vector_load %arg16[%swap3A_26] {strides = array<i32>} : memref<64xi32, #tpu.memory_space<vmem>>, vector<16xi32>,
      tpu.vector_store %arg16[%swap3A_26], %broadcast_in_dim3A_25 {strides = array<i32>} : memref<64xi32, #tpu.memory_space<vmem>>, vector<16xi32>,
      %broadcast_in_dim3A_28 = arith.constant 0 : i32
      %broadcast_in_dim3A_29 = vector.broadcast %broadcast_in_dim3A_28 : i32 to vector<16xi32>
      %swap3A_30 = arith.constant 48 : index
      %swap3A_31 = tpu.vector_load %arg13[%swap3A_30] {strides = array<i32>} : memref<64xi32, #tpu.memory_space<vmem>>, vector<16xi32>,
      tpu.vector_store %arg13[%swap3A_30], %broadcast_in_dim3A_29 {strides = array<i32>} : memref<64xi32, #tpu.memory_space<vmem>>, vector<16xi32>,
      %broadcast_in_dim3A_32 = arith.constant 0 : i32
      %broadcast_in_dim3A_33 = vector.broadcast %broadcast_in_dim3A_32 : i32 to vector<16xi32>
      %swap3A_34 = arith.constant 48 : index
      %swap3A_35 = tpu.vector_load %arg16[%swap3A_34] {strides = array<i32>} : memref<64xi32, #tpu.memory_space<vmem>>, vector<16xi32>,
      tpu.vector_store %arg16[%swap3A_34], %broadcast_in_dim3A_33 {strides = array<i32>} : memref<64xi32, #tpu.memory_space<vmem>>, vector<16xi32>,
      %broadcast_in_dim3A_36 = arith.constant 1 : i32
      %broadcast_in_dim3A_37 = vector.broadcast %broadcast_in_dim3A_36 : i32 to vector<16xi32>
      %broadcast_in_dim3A_38 = arith.constant 0 : i32
      %broadcast_in_dim3A_39 = vector.broadcast %broadcast_in_dim3A_38 : i32 to vector<16xi32>
      %broadcast_in_dim3A_40 = arith.constant 0.0638729557 : f32
      %broadcast_in_dim3A_41 = vector.broadcast %broadcast_in_dim3A_40 : f32 to vector<16xf32>
      %broadcast_in_dim3A_42 = arith.constant 64 : i32
      %broadcast_in_dim3A_43 = vector.broadcast %broadcast_in_dim3A_42 : i32 to vector<16xi32>
      %iota3A = tpu.iota {dimensions = array<i32: 0>} : vector<16xi32>
      %get3A = arith.constant 0 : index
      %get3A_44 = tpu.vector_load %arg10[%get3A] {strides = array<i32>} : memref<1024xf32, #tpu.memory_space<vmem>>, vector<16xf32>,
      %gt3A = arith.cmpf ogt, %get3A_44, %broadcast_in_dim3A_41 : vector<16xf32>
      %convert_element_type3A_45 = arith.extui %gt3A : vector<16xi1> to vector<16xi32>
      %broadcast_in_dim3A_46 = arith.constant true
      %broadcast_in_dim3A_47 = vector.broadcast %broadcast_in_dim3A_46 : i1 to vector<16xi1>
      %masked_cumsum3A = tpu.scan <sum>, %convert_element_type3A_45 masked %broadcast_in_dim3A_47 : vector<16xi32>, vector<16xi1> -> vector<16xi32>
      %sub3A = arith.subi %masked_cumsum3A, %convert_element_type3A_45 : vector<16xi32>
      %add3A = arith.addi %sub3A, %broadcast_in_dim3A_39 : vector<16xi32>
      %lt3A_48 = arith.cmpi slt, %add3A, %broadcast_in_dim3A_43 : vector<16xi32>
      %and3A = arith.andi %gt3A, %lt3A_48 : vector<16xi1>
      %broadcast_in_dim3A_49 = arith.constant 0 : i32
      %broadcast_in_dim3A_50 = vector.broadcast %broadcast_in_dim3A_49 : i32 to vector<16xi32>
      %add3A_51 = arith.addi %broadcast_in_dim3A_50, %iota3A : vector<16xi32>
      tpu.vector_store_idx %arg13[%add3A], %add3A_51 masked %and3A : memref<64xi32, #tpu.memory_space<vmem>>[vector<16xi32>], vector<16xi32>, vector<16xi1>
      tpu.vector_store_idx %arg16[%add3A], %broadcast_in_dim3A_37 masked %and3A : memref<64xi32, #tpu.memory_space<vmem>>[vector<16xi32>], vector<16xi32>, vector<16xi1>
      %convert_element_type3A_52 = arith.extui %and3A : vector<16xi1> to vector<16xi32>
      %swap3A_53 = arith.constant 0 : index
      %swap3A_54 = tpu.vector_load %arg12[%swap3A_53] {strides = array<i32>} : memref<1024xi32, #tpu.memory_space<vmem>>, vector<16xi32>,
      tpu.vector_store %arg12[%swap3A_53], %convert_element_type3A_52 {strides = array<i32>} : memref<1024xi32, #tpu.memory_space<vmem>>, vector<16xi32>,
      %rev3A = arith.constant 15 : i32
      %rev3A_55 = vector.broadcast %rev3A : i32 to vector<16xi32>
      %rev3A_56 = tpu.iota {dimensions = array<i32: 0>} : vector<16xi32>
      %rev3A_57 = arith.subi %rev3A_55, %rev3A_56 : vector<16xi32>
      %rev3A_58 = tpu.dynamic_gather %masked_cumsum3A[%rev3A_57] in [0] : vector<16xi32>, vector<16xi32> -> vector<16xi32>
      %broadcast_in_dim3A_59 = arith.constant true
      %broadcast_in_dim3A_60 = vector.broadcast %broadcast_in_dim3A_59 : i1 to vector<16xi1>
      %masked_cummax3A = arith.constant -2147483648 : i32
      %masked_cummax3A_61 = vector.broadcast %masked_cummax3A : i32 to vector<16xi32>
      %masked_cummax3A_62 = arith.xori %rev3A_58, %masked_cummax3A_61 : vector<16xi32>
      %masked_cummax3A_63 = tpu.scan <max>, %masked_cummax3A_62 masked %broadcast_in_dim3A_60 : vector<16xi32>, vector<16xi1> -> vector<16xi32>
      %masked_cummax3A_64 = arith.xori %masked_cummax3A_63, %masked_cummax3A_61 : vector<16xi32>
      %add3A_65 = arith.addi %broadcast_in_dim3A_39, %masked_cummax3A_64 : vector<16xi32>
      %get3A_66 = arith.constant 16 : index
      %get3A_67 = tpu.vector_load %arg10[%get3A_66] {strides = array<i32>} : memref<1024xf32, #tpu.memory_space<vmem>>, vector<16xf32>,
      %gt3A_68 = arith.cmpf ogt, %get3A_67, %broadcast_in_dim3A_41 : vector<16xf32>
      %convert_element_type3A_69 = arith.extui %gt3A_68 : vector<16xi1> to vector<16xi32>
      %broadcast_in_dim3A_70 = arith.constant true
      %broadcast_in_dim3A_71 = vector.broadcast %broadcast_in_dim3A_70 : i1 to vector<16xi1>
      %masked_cumsum3A_72 = tpu.scan <sum>, %convert_element_type3A_69 masked %broadcast_in_dim3A_71 : vector<16xi32>, vector<16xi1> -> vector<16xi32>
      %sub3A_73 = arith.subi %masked_cumsum3A_72, %convert_element_type3A_69 : vector<16xi32>
      %add3A_74 = arith.addi %sub3A_73, %add3A_65 : vector<16xi32>
      %lt3A_75 = arith.cmpi slt, %add3A_74, %broadcast_in_dim3A_43 : vector<16xi32>
      %and3A_76 = arith.andi %gt3A_68, %lt3A_75 : vector<16xi1>
      %broadcast_in_dim3A_77 = arith.constant 16 : i32
      %broadcast_in_dim3A_78 = vector.broadcast %broadcast_in_dim3A_77 : i32 to vector<16xi32>
      %add3A_79 = arith.addi %broadcast_in_dim3A_78, %iota3A : vector<16xi32>
      tpu.vector_store_idx %arg13[%add3A_74], %add3A_79 masked %and3A_76 : memref<64xi32, #tpu.memory_space<vmem>>[vector<16xi32>], vector<16xi32>, vector<16xi1>
      tpu.vector_store_idx %arg16[%add3A_74], %broadcast_in_dim3A_37 masked %and3A_76 : memref<64xi32, #tpu.memory_space<vmem>>[vector<16xi32>], vector<16xi32>, vector<16xi1>
      %convert_element_type3A_80 = arith.extui %and3A_76 : vector<16xi1> to vector<16xi32>
      %swap3A_81 = arith.constant 16 : index
      %swap3A_82 = tpu.vector_load %arg12[%swap3A_81] {strides = array<i32>} : memref<1024xi32, #tpu.memory_space<vmem>>, vector<16xi32>,
      tpu.vector_store %arg12[%swap3A_81], %convert_element_type3A_80 {strides = array<i32>} : memref<1024xi32, #tpu.memory_space<vmem>>, vector<16xi32>,
      %rev3A_83 = arith.constant 15 : i32
      %rev3A_84 = vector.broadcast %rev3A_83 : i32 to vector<16xi32>
      %rev3A_85 = tpu.iota {dimensions = array<i32: 0>} : vector<16xi32>
      %rev3A_86 = arith.subi %rev3A_84, %rev3A_85 : vector<16xi32>
      %rev3A_87 = tpu.dynamic_gather %masked_cumsum3A_72[%rev3A_86] in [0] : vector<16xi32>, vector<16xi32> -> vector<16xi32>
      %broadcast_in_dim3A_88 = arith.constant true
      %broadcast_in_dim3A_89 = vector.broadcast %broadcast_in_dim3A_88 : i1 to vector<16xi1>
      %masked_cummax3A_90 = arith.constant -2147483648 : i32
      %masked_cummax3A_91 = vector.broadcast %masked_cummax3A_90 : i32 to vector<16xi32>
      %masked_cummax3A_92 = arith.xori %rev3A_87, %masked_cummax3A_91 : vector<16xi32>
      %masked_cummax3A_93 = tpu.scan <max>, %masked_cummax3A_92 masked %broadcast_in_dim3A_89 : vector<16xi32>, vector<16xi1> -> vector<16xi32>
      %masked_cummax3A_94 = arith.xori %masked_cummax3A_93, %masked_cummax3A_91 : vector<16xi32>
      %add3A_95 = arith.addi %add3A_65, %masked_cummax3A_94 : vector<16xi32>
      %get3A_96 = arith.constant 32 : index
      %get3A_97 = tpu.vector_load %arg10[%get3A_96] {strides = array<i32>} : memref<1024xf32, #tpu.memory_space<vmem>>, vector<16xf32>,
      %gt3A_98 = arith.cmpf ogt, %get3A_97, %broadcast_in_dim3A_41 : vector<16xf32>
      %convert_element_type3A_99 = arith.extui %gt3A_98 : vector<16xi1> to vector<16xi32>
      %broadcast_in_dim3A_100 = arith.constant true
      %broadcast_in_dim3A_101 = vector.broadcast %broadcast_in_dim3A_100 : i1 to vector<16xi1>
      %masked_cumsum3A_102 = tpu.scan <sum>, %convert_element_type3A_99 masked %broadcast_in_dim3A_101 : vector<16xi32>, vector<16xi1> -> vector<16xi32>
      %sub3A_103 = arith.subi %masked_cumsum3A_102, %convert_element_type3A_99 : vector<16xi32>
      %add3A_104 = arith.addi %sub3A_103, %add3A_95 : vector<16xi32>
      %lt3A_105 = arith.cmpi slt, %add3A_104, %broadcast_in_dim3A_43 : vector<16xi32>
      %and3A_106 = arith.andi %gt3A_98, %lt3A_105 : vector<16xi1>
      %broadcast_in_dim3A_107 = arith.constant 32 : i32
      %broadcast_in_dim3A_108 = vector.broadcast %broadcast_in_dim3A_107 : i32 to vector<16xi32>
      %add3A_109 = arith.addi %broadcast_in_dim3A_108, %iota3A : vector<16xi32>
      tpu.vector_store_idx %arg13[%add3A_104], %add3A_109 masked %and3A_106 : memref<64xi32, #tpu.memory_space<vmem>>[vector<16xi32>], vector<16xi32>, vector<16xi1>
      tpu.vector_store_idx %arg16[%add3A_104], %broadcast_in_dim3A_37 masked %and3A_106 : memref<64xi32, #tpu.memory_space<vmem>>[vector<16xi32>], vector<16xi32>, vector<16xi1>
      %convert_element_type3A_110 = arith.extui %and3A_106 : vector<16xi1> to vector<16xi32>
      %swap3A_111 = arith.constant 32 : index
      %swap3A_112 = tpu.vector_load %arg12[%swap3A_111] {strides = array<i32>} : memref<1024xi32, #tpu.memory_space<vmem>>, vector<16xi32>,
      tpu.vector_store %arg12[%swap3A_111], %convert_element_type3A_110 {strides = array<i32>} : memref<1024xi32, #tpu.memory_space<vmem>>, vector<16xi32>,
      %rev3A_113 = arith.constant 15 : i32
      %rev3A_114 = vector.broadcast %rev3A_113 : i32 to vector<16xi32>
      %rev3A_115 = tpu.iota {dimensions = array<i32: 0>} : vector<16xi32>
      %rev3A_116 = arith.subi %rev3A_114, %rev3A_115 : vector<16xi32>
      %rev3A_117 = tpu.dynamic_gather %masked_cumsum3A_102[%rev3A_116] in [0] : vector<16xi32>, vector<16xi32> -> vector<16xi32>
      %broadcast_in_dim3A_118 = arith.constant true
      %broadcast_in_dim3A_119 = vector.broadcast %broadcast_in_dim3A_118 : i1 to vector<16xi1>
      %masked_cummax3A_120 = arith.constant -2147483648 : i32
      %masked_cummax3A_121 = vector.broadcast %masked_cummax3A_120 : i32 to vector<16xi32>
      %masked_cummax3A_122 = arith.xori %rev3A_117, %masked_cummax3A_121 : vector<16xi32>
      %masked_cummax3A_123 = tpu.scan <max>, %masked_cummax3A_122 masked %broadcast_in_dim3A_119 : vector<16xi32>, vector<16xi1> -> vector<16xi32>
      %masked_cummax3A_124 = arith.xori %masked_cummax3A_123, %masked_cummax3A_121 : vector<16xi32>
      %add3A_125 = arith.addi %add3A_95, %masked_cummax3A_124 : vector<16xi32>
      %get3A_126 = arith.constant 48 : index
      %get3A_127 = tpu.vector_load %arg10[%get3A_126] {strides = array<i32>} : memref<1024xf32, #tpu.memory_space<vmem>>, vector<16xf32>,
      %gt3A_128 = arith.cmpf ogt, %get3A_127, %broadcast_in_dim3A_41 : vector<16xf32>
      %convert_element_type3A_129 = arith.extui %gt3A_128 : vector<16xi1> to vector<16xi32>
      %broadcast_in_dim3A_130 = arith.constant true
      %broadcast_in_dim3A_131 = vector.broadcast %broadcast_in_dim3A_130 : i1 to vector<16xi1>
      %masked_cumsum3A_132 = tpu.scan <sum>, %convert_element_type3A_129 masked %broadcast_in_dim3A_131 : vector<16xi32>, vector<16xi1> -> vector<16xi32>
      %sub3A_133 = arith.subi %masked_cumsum3A_132, %convert_element_type3A_129 : vector<16xi32>
      %add3A_134 = arith.addi %sub3A_133, %add3A_125 : vector<16xi32>
      %lt3A_135 = arith.cmpi slt, %add3A_134, %broadcast_in_dim3A_43 : vector<16xi32>
      %and3A_136 = arith.andi %gt3A_128, %lt3A_135 : vector<16xi1>
      %broadcast_in_dim3A_137 = arith.constant 48 : i32
      %broadcast_in_dim3A_138 = vector.broadcast %broadcast_in_dim3A_137 : i32 to vector<16xi32>
      %add3A_139 = arith.addi %broadcast_in_dim3A_138, %iota3A : vector<16xi32>
      tpu.vector_store_idx %arg13[%add3A_134], %add3A_139 masked %and3A_136 : memref<64xi32, #tpu.memory_space<vmem>>[vector<16xi32>], vector<16xi32>, vector<16xi1>
      tpu.vector_store_idx %arg16[%add3A_134], %broadcast_in_dim3A_37 masked %and3A_136 : memref<64xi32, #tpu.memory_space<vmem>>[vector<16xi32>], vector<16xi32>, vector<16xi1>
      %convert_element_type3A_140 = arith.extui %and3A_136 : vector<16xi1> to vector<16xi32>
      %swap3A_141 = arith.constant 48 : index
      %swap3A_142 = tpu.vector_load %arg12[%swap3A_141] {strides = array<i32>} : memref<1024xi32, #tpu.memory_space<vmem>>, vector<16xi32>,
      tpu.vector_store %arg12[%swap3A_141], %convert_element_type3A_140 {strides = array<i32>} : memref<1024xi32, #tpu.memory_space<vmem>>, vector<16xi32>,
      %rev3A_143 = arith.constant 15 : i32
      %rev3A_144 = vector.broadcast %rev3A_143 : i32 to vector<16xi32>
      %rev3A_145 = tpu.iota {dimensions = array<i32: 0>} : vector<16xi32>
      %rev3A_146 = arith.subi %rev3A_144, %rev3A_145 : vector<16xi32>
      %rev3A_147 = tpu.dynamic_gather %masked_cumsum3A_132[%rev3A_146] in [0] : vector<16xi32>, vector<16xi32> -> vector<16xi32>
      %broadcast_in_dim3A_148 = arith.constant true
      %broadcast_in_dim3A_149 = vector.broadcast %broadcast_in_dim3A_148 : i1 to vector<16xi1>
      %masked_cummax3A_150 = arith.constant -2147483648 : i32
      %masked_cummax3A_151 = vector.broadcast %masked_cummax3A_150 : i32 to vector<16xi32>
      %masked_cummax3A_152 = arith.xori %rev3A_147, %masked_cummax3A_151 : vector<16xi32>
      %masked_cummax3A_153 = tpu.scan <max>, %masked_cummax3A_152 masked %broadcast_in_dim3A_149 : vector<16xi32>, vector<16xi1> -> vector<16xi32>
      %masked_cummax3A_154 = arith.xori %masked_cummax3A_153, %masked_cummax3A_151 : vector<16xi32>
      %add3A_155 = arith.addi %add3A_125, %masked_cummax3A_154 : vector<16xi32>
      %get3A_156 = arith.constant 64 : index
      %get3A_157 = tpu.vector_load %arg10[%get3A_156] {strides = array<i32>} : memref<1024xf32, #tpu.memory_space<vmem>>, vector<16xf32>,
      %gt3A_158 = arith.cmpf ogt, %get3A_157, %broadcast_in_dim3A_41 : vector<16xf32>
      %convert_element_type3A_159 = arith.extui %gt3A_158 : vector<16xi1> to vector<16xi32>
      %broadcast_in_dim3A_160 = arith.constant true
      %broadcast_in_dim3A_161 = vector.broadcast %broadcast_in_dim3A_160 : i1 to vector<16xi1>
      %masked_cumsum3A_162 = tpu.scan <sum>, %convert_element_type3A_159 masked %broadcast_in_dim3A_161 : vector<16xi32>, vector<16xi1> -> vector<16xi32>
      %sub3A_163 = arith.subi %masked_cumsum3A_162, %convert_element_type3A_159 : vector<16xi32>
      %add3A_164 = arith.addi %sub3A_163, %add3A_155 : vector<16xi32>
      %lt3A_165 = arith.cmpi slt, %add3A_164, %broadcast_in_dim3A_43 : vector<16xi32>
      %and3A_166 = arith.andi %gt3A_158, %lt3A_165 : vector<16xi1>
      %broadcast_in_dim3A_167 = arith.constant 64 : i32
      %broadcast_in_dim3A_168 = vector.broadcast %broadcast_in_dim3A_167 : i32 to vector<16xi32>
      %add3A_169 = arith.addi %broadcast_in_dim3A_168, %iota3A : vector<16xi32>
      tpu.vector_store_idx %arg13[%add3A_164], %add3A_169 masked %and3A_166 : memref<64xi32, #tpu.memory_space<vmem>>[vector<16xi32>], vector<16xi32>, vector<16xi1>
      tpu.vector_store_idx %arg16[%add3A_164], %broadcast_in_dim3A_37 masked %and3A_166 : memref<64xi32, #tpu.memory_space<vmem>>[vector<16xi32>], vector<16xi32>, vector<16xi1>
      %convert_element_type3A_170 = arith.extui %and3A_166 : vector<16xi1> to vector<16xi32>
      %swap3A_171 = arith.constant 64 : index
      %swap3A_172 = tpu.vector_load %arg12[%swap3A_171] {strides = array<i32>} : memref<1024xi32, #tpu.memory_space<vmem>>, vector<16xi32>,
      tpu.vector_store %arg12[%swap3A_171], %convert_element_type3A_170 {strides = array<i32>} : memref<1024xi32, #tpu.memory_space<vmem>>, vector<16xi32>,
      %rev3A_173 = arith.constant 15 : i32
      %rev3A_174 = vector.broadcast %rev3A_173 : i32 to vector<16xi32>
      %rev3A_175 = tpu.iota {dimensions = array<i32: 0>} : vector<16xi32>
      %rev3A_176 = arith.subi %rev3A_174, %rev3A_175 : vector<16xi32>
      %rev3A_177 = tpu.dynamic_gather %masked_cumsum3A_162[%rev3A_176] in [0] : vector<16xi32>, vector<16xi32> -> vector<16xi32>
      %broadcast_in_dim3A_178 = arith.constant true
      %broadcast_in_dim3A_179 = vector.broadcast %broadcast_in_dim3A_178 : i1 to vector<16xi1>
      %masked_cummax3A_180 = arith.constant -2147483648 : i32
      %masked_cummax3A_181 = vector.broadcast %masked_cummax3A_180 : i32 to vector<16xi32>
      %masked_cummax3A_182 = arith.xori %rev3A_177, %masked_cummax3A_181 : vector<16xi32>
      %masked_cummax3A_183 = tpu.scan <max>, %masked_cummax3A_182 masked %broadcast_in_dim3A_179 : vector<16xi32>, vector<16xi1> -> vector<16xi32>
      %masked_cummax3A_184 = arith.xori %masked_cummax3A_183, %masked_cummax3A_181 : vector<16xi32>
      %add3A_185 = arith.addi %add3A_155, %masked_cummax3A_184 : vector<16xi32>
      %get3A_186 = arith.constant 80 : index
      %get3A_187 = tpu.vector_load %arg10[%get3A_186] {strides = array<i32>} : memref<1024xf32, #tpu.memory_space<vmem>>, vector<16xf32>,
      %gt3A_188 = arith.cmpf ogt, %get3A_187, %broadcast_in_dim3A_41 : vector<16xf32>
      %convert_element_type3A_189 = arith.extui %gt3A_188 : vector<16xi1> to vector<16xi32>
      %broadcast_in_dim3A_190 = arith.constant true
      %broadcast_in_dim3A_191 = vector.broadcast %broadcast_in_dim3A_190 : i1 to vector<16xi1>
      %masked_cumsum3A_192 = tpu.scan <sum>, %convert_element_type3A_189 masked %broadcast_in_dim3A_191 : vector<16xi32>, vector<16xi1> -> vector<16xi32>
      %sub3A_193 = arith.subi %masked_cumsum3A_192, %convert_element_type3A_189 : vector<16xi32>
      %add3A_194 = arith.addi %sub3A_193, %add3A_185 : vector<16xi32>
      %lt3A_195 = arith.cmpi slt, %add3A_194, %broadcast_in_dim3A_43 : vector<16xi32>
      %and3A_196 = arith.andi %gt3A_188, %lt3A_195 : vector<16xi1>
      %broadcast_in_dim3A_197 = arith.constant 80 : i32
      %broadcast_in_dim3A_198 = vector.broadcast %broadcast_in_dim3A_197 : i32 to vector<16xi32>
      %add3A_199 = arith.addi %broadcast_in_dim3A_198, %iota3A : vector<16xi32>
      tpu.vector_store_idx %arg13[%add3A_194], %add3A_199 masked %and3A_196 : memref<64xi32, #tpu.memory_space<vmem>>[vector<16xi32>], vector<16xi32>, vector<16xi1>
      tpu.vector_store_idx %arg16[%add3A_194], %broadcast_in_dim3A_37 masked %and3A_196 : memref<64xi32, #tpu.memory_space<vmem>>[vector<16xi32>], vector<16xi32>, vector<16xi1>
      %convert_element_type3A_200 = arith.extui %and3A_196 : vector<16xi1> to vector<16xi32>
      %swap3A_201 = arith.constant 80 : index
      %swap3A_202 = tpu.vector_load %arg12[%swap3A_201] {strides = array<i32>} : memref<1024xi32, #tpu.memory_space<vmem>>, vector<16xi32>,
      tpu.vector_store %arg12[%swap3A_201], %convert_element_type3A_200 {strides = array<i32>} : memref<1024xi32, #tpu.memory_space<vmem>>, vector<16xi32>,
      %rev3A_203 = arith.constant 15 : i32
      %rev3A_204 = vector.broadcast %rev3A_203 : i32 to vector<16xi32>
      %rev3A_205 = tpu.iota {dimensions = array<i32: 0>} : vector<16xi32>
      %rev3A_206 = arith.subi %rev3A_204, %rev3A_205 : vector<16xi32>
      %rev3A_207 = tpu.dynamic_gather %masked_cumsum3A_192[%rev3A_206] in [0] : vector<16xi32>, vector<16xi32> -> vector<16xi32>
      %broadcast_in_dim3A_208 = arith.constant true
      %broadcast_in_dim3A_209 = vector.broadcast %broadcast_in_dim3A_208 : i1 to vector<16xi1>
      %masked_cummax3A_210 = arith.constant -2147483648 : i32
      %masked_cummax3A_211 = vector.broadcast %masked_cummax3A_210 : i32 to vector<16xi32>
      %masked_cummax3A_212 = arith.xori %rev3A_207, %masked_cummax3A_211 : vector<16xi32>
      %masked_cummax3A_213 = tpu.scan <max>, %masked_cummax3A_212 masked %broadcast_in_dim3A_209 : vector<16xi32>, vector<16xi1> -> vector<16xi32>
      %masked_cummax3A_214 = arith.xori %masked_cummax3A_213, %masked_cummax3A_211 : vector<16xi32>
      %add3A_215 = arith.addi %add3A_185, %masked_cummax3A_214 : vector<16xi32>
      %get3A_216 = arith.constant 96 : index
      %get3A_217 = tpu.vector_load %arg10[%get3A_216] {strides = array<i32>} : memref<1024xf32, #tpu.memory_space<vmem>>, vector<16xf32>,
      %gt3A_218 = arith.cmpf ogt, %get3A_217, %broadcast_in_dim3A_41 : vector<16xf32>
      %convert_element_type3A_219 = arith.extui %gt3A_218 : vector<16xi1> to vector<16xi32>
      %broadcast_in_dim3A_220 = arith.constant true
      %broadcast_in_dim3A_221 = vector.broadcast %broadcast_in_dim3A_220 : i1 to vector<16xi1>
      %masked_cumsum3A_222 = tpu.scan <sum>, %convert_element_type3A_219 masked %broadcast_in_dim3A_221 : vector<16xi32>, vector<16xi1> -> vector<16xi32>
      %sub3A_223 = arith.subi %masked_cumsum3A_222, %convert_element_type3A_219 : vector<16xi32>
      %add3A_224 = arith.addi %sub3A_223, %add3A_215 : vector<16xi32>
      %lt3A_225 = arith.cmpi slt, %add3A_224, %broadcast_in_dim3A_43 : vector<16xi32>
      %and3A_226 = arith.andi %gt3A_218, %lt3A_225 : vector<16xi1>
      %broadcast_in_dim3A_227 = arith.constant 96 : i32
      %broadcast_in_dim3A_228 = vector.broadcast %broadcast_in_dim3A_227 : i32 to vector<16xi32>
      %add3A_229 = arith.addi %broadcast_in_dim3A_228, %iota3A : vector<16xi32>
      tpu.vector_store_idx %arg13[%add3A_224], %add3A_229 masked %and3A_226 : memref<64xi32, #tpu.memory_space<vmem>>[vector<16xi32>], vector<16xi32>, vector<16xi1>
      tpu.vector_store_idx %arg16[%add3A_224], %broadcast_in_dim3A_37 masked %and3A_226 : memref<64xi32, #tpu.memory_space<vmem>>[vector<16xi32>], vector<16xi32>, vector<16xi1>
      %convert_element_type3A_230 = arith.extui %and3A_226 : vector<16xi1> to vector<16xi32>
      %swap3A_231 = arith.constant 96 : index
      %swap3A_232 = tpu.vector_load %arg12[%swap3A_231] {strides = array<i32>} : memref<1024xi32, #tpu.memory_space<vmem>>, vector<16xi32>,
      tpu.vector_store %arg12[%swap3A_231], %convert_element_type3A_230 {strides = array<i32>} : memref<1024xi32, #tpu.memory_space<vmem>>, vector<16xi32>,
      %rev3A_233 = arith.constant 15 : i32
      %rev3A_234 = vector.broadcast %rev3A_233 : i32 to vector<16xi32>
      %rev3A_235 = tpu.iota {dimensions = array<i32: 0>} : vector<16xi32>
      %rev3A_236 = arith.subi %rev3A_234, %rev3A_235 : vector<16xi32>
      %rev3A_237 = tpu.dynamic_gather %masked_cumsum3A_222[%rev3A_236] in [0] : vector<16xi32>, vector<16xi32> -> vector<16xi32>
      %broadcast_in_dim3A_238 = arith.constant true
      %broadcast_in_dim3A_239 = vector.broadcast %broadcast_in_dim3A_238 : i1 to vector<16xi1>
      %masked_cummax3A_240 = arith.constant -2147483648 : i32
      %masked_cummax3A_241 = vector.broadcast %masked_cummax3A_240 : i32 to vector<16xi32>
      %masked_cummax3A_242 = arith.xori %rev3A_237, %masked_cummax3A_241 : vector<16xi32>
      %masked_cummax3A_243 = tpu.scan <max>, %masked_cummax3A_242 masked %broadcast_in_dim3A_239 : vector<16xi32>, vector<16xi1> -> vector<16xi32>
      %masked_cummax3A_244 = arith.xori %masked_cummax3A_243, %masked_cummax3A_241 : vector<16xi32>
      %add3A_245 = arith.addi %add3A_215, %masked_cummax3A_244 : vector<16xi32>
      %get3A_246 = arith.constant 112 : index
      %get3A_247 = tpu.vector_load %arg10[%get3A_246] {strides = array<i32>} : memref<1024xf32, #tpu.memory_space<vmem>>, vector<16xf32>,
      %gt3A_248 = arith.cmpf ogt, %get3A_247, %broadcast_in_dim3A_41 : vector<16xf32>
      %convert_element_type3A_249 = arith.extui %gt3A_248 : vector<16xi1> to vector<16xi32>
      %broadcast_in_dim3A_250 = arith.constant true
      %broadcast_in_dim3A_251 = vector.broadcast %broadcast_in_dim3A_250 : i1 to vector<16xi1>
      %masked_cumsum3A_252 = tpu.scan <sum>, %convert_element_type3A_249 masked %broadcast_in_dim3A_251 : vector<16xi32>, vector<16xi1> -> vector<16xi32>
      %sub3A_253 = arith.subi %masked_cumsum3A_252, %convert_element_type3A_249 : vector<16xi32>
      %add3A_254 = arith.addi %sub3A_253, %add3A_245 : vector<16xi32>
      %lt3A_255 = arith.cmpi slt, %add3A_254, %broadcast_in_dim3A_43 : vector<16xi32>
      %and3A_256 = arith.andi %gt3A_248, %lt3A_255 : vector<16xi1>
      %broadcast_in_dim3A_257 = arith.constant 112 : i32
      %broadcast_in_dim3A_258 = vector.broadcast %broadcast_in_dim3A_257 : i32 to vector<16xi32>
      %add3A_259 = arith.addi %broadcast_in_dim3A_258, %iota3A : vector<16xi32>
      tpu.vector_store_idx %arg13[%add3A_254], %add3A_259 masked %and3A_256 : memref<64xi32, #tpu.memory_space<vmem>>[vector<16xi32>], vector<16xi32>, vector<16xi1>
      tpu.vector_store_idx %arg16[%add3A_254], %broadcast_in_dim3A_37 masked %and3A_256 : memref<64xi32, #tpu.memory_space<vmem>>[vector<16xi32>], vector<16xi32>, vector<16xi1>
      %convert_element_type3A_260 = arith.extui %and3A_256 : vector<16xi1> to vector<16xi32>
      %swap3A_261 = arith.constant 112 : index
      %swap3A_262 = tpu.vector_load %arg12[%swap3A_261] {strides = array<i32>} : memref<1024xi32, #tpu.memory_space<vmem>>, vector<16xi32>,
      tpu.vector_store %arg12[%swap3A_261], %convert_element_type3A_260 {strides = array<i32>} : memref<1024xi32, #tpu.memory_space<vmem>>, vector<16xi32>,
      %rev3A_263 = arith.constant 15 : i32
      %rev3A_264 = vector.broadcast %rev3A_263 : i32 to vector<16xi32>
      %rev3A_265 = tpu.iota {dimensions = array<i32: 0>} : vector<16xi32>
      %rev3A_266 = arith.subi %rev3A_264, %rev3A_265 : vector<16xi32>
      %rev3A_267 = tpu.dynamic_gather %masked_cumsum3A_252[%rev3A_266] in [0] : vector<16xi32>, vector<16xi32> -> vector<16xi32>
      %broadcast_in_dim3A_268 = arith.constant true
      %broadcast_in_dim3A_269 = vector.broadcast %broadcast_in_dim3A_268 : i1 to vector<16xi1>
      %masked_cummax3A_270 = arith.constant -2147483648 : i32
      %masked_cummax3A_271 = vector.broadcast %masked_cummax3A_270 : i32 to vector<16xi32>
      %masked_cummax3A_272 = arith.xori %rev3A_267, %masked_cummax3A_271 : vector<16xi32>
      %masked_cummax3A_273 = tpu.scan <max>, %masked_cummax3A_272 masked %broadcast_in_dim3A_269 : vector<16xi32>, vector<16xi1> -> vector<16xi32>
      %masked_cummax3A_274 = arith.xori %masked_cummax3A_273, %masked_cummax3A_271 : vector<16xi32>
      %add3A_275 = arith.addi %add3A_245, %masked_cummax3A_274 : vector<16xi32>
      %get3A_276 = arith.constant 128 : index
      %get3A_277 = tpu.vector_load %arg10[%get3A_276] {strides = array<i32>} : memref<1024xf32, #tpu.memory_space<vmem>>, vector<16xf32>,
      %gt3A_278 = arith.cmpf ogt, %get3A_277, %broadcast_in_dim3A_41 : vector<16xf32>
      %convert_element_type3A_279 = arith.extui %gt3A_278 : vector<16xi1> to vector<16xi32>
      %broadcast_in_dim3A_280 = arith.constant true
      %broadcast_in_dim3A_281 = vector.broadcast %broadcast_in_dim3A_280 : i1 to vector<16xi1>
      %masked_cumsum3A_282 = tpu.scan <sum>, %convert_element_type3A_279 masked %broadcast_in_dim3A_281 : vector<16xi32>, vector<16xi1> -> vector<16xi32>
      %sub3A_283 = arith.subi %masked_cumsum3A_282, %convert_element_type3A_279 : vector<16xi32>
      %add3A_284 = arith.addi %sub3A_283, %add3A_275 : vector<16xi32>
      %lt3A_285 = arith.cmpi slt, %add3A_284, %broadcast_in_dim3A_43 : vector<16xi32>
      %and3A_286 = arith.andi %gt3A_278, %lt3A_285 : vector<16xi1>
      %broadcast_in_dim3A_287 = arith.constant 128 : i32
      %broadcast_in_dim3A_288 = vector.broadcast %broadcast_in_dim3A_287 : i32 to vector<16xi32>
      %add3A_289 = arith.addi %broadcast_in_dim3A_288, %iota3A : vector<16xi32>
      tpu.vector_store_idx %arg13[%add3A_284], %add3A_289 masked %and3A_286 : memref<64xi32, #tpu.memory_space<vmem>>[vector<16xi32>], vector<16xi32>, vector<16xi1>
      tpu.vector_store_idx %arg16[%add3A_284], %broadcast_in_dim3A_37 masked %and3A_286 : memref<64xi32, #tpu.memory_space<vmem>>[vector<16xi32>], vector<16xi32>, vector<16xi1>
      %convert_element_type3A_290 = arith.extui %and3A_286 : vector<16xi1> to vector<16xi32>
      %swap3A_291 = arith.constant 128 : index
      %swap3A_292 = tpu.vector_load %arg12[%swap3A_291] {strides = array<i32>} : memref<1024xi32, #tpu.memory_space<vmem>>, vector<16xi32>,
      tpu.vector_store %arg12[%swap3A_291], %convert_element_type3A_290 {strides = array<i32>} : memref<1024xi32, #tpu.memory_space<vmem>>, vector<16xi32>,
      %rev3A_293 = arith.constant 15 : i32
      %rev3A_294 = vector.broadcast %rev3A_293 : i32 to vector<16xi32>
      %rev3A_295 = tpu.iota {dimensions = array<i32: 0>} : vector<16xi32>
      %rev3A_296 = arith.subi %rev3A_294, %rev3A_295 : vector<16xi32>
      %rev3A_297 = tpu.dynamic_gather %masked_cumsum3A_282[%rev3A_296] in [0] : vector<16xi32>, vector<16xi32> -> vector<16xi32>
      %broadcast_in_dim3A_298 = arith.constant true
      %broadcast_in_dim3A_299 = vector.broadcast %broadcast_in_dim3A_298 : i1 to vector<16xi1>
      %masked_cummax3A_300 = arith.constant -2147483648 : i32
      %masked_cummax3A_301 = vector.broadcast %masked_cummax3A_300 : i32 to vector<16xi32>
      %masked_cummax3A_302 = arith.xori %rev3A_297, %masked_cummax3A_301 : vector<16xi32>
      %masked_cummax3A_303 = tpu.scan <max>, %masked_cummax3A_302 masked %broadcast_in_dim3A_299 : vector<16xi32>, vector<16xi1> -> vector<16xi32>
      %masked_cummax3A_304 = arith.xori %masked_cummax3A_303, %masked_cummax3A_301 : vector<16xi32>
      %add3A_305 = arith.addi %add3A_275, %masked_cummax3A_304 : vector<16xi32>
      %get3A_306 = arith.constant 144 : index
      %get3A_307 = tpu.vector_load %arg10[%get3A_306] {strides = array<i32>} : memref<1024xf32, #tpu.memory_space<vmem>>, vector<16xf32>,
      %gt3A_308 = arith.cmpf ogt, %get3A_307, %broadcast_in_dim3A_41 : vector<16xf32>
      %convert_element_type3A_309 = arith.extui %gt3A_308 : vector<16xi1> to vector<16xi32>
      %broadcast_in_dim3A_310 = arith.constant true
      %broadcast_in_dim3A_311 = vector.broadcast %broadcast_in_dim3A_310 : i1 to vector<16xi1>
      %masked_cumsum3A_312 = tpu.scan <sum>, %convert_element_type3A_309 masked %broadcast_in_dim3A_311 : vector<16xi32>, vector<16xi1> -> vector<16xi32>
      %sub3A_313 = arith.subi %masked_cumsum3A_312, %convert_element_type3A_309 : vector<16xi32>
      %add3A_314 = arith.addi %sub3A_313, %add3A_305 : vector<16xi32>
      %lt3A_315 = arith.cmpi slt, %add3A_314, %broadcast_in_dim3A_43 : vector<16xi32>
      %and3A_316 = arith.andi %gt3A_308, %lt3A_315 : vector<16xi1>
      %broadcast_in_dim3A_317 = arith.constant 144 : i32
      %broadcast_in_dim3A_318 = vector.broadcast %broadcast_in_dim3A_317 : i32 to vector<16xi32>
      %add3A_319 = arith.addi %broadcast_in_dim3A_318, %iota3A : vector<16xi32>
      tpu.vector_store_idx %arg13[%add3A_314], %add3A_319 masked %and3A_316 : memref<64xi32, #tpu.memory_space<vmem>>[vector<16xi32>], vector<16xi32>, vector<16xi1>
      tpu.vector_store_idx %arg16[%add3A_314], %broadcast_in_dim3A_37 masked %and3A_316 : memref<64xi32, #tpu.memory_space<vmem>>[vector<16xi32>], vector<16xi32>, vector<16xi1>
      %convert_element_type3A_320 = arith.extui %and3A_316 : vector<16xi1> to vector<16xi32>
      %swap3A_321 = arith.constant 144 : index
      %swap3A_322 = tpu.vector_load %arg12[%swap3A_321] {strides = array<i32>} : memref<1024xi32, #tpu.memory_space<vmem>>, vector<16xi32>,
      tpu.vector_store %arg12[%swap3A_321], %convert_element_type3A_320 {strides = array<i32>} : memref<1024xi32, #tpu.memory_space<vmem>>, vector<16xi32>,
      %rev3A_323 = arith.constant 15 : i32
      %rev3A_324 = vector.broadcast %rev3A_323 : i32 to vector<16xi32>
      %rev3A_325 = tpu.iota {dimensions = array<i32: 0>} : vector<16xi32>
      %rev3A_326 = arith.subi %rev3A_324, %rev3A_325 : vector<16xi32>
      %rev3A_327 = tpu.dynamic_gather %masked_cumsum3A_312[%rev3A_326] in [0] : vector<16xi32>, vector<16xi32> -> vector<16xi32>
      %broadcast_in_dim3A_328 = arith.constant true
      %broadcast_in_dim3A_329 = vector.broadcast %broadcast_in_dim3A_328 : i1 to vector<16xi1>
      %masked_cummax3A_330 = arith.constant -2147483648 : i32
      %masked_cummax3A_331 = vector.broadcast %masked_cummax3A_330 : i32 to vector<16xi32>
      %masked_cummax3A_332 = arith.xori %rev3A_327, %masked_cummax3A_331 : vector<16xi32>
      %masked_cummax3A_333 = tpu.scan <max>, %masked_cummax3A_332 masked %broadcast_in_dim3A_329 : vector<16xi32>, vector<16xi1> -> vector<16xi32>
      %masked_cummax3A_334 = arith.xori %masked_cummax3A_333, %masked_cummax3A_331 : vector<16xi32>
      %add3A_335 = arith.addi %add3A_305, %masked_cummax3A_334 : vector<16xi32>
      %get3A_336 = arith.constant 160 : index
      %get3A_337 = tpu.vector_load %arg10[%get3A_336] {strides = array<i32>} : memref<1024xf32, #tpu.memory_space<vmem>>, vector<16xf32>,
      %gt3A_338 = arith.cmpf ogt, %get3A_337, %broadcast_in_dim3A_41 : vector<16xf32>
      %convert_element_type3A_339 = arith.extui %gt3A_338 : vector<16xi1> to vector<16xi32>
      %broadcast_in_dim3A_340 = arith.constant true
      %broadcast_in_dim3A_341 = vector.broadcast %broadcast_in_dim3A_340 : i1 to vector<16xi1>
      %masked_cumsum3A_342 = tpu.scan <sum>, %convert_element_type3A_339 masked %broadcast_in_dim3A_341 : vector<16xi32>, vector<16xi1> -> vector<16xi32>
      %sub3A_343 = arith.subi %masked_cumsum3A_342, %convert_element_type3A_339 : vector<16xi32>
      %add3A_344 = arith.addi %sub3A_343, %add3A_335 : vector<16xi32>
      %lt3A_345 = arith.cmpi slt, %add3A_344, %broadcast_in_dim3A_43 : vector<16xi32>
      %and3A_346 = arith.andi %gt3A_338, %lt3A_345 : vector<16xi1>
      %broadcast_in_dim3A_347 = arith.constant 160 : i32
      %broadcast_in_dim3A_348 = vector.broadcast %broadcast_in_dim3A_347 : i32 to vector<16xi32>
      %add3A_349 = arith.addi %broadcast_in_dim3A_348, %iota3A : vector<16xi32>
      tpu.vector_store_idx %arg13[%add3A_344], %add3A_349 masked %and3A_346 : memref<64xi32, #tpu.memory_space<vmem>>[vector<16xi32>], vector<16xi32>, vector<16xi1>
      tpu.vector_store_idx %arg16[%add3A_344], %broadcast_in_dim3A_37 masked %and3A_346 : memref<64xi32, #tpu.memory_space<vmem>>[vector<16xi32>], vector<16xi32>, vector<16xi1>
      %convert_element_type3A_350 = arith.extui %and3A_346 : vector<16xi1> to vector<16xi32>
      %swap3A_351 = arith.constant 160 : index
      %swap3A_352 = tpu.vector_load %arg12[%swap3A_351] {strides = array<i32>} : memref<1024xi32, #tpu.memory_space<vmem>>, vector<16xi32>,
      tpu.vector_store %arg12[%swap3A_351], %convert_element_type3A_350 {strides = array<i32>} : memref<1024xi32, #tpu.memory_space<vmem>>, vector<16xi32>,
      %rev3A_353 = arith.constant 15 : i32
      %rev3A_354 = vector.broadcast %rev3A_353 : i32 to vector<16xi32>
      %rev3A_355 = tpu.iota {dimensions = array<i32: 0>} : vector<16xi32>
      %rev3A_356 = arith.subi %rev3A_354, %rev3A_355 : vector<16xi32>
      %rev3A_357 = tpu.dynamic_gather %masked_cumsum3A_342[%rev3A_356] in [0] : vector<16xi32>, vector<16xi32> -> vector<16xi32>
      %broadcast_in_dim3A_358 = arith.constant true
      %broadcast_in_dim3A_359 = vector.broadcast %broadcast_in_dim3A_358 : i1 to vector<16xi1>
      %masked_cummax3A_360 = arith.constant -2147483648 : i32
      %masked_cummax3A_361 = vector.broadcast %masked_cummax3A_360 : i32 to vector<16xi32>
      %masked_cummax3A_362 = arith.xori %rev3A_357, %masked_cummax3A_361 : vector<16xi32>
      %masked_cummax3A_363 = tpu.scan <max>, %masked_cummax3A_362 masked %broadcast_in_dim3A_359 : vector<16xi32>, vector<16xi1> -> vector<16xi32>
      %masked_cummax3A_364 = arith.xori %masked_cummax3A_363, %masked_cummax3A_361 : vector<16xi32>
      %add3A_365 = arith.addi %add3A_335, %masked_cummax3A_364 : vector<16xi32>
      %get3A_366 = arith.constant 176 : index
      %get3A_367 = tpu.vector_load %arg10[%get3A_366] {strides = array<i32>} : memref<1024xf32, #tpu.memory_space<vmem>>, vector<16xf32>,
      %gt3A_368 = arith.cmpf ogt, %get3A_367, %broadcast_in_dim3A_41 : vector<16xf32>
      %convert_element_type3A_369 = arith.extui %gt3A_368 : vector<16xi1> to vector<16xi32>
      %broadcast_in_dim3A_370 = arith.constant true
      %broadcast_in_dim3A_371 = vector.broadcast %broadcast_in_dim3A_370 : i1 to vector<16xi1>
      %masked_cumsum3A_372 = tpu.scan <sum>, %convert_element_type3A_369 masked %broadcast_in_dim3A_371 : vector<16xi32>, vector<16xi1> -> vector<16xi32>
      %sub3A_373 = arith.subi %masked_cumsum3A_372, %convert_element_type3A_369 : vector<16xi32>
      %add3A_374 = arith.addi %sub3A_373, %add3A_365 : vector<16xi32>
      %lt3A_375 = arith.cmpi slt, %add3A_374, %broadcast_in_dim3A_43 : vector<16xi32>
      %and3A_376 = arith.andi %gt3A_368, %lt3A_375 : vector<16xi1>
      %broadcast_in_dim3A_377 = arith.constant 176 : i32
      %broadcast_in_dim3A_378 = vector.broadcast %broadcast_in_dim3A_377 : i32 to vector<16xi32>
      %add3A_379 = arith.addi %broadcast_in_dim3A_378, %iota3A : vector<16xi32>
      tpu.vector_store_idx %arg13[%add3A_374], %add3A_379 masked %and3A_376 : memref<64xi32, #tpu.memory_space<vmem>>[vector<16xi32>], vector<16xi32>, vector<16xi1>
      tpu.vector_store_idx %arg16[%add3A_374], %broadcast_in_dim3A_37 masked %and3A_376 : memref<64xi32, #tpu.memory_space<vmem>>[vector<16xi32>], vector<16xi32>, vector<16xi1>
      %convert_element_type3A_380 = arith.extui %and3A_376 : vector<16xi1> to vector<16xi32>
      %swap3A_381 = arith.constant 176 : index
      %swap3A_382 = tpu.vector_load %arg12[%swap3A_381] {strides = array<i32>} : memref<1024xi32, #tpu.memory_space<vmem>>, vector<16xi32>,
      tpu.vector_store %arg12[%swap3A_381], %convert_element_type3A_380 {strides = array<i32>} : memref<1024xi32, #tpu.memory_space<vmem>>, vector<16xi32>,
      %rev3A_383 = arith.constant 15 : i32
      %rev3A_384 = vector.broadcast %rev3A_383 : i32 to vector<16xi32>
      %rev3A_385 = tpu.iota {dimensions = array<i32: 0>} : vector<16xi32>
      %rev3A_386 = arith.subi %rev3A_384, %rev3A_385 : vector<16xi32>
      %rev3A_387 = tpu.dynamic_gather %masked_cumsum3A_372[%rev3A_386] in [0] : vector<16xi32>, vector<16xi32> -> vector<16xi32>
      %broadcast_in_dim3A_388 = arith.constant true
      %broadcast_in_dim3A_389 = vector.broadcast %broadcast_in_dim3A_388 : i1 to vector<16xi1>
      %masked_cummax3A_390 = arith.constant -2147483648 : i32
      %masked_cummax3A_391 = vector.broadcast %masked_cummax3A_390 : i32 to vector<16xi32>
      %masked_cummax3A_392 = arith.xori %rev3A_387, %masked_cummax3A_391 : vector<16xi32>
      %masked_cummax3A_393 = tpu.scan <max>, %masked_cummax3A_392 masked %broadcast_in_dim3A_389 : vector<16xi32>, vector<16xi1> -> vector<16xi32>
      %masked_cummax3A_394 = arith.xori %masked_cummax3A_393, %masked_cummax3A_391 : vector<16xi32>
      %add3A_395 = arith.addi %add3A_365, %masked_cummax3A_394 : vector<16xi32>
      %get3A_396 = arith.constant 192 : index
      %get3A_397 = tpu.vector_load %arg10[%get3A_396] {strides = array<i32>} : memref<1024xf32, #tpu.memory_space<vmem>>, vector<16xf32>,
      %gt3A_398 = arith.cmpf ogt, %get3A_397, %broadcast_in_dim3A_41 : vector<16xf32>
      %convert_element_type3A_399 = arith.extui %gt3A_398 : vector<16xi1> to vector<16xi32>
      %broadcast_in_dim3A_400 = arith.constant true
      %broadcast_in_dim3A_401 = vector.broadcast %broadcast_in_dim3A_400 : i1 to vector<16xi1>
      %masked_cumsum3A_402 = tpu.scan <sum>, %convert_element_type3A_399 masked %broadcast_in_dim3A_401 : vector<16xi32>, vector<16xi1> -> vector<16xi32>
      %sub3A_403 = arith.subi %masked_cumsum3A_402, %convert_element_type3A_399 : vector<16xi32>
      %add3A_404 = arith.addi %sub3A_403, %add3A_395 : vector<16xi32>
      %lt3A_405 = arith.cmpi slt, %add3A_404, %broadcast_in_dim3A_43 : vector<16xi32>
      %and3A_406 = arith.andi %gt3A_398, %lt3A_405 : vector<16xi1>
      %broadcast_in_dim3A_407 = arith.constant 192 : i32
      %broadcast_in_dim3A_408 = vector.broadcast %broadcast_in_dim3A_407 : i32 to vector<16xi32>
      %add3A_409 = arith.addi %broadcast_in_dim3A_408, %iota3A : vector<16xi32>
      tpu.vector_store_idx %arg13[%add3A_404], %add3A_409 masked %and3A_406 : memref<64xi32, #tpu.memory_space<vmem>>[vector<16xi32>], vector<16xi32>, vector<16xi1>
      tpu.vector_store_idx %arg16[%add3A_404], %broadcast_in_dim3A_37 masked %and3A_406 : memref<64xi32, #tpu.memory_space<vmem>>[vector<16xi32>], vector<16xi32>, vector<16xi1>
      %convert_element_type3A_410 = arith.extui %and3A_406 : vector<16xi1> to vector<16xi32>
      %swap3A_411 = arith.constant 192 : index
      %swap3A_412 = tpu.vector_load %arg12[%swap3A_411] {strides = array<i32>} : memref<1024xi32, #tpu.memory_space<vmem>>, vector<16xi32>,
      tpu.vector_store %arg12[%swap3A_411], %convert_element_type3A_410 {strides = array<i32>} : memref<1024xi32, #tpu.memory_space<vmem>>, vector<16xi32>,
      %rev3A_413 = arith.constant 15 : i32
      %rev3A_414 = vector.broadcast %rev3A_413 : i32 to vector<16xi32>
      %rev3A_415 = tpu.iota {dimensions = array<i32: 0>} : vector<16xi32>
      %rev3A_416 = arith.subi %rev3A_414, %rev3A_415 : vector<16xi32>
      %rev3A_417 = tpu.dynamic_gather %masked_cumsum3A_402[%rev3A_416] in [0] : vector<16xi32>, vector<16xi32> -> vector<16xi32>
      %broadcast_in_dim3A_418 = arith.constant true
      %broadcast_in_dim3A_419 = vector.broadcast %broadcast_in_dim3A_418 : i1 to vector<16xi1>
      %masked_cummax3A_420 = arith.constant -2147483648 : i32
      %masked_cummax3A_421 = vector.broadcast %masked_cummax3A_420 : i32 to vector<16xi32>
      %masked_cummax3A_422 = arith.xori %rev3A_417, %masked_cummax3A_421 : vector<16xi32>
      %masked_cummax3A_423 = tpu.scan <max>, %masked_cummax3A_422 masked %broadcast_in_dim3A_419 : vector<16xi32>, vector<16xi1> -> vector<16xi32>
      %masked_cummax3A_424 = arith.xori %masked_cummax3A_423, %masked_cummax3A_421 : vector<16xi32>
      %add3A_425 = arith.addi %add3A_395, %masked_cummax3A_424 : vector<16xi32>
      %get3A_426 = arith.constant 208 : index
      %get3A_427 = tpu.vector_load %arg10[%get3A_426] {strides = array<i32>} : memref<1024xf32, #tpu.memory_space<vmem>>, vector<16xf32>,
      %gt3A_428 = arith.cmpf ogt, %get3A_427, %broadcast_in_dim3A_41 : vector<16xf32>
      %convert_element_type3A_429 = arith.extui %gt3A_428 : vector<16xi1> to vector<16xi32>
      %broadcast_in_dim3A_430 = arith.constant true
      %broadcast_in_dim3A_431 = vector.broadcast %broadcast_in_dim3A_430 : i1 to vector<16xi1>
      %masked_cumsum3A_432 = tpu.scan <sum>, %convert_element_type3A_429 masked %broadcast_in_dim3A_431 : vector<16xi32>, vector<16xi1> -> vector<16xi32>
      %sub3A_433 = arith.subi %masked_cumsum3A_432, %convert_element_type3A_429 : vector<16xi32>
      %add3A_434 = arith.addi %sub3A_433, %add3A_425 : vector<16xi32>
      %lt3A_435 = arith.cmpi slt, %add3A_434, %broadcast_in_dim3A_43 : vector<16xi32>
      %and3A_436 = arith.andi %gt3A_428, %lt3A_435 : vector<16xi1>
      %broadcast_in_dim3A_437 = arith.constant 208 : i32
      %broadcast_in_dim3A_438 = vector.broadcast %broadcast_in_dim3A_437 : i32 to vector<16xi32>
      %add3A_439 = arith.addi %broadcast_in_dim3A_438, %iota3A : vector<16xi32>
      tpu.vector_store_idx %arg13[%add3A_434], %add3A_439 masked %and3A_436 : memref<64xi32, #tpu.memory_space<vmem>>[vector<16xi32>], vector<16xi32>, vector<16xi1>
      tpu.vector_store_idx %arg16[%add3A_434], %broadcast_in_dim3A_37 masked %and3A_436 : memref<64xi32, #tpu.memory_space<vmem>>[vector<16xi32>], vector<16xi32>, vector<16xi1>
      %convert_element_type3A_440 = arith.extui %and3A_436 : vector<16xi1> to vector<16xi32>
      %swap3A_441 = arith.constant 208 : index
      %swap3A_442 = tpu.vector_load %arg12[%swap3A_441] {strides = array<i32>} : memref<1024xi32, #tpu.memory_space<vmem>>, vector<16xi32>,
      tpu.vector_store %arg12[%swap3A_441], %convert_element_type3A_440 {strides = array<i32>} : memref<1024xi32, #tpu.memory_space<vmem>>, vector<16xi32>,
      %rev3A_443 = arith.constant 15 : i32
      %rev3A_444 = vector.broadcast %rev3A_443 : i32 to vector<16xi32>
      %rev3A_445 = tpu.iota {dimensions = array<i32: 0>} : vector<16xi32>
      %rev3A_446 = arith.subi %rev3A_444, %rev3A_445 : vector<16xi32>
      %rev3A_447 = tpu.dynamic_gather %masked_cumsum3A_432[%rev3A_446] in [0] : vector<16xi32>, vector<16xi32> -> vector<16xi32>
      %broadcast_in_dim3A_448 = arith.constant true
      %broadcast_in_dim3A_449 = vector.broadcast %broadcast_in_dim3A_448 : i1 to vector<16xi1>
      %masked_cummax3A_450 = arith.constant -2147483648 : i32
      %masked_cummax3A_451 = vector.broadcast %masked_cummax3A_450 : i32 to vector<16xi32>
      %masked_cummax3A_452 = arith.xori %rev3A_447, %masked_cummax3A_451 : vector<16xi32>
      %masked_cummax3A_453 = tpu.scan <max>, %masked_cummax3A_452 masked %broadcast_in_dim3A_449 : vector<16xi32>, vector<16xi1> -> vector<16xi32>
      %masked_cummax3A_454 = arith.xori %masked_cummax3A_453, %masked_cummax3A_451 : vector<16xi32>
      %add3A_455 = arith.addi %add3A_425, %masked_cummax3A_454 : vector<16xi32>
      %get3A_456 = arith.constant 224 : index
      %get3A_457 = tpu.vector_load %arg10[%get3A_456] {strides = array<i32>} : memref<1024xf32, #tpu.memory_space<vmem>>, vector<16xf32>,
      %gt3A_458 = arith.cmpf ogt, %get3A_457, %broadcast_in_dim3A_41 : vector<16xf32>
      %convert_element_type3A_459 = arith.extui %gt3A_458 : vector<16xi1> to vector<16xi32>
      %broadcast_in_dim3A_460 = arith.constant true
      %broadcast_in_dim3A_461 = vector.broadcast %broadcast_in_dim3A_460 : i1 to vector<16xi1>
      %masked_cumsum3A_462 = tpu.scan <sum>, %convert_element_type3A_459 masked %broadcast_in_dim3A_461 : vector<16xi32>, vector<16xi1> -> vector<16xi32>
      %sub3A_463 = arith.subi %masked_cumsum3A_462, %convert_element_type3A_459 : vector<16xi32>
      %add3A_464 = arith.addi %sub3A_463, %add3A_455 : vector<16xi32>
      %lt3A_465 = arith.cmpi slt, %add3A_464, %broadcast_in_dim3A_43 : vector<16xi32>
      %and3A_466 = arith.andi %gt3A_458, %lt3A_465 : vector<16xi1>
      %broadcast_in_dim3A_467 = arith.constant 224 : i32
      %broadcast_in_dim3A_468 = vector.broadcast %broadcast_in_dim3A_467 : i32 to vector<16xi32>
      %add3A_469 = arith.addi %broadcast_in_dim3A_468, %iota3A : vector<16xi32>
      tpu.vector_store_idx %arg13[%add3A_464], %add3A_469 masked %and3A_466 : memref<64xi32, #tpu.memory_space<vmem>>[vector<16xi32>], vector<16xi32>, vector<16xi1>
      tpu.vector_store_idx %arg16[%add3A_464], %broadcast_in_dim3A_37 masked %and3A_466 : memref<64xi32, #tpu.memory_space<vmem>>[vector<16xi32>], vector<16xi32>, vector<16xi1>
      %convert_element_type3A_470 = arith.extui %and3A_466 : vector<16xi1> to vector<16xi32>
      %swap3A_471 = arith.constant 224 : index
      %swap3A_472 = tpu.vector_load %arg12[%swap3A_471] {strides = array<i32>} : memref<1024xi32, #tpu.memory_space<vmem>>, vector<16xi32>,
      tpu.vector_store %arg12[%swap3A_471], %convert_element_type3A_470 {strides = array<i32>} : memref<1024xi32, #tpu.memory_space<vmem>>, vector<16xi32>,
      %rev3A_473 = arith.constant 15 : i32
      %rev3A_474 = vector.broadcast %rev3A_473 : i32 to vector<16xi32>
      %rev3A_475 = tpu.iota {dimensions = array<i32: 0>} : vector<16xi32>
      %rev3A_476 = arith.subi %rev3A_474, %rev3A_475 : vector<16xi32>
      %rev3A_477 = tpu.dynamic_gather %masked_cumsum3A_462[%rev3A_476] in [0] : vector<16xi32>, vector<16xi32> -> vector<16xi32>
      %broadcast_in_dim3A_478 = arith.constant true
      %broadcast_in_dim3A_479 = vector.broadcast %broadcast_in_dim3A_478 : i1 to vector<16xi1>
      %masked_cummax3A_480 = arith.constant -2147483648 : i32
      %masked_cummax3A_481 = vector.broadcast %masked_cummax3A_480 : i32 to vector<16xi32>
      %masked_cummax3A_482 = arith.xori %rev3A_477, %masked_cummax3A_481 : vector<16xi32>
      %masked_cummax3A_483 = tpu.scan <max>, %masked_cummax3A_482 masked %broadcast_in_dim3A_479 : vector<16xi32>, vector<16xi1> -> vector<16xi32>
      %masked_cummax3A_484 = arith.xori %masked_cummax3A_483, %masked_cummax3A_481 : vector<16xi32>
      %add3A_485 = arith.addi %add3A_455, %masked_cummax3A_484 : vector<16xi32>
      %get3A_486 = arith.constant 240 : index
      %get3A_487 = tpu.vector_load %arg10[%get3A_486] {strides = array<i32>} : memref<1024xf32, #tpu.memory_space<vmem>>, vector<16xf32>,
      %gt3A_488 = arith.cmpf ogt, %get3A_487, %broadcast_in_dim3A_41 : vector<16xf32>
      %convert_element_type3A_489 = arith.extui %gt3A_488 : vector<16xi1> to vector<16xi32>
      %broadcast_in_dim3A_490 = arith.constant true
      %broadcast_in_dim3A_491 = vector.broadcast %broadcast_in_dim3A_490 : i1 to vector<16xi1>
      %masked_cumsum3A_492 = tpu.scan <sum>, %convert_element_type3A_489 masked %broadcast_in_dim3A_491 : vector<16xi32>, vector<16xi1> -> vector<16xi32>
      %sub3A_493 = arith.subi %masked_cumsum3A_492, %convert_element_type3A_489 : vector<16xi32>
      %add3A_494 = arith.addi %sub3A_493, %add3A_485 : vector<16xi32>
      %lt3A_495 = arith.cmpi slt, %add3A_494, %broadcast_in_dim3A_43 : vector<16xi32>
      %and3A_496 = arith.andi %gt3A_488, %lt3A_495 : vector<16xi1>
      %broadcast_in_dim3A_497 = arith.constant 240 : i32
      %broadcast_in_dim3A_498 = vector.broadcast %broadcast_in_dim3A_497 : i32 to vector<16xi32>
      %add3A_499 = arith.addi %broadcast_in_dim3A_498, %iota3A : vector<16xi32>
      tpu.vector_store_idx %arg13[%add3A_494], %add3A_499 masked %and3A_496 : memref<64xi32, #tpu.memory_space<vmem>>[vector<16xi32>], vector<16xi32>, vector<16xi1>
      tpu.vector_store_idx %arg16[%add3A_494], %broadcast_in_dim3A_37 masked %and3A_496 : memref<64xi32, #tpu.memory_space<vmem>>[vector<16xi32>], vector<16xi32>, vector<16xi1>
      %convert_element_type3A_500 = arith.extui %and3A_496 : vector<16xi1> to vector<16xi32>
      %swap3A_501 = arith.constant 240 : index
      %swap3A_502 = tpu.vector_load %arg12[%swap3A_501] {strides = array<i32>} : memref<1024xi32, #tpu.memory_space<vmem>>, vector<16xi32>,
      tpu.vector_store %arg12[%swap3A_501], %convert_element_type3A_500 {strides = array<i32>} : memref<1024xi32, #tpu.memory_space<vmem>>, vector<16xi32>,
      %rev3A_503 = arith.constant 15 : i32
      %rev3A_504 = vector.broadcast %rev3A_503 : i32 to vector<16xi32>
      %rev3A_505 = tpu.iota {dimensions = array<i32: 0>} : vector<16xi32>
      %rev3A_506 = arith.subi %rev3A_504, %rev3A_505 : vector<16xi32>
      %rev3A_507 = tpu.dynamic_gather %masked_cumsum3A_492[%rev3A_506] in [0] : vector<16xi32>, vector<16xi32> -> vector<16xi32>
      %broadcast_in_dim3A_508 = arith.constant true
      %broadcast_in_dim3A_509 = vector.broadcast %broadcast_in_dim3A_508 : i1 to vector<16xi1>
      %masked_cummax3A_510 = arith.constant -2147483648 : i32
      %masked_cummax3A_511 = vector.broadcast %masked_cummax3A_510 : i32 to vector<16xi32>
      %masked_cummax3A_512 = arith.xori %rev3A_507, %masked_cummax3A_511 : vector<16xi32>
      %masked_cummax3A_513 = tpu.scan <max>, %masked_cummax3A_512 masked %broadcast_in_dim3A_509 : vector<16xi32>, vector<16xi1> -> vector<16xi32>
      %masked_cummax3A_514 = arith.xori %masked_cummax3A_513, %masked_cummax3A_511 : vector<16xi32>
      %add3A_515 = arith.addi %add3A_485, %masked_cummax3A_514 : vector<16xi32>
      %get3A_516 = arith.constant 256 : index
      %get3A_517 = tpu.vector_load %arg10[%get3A_516] {strides = array<i32>} : memref<1024xf32, #tpu.memory_space<vmem>>, vector<16xf32>,
      %gt3A_518 = arith.cmpf ogt, %get3A_517, %broadcast_in_dim3A_41 : vector<16xf32>
      %convert_element_type3A_519 = arith.extui %gt3A_518 : vector<16xi1> to vector<16xi32>
      %broadcast_in_dim3A_520 = arith.constant true
      %broadcast_in_dim3A_521 = vector.broadcast %broadcast_in_dim3A_520 : i1 to vector<16xi1>
      %masked_cumsum3A_522 = tpu.scan <sum>, %convert_element_type3A_519 masked %broadcast_in_dim3A_521 : vector<16xi32>, vector<16xi1> -> vector<16xi32>
      %sub3A_523 = arith.subi %masked_cumsum3A_522, %convert_element_type3A_519 : vector<16xi32>
      %add3A_524 = arith.addi %sub3A_523, %add3A_515 : vector<16xi32>
      %lt3A_525 = arith.cmpi slt, %add3A_524, %broadcast_in_dim3A_43 : vector<16xi32>
      %and3A_526 = arith.andi %gt3A_518, %lt3A_525 : vector<16xi1>
      %broadcast_in_dim3A_527 = arith.constant 256 : i32
      %broadcast_in_dim3A_528 = vector.broadcast %broadcast_in_dim3A_527 : i32 to vector<16xi32>
      %add3A_529 = arith.addi %broadcast_in_dim3A_528, %iota3A : vector<16xi32>
      tpu.vector_store_idx %arg13[%add3A_524], %add3A_529 masked %and3A_526 : memref<64xi32, #tpu.memory_space<vmem>>[vector<16xi32>], vector<16xi32>, vector<16xi1>
      tpu.vector_store_idx %arg16[%add3A_524], %broadcast_in_dim3A_37 masked %and3A_526 : memref<64xi32, #tpu.memory_space<vmem>>[vector<16xi32>], vector<16xi32>, vector<16xi1>
      %convert_element_type3A_530 = arith.extui %and3A_526 : vector<16xi1> to vector<16xi32>
      %swap3A_531 = arith.constant 256 : index
      %swap3A_532 = tpu.vector_load %arg12[%swap3A_531] {strides = array<i32>} : memref<1024xi32, #tpu.memory_space<vmem>>, vector<16xi32>,
      tpu.vector_store %arg12[%swap3A_531], %convert_element_type3A_530 {strides = array<i32>} : memref<1024xi32, #tpu.memory_space<vmem>>, vector<16xi32>,
      %rev3A_533 = arith.constant 15 : i32
      %rev3A_534 = vector.broadcast %rev3A_533 : i32 to vector<16xi32>
      %rev3A_535 = tpu.iota {dimensions = array<i32: 0>} : vector<16xi32>
      %rev3A_536 = arith.subi %rev3A_534, %rev3A_535 : vector<16xi32>
      %rev3A_537 = tpu.dynamic_gather %masked_cumsum3A_522[%rev3A_536] in [0] : vector<16xi32>, vector<16xi32> -> vector<16xi32>
      %broadcast_in_dim3A_538 = arith.constant true
      %broadcast_in_dim3A_539 = vector.broadcast %broadcast_in_dim3A_538 : i1 to vector<16xi1>
      %masked_cummax3A_540 = arith.constant -2147483648 : i32
      %masked_cummax3A_541 = vector.broadcast %masked_cummax3A_540 : i32 to vector<16xi32>
      %masked_cummax3A_542 = arith.xori %rev3A_537, %masked_cummax3A_541 : vector<16xi32>
      %masked_cummax3A_543 = tpu.scan <max>, %masked_cummax3A_542 masked %broadcast_in_dim3A_539 : vector<16xi32>, vector<16xi1> -> vector<16xi32>
      %masked_cummax3A_544 = arith.xori %masked_cummax3A_543, %masked_cummax3A_541 : vector<16xi32>
      %add3A_545 = arith.addi %add3A_515, %masked_cummax3A_544 : vector<16xi32>
      %get3A_546 = arith.constant 272 : index
      %get3A_547 = tpu.vector_load %arg10[%get3A_546] {strides = array<i32>} : memref<1024xf32, #tpu.memory_space<vmem>>, vector<16xf32>,
      %gt3A_548 = arith.cmpf ogt, %get3A_547, %broadcast_in_dim3A_41 : vector<16xf32>
      %convert_element_type3A_549 = arith.extui %gt3A_548 : vector<16xi1> to vector<16xi32>
      %broadcast_in_dim3A_550 = arith.constant true
      %broadcast_in_dim3A_551 = vector.broadcast %broadcast_in_dim3A_550 : i1 to vector<16xi1>
      %masked_cumsum3A_552 = tpu.scan <sum>, %convert_element_type3A_549 masked %broadcast_in_dim3A_551 : vector<16xi32>, vector<16xi1> -> vector<16xi32>
      %sub3A_553 = arith.subi %masked_cumsum3A_552, %convert_element_type3A_549 : vector<16xi32>
      %add3A_554 = arith.addi %sub3A_553, %add3A_545 : vector<16xi32>
      %lt3A_555 = arith.cmpi slt, %add3A_554, %broadcast_in_dim3A_43 : vector<16xi32>
      %and3A_556 = arith.andi %gt3A_548, %lt3A_555 : vector<16xi1>
      %broadcast_in_dim3A_557 = arith.constant 272 : i32
      %broadcast_in_dim3A_558 = vector.broadcast %broadcast_in_dim3A_557 : i32 to vector<16xi32>
      %add3A_559 = arith.addi %broadcast_in_dim3A_558, %iota3A : vector<16xi32>
      tpu.vector_store_idx %arg13[%add3A_554], %add3A_559 masked %and3A_556 : memref<64xi32, #tpu.memory_space<vmem>>[vector<16xi32>], vector<16xi32>, vector<16xi1>
      tpu.vector_store_idx %arg16[%add3A_554], %broadcast_in_dim3A_37 masked %and3A_556 : memref<64xi32, #tpu.memory_space<vmem>>[vector<16xi32>], vector<16xi32>, vector<16xi1>
      %convert_element_type3A_560 = arith.extui %and3A_556 : vector<16xi1> to vector<16xi32>
      %swap3A_561 = arith.constant 272 : index
      %swap3A_562 = tpu.vector_load %arg12[%swap3A_561] {strides = array<i32>} : memref<1024xi32, #tpu.memory_space<vmem>>, vector<16xi32>,
      tpu.vector_store %arg12[%swap3A_561], %convert_element_type3A_560 {strides = array<i32>} : memref<1024xi32, #tpu.memory_space<vmem>>, vector<16xi32>,
      %rev3A_563 = arith.constant 15 : i32
      %rev3A_564 = vector.broadcast %rev3A_563 : i32 to vector<16xi32>
      %rev3A_565 = tpu.iota {dimensions = array<i32: 0>} : vector<16xi32>
      %rev3A_566 = arith.subi %rev3A_564, %rev3A_565 : vector<16xi32>
      %rev3A_567 = tpu.dynamic_gather %masked_cumsum3A_552[%rev3A_566] in [0] : vector<16xi32>, vector<16xi32> -> vector<16xi32>
      %broadcast_in_dim3A_568 = arith.constant true
      %broadcast_in_dim3A_569 = vector.broadcast %broadcast_in_dim3A_568 : i1 to vector<16xi1>
      %masked_cummax3A_570 = arith.constant -2147483648 : i32
      %masked_cummax3A_571 = vector.broadcast %masked_cummax3A_570 : i32 to vector<16xi32>
      %masked_cummax3A_572 = arith.xori %rev3A_567, %masked_cummax3A_571 : vector<16xi32>
      %masked_cummax3A_573 = tpu.scan <max>, %masked_cummax3A_572 masked %broadcast_in_dim3A_569 : vector<16xi32>, vector<16xi1> -> vector<16xi32>
      %masked_cummax3A_574 = arith.xori %masked_cummax3A_573, %masked_cummax3A_571 : vector<16xi32>
      %add3A_575 = arith.addi %add3A_545, %masked_cummax3A_574 : vector<16xi32>
      %get3A_576 = arith.constant 288 : index
      %get3A_577 = tpu.vector_load %arg10[%get3A_576] {strides = array<i32>} : memref<1024xf32, #tpu.memory_space<vmem>>, vector<16xf32>,
      %gt3A_578 = arith.cmpf ogt, %get3A_577, %broadcast_in_dim3A_41 : vector<16xf32>
      %convert_element_type3A_579 = arith.extui %gt3A_578 : vector<16xi1> to vector<16xi32>
      %broadcast_in_dim3A_580 = arith.constant true
      %broadcast_in_dim3A_581 = vector.broadcast %broadcast_in_dim3A_580 : i1 to vector<16xi1>
      %masked_cumsum3A_582 = tpu.scan <sum>, %convert_element_type3A_579 masked %broadcast_in_dim3A_581 : vector<16xi32>, vector<16xi1> -> vector<16xi32>
      %sub3A_583 = arith.subi %masked_cumsum3A_582, %convert_element_type3A_579 : vector<16xi32>
      %add3A_584 = arith.addi %sub3A_583, %add3A_575 : vector<16xi32>
      %lt3A_585 = arith.cmpi slt, %add3A_584, %broadcast_in_dim3A_43 : vector<16xi32>
      %and3A_586 = arith.andi %gt3A_578, %lt3A_585 : vector<16xi1>
      %broadcast_in_dim3A_587 = arith.constant 288 : i32
      %broadcast_in_dim3A_588 = vector.broadcast %broadcast_in_dim3A_587 : i32 to vector<16xi32>
      %add3A_589 = arith.addi %broadcast_in_dim3A_588, %iota3A : vector<16xi32>
      tpu.vector_store_idx %arg13[%add3A_584], %add3A_589 masked %and3A_586 : memref<64xi32, #tpu.memory_space<vmem>>[vector<16xi32>], vector<16xi32>, vector<16xi1>
      tpu.vector_store_idx %arg16[%add3A_584], %broadcast_in_dim3A_37 masked %and3A_586 : memref<64xi32, #tpu.memory_space<vmem>>[vector<16xi32>], vector<16xi32>, vector<16xi1>
      %convert_element_type3A_590 = arith.extui %and3A_586 : vector<16xi1> to vector<16xi32>
      %swap3A_591 = arith.constant 288 : index
      %swap3A_592 = tpu.vector_load %arg12[%swap3A_591] {strides = array<i32>} : memref<1024xi32, #tpu.memory_space<vmem>>, vector<16xi32>,
      tpu.vector_store %arg12[%swap3A_591], %convert_element_type3A_590 {strides = array<i32>} : memref<1024xi32, #tpu.memory_space<vmem>>, vector<16xi32>,
      %rev3A_593 = arith.constant 15 : i32
      %rev3A_594 = vector.broadcast %rev3A_593 : i32 to vector<16xi32>
      %rev3A_595 = tpu.iota {dimensions = array<i32: 0>} : vector<16xi32>
      %rev3A_596 = arith.subi %rev3A_594, %rev3A_595 : vector<16xi32>
      %rev3A_597 = tpu.dynamic_gather %masked_cumsum3A_582[%rev3A_596] in [0] : vector<16xi32>, vector<16xi32> -> vector<16xi32>
      %broadcast_in_dim3A_598 = arith.constant true
      %broadcast_in_dim3A_599 = vector.broadcast %broadcast_in_dim3A_598 : i1 to vector<16xi1>
      %masked_cummax3A_600 = arith.constant -2147483648 : i32
      %masked_cummax3A_601 = vector.broadcast %masked_cummax3A_600 : i32 to vector<16xi32>
      %masked_cummax3A_602 = arith.xori %rev3A_597, %masked_cummax3A_601 : vector<16xi32>
      %masked_cummax3A_603 = tpu.scan <max>, %masked_cummax3A_602 masked %broadcast_in_dim3A_599 : vector<16xi32>, vector<16xi1> -> vector<16xi32>
      %masked_cummax3A_604 = arith.xori %masked_cummax3A_603, %masked_cummax3A_601 : vector<16xi32>
      %add3A_605 = arith.addi %add3A_575, %masked_cummax3A_604 : vector<16xi32>
      %get3A_606 = arith.constant 304 : index
      %get3A_607 = tpu.vector_load %arg10[%get3A_606] {strides = array<i32>} : memref<1024xf32, #tpu.memory_space<vmem>>, vector<16xf32>,
      %gt3A_608 = arith.cmpf ogt, %get3A_607, %broadcast_in_dim3A_41 : vector<16xf32>
      %convert_element_type3A_609 = arith.extui %gt3A_608 : vector<16xi1> to vector<16xi32>
      %broadcast_in_dim3A_610 = arith.constant true
      %broadcast_in_dim3A_611 = vector.broadcast %broadcast_in_dim3A_610 : i1 to vector<16xi1>
      %masked_cumsum3A_612 = tpu.scan <sum>, %convert_element_type3A_609 masked %broadcast_in_dim3A_611 : vector<16xi32>, vector<16xi1> -> vector<16xi32>
      %sub3A_613 = arith.subi %masked_cumsum3A_612, %convert_element_type3A_609 : vector<16xi32>
      %add3A_614 = arith.addi %sub3A_613, %add3A_605 : vector<16xi32>
      %lt3A_615 = arith.cmpi slt, %add3A_614, %broadcast_in_dim3A_43 : vector<16xi32>
      %and3A_616 = arith.andi %gt3A_608, %lt3A_615 : vector<16xi1>
      %broadcast_in_dim3A_617 = arith.constant 304 : i32
      %broadcast_in_dim3A_618 = vector.broadcast %broadcast_in_dim3A_617 : i32 to vector<16xi32>
      %add3A_619 = arith.addi %broadcast_in_dim3A_618, %iota3A : vector<16xi32>
      tpu.vector_store_idx %arg13[%add3A_614], %add3A_619 masked %and3A_616 : memref<64xi32, #tpu.memory_space<vmem>>[vector<16xi32>], vector<16xi32>, vector<16xi1>
      tpu.vector_store_idx %arg16[%add3A_614], %broadcast_in_dim3A_37 masked %and3A_616 : memref<64xi32, #tpu.memory_space<vmem>>[vector<16xi32>], vector<16xi32>, vector<16xi1>
      %convert_element_type3A_620 = arith.extui %and3A_616 : vector<16xi1> to vector<16xi32>
      %swap3A_621 = arith.constant 304 : index
      %swap3A_622 = tpu.vector_load %arg12[%swap3A_621] {strides = array<i32>} : memref<1024xi32, #tpu.memory_space<vmem>>, vector<16xi32>,
      tpu.vector_store %arg12[%swap3A_621], %convert_element_type3A_620 {strides = array<i32>} : memref<1024xi32, #tpu.memory_space<vmem>>, vector<16xi32>,
      %rev3A_623 = arith.constant 15 : i32
      %rev3A_624 = vector.broadcast %rev3A_623 : i32 to vector<16xi32>
      %rev3A_625 = tpu.iota {dimensions = array<i32: 0>} : vector<16xi32>
      %rev3A_626 = arith.subi %rev3A_624, %rev3A_625 : vector<16xi32>
      %rev3A_627 = tpu.dynamic_gather %masked_cumsum3A_612[%rev3A_626] in [0] : vector<16xi32>, vector<16xi32> -> vector<16xi32>
      %broadcast_in_dim3A_628 = arith.constant true
      %broadcast_in_dim3A_629 = vector.broadcast %broadcast_in_dim3A_628 : i1 to vector<16xi1>
      %masked_cummax3A_630 = arith.constant -2147483648 : i32
      %masked_cummax3A_631 = vector.broadcast %masked_cummax3A_630 : i32 to vector<16xi32>
      %masked_cummax3A_632 = arith.xori %rev3A_627, %masked_cummax3A_631 : vector<16xi32>
      %masked_cummax3A_633 = tpu.scan <max>, %masked_cummax3A_632 masked %broadcast_in_dim3A_629 : vector<16xi32>, vector<16xi1> -> vector<16xi32>
      %masked_cummax3A_634 = arith.xori %masked_cummax3A_633, %masked_cummax3A_631 : vector<16xi32>
      %add3A_635 = arith.addi %add3A_605, %masked_cummax3A_634 : vector<16xi32>
      %get3A_636 = arith.constant 320 : index
      %get3A_637 = tpu.vector_load %arg10[%get3A_636] {strides = array<i32>} : memref<1024xf32, #tpu.memory_space<vmem>>, vector<16xf32>,
      %gt3A_638 = arith.cmpf ogt, %get3A_637, %broadcast_in_dim3A_41 : vector<16xf32>
      %convert_element_type3A_639 = arith.extui %gt3A_638 : vector<16xi1> to vector<16xi32>
      %broadcast_in_dim3A_640 = arith.constant true
      %broadcast_in_dim3A_641 = vector.broadcast %broadcast_in_dim3A_640 : i1 to vector<16xi1>
      %masked_cumsum3A_642 = tpu.scan <sum>, %convert_element_type3A_639 masked %broadcast_in_dim3A_641 : vector<16xi32>, vector<16xi1> -> vector<16xi32>
      %sub3A_643 = arith.subi %masked_cumsum3A_642, %convert_element_type3A_639 : vector<16xi32>
      %add3A_644 = arith.addi %sub3A_643, %add3A_635 : vector<16xi32>
      %lt3A_645 = arith.cmpi slt, %add3A_644, %broadcast_in_dim3A_43 : vector<16xi32>
      %and3A_646 = arith.andi %gt3A_638, %lt3A_645 : vector<16xi1>
      %broadcast_in_dim3A_647 = arith.constant 320 : i32
      %broadcast_in_dim3A_648 = vector.broadcast %broadcast_in_dim3A_647 : i32 to vector<16xi32>
      %add3A_649 = arith.addi %broadcast_in_dim3A_648, %iota3A : vector<16xi32>
      tpu.vector_store_idx %arg13[%add3A_644], %add3A_649 masked %and3A_646 : memref<64xi32, #tpu.memory_space<vmem>>[vector<16xi32>], vector<16xi32>, vector<16xi1>
      tpu.vector_store_idx %arg16[%add3A_644], %broadcast_in_dim3A_37 masked %and3A_646 : memref<64xi32, #tpu.memory_space<vmem>>[vector<16xi32>], vector<16xi32>, vector<16xi1>
      %convert_element_type3A_650 = arith.extui %and3A_646 : vector<16xi1> to vector<16xi32>
      %swap3A_651 = arith.constant 320 : index
      %swap3A_652 = tpu.vector_load %arg12[%swap3A_651] {strides = array<i32>} : memref<1024xi32, #tpu.memory_space<vmem>>, vector<16xi32>,
      tpu.vector_store %arg12[%swap3A_651], %convert_element_type3A_650 {strides = array<i32>} : memref<1024xi32, #tpu.memory_space<vmem>>, vector<16xi32>,
      %rev3A_653 = arith.constant 15 : i32
      %rev3A_654 = vector.broadcast %rev3A_653 : i32 to vector<16xi32>
      %rev3A_655 = tpu.iota {dimensions = array<i32: 0>} : vector<16xi32>
      %rev3A_656 = arith.subi %rev3A_654, %rev3A_655 : vector<16xi32>
      %rev3A_657 = tpu.dynamic_gather %masked_cumsum3A_642[%rev3A_656] in [0] : vector<16xi32>, vector<16xi32> -> vector<16xi32>
      %broadcast_in_dim3A_658 = arith.constant true
      %broadcast_in_dim3A_659 = vector.broadcast %broadcast_in_dim3A_658 : i1 to vector<16xi1>
      %masked_cummax3A_660 = arith.constant -2147483648 : i32
      %masked_cummax3A_661 = vector.broadcast %masked_cummax3A_660 : i32 to vector<16xi32>
      %masked_cummax3A_662 = arith.xori %rev3A_657, %masked_cummax3A_661 : vector<16xi32>
      %masked_cummax3A_663 = tpu.scan <max>, %masked_cummax3A_662 masked %broadcast_in_dim3A_659 : vector<16xi32>, vector<16xi1> -> vector<16xi32>
      %masked_cummax3A_664 = arith.xori %masked_cummax3A_663, %masked_cummax3A_661 : vector<16xi32>
      %add3A_665 = arith.addi %add3A_635, %masked_cummax3A_664 : vector<16xi32>
      %get3A_666 = arith.constant 336 : index
      %get3A_667 = tpu.vector_load %arg10[%get3A_666] {strides = array<i32>} : memref<1024xf32, #tpu.memory_space<vmem>>, vector<16xf32>,
      %gt3A_668 = arith.cmpf ogt, %get3A_667, %broadcast_in_dim3A_41 : vector<16xf32>
      %convert_element_type3A_669 = arith.extui %gt3A_668 : vector<16xi1> to vector<16xi32>
      %broadcast_in_dim3A_670 = arith.constant true
      %broadcast_in_dim3A_671 = vector.broadcast %broadcast_in_dim3A_670 : i1 to vector<16xi1>
      %masked_cumsum3A_672 = tpu.scan <sum>, %convert_element_type3A_669 masked %broadcast_in_dim3A_671 : vector<16xi32>, vector<16xi1> -> vector<16xi32>
      %sub3A_673 = arith.subi %masked_cumsum3A_672, %convert_element_type3A_669 : vector<16xi32>
      %add3A_674 = arith.addi %sub3A_673, %add3A_665 : vector<16xi32>
      %lt3A_675 = arith.cmpi slt, %add3A_674, %broadcast_in_dim3A_43 : vector<16xi32>
      %and3A_676 = arith.andi %gt3A_668, %lt3A_675 : vector<16xi1>
      %broadcast_in_dim3A_677 = arith.constant 336 : i32
      %broadcast_in_dim3A_678 = vector.broadcast %broadcast_in_dim3A_677 : i32 to vector<16xi32>
      %add3A_679 = arith.addi %broadcast_in_dim3A_678, %iota3A : vector<16xi32>
      tpu.vector_store_idx %arg13[%add3A_674], %add3A_679 masked %and3A_676 : memref<64xi32, #tpu.memory_space<vmem>>[vector<16xi32>], vector<16xi32>, vector<16xi1>
      tpu.vector_store_idx %arg16[%add3A_674], %broadcast_in_dim3A_37 masked %and3A_676 : memref<64xi32, #tpu.memory_space<vmem>>[vector<16xi32>], vector<16xi32>, vector<16xi1>
      %convert_element_type3A_680 = arith.extui %and3A_676 : vector<16xi1> to vector<16xi32>
      %swap3A_681 = arith.constant 336 : index
      %swap3A_682 = tpu.vector_load %arg12[%swap3A_681] {strides = array<i32>} : memref<1024xi32, #tpu.memory_space<vmem>>, vector<16xi32>,
      tpu.vector_store %arg12[%swap3A_681], %convert_element_type3A_680 {strides = array<i32>} : memref<1024xi32, #tpu.memory_space<vmem>>, vector<16xi32>,
      %rev3A_683 = arith.constant 15 : i32
      %rev3A_684 = vector.broadcast %rev3A_683 : i32 to vector<16xi32>
      %rev3A_685 = tpu.iota {dimensions = array<i32: 0>} : vector<16xi32>
      %rev3A_686 = arith.subi %rev3A_684, %rev3A_685 : vector<16xi32>
      %rev3A_687 = tpu.dynamic_gather %masked_cumsum3A_672[%rev3A_686] in [0] : vector<16xi32>, vector<16xi32> -> vector<16xi32>
      %broadcast_in_dim3A_688 = arith.constant true
      %broadcast_in_dim3A_689 = vector.broadcast %broadcast_in_dim3A_688 : i1 to vector<16xi1>
      %masked_cummax3A_690 = arith.constant -2147483648 : i32
      %masked_cummax3A_691 = vector.broadcast %masked_cummax3A_690 : i32 to vector<16xi32>
      %masked_cummax3A_692 = arith.xori %rev3A_687, %masked_cummax3A_691 : vector<16xi32>
      %masked_cummax3A_693 = tpu.scan <max>, %masked_cummax3A_692 masked %broadcast_in_dim3A_689 : vector<16xi32>, vector<16xi1> -> vector<16xi32>
      %masked_cummax3A_694 = arith.xori %masked_cummax3A_693, %masked_cummax3A_691 : vector<16xi32>
      %add3A_695 = arith.addi %add3A_665, %masked_cummax3A_694 : vector<16xi32>
      %get3A_696 = arith.constant 352 : index
      %get3A_697 = tpu.vector_load %arg10[%get3A_696] {strides = array<i32>} : memref<1024xf32, #tpu.memory_space<vmem>>, vector<16xf32>,
      %gt3A_698 = arith.cmpf ogt, %get3A_697, %broadcast_in_dim3A_41 : vector<16xf32>
      %convert_element_type3A_699 = arith.extui %gt3A_698 : vector<16xi1> to vector<16xi32>
      %broadcast_in_dim3A_700 = arith.constant true
      %broadcast_in_dim3A_701 = vector.broadcast %broadcast_in_dim3A_700 : i1 to vector<16xi1>
      %masked_cumsum3A_702 = tpu.scan <sum>, %convert_element_type3A_699 masked %broadcast_in_dim3A_701 : vector<16xi32>, vector<16xi1> -> vector<16xi32>
      %sub3A_703 = arith.subi %masked_cumsum3A_702, %convert_element_type3A_699 : vector<16xi32>
      %add3A_704 = arith.addi %sub3A_703, %add3A_695 : vector<16xi32>
      %lt3A_705 = arith.cmpi slt, %add3A_704, %broadcast_in_dim3A_43 : vector<16xi32>
      %and3A_706 = arith.andi %gt3A_698, %lt3A_705 : vector<16xi1>
      %broadcast_in_dim3A_707 = arith.constant 352 : i32
      %broadcast_in_dim3A_708 = vector.broadcast %broadcast_in_dim3A_707 : i32 to vector<16xi32>
      %add3A_709 = arith.addi %broadcast_in_dim3A_708, %iota3A : vector<16xi32>
      tpu.vector_store_idx %arg13[%add3A_704], %add3A_709 masked %and3A_706 : memref<64xi32, #tpu.memory_space<vmem>>[vector<16xi32>], vector<16xi32>, vector<16xi1>
      tpu.vector_store_idx %arg16[%add3A_704], %broadcast_in_dim3A_37 masked %and3A_706 : memref<64xi32, #tpu.memory_space<vmem>>[vector<16xi32>], vector<16xi32>, vector<16xi1>
      %convert_element_type3A_710 = arith.extui %and3A_706 : vector<16xi1> to vector<16xi32>
      %swap3A_711 = arith.constant 352 : index
      %swap3A_712 = tpu.vector_load %arg12[%swap3A_711] {strides = array<i32>} : memref<1024xi32, #tpu.memory_space<vmem>>, vector<16xi32>,
      tpu.vector_store %arg12[%swap3A_711], %convert_element_type3A_710 {strides = array<i32>} : memref<1024xi32, #tpu.memory_space<vmem>>, vector<16xi32>,
      %rev3A_713 = arith.constant 15 : i32
      %rev3A_714 = vector.broadcast %rev3A_713 : i32 to vector<16xi32>
      %rev3A_715 = tpu.iota {dimensions = array<i32: 0>} : vector<16xi32>
      %rev3A_716 = arith.subi %rev3A_714, %rev3A_715 : vector<16xi32>
      %rev3A_717 = tpu.dynamic_gather %masked_cumsum3A_702[%rev3A_716] in [0] : vector<16xi32>, vector<16xi32> -> vector<16xi32>
      %broadcast_in_dim3A_718 = arith.constant true
      %broadcast_in_dim3A_719 = vector.broadcast %broadcast_in_dim3A_718 : i1 to vector<16xi1>
      %masked_cummax3A_720 = arith.constant -2147483648 : i32
      %masked_cummax3A_721 = vector.broadcast %masked_cummax3A_720 : i32 to vector<16xi32>
      %masked_cummax3A_722 = arith.xori %rev3A_717, %masked_cummax3A_721 : vector<16xi32>
      %masked_cummax3A_723 = tpu.scan <max>, %masked_cummax3A_722 masked %broadcast_in_dim3A_719 : vector<16xi32>, vector<16xi1> -> vector<16xi32>
      %masked_cummax3A_724 = arith.xori %masked_cummax3A_723, %masked_cummax3A_721 : vector<16xi32>
      %add3A_725 = arith.addi %add3A_695, %masked_cummax3A_724 : vector<16xi32>
      %get3A_726 = arith.constant 368 : index
      %get3A_727 = tpu.vector_load %arg10[%get3A_726] {strides = array<i32>} : memref<1024xf32, #tpu.memory_space<vmem>>, vector<16xf32>,
      %gt3A_728 = arith.cmpf ogt, %get3A_727, %broadcast_in_dim3A_41 : vector<16xf32>
      %convert_element_type3A_729 = arith.extui %gt3A_728 : vector<16xi1> to vector<16xi32>
      %broadcast_in_dim3A_730 = arith.constant true
      %broadcast_in_dim3A_731 = vector.broadcast %broadcast_in_dim3A_730 : i1 to vector<16xi1>
      %masked_cumsum3A_732 = tpu.scan <sum>, %convert_element_type3A_729 masked %broadcast_in_dim3A_731 : vector<16xi32>, vector<16xi1> -> vector<16xi32>
      %sub3A_733 = arith.subi %masked_cumsum3A_732, %convert_element_type3A_729 : vector<16xi32>
      %add3A_734 = arith.addi %sub3A_733, %add3A_725 : vector<16xi32>
      %lt3A_735 = arith.cmpi slt, %add3A_734, %broadcast_in_dim3A_43 : vector<16xi32>
      %and3A_736 = arith.andi %gt3A_728, %lt3A_735 : vector<16xi1>
      %broadcast_in_dim3A_737 = arith.constant 368 : i32
      %broadcast_in_dim3A_738 = vector.broadcast %broadcast_in_dim3A_737 : i32 to vector<16xi32>
      %add3A_739 = arith.addi %broadcast_in_dim3A_738, %iota3A : vector<16xi32>
      tpu.vector_store_idx %arg13[%add3A_734], %add3A_739 masked %and3A_736 : memref<64xi32, #tpu.memory_space<vmem>>[vector<16xi32>], vector<16xi32>, vector<16xi1>
      tpu.vector_store_idx %arg16[%add3A_734], %broadcast_in_dim3A_37 masked %and3A_736 : memref<64xi32, #tpu.memory_space<vmem>>[vector<16xi32>], vector<16xi32>, vector<16xi1>
      %convert_element_type3A_740 = arith.extui %and3A_736 : vector<16xi1> to vector<16xi32>
      %swap3A_741 = arith.constant 368 : index
      %swap3A_742 = tpu.vector_load %arg12[%swap3A_741] {strides = array<i32>} : memref<1024xi32, #tpu.memory_space<vmem>>, vector<16xi32>,
      tpu.vector_store %arg12[%swap3A_741], %convert_element_type3A_740 {strides = array<i32>} : memref<1024xi32, #tpu.memory_space<vmem>>, vector<16xi32>,
      %rev3A_743 = arith.constant 15 : i32
      %rev3A_744 = vector.broadcast %rev3A_743 : i32 to vector<16xi32>
      %rev3A_745 = tpu.iota {dimensions = array<i32: 0>} : vector<16xi32>
      %rev3A_746 = arith.subi %rev3A_744, %rev3A_745 : vector<16xi32>
      %rev3A_747 = tpu.dynamic_gather %masked_cumsum3A_732[%rev3A_746] in [0] : vector<16xi32>, vector<16xi32> -> vector<16xi32>
      %broadcast_in_dim3A_748 = arith.constant true
      %broadcast_in_dim3A_749 = vector.broadcast %broadcast_in_dim3A_748 : i1 to vector<16xi1>
      %masked_cummax3A_750 = arith.constant -2147483648 : i32
      %masked_cummax3A_751 = vector.broadcast %masked_cummax3A_750 : i32 to vector<16xi32>
      %masked_cummax3A_752 = arith.xori %rev3A_747, %masked_cummax3A_751 : vector<16xi32>
      %masked_cummax3A_753 = tpu.scan <max>, %masked_cummax3A_752 masked %broadcast_in_dim3A_749 : vector<16xi32>, vector<16xi1> -> vector<16xi32>
      %masked_cummax3A_754 = arith.xori %masked_cummax3A_753, %masked_cummax3A_751 : vector<16xi32>
      %add3A_755 = arith.addi %add3A_725, %masked_cummax3A_754 : vector<16xi32>
      %get3A_756 = arith.constant 384 : index
      %get3A_757 = tpu.vector_load %arg10[%get3A_756] {strides = array<i32>} : memref<1024xf32, #tpu.memory_space<vmem>>, vector<16xf32>,
      %gt3A_758 = arith.cmpf ogt, %get3A_757, %broadcast_in_dim3A_41 : vector<16xf32>
      %convert_element_type3A_759 = arith.extui %gt3A_758 : vector<16xi1> to vector<16xi32>
      %broadcast_in_dim3A_760 = arith.constant true
      %broadcast_in_dim3A_761 = vector.broadcast %broadcast_in_dim3A_760 : i1 to vector<16xi1>
      %masked_cumsum3A_762 = tpu.scan <sum>, %convert_element_type3A_759 masked %broadcast_in_dim3A_761 : vector<16xi32>, vector<16xi1> -> vector<16xi32>
      %sub3A_763 = arith.subi %masked_cumsum3A_762, %convert_element_type3A_759 : vector<16xi32>
      %add3A_764 = arith.addi %sub3A_763, %add3A_755 : vector<16xi32>
      %lt3A_765 = arith.cmpi slt, %add3A_764, %broadcast_in_dim3A_43 : vector<16xi32>
      %and3A_766 = arith.andi %gt3A_758, %lt3A_765 : vector<16xi1>
      %broadcast_in_dim3A_767 = arith.constant 384 : i32
      %broadcast_in_dim3A_768 = vector.broadcast %broadcast_in_dim3A_767 : i32 to vector<16xi32>
      %add3A_769 = arith.addi %broadcast_in_dim3A_768, %iota3A : vector<16xi32>
      tpu.vector_store_idx %arg13[%add3A_764], %add3A_769 masked %and3A_766 : memref<64xi32, #tpu.memory_space<vmem>>[vector<16xi32>], vector<16xi32>, vector<16xi1>
      tpu.vector_store_idx %arg16[%add3A_764], %broadcast_in_dim3A_37 masked %and3A_766 : memref<64xi32, #tpu.memory_space<vmem>>[vector<16xi32>], vector<16xi32>, vector<16xi1>
      %convert_element_type3A_770 = arith.extui %and3A_766 : vector<16xi1> to vector<16xi32>
      %swap3A_771 = arith.constant 384 : index
      %swap3A_772 = tpu.vector_load %arg12[%swap3A_771] {strides = array<i32>} : memref<1024xi32, #tpu.memory_space<vmem>>, vector<16xi32>,
      tpu.vector_store %arg12[%swap3A_771], %convert_element_type3A_770 {strides = array<i32>} : memref<1024xi32, #tpu.memory_space<vmem>>, vector<16xi32>,
      %rev3A_773 = arith.constant 15 : i32
      %rev3A_774 = vector.broadcast %rev3A_773 : i32 to vector<16xi32>
      %rev3A_775 = tpu.iota {dimensions = array<i32: 0>} : vector<16xi32>
      %rev3A_776 = arith.subi %rev3A_774, %rev3A_775 : vector<16xi32>
      %rev3A_777 = tpu.dynamic_gather %masked_cumsum3A_762[%rev3A_776] in [0] : vector<16xi32>, vector<16xi32> -> vector<16xi32>
      %broadcast_in_dim3A_778 = arith.constant true
      %broadcast_in_dim3A_779 = vector.broadcast %broadcast_in_dim3A_778 : i1 to vector<16xi1>
      %masked_cummax3A_780 = arith.constant -2147483648 : i32
      %masked_cummax3A_781 = vector.broadcast %masked_cummax3A_780 : i32 to vector<16xi32>
      %masked_cummax3A_782 = arith.xori %rev3A_777, %masked_cummax3A_781 : vector<16xi32>
      %masked_cummax3A_783 = tpu.scan <max>, %masked_cummax3A_782 masked %broadcast_in_dim3A_779 : vector<16xi32>, vector<16xi1> -> vector<16xi32>
      %masked_cummax3A_784 = arith.xori %masked_cummax3A_783, %masked_cummax3A_781 : vector<16xi32>
      %add3A_785 = arith.addi %add3A_755, %masked_cummax3A_784 : vector<16xi32>
      %get3A_786 = arith.constant 400 : index
      %get3A_787 = tpu.vector_load %arg10[%get3A_786] {strides = array<i32>} : memref<1024xf32, #tpu.memory_space<vmem>>, vector<16xf32>,
      %gt3A_788 = arith.cmpf ogt, %get3A_787, %broadcast_in_dim3A_41 : vector<16xf32>
      %convert_element_type3A_789 = arith.extui %gt3A_788 : vector<16xi1> to vector<16xi32>
      %broadcast_in_dim3A_790 = arith.constant true
      %broadcast_in_dim3A_791 = vector.broadcast %broadcast_in_dim3A_790 : i1 to vector<16xi1>
      %masked_cumsum3A_792 = tpu.scan <sum>, %convert_element_type3A_789 masked %broadcast_in_dim3A_791 : vector<16xi32>, vector<16xi1> -> vector<16xi32>
      %sub3A_793 = arith.subi %masked_cumsum3A_792, %convert_element_type3A_789 : vector<16xi32>
      %add3A_794 = arith.addi %sub3A_793, %add3A_785 : vector<16xi32>
      %lt3A_795 = arith.cmpi slt, %add3A_794, %broadcast_in_dim3A_43 : vector<16xi32>
      %and3A_796 = arith.andi %gt3A_788, %lt3A_795 : vector<16xi1>
      %broadcast_in_dim3A_797 = arith.constant 400 : i32
      %broadcast_in_dim3A_798 = vector.broadcast %broadcast_in_dim3A_797 : i32 to vector<16xi32>
      %add3A_799 = arith.addi %broadcast_in_dim3A_798, %iota3A : vector<16xi32>
      tpu.vector_store_idx %arg13[%add3A_794], %add3A_799 masked %and3A_796 : memref<64xi32, #tpu.memory_space<vmem>>[vector<16xi32>], vector<16xi32>, vector<16xi1>
      tpu.vector_store_idx %arg16[%add3A_794], %broadcast_in_dim3A_37 masked %and3A_796 : memref<64xi32, #tpu.memory_space<vmem>>[vector<16xi32>], vector<16xi32>, vector<16xi1>
      %convert_element_type3A_800 = arith.extui %and3A_796 : vector<16xi1> to vector<16xi32>
      %swap3A_801 = arith.constant 400 : index
      %swap3A_802 = tpu.vector_load %arg12[%swap3A_801] {strides = array<i32>} : memref<1024xi32, #tpu.memory_space<vmem>>, vector<16xi32>,
      tpu.vector_store %arg12[%swap3A_801], %convert_element_type3A_800 {strides = array<i32>} : memref<1024xi32, #tpu.memory_space<vmem>>, vector<16xi32>,
      %rev3A_803 = arith.constant 15 : i32
      %rev3A_804 = vector.broadcast %rev3A_803 : i32 to vector<16xi32>
      %rev3A_805 = tpu.iota {dimensions = array<i32: 0>} : vector<16xi32>
      %rev3A_806 = arith.subi %rev3A_804, %rev3A_805 : vector<16xi32>
      %rev3A_807 = tpu.dynamic_gather %masked_cumsum3A_792[%rev3A_806] in [0] : vector<16xi32>, vector<16xi32> -> vector<16xi32>
      %broadcast_in_dim3A_808 = arith.constant true
      %broadcast_in_dim3A_809 = vector.broadcast %broadcast_in_dim3A_808 : i1 to vector<16xi1>
      %masked_cummax3A_810 = arith.constant -2147483648 : i32
      %masked_cummax3A_811 = vector.broadcast %masked_cummax3A_810 : i32 to vector<16xi32>
      %masked_cummax3A_812 = arith.xori %rev3A_807, %masked_cummax3A_811 : vector<16xi32>
      %masked_cummax3A_813 = tpu.scan <max>, %masked_cummax3A_812 masked %broadcast_in_dim3A_809 : vector<16xi32>, vector<16xi1> -> vector<16xi32>
      %masked_cummax3A_814 = arith.xori %masked_cummax3A_813, %masked_cummax3A_811 : vector<16xi32>
      %add3A_815 = arith.addi %add3A_785, %masked_cummax3A_814 : vector<16xi32>
      %get3A_816 = arith.constant 416 : index
      %get3A_817 = tpu.vector_load %arg10[%get3A_816] {strides = array<i32>} : memref<1024xf32, #tpu.memory_space<vmem>>, vector<16xf32>,
      %gt3A_818 = arith.cmpf ogt, %get3A_817, %broadcast_in_dim3A_41 : vector<16xf32>
      %convert_element_type3A_819 = arith.extui %gt3A_818 : vector<16xi1> to vector<16xi32>
      %broadcast_in_dim3A_820 = arith.constant true
      %broadcast_in_dim3A_821 = vector.broadcast %broadcast_in_dim3A_820 : i1 to vector<16xi1>
      %masked_cumsum3A_822 = tpu.scan <sum>, %convert_element_type3A_819 masked %broadcast_in_dim3A_821 : vector<16xi32>, vector<16xi1> -> vector<16xi32>
      %sub3A_823 = arith.subi %masked_cumsum3A_822, %convert_element_type3A_819 : vector<16xi32>
      %add3A_824 = arith.addi %sub3A_823, %add3A_815 : vector<16xi32>
      %lt3A_825 = arith.cmpi slt, %add3A_824, %broadcast_in_dim3A_43 : vector<16xi32>
      %and3A_826 = arith.andi %gt3A_818, %lt3A_825 : vector<16xi1>
      %broadcast_in_dim3A_827 = arith.constant 416 : i32
      %broadcast_in_dim3A_828 = vector.broadcast %broadcast_in_dim3A_827 : i32 to vector<16xi32>
      %add3A_829 = arith.addi %broadcast_in_dim3A_828, %iota3A : vector<16xi32>
      tpu.vector_store_idx %arg13[%add3A_824], %add3A_829 masked %and3A_826 : memref<64xi32, #tpu.memory_space<vmem>>[vector<16xi32>], vector<16xi32>, vector<16xi1>
      tpu.vector_store_idx %arg16[%add3A_824], %broadcast_in_dim3A_37 masked %and3A_826 : memref<64xi32, #tpu.memory_space<vmem>>[vector<16xi32>], vector<16xi32>, vector<16xi1>
      %convert_element_type3A_830 = arith.extui %and3A_826 : vector<16xi1> to vector<16xi32>
      %swap3A_831 = arith.constant 416 : index
      %swap3A_832 = tpu.vector_load %arg12[%swap3A_831] {strides = array<i32>} : memref<1024xi32, #tpu.memory_space<vmem>>, vector<16xi32>,
      tpu.vector_store %arg12[%swap3A_831], %convert_element_type3A_830 {strides = array<i32>} : memref<1024xi32, #tpu.memory_space<vmem>>, vector<16xi32>,
      %rev3A_833 = arith.constant 15 : i32
      %rev3A_834 = vector.broadcast %rev3A_833 : i32 to vector<16xi32>
      %rev3A_835 = tpu.iota {dimensions = array<i32: 0>} : vector<16xi32>
      %rev3A_836 = arith.subi %rev3A_834, %rev3A_835 : vector<16xi32>
      %rev3A_837 = tpu.dynamic_gather %masked_cumsum3A_822[%rev3A_836] in [0] : vector<16xi32>, vector<16xi32> -> vector<16xi32>
      %broadcast_in_dim3A_838 = arith.constant true
      %broadcast_in_dim3A_839 = vector.broadcast %broadcast_in_dim3A_838 : i1 to vector<16xi1>
      %masked_cummax3A_840 = arith.constant -2147483648 : i32
      %masked_cummax3A_841 = vector.broadcast %masked_cummax3A_840 : i32 to vector<16xi32>
      %masked_cummax3A_842 = arith.xori %rev3A_837, %masked_cummax3A_841 : vector<16xi32>
      %masked_cummax3A_843 = tpu.scan <max>, %masked_cummax3A_842 masked %broadcast_in_dim3A_839 : vector<16xi32>, vector<16xi1> -> vector<16xi32>
      %masked_cummax3A_844 = arith.xori %masked_cummax3A_843, %masked_cummax3A_841 : vector<16xi32>
      %add3A_845 = arith.addi %add3A_815, %masked_cummax3A_844 : vector<16xi32>
      %get3A_846 = arith.constant 432 : index
      %get3A_847 = tpu.vector_load %arg10[%get3A_846] {strides = array<i32>} : memref<1024xf32, #tpu.memory_space<vmem>>, vector<16xf32>,
      %gt3A_848 = arith.cmpf ogt, %get3A_847, %broadcast_in_dim3A_41 : vector<16xf32>
      %convert_element_type3A_849 = arith.extui %gt3A_848 : vector<16xi1> to vector<16xi32>
      %broadcast_in_dim3A_850 = arith.constant true
      %broadcast_in_dim3A_851 = vector.broadcast %broadcast_in_dim3A_850 : i1 to vector<16xi1>
      %masked_cumsum3A_852 = tpu.scan <sum>, %convert_element_type3A_849 masked %broadcast_in_dim3A_851 : vector<16xi32>, vector<16xi1> -> vector<16xi32>
      %sub3A_853 = arith.subi %masked_cumsum3A_852, %convert_element_type3A_849 : vector<16xi32>
      %add3A_854 = arith.addi %sub3A_853, %add3A_845 : vector<16xi32>
      %lt3A_855 = arith.cmpi slt, %add3A_854, %broadcast_in_dim3A_43 : vector<16xi32>
      %and3A_856 = arith.andi %gt3A_848, %lt3A_855 : vector<16xi1>
      %broadcast_in_dim3A_857 = arith.constant 432 : i32
      %broadcast_in_dim3A_858 = vector.broadcast %broadcast_in_dim3A_857 : i32 to vector<16xi32>
      %add3A_859 = arith.addi %broadcast_in_dim3A_858, %iota3A : vector<16xi32>
      tpu.vector_store_idx %arg13[%add3A_854], %add3A_859 masked %and3A_856 : memref<64xi32, #tpu.memory_space<vmem>>[vector<16xi32>], vector<16xi32>, vector<16xi1>
      tpu.vector_store_idx %arg16[%add3A_854], %broadcast_in_dim3A_37 masked %and3A_856 : memref<64xi32, #tpu.memory_space<vmem>>[vector<16xi32>], vector<16xi32>, vector<16xi1>
      %convert_element_type3A_860 = arith.extui %and3A_856 : vector<16xi1> to vector<16xi32>
      %swap3A_861 = arith.constant 432 : index
      %swap3A_862 = tpu.vector_load %arg12[%swap3A_861] {strides = array<i32>} : memref<1024xi32, #tpu.memory_space<vmem>>, vector<16xi32>,
      tpu.vector_store %arg12[%swap3A_861], %convert_element_type3A_860 {strides = array<i32>} : memref<1024xi32, #tpu.memory_space<vmem>>, vector<16xi32>,
      %rev3A_863 = arith.constant 15 : i32
      %rev3A_864 = vector.broadcast %rev3A_863 : i32 to vector<16xi32>
      %rev3A_865 = tpu.iota {dimensions = array<i32: 0>} : vector<16xi32>
      %rev3A_866 = arith.subi %rev3A_864, %rev3A_865 : vector<16xi32>
      %rev3A_867 = tpu.dynamic_gather %masked_cumsum3A_852[%rev3A_866] in [0] : vector<16xi32>, vector<16xi32> -> vector<16xi32>
      %broadcast_in_dim3A_868 = arith.constant true
      %broadcast_in_dim3A_869 = vector.broadcast %broadcast_in_dim3A_868 : i1 to vector<16xi1>
      %masked_cummax3A_870 = arith.constant -2147483648 : i32
      %masked_cummax3A_871 = vector.broadcast %masked_cummax3A_870 : i32 to vector<16xi32>
      %masked_cummax3A_872 = arith.xori %rev3A_867, %masked_cummax3A_871 : vector<16xi32>
      %masked_cummax3A_873 = tpu.scan <max>, %masked_cummax3A_872 masked %broadcast_in_dim3A_869 : vector<16xi32>, vector<16xi1> -> vector<16xi32>
      %masked_cummax3A_874 = arith.xori %masked_cummax3A_873, %masked_cummax3A_871 : vector<16xi32>
      %add3A_875 = arith.addi %add3A_845, %masked_cummax3A_874 : vector<16xi32>
      %get3A_876 = arith.constant 448 : index
      %get3A_877 = tpu.vector_load %arg10[%get3A_876] {strides = array<i32>} : memref<1024xf32, #tpu.memory_space<vmem>>, vector<16xf32>,
      %gt3A_878 = arith.cmpf ogt, %get3A_877, %broadcast_in_dim3A_41 : vector<16xf32>
      %convert_element_type3A_879 = arith.extui %gt3A_878 : vector<16xi1> to vector<16xi32>
      %broadcast_in_dim3A_880 = arith.constant true
      %broadcast_in_dim3A_881 = vector.broadcast %broadcast_in_dim3A_880 : i1 to vector<16xi1>
      %masked_cumsum3A_882 = tpu.scan <sum>, %convert_element_type3A_879 masked %broadcast_in_dim3A_881 : vector<16xi32>, vector<16xi1> -> vector<16xi32>
      %sub3A_883 = arith.subi %masked_cumsum3A_882, %convert_element_type3A_879 : vector<16xi32>
      %add3A_884 = arith.addi %sub3A_883, %add3A_875 : vector<16xi32>
      %lt3A_885 = arith.cmpi slt, %add3A_884, %broadcast_in_dim3A_43 : vector<16xi32>
      %and3A_886 = arith.andi %gt3A_878, %lt3A_885 : vector<16xi1>
      %broadcast_in_dim3A_887 = arith.constant 448 : i32
      %broadcast_in_dim3A_888 = vector.broadcast %broadcast_in_dim3A_887 : i32 to vector<16xi32>
      %add3A_889 = arith.addi %broadcast_in_dim3A_888, %iota3A : vector<16xi32>
      tpu.vector_store_idx %arg13[%add3A_884], %add3A_889 masked %and3A_886 : memref<64xi32, #tpu.memory_space<vmem>>[vector<16xi32>], vector<16xi32>, vector<16xi1>
      tpu.vector_store_idx %arg16[%add3A_884], %broadcast_in_dim3A_37 masked %and3A_886 : memref<64xi32, #tpu.memory_space<vmem>>[vector<16xi32>], vector<16xi32>, vector<16xi1>
      %convert_element_type3A_890 = arith.extui %and3A_886 : vector<16xi1> to vector<16xi32>
      %swap3A_891 = arith.constant 448 : index
      %swap3A_892 = tpu.vector_load %arg12[%swap3A_891] {strides = array<i32>} : memref<1024xi32, #tpu.memory_space<vmem>>, vector<16xi32>,
      tpu.vector_store %arg12[%swap3A_891], %convert_element_type3A_890 {strides = array<i32>} : memref<1024xi32, #tpu.memory_space<vmem>>, vector<16xi32>,
      %rev3A_893 = arith.constant 15 : i32
      %rev3A_894 = vector.broadcast %rev3A_893 : i32 to vector<16xi32>
      %rev3A_895 = tpu.iota {dimensions = array<i32: 0>} : vector<16xi32>
      %rev3A_896 = arith.subi %rev3A_894, %rev3A_895 : vector<16xi32>
      %rev3A_897 = tpu.dynamic_gather %masked_cumsum3A_882[%rev3A_896] in [0] : vector<16xi32>, vector<16xi32> -> vector<16xi32>
      %broadcast_in_dim3A_898 = arith.constant true
      %broadcast_in_dim3A_899 = vector.broadcast %broadcast_in_dim3A_898 : i1 to vector<16xi1>
      %masked_cummax3A_900 = arith.constant -2147483648 : i32
      %masked_cummax3A_901 = vector.broadcast %masked_cummax3A_900 : i32 to vector<16xi32>
      %masked_cummax3A_902 = arith.xori %rev3A_897, %masked_cummax3A_901 : vector<16xi32>
      %masked_cummax3A_903 = tpu.scan <max>, %masked_cummax3A_902 masked %broadcast_in_dim3A_899 : vector<16xi32>, vector<16xi1> -> vector<16xi32>
      %masked_cummax3A_904 = arith.xori %masked_cummax3A_903, %masked_cummax3A_901 : vector<16xi32>
      %add3A_905 = arith.addi %add3A_875, %masked_cummax3A_904 : vector<16xi32>
      %get3A_906 = arith.constant 464 : index
      %get3A_907 = tpu.vector_load %arg10[%get3A_906] {strides = array<i32>} : memref<1024xf32, #tpu.memory_space<vmem>>, vector<16xf32>,
      %gt3A_908 = arith.cmpf ogt, %get3A_907, %broadcast_in_dim3A_41 : vector<16xf32>
      %convert_element_type3A_909 = arith.extui %gt3A_908 : vector<16xi1> to vector<16xi32>
      %broadcast_in_dim3A_910 = arith.constant true
      %broadcast_in_dim3A_911 = vector.broadcast %broadcast_in_dim3A_910 : i1 to vector<16xi1>
      %masked_cumsum3A_912 = tpu.scan <sum>, %convert_element_type3A_909 masked %broadcast_in_dim3A_911 : vector<16xi32>, vector<16xi1> -> vector<16xi32>
      %sub3A_913 = arith.subi %masked_cumsum3A_912, %convert_element_type3A_909 : vector<16xi32>
      %add3A_914 = arith.addi %sub3A_913, %add3A_905 : vector<16xi32>
      %lt3A_915 = arith.cmpi slt, %add3A_914, %broadcast_in_dim3A_43 : vector<16xi32>
      %and3A_916 = arith.andi %gt3A_908, %lt3A_915 : vector<16xi1>
      %broadcast_in_dim3A_917 = arith.constant 464 : i32
      %broadcast_in_dim3A_918 = vector.broadcast %broadcast_in_dim3A_917 : i32 to vector<16xi32>
      %add3A_919 = arith.addi %broadcast_in_dim3A_918, %iota3A : vector<16xi32>
      tpu.vector_store_idx %arg13[%add3A_914], %add3A_919 masked %and3A_916 : memref<64xi32, #tpu.memory_space<vmem>>[vector<16xi32>], vector<16xi32>, vector<16xi1>
      tpu.vector_store_idx %arg16[%add3A_914], %broadcast_in_dim3A_37 masked %and3A_916 : memref<64xi32, #tpu.memory_space<vmem>>[vector<16xi32>], vector<16xi32>, vector<16xi1>
      %convert_element_type3A_920 = arith.extui %and3A_916 : vector<16xi1> to vector<16xi32>
      %swap3A_921 = arith.constant 464 : index
      %swap3A_922 = tpu.vector_load %arg12[%swap3A_921] {strides = array<i32>} : memref<1024xi32, #tpu.memory_space<vmem>>, vector<16xi32>,
      tpu.vector_store %arg12[%swap3A_921], %convert_element_type3A_920 {strides = array<i32>} : memref<1024xi32, #tpu.memory_space<vmem>>, vector<16xi32>,
      %rev3A_923 = arith.constant 15 : i32
      %rev3A_924 = vector.broadcast %rev3A_923 : i32 to vector<16xi32>
      %rev3A_925 = tpu.iota {dimensions = array<i32: 0>} : vector<16xi32>
      %rev3A_926 = arith.subi %rev3A_924, %rev3A_925 : vector<16xi32>
      %rev3A_927 = tpu.dynamic_gather %masked_cumsum3A_912[%rev3A_926] in [0] : vector<16xi32>, vector<16xi32> -> vector<16xi32>
      %broadcast_in_dim3A_928 = arith.constant true
      %broadcast_in_dim3A_929 = vector.broadcast %broadcast_in_dim3A_928 : i1 to vector<16xi1>
      %masked_cummax3A_930 = arith.constant -2147483648 : i32
      %masked_cummax3A_931 = vector.broadcast %masked_cummax3A_930 : i32 to vector<16xi32>
      %masked_cummax3A_932 = arith.xori %rev3A_927, %masked_cummax3A_931 : vector<16xi32>
      %masked_cummax3A_933 = tpu.scan <max>, %masked_cummax3A_932 masked %broadcast_in_dim3A_929 : vector<16xi32>, vector<16xi1> -> vector<16xi32>
      %masked_cummax3A_934 = arith.xori %masked_cummax3A_933, %masked_cummax3A_931 : vector<16xi32>
      %add3A_935 = arith.addi %add3A_905, %masked_cummax3A_934 : vector<16xi32>
      %get3A_936 = arith.constant 480 : index
      %get3A_937 = tpu.vector_load %arg10[%get3A_936] {strides = array<i32>} : memref<1024xf32, #tpu.memory_space<vmem>>, vector<16xf32>,
      %gt3A_938 = arith.cmpf ogt, %get3A_937, %broadcast_in_dim3A_41 : vector<16xf32>
      %convert_element_type3A_939 = arith.extui %gt3A_938 : vector<16xi1> to vector<16xi32>
      %broadcast_in_dim3A_940 = arith.constant true
      %broadcast_in_dim3A_941 = vector.broadcast %broadcast_in_dim3A_940 : i1 to vector<16xi1>
      %masked_cumsum3A_942 = tpu.scan <sum>, %convert_element_type3A_939 masked %broadcast_in_dim3A_941 : vector<16xi32>, vector<16xi1> -> vector<16xi32>
      %sub3A_943 = arith.subi %masked_cumsum3A_942, %convert_element_type3A_939 : vector<16xi32>
      %add3A_944 = arith.addi %sub3A_943, %add3A_935 : vector<16xi32>
      %lt3A_945 = arith.cmpi slt, %add3A_944, %broadcast_in_dim3A_43 : vector<16xi32>
      %and3A_946 = arith.andi %gt3A_938, %lt3A_945 : vector<16xi1>
      %broadcast_in_dim3A_947 = arith.constant 480 : i32
      %broadcast_in_dim3A_948 = vector.broadcast %broadcast_in_dim3A_947 : i32 to vector<16xi32>
      %add3A_949 = arith.addi %broadcast_in_dim3A_948, %iota3A : vector<16xi32>
      tpu.vector_store_idx %arg13[%add3A_944], %add3A_949 masked %and3A_946 : memref<64xi32, #tpu.memory_space<vmem>>[vector<16xi32>], vector<16xi32>, vector<16xi1>
      tpu.vector_store_idx %arg16[%add3A_944], %broadcast_in_dim3A_37 masked %and3A_946 : memref<64xi32, #tpu.memory_space<vmem>>[vector<16xi32>], vector<16xi32>, vector<16xi1>
      %convert_element_type3A_950 = arith.extui %and3A_946 : vector<16xi1> to vector<16xi32>
      %swap3A_951 = arith.constant 480 : index
      %swap3A_952 = tpu.vector_load %arg12[%swap3A_951] {strides = array<i32>} : memref<1024xi32, #tpu.memory_space<vmem>>, vector<16xi32>,
      tpu.vector_store %arg12[%swap3A_951], %convert_element_type3A_950 {strides = array<i32>} : memref<1024xi32, #tpu.memory_space<vmem>>, vector<16xi32>,
      %rev3A_953 = arith.constant 15 : i32
      %rev3A_954 = vector.broadcast %rev3A_953 : i32 to vector<16xi32>
      %rev3A_955 = tpu.iota {dimensions = array<i32: 0>} : vector<16xi32>
      %rev3A_956 = arith.subi %rev3A_954, %rev3A_955 : vector<16xi32>
      %rev3A_957 = tpu.dynamic_gather %masked_cumsum3A_942[%rev3A_956] in [0] : vector<16xi32>, vector<16xi32> -> vector<16xi32>
      %broadcast_in_dim3A_958 = arith.constant true
      %broadcast_in_dim3A_959 = vector.broadcast %broadcast_in_dim3A_958 : i1 to vector<16xi1>
      %masked_cummax3A_960 = arith.constant -2147483648 : i32
      %masked_cummax3A_961 = vector.broadcast %masked_cummax3A_960 : i32 to vector<16xi32>
      %masked_cummax3A_962 = arith.xori %rev3A_957, %masked_cummax3A_961 : vector<16xi32>
      %masked_cummax3A_963 = tpu.scan <max>, %masked_cummax3A_962 masked %broadcast_in_dim3A_959 : vector<16xi32>, vector<16xi1> -> vector<16xi32>
      %masked_cummax3A_964 = arith.xori %masked_cummax3A_963, %masked_cummax3A_961 : vector<16xi32>
      %add3A_965 = arith.addi %add3A_935, %masked_cummax3A_964 : vector<16xi32>
      %get3A_966 = arith.constant 496 : index
      %get3A_967 = tpu.vector_load %arg10[%get3A_966] {strides = array<i32>} : memref<1024xf32, #tpu.memory_space<vmem>>, vector<16xf32>,
      %gt3A_968 = arith.cmpf ogt, %get3A_967, %broadcast_in_dim3A_41 : vector<16xf32>
      %convert_element_type3A_969 = arith.extui %gt3A_968 : vector<16xi1> to vector<16xi32>
      %broadcast_in_dim3A_970 = arith.constant true
      %broadcast_in_dim3A_971 = vector.broadcast %broadcast_in_dim3A_970 : i1 to vector<16xi1>
      %masked_cumsum3A_972 = tpu.scan <sum>, %convert_element_type3A_969 masked %broadcast_in_dim3A_971 : vector<16xi32>, vector<16xi1> -> vector<16xi32>
      %sub3A_973 = arith.subi %masked_cumsum3A_972, %convert_element_type3A_969 : vector<16xi32>
      %add3A_974 = arith.addi %sub3A_973, %add3A_965 : vector<16xi32>
      %lt3A_975 = arith.cmpi slt, %add3A_974, %broadcast_in_dim3A_43 : vector<16xi32>
      %and3A_976 = arith.andi %gt3A_968, %lt3A_975 : vector<16xi1>
      %broadcast_in_dim3A_977 = arith.constant 496 : i32
      %broadcast_in_dim3A_978 = vector.broadcast %broadcast_in_dim3A_977 : i32 to vector<16xi32>
      %add3A_979 = arith.addi %broadcast_in_dim3A_978, %iota3A : vector<16xi32>
      tpu.vector_store_idx %arg13[%add3A_974], %add3A_979 masked %and3A_976 : memref<64xi32, #tpu.memory_space<vmem>>[vector<16xi32>], vector<16xi32>, vector<16xi1>
      tpu.vector_store_idx %arg16[%add3A_974], %broadcast_in_dim3A_37 masked %and3A_976 : memref<64xi32, #tpu.memory_space<vmem>>[vector<16xi32>], vector<16xi32>, vector<16xi1>
      %convert_element_type3A_980 = arith.extui %and3A_976 : vector<16xi1> to vector<16xi32>
      %swap3A_981 = arith.constant 496 : index
      %swap3A_982 = tpu.vector_load %arg12[%swap3A_981] {strides = array<i32>} : memref<1024xi32, #tpu.memory_space<vmem>>, vector<16xi32>,
      tpu.vector_store %arg12[%swap3A_981], %convert_element_type3A_980 {strides = array<i32>} : memref<1024xi32, #tpu.memory_space<vmem>>, vector<16xi32>,
      %rev3A_983 = arith.constant 15 : i32
      %rev3A_984 = vector.broadcast %rev3A_983 : i32 to vector<16xi32>
      %rev3A_985 = tpu.iota {dimensions = array<i32: 0>} : vector<16xi32>
      %rev3A_986 = arith.subi %rev3A_984, %rev3A_985 : vector<16xi32>
      %rev3A_987 = tpu.dynamic_gather %masked_cumsum3A_972[%rev3A_986] in [0] : vector<16xi32>, vector<16xi32> -> vector<16xi32>
      %broadcast_in_dim3A_988 = arith.constant true
      %broadcast_in_dim3A_989 = vector.broadcast %broadcast_in_dim3A_988 : i1 to vector<16xi1>
      %masked_cummax3A_990 = arith.constant -2147483648 : i32
      %masked_cummax3A_991 = vector.broadcast %masked_cummax3A_990 : i32 to vector<16xi32>
      %masked_cummax3A_992 = arith.xori %rev3A_987, %masked_cummax3A_991 : vector<16xi32>
      %masked_cummax3A_993 = tpu.scan <max>, %masked_cummax3A_992 masked %broadcast_in_dim3A_989 : vector<16xi32>, vector<16xi1> -> vector<16xi32>
      %masked_cummax3A_994 = arith.xori %masked_cummax3A_993, %masked_cummax3A_991 : vector<16xi32>
      %add3A_995 = arith.addi %add3A_965, %masked_cummax3A_994 : vector<16xi32>
      %get3A_996 = arith.constant 512 : index
      %get3A_997 = tpu.vector_load %arg10[%get3A_996] {strides = array<i32>} : memref<1024xf32, #tpu.memory_space<vmem>>, vector<16xf32>,
      %gt3A_998 = arith.cmpf ogt, %get3A_997, %broadcast_in_dim3A_41 : vector<16xf32>
      %convert_element_type3A_999 = arith.extui %gt3A_998 : vector<16xi1> to vector<16xi32>
      %broadcast_in_dim3A_1000 = arith.constant true
      %broadcast_in_dim3A_1001 = vector.broadcast %broadcast_in_dim3A_1000 : i1 to vector<16xi1>
      %masked_cumsum3A_1002 = tpu.scan <sum>, %convert_element_type3A_999 masked %broadcast_in_dim3A_1001 : vector<16xi32>, vector<16xi1> -> vector<16xi32>
      %sub3A_1003 = arith.subi %masked_cumsum3A_1002, %convert_element_type3A_999 : vector<16xi32>
      %add3A_1004 = arith.addi %sub3A_1003, %add3A_995 : vector<16xi32>
      %lt3A_1005 = arith.cmpi slt, %add3A_1004, %broadcast_in_dim3A_43 : vector<16xi32>
      %and3A_1006 = arith.andi %gt3A_998, %lt3A_1005 : vector<16xi1>
      %broadcast_in_dim3A_1007 = arith.constant 512 : i32
      %broadcast_in_dim3A_1008 = vector.broadcast %broadcast_in_dim3A_1007 : i32 to vector<16xi32>
      %add3A_1009 = arith.addi %broadcast_in_dim3A_1008, %iota3A : vector<16xi32>
      tpu.vector_store_idx %arg13[%add3A_1004], %add3A_1009 masked %and3A_1006 : memref<64xi32, #tpu.memory_space<vmem>>[vector<16xi32>], vector<16xi32>, vector<16xi1>
      tpu.vector_store_idx %arg16[%add3A_1004], %broadcast_in_dim3A_37 masked %and3A_1006 : memref<64xi32, #tpu.memory_space<vmem>>[vector<16xi32>], vector<16xi32>, vector<16xi1>
      %convert_element_type3A_1010 = arith.extui %and3A_1006 : vector<16xi1> to vector<16xi32>
      %swap3A_1011 = arith.constant 512 : index
      %swap3A_1012 = tpu.vector_load %arg12[%swap3A_1011] {strides = array<i32>} : memref<1024xi32, #tpu.memory_space<vmem>>, vector<16xi32>,
      tpu.vector_store %arg12[%swap3A_1011], %convert_element_type3A_1010 {strides = array<i32>} : memref<1024xi32, #tpu.memory_space<vmem>>, vector<16xi32>,
      %rev3A_1013 = arith.constant 15 : i32
      %rev3A_1014 = vector.broadcast %rev3A_1013 : i32 to vector<16xi32>
      %rev3A_1015 = tpu.iota {dimensions = array<i32: 0>} : vector<16xi32>
      %rev3A_1016 = arith.subi %rev3A_1014, %rev3A_1015 : vector<16xi32>
      %rev3A_1017 = tpu.dynamic_gather %masked_cumsum3A_1002[%rev3A_1016] in [0] : vector<16xi32>, vector<16xi32> -> vector<16xi32>
      %broadcast_in_dim3A_1018 = arith.constant true
      %broadcast_in_dim3A_1019 = vector.broadcast %broadcast_in_dim3A_1018 : i1 to vector<16xi1>
      %masked_cummax3A_1020 = arith.constant -2147483648 : i32
      %masked_cummax3A_1021 = vector.broadcast %masked_cummax3A_1020 : i32 to vector<16xi32>
      %masked_cummax3A_1022 = arith.xori %rev3A_1017, %masked_cummax3A_1021 : vector<16xi32>
      %masked_cummax3A_1023 = tpu.scan <max>, %masked_cummax3A_1022 masked %broadcast_in_dim3A_1019 : vector<16xi32>, vector<16xi1> -> vector<16xi32>
      %masked_cummax3A_1024 = arith.xori %masked_cummax3A_1023, %masked_cummax3A_1021 : vector<16xi32>
      %add3A_1025 = arith.addi %add3A_995, %masked_cummax3A_1024 : vector<16xi32>
      %get3A_1026 = arith.constant 528 : index
      %get3A_1027 = tpu.vector_load %arg10[%get3A_1026] {strides = array<i32>} : memref<1024xf32, #tpu.memory_space<vmem>>, vector<16xf32>,
      %gt3A_1028 = arith.cmpf ogt, %get3A_1027, %broadcast_in_dim3A_41 : vector<16xf32>
      %convert_element_type3A_1029 = arith.extui %gt3A_1028 : vector<16xi1> to vector<16xi32>
      %broadcast_in_dim3A_1030 = arith.constant true
      %broadcast_in_dim3A_1031 = vector.broadcast %broadcast_in_dim3A_1030 : i1 to vector<16xi1>
      %masked_cumsum3A_1032 = tpu.scan <sum>, %convert_element_type3A_1029 masked %broadcast_in_dim3A_1031 : vector<16xi32>, vector<16xi1> -> vector<16xi32>
      %sub3A_1033 = arith.subi %masked_cumsum3A_1032, %convert_element_type3A_1029 : vector<16xi32>
      %add3A_1034 = arith.addi %sub3A_1033, %add3A_1025 : vector<16xi32>
      %lt3A_1035 = arith.cmpi slt, %add3A_1034, %broadcast_in_dim3A_43 : vector<16xi32>
      %and3A_1036 = arith.andi %gt3A_1028, %lt3A_1035 : vector<16xi1>
      %broadcast_in_dim3A_1037 = arith.constant 528 : i32
      %broadcast_in_dim3A_1038 = vector.broadcast %broadcast_in_dim3A_1037 : i32 to vector<16xi32>
      %add3A_1039 = arith.addi %broadcast_in_dim3A_1038, %iota3A : vector<16xi32>
      tpu.vector_store_idx %arg13[%add3A_1034], %add3A_1039 masked %and3A_1036 : memref<64xi32, #tpu.memory_space<vmem>>[vector<16xi32>], vector<16xi32>, vector<16xi1>
      tpu.vector_store_idx %arg16[%add3A_1034], %broadcast_in_dim3A_37 masked %and3A_1036 : memref<64xi32, #tpu.memory_space<vmem>>[vector<16xi32>], vector<16xi32>, vector<16xi1>
      %convert_element_type3A_1040 = arith.extui %and3A_1036 : vector<16xi1> to vector<16xi32>
      %swap3A_1041 = arith.constant 528 : index
      %swap3A_1042 = tpu.vector_load %arg12[%swap3A_1041] {strides = array<i32>} : memref<1024xi32, #tpu.memory_space<vmem>>, vector<16xi32>,
      tpu.vector_store %arg12[%swap3A_1041], %convert_element_type3A_1040 {strides = array<i32>} : memref<1024xi32, #tpu.memory_space<vmem>>, vector<16xi32>,
      %rev3A_1043 = arith.constant 15 : i32
      %rev3A_1044 = vector.broadcast %rev3A_1043 : i32 to vector<16xi32>
      %rev3A_1045 = tpu.iota {dimensions = array<i32: 0>} : vector<16xi32>
      %rev3A_1046 = arith.subi %rev3A_1044, %rev3A_1045 : vector<16xi32>
      %rev3A_1047 = tpu.dynamic_gather %masked_cumsum3A_1032[%rev3A_1046] in [0] : vector<16xi32>, vector<16xi32> -> vector<16xi32>
      %broadcast_in_dim3A_1048 = arith.constant true
      %broadcast_in_dim3A_1049 = vector.broadcast %broadcast_in_dim3A_1048 : i1 to vector<16xi1>
      %masked_cummax3A_1050 = arith.constant -2147483648 : i32
      %masked_cummax3A_1051 = vector.broadcast %masked_cummax3A_1050 : i32 to vector<16xi32>
      %masked_cummax3A_1052 = arith.xori %rev3A_1047, %masked_cummax3A_1051 : vector<16xi32>
      %masked_cummax3A_1053 = tpu.scan <max>, %masked_cummax3A_1052 masked %broadcast_in_dim3A_1049 : vector<16xi32>, vector<16xi1> -> vector<16xi32>
      %masked_cummax3A_1054 = arith.xori %masked_cummax3A_1053, %masked_cummax3A_1051 : vector<16xi32>
      %add3A_1055 = arith.addi %add3A_1025, %masked_cummax3A_1054 : vector<16xi32>
      %get3A_1056 = arith.constant 544 : index
      %get3A_1057 = tpu.vector_load %arg10[%get3A_1056] {strides = array<i32>} : memref<1024xf32, #tpu.memory_space<vmem>>, vector<16xf32>,
      %gt3A_1058 = arith.cmpf ogt, %get3A_1057, %broadcast_in_dim3A_41 : vector<16xf32>
      %convert_element_type3A_1059 = arith.extui %gt3A_1058 : vector<16xi1> to vector<16xi32>
      %broadcast_in_dim3A_1060 = arith.constant true
      %broadcast_in_dim3A_1061 = vector.broadcast %broadcast_in_dim3A_1060 : i1 to vector<16xi1>
      %masked_cumsum3A_1062 = tpu.scan <sum>, %convert_element_type3A_1059 masked %broadcast_in_dim3A_1061 : vector<16xi32>, vector<16xi1> -> vector<16xi32>
      %sub3A_1063 = arith.subi %masked_cumsum3A_1062, %convert_element_type3A_1059 : vector<16xi32>
      %add3A_1064 = arith.addi %sub3A_1063, %add3A_1055 : vector<16xi32>
      %lt3A_1065 = arith.cmpi slt, %add3A_1064, %broadcast_in_dim3A_43 : vector<16xi32>
      %and3A_1066 = arith.andi %gt3A_1058, %lt3A_1065 : vector<16xi1>
      %broadcast_in_dim3A_1067 = arith.constant 544 : i32
      %broadcast_in_dim3A_1068 = vector.broadcast %broadcast_in_dim3A_1067 : i32 to vector<16xi32>
      %add3A_1069 = arith.addi %broadcast_in_dim3A_1068, %iota3A : vector<16xi32>
      tpu.vector_store_idx %arg13[%add3A_1064], %add3A_1069 masked %and3A_1066 : memref<64xi32, #tpu.memory_space<vmem>>[vector<16xi32>], vector<16xi32>, vector<16xi1>
      tpu.vector_store_idx %arg16[%add3A_1064], %broadcast_in_dim3A_37 masked %and3A_1066 : memref<64xi32, #tpu.memory_space<vmem>>[vector<16xi32>], vector<16xi32>, vector<16xi1>
      %convert_element_type3A_1070 = arith.extui %and3A_1066 : vector<16xi1> to vector<16xi32>
      %swap3A_1071 = arith.constant 544 : index
      %swap3A_1072 = tpu.vector_load %arg12[%swap3A_1071] {strides = array<i32>} : memref<1024xi32, #tpu.memory_space<vmem>>, vector<16xi32>,
      tpu.vector_store %arg12[%swap3A_1071], %convert_element_type3A_1070 {strides = array<i32>} : memref<1024xi32, #tpu.memory_space<vmem>>, vector<16xi32>,
      %rev3A_1073 = arith.constant 15 : i32
      %rev3A_1074 = vector.broadcast %rev3A_1073 : i32 to vector<16xi32>
      %rev3A_1075 = tpu.iota {dimensions = array<i32: 0>} : vector<16xi32>
      %rev3A_1076 = arith.subi %rev3A_1074, %rev3A_1075 : vector<16xi32>
      %rev3A_1077 = tpu.dynamic_gather %masked_cumsum3A_1062[%rev3A_1076] in [0] : vector<16xi32>, vector<16xi32> -> vector<16xi32>
      %broadcast_in_dim3A_1078 = arith.constant true
      %broadcast_in_dim3A_1079 = vector.broadcast %broadcast_in_dim3A_1078 : i1 to vector<16xi1>
      %masked_cummax3A_1080 = arith.constant -2147483648 : i32
      %masked_cummax3A_1081 = vector.broadcast %masked_cummax3A_1080 : i32 to vector<16xi32>
      %masked_cummax3A_1082 = arith.xori %rev3A_1077, %masked_cummax3A_1081 : vector<16xi32>
      %masked_cummax3A_1083 = tpu.scan <max>, %masked_cummax3A_1082 masked %broadcast_in_dim3A_1079 : vector<16xi32>, vector<16xi1> -> vector<16xi32>
      %masked_cummax3A_1084 = arith.xori %masked_cummax3A_1083, %masked_cummax3A_1081 : vector<16xi32>
      %add3A_1085 = arith.addi %add3A_1055, %masked_cummax3A_1084 : vector<16xi32>
      %get3A_1086 = arith.constant 560 : index
      %get3A_1087 = tpu.vector_load %arg10[%get3A_1086] {strides = array<i32>} : memref<1024xf32, #tpu.memory_space<vmem>>, vector<16xf32>,
      %gt3A_1088 = arith.cmpf ogt, %get3A_1087, %broadcast_in_dim3A_41 : vector<16xf32>
      %convert_element_type3A_1089 = arith.extui %gt3A_1088 : vector<16xi1> to vector<16xi32>
      %broadcast_in_dim3A_1090 = arith.constant true
      %broadcast_in_dim3A_1091 = vector.broadcast %broadcast_in_dim3A_1090 : i1 to vector<16xi1>
      %masked_cumsum3A_1092 = tpu.scan <sum>, %convert_element_type3A_1089 masked %broadcast_in_dim3A_1091 : vector<16xi32>, vector<16xi1> -> vector<16xi32>
      %sub3A_1093 = arith.subi %masked_cumsum3A_1092, %convert_element_type3A_1089 : vector<16xi32>
      %add3A_1094 = arith.addi %sub3A_1093, %add3A_1085 : vector<16xi32>
      %lt3A_1095 = arith.cmpi slt, %add3A_1094, %broadcast_in_dim3A_43 : vector<16xi32>
      %and3A_1096 = arith.andi %gt3A_1088, %lt3A_1095 : vector<16xi1>
      %broadcast_in_dim3A_1097 = arith.constant 560 : i32
      %broadcast_in_dim3A_1098 = vector.broadcast %broadcast_in_dim3A_1097 : i32 to vector<16xi32>
      %add3A_1099 = arith.addi %broadcast_in_dim3A_1098, %iota3A : vector<16xi32>
      tpu.vector_store_idx %arg13[%add3A_1094], %add3A_1099 masked %and3A_1096 : memref<64xi32, #tpu.memory_space<vmem>>[vector<16xi32>], vector<16xi32>, vector<16xi1>
      tpu.vector_store_idx %arg16[%add3A_1094], %broadcast_in_dim3A_37 masked %and3A_1096 : memref<64xi32, #tpu.memory_space<vmem>>[vector<16xi32>], vector<16xi32>, vector<16xi1>
      %convert_element_type3A_1100 = arith.extui %and3A_1096 : vector<16xi1> to vector<16xi32>
      %swap3A_1101 = arith.constant 560 : index
      %swap3A_1102 = tpu.vector_load %arg12[%swap3A_1101] {strides = array<i32>} : memref<1024xi32, #tpu.memory_space<vmem>>, vector<16xi32>,
      tpu.vector_store %arg12[%swap3A_1101], %convert_element_type3A_1100 {strides = array<i32>} : memref<1024xi32, #tpu.memory_space<vmem>>, vector<16xi32>,
      %rev3A_1103 = arith.constant 15 : i32
      %rev3A_1104 = vector.broadcast %rev3A_1103 : i32 to vector<16xi32>
      %rev3A_1105 = tpu.iota {dimensions = array<i32: 0>} : vector<16xi32>
      %rev3A_1106 = arith.subi %rev3A_1104, %rev3A_1105 : vector<16xi32>
      %rev3A_1107 = tpu.dynamic_gather %masked_cumsum3A_1092[%rev3A_1106] in [0] : vector<16xi32>, vector<16xi32> -> vector<16xi32>
      %broadcast_in_dim3A_1108 = arith.constant true
      %broadcast_in_dim3A_1109 = vector.broadcast %broadcast_in_dim3A_1108 : i1 to vector<16xi1>
      %masked_cummax3A_1110 = arith.constant -2147483648 : i32
      %masked_cummax3A_1111 = vector.broadcast %masked_cummax3A_1110 : i32 to vector<16xi32>
      %masked_cummax3A_1112 = arith.xori %rev3A_1107, %masked_cummax3A_1111 : vector<16xi32>
      %masked_cummax3A_1113 = tpu.scan <max>, %masked_cummax3A_1112 masked %broadcast_in_dim3A_1109 : vector<16xi32>, vector<16xi1> -> vector<16xi32>
      %masked_cummax3A_1114 = arith.xori %masked_cummax3A_1113, %masked_cummax3A_1111 : vector<16xi32>
      %add3A_1115 = arith.addi %add3A_1085, %masked_cummax3A_1114 : vector<16xi32>
      %get3A_1116 = arith.constant 576 : index
      %get3A_1117 = tpu.vector_load %arg10[%get3A_1116] {strides = array<i32>} : memref<1024xf32, #tpu.memory_space<vmem>>, vector<16xf32>,
      %gt3A_1118 = arith.cmpf ogt, %get3A_1117, %broadcast_in_dim3A_41 : vector<16xf32>
      %convert_element_type3A_1119 = arith.extui %gt3A_1118 : vector<16xi1> to vector<16xi32>
      %broadcast_in_dim3A_1120 = arith.constant true
      %broadcast_in_dim3A_1121 = vector.broadcast %broadcast_in_dim3A_1120 : i1 to vector<16xi1>
      %masked_cumsum3A_1122 = tpu.scan <sum>, %convert_element_type3A_1119 masked %broadcast_in_dim3A_1121 : vector<16xi32>, vector<16xi1> -> vector<16xi32>
      %sub3A_1123 = arith.subi %masked_cumsum3A_1122, %convert_element_type3A_1119 : vector<16xi32>
      %add3A_1124 = arith.addi %sub3A_1123, %add3A_1115 : vector<16xi32>
      %lt3A_1125 = arith.cmpi slt, %add3A_1124, %broadcast_in_dim3A_43 : vector<16xi32>
      %and3A_1126 = arith.andi %gt3A_1118, %lt3A_1125 : vector<16xi1>
      %broadcast_in_dim3A_1127 = arith.constant 576 : i32
      %broadcast_in_dim3A_1128 = vector.broadcast %broadcast_in_dim3A_1127 : i32 to vector<16xi32>
      %add3A_1129 = arith.addi %broadcast_in_dim3A_1128, %iota3A : vector<16xi32>
      tpu.vector_store_idx %arg13[%add3A_1124], %add3A_1129 masked %and3A_1126 : memref<64xi32, #tpu.memory_space<vmem>>[vector<16xi32>], vector<16xi32>, vector<16xi1>
      tpu.vector_store_idx %arg16[%add3A_1124], %broadcast_in_dim3A_37 masked %and3A_1126 : memref<64xi32, #tpu.memory_space<vmem>>[vector<16xi32>], vector<16xi32>, vector<16xi1>
      %convert_element_type3A_1130 = arith.extui %and3A_1126 : vector<16xi1> to vector<16xi32>
      %swap3A_1131 = arith.constant 576 : index
      %swap3A_1132 = tpu.vector_load %arg12[%swap3A_1131] {strides = array<i32>} : memref<1024xi32, #tpu.memory_space<vmem>>, vector<16xi32>,
      tpu.vector_store %arg12[%swap3A_1131], %convert_element_type3A_1130 {strides = array<i32>} : memref<1024xi32, #tpu.memory_space<vmem>>, vector<16xi32>,
      %rev3A_1133 = arith.constant 15 : i32
      %rev3A_1134 = vector.broadcast %rev3A_1133 : i32 to vector<16xi32>
      %rev3A_1135 = tpu.iota {dimensions = array<i32: 0>} : vector<16xi32>
      %rev3A_1136 = arith.subi %rev3A_1134, %rev3A_1135 : vector<16xi32>
      %rev3A_1137 = tpu.dynamic_gather %masked_cumsum3A_1122[%rev3A_1136] in [0] : vector<16xi32>, vector<16xi32> -> vector<16xi32>
      %broadcast_in_dim3A_1138 = arith.constant true
      %broadcast_in_dim3A_1139 = vector.broadcast %broadcast_in_dim3A_1138 : i1 to vector<16xi1>
      %masked_cummax3A_1140 = arith.constant -2147483648 : i32
      %masked_cummax3A_1141 = vector.broadcast %masked_cummax3A_1140 : i32 to vector<16xi32>
      %masked_cummax3A_1142 = arith.xori %rev3A_1137, %masked_cummax3A_1141 : vector<16xi32>
      %masked_cummax3A_1143 = tpu.scan <max>, %masked_cummax3A_1142 masked %broadcast_in_dim3A_1139 : vector<16xi32>, vector<16xi1> -> vector<16xi32>
      %masked_cummax3A_1144 = arith.xori %masked_cummax3A_1143, %masked_cummax3A_1141 : vector<16xi32>
      %add3A_1145 = arith.addi %add3A_1115, %masked_cummax3A_1144 : vector<16xi32>
      %get3A_1146 = arith.constant 592 : index
      %get3A_1147 = tpu.vector_load %arg10[%get3A_1146] {strides = array<i32>} : memref<1024xf32, #tpu.memory_space<vmem>>, vector<16xf32>,
      %gt3A_1148 = arith.cmpf ogt, %get3A_1147, %broadcast_in_dim3A_41 : vector<16xf32>
      %convert_element_type3A_1149 = arith.extui %gt3A_1148 : vector<16xi1> to vector<16xi32>
      %broadcast_in_dim3A_1150 = arith.constant true
      %broadcast_in_dim3A_1151 = vector.broadcast %broadcast_in_dim3A_1150 : i1 to vector<16xi1>
      %masked_cumsum3A_1152 = tpu.scan <sum>, %convert_element_type3A_1149 masked %broadcast_in_dim3A_1151 : vector<16xi32>, vector<16xi1> -> vector<16xi32>
      %sub3A_1153 = arith.subi %masked_cumsum3A_1152, %convert_element_type3A_1149 : vector<16xi32>
      %add3A_1154 = arith.addi %sub3A_1153, %add3A_1145 : vector<16xi32>
      %lt3A_1155 = arith.cmpi slt, %add3A_1154, %broadcast_in_dim3A_43 : vector<16xi32>
      %and3A_1156 = arith.andi %gt3A_1148, %lt3A_1155 : vector<16xi1>
      %broadcast_in_dim3A_1157 = arith.constant 592 : i32
      %broadcast_in_dim3A_1158 = vector.broadcast %broadcast_in_dim3A_1157 : i32 to vector<16xi32>
      %add3A_1159 = arith.addi %broadcast_in_dim3A_1158, %iota3A : vector<16xi32>
      tpu.vector_store_idx %arg13[%add3A_1154], %add3A_1159 masked %and3A_1156 : memref<64xi32, #tpu.memory_space<vmem>>[vector<16xi32>], vector<16xi32>, vector<16xi1>
      tpu.vector_store_idx %arg16[%add3A_1154], %broadcast_in_dim3A_37 masked %and3A_1156 : memref<64xi32, #tpu.memory_space<vmem>>[vector<16xi32>], vector<16xi32>, vector<16xi1>
      %convert_element_type3A_1160 = arith.extui %and3A_1156 : vector<16xi1> to vector<16xi32>
      %swap3A_1161 = arith.constant 592 : index
      %swap3A_1162 = tpu.vector_load %arg12[%swap3A_1161] {strides = array<i32>} : memref<1024xi32, #tpu.memory_space<vmem>>, vector<16xi32>,
      tpu.vector_store %arg12[%swap3A_1161], %convert_element_type3A_1160 {strides = array<i32>} : memref<1024xi32, #tpu.memory_space<vmem>>, vector<16xi32>,
      %rev3A_1163 = arith.constant 15 : i32
      %rev3A_1164 = vector.broadcast %rev3A_1163 : i32 to vector<16xi32>
      %rev3A_1165 = tpu.iota {dimensions = array<i32: 0>} : vector<16xi32>
      %rev3A_1166 = arith.subi %rev3A_1164, %rev3A_1165 : vector<16xi32>
      %rev3A_1167 = tpu.dynamic_gather %masked_cumsum3A_1152[%rev3A_1166] in [0] : vector<16xi32>, vector<16xi32> -> vector<16xi32>
      %broadcast_in_dim3A_1168 = arith.constant true
      %broadcast_in_dim3A_1169 = vector.broadcast %broadcast_in_dim3A_1168 : i1 to vector<16xi1>
      %masked_cummax3A_1170 = arith.constant -2147483648 : i32
      %masked_cummax3A_1171 = vector.broadcast %masked_cummax3A_1170 : i32 to vector<16xi32>
      %masked_cummax3A_1172 = arith.xori %rev3A_1167, %masked_cummax3A_1171 : vector<16xi32>
      %masked_cummax3A_1173 = tpu.scan <max>, %masked_cummax3A_1172 masked %broadcast_in_dim3A_1169 : vector<16xi32>, vector<16xi1> -> vector<16xi32>
      %masked_cummax3A_1174 = arith.xori %masked_cummax3A_1173, %masked_cummax3A_1171 : vector<16xi32>
      %add3A_1175 = arith.addi %add3A_1145, %masked_cummax3A_1174 : vector<16xi32>
      %get3A_1176 = arith.constant 608 : index
      %get3A_1177 = tpu.vector_load %arg10[%get3A_1176] {strides = array<i32>} : memref<1024xf32, #tpu.memory_space<vmem>>, vector<16xf32>,
      %gt3A_1178 = arith.cmpf ogt, %get3A_1177, %broadcast_in_dim3A_41 : vector<16xf32>
      %convert_element_type3A_1179 = arith.extui %gt3A_1178 : vector<16xi1> to vector<16xi32>
      %broadcast_in_dim3A_1180 = arith.constant true
      %broadcast_in_dim3A_1181 = vector.broadcast %broadcast_in_dim3A_1180 : i1 to vector<16xi1>
      %masked_cumsum3A_1182 = tpu.scan <sum>, %convert_element_type3A_1179 masked %broadcast_in_dim3A_1181 : vector<16xi32>, vector<16xi1> -> vector<16xi32>
      %sub3A_1183 = arith.subi %masked_cumsum3A_1182, %convert_element_type3A_1179 : vector<16xi32>
      %add3A_1184 = arith.addi %sub3A_1183, %add3A_1175 : vector<16xi32>
      %lt3A_1185 = arith.cmpi slt, %add3A_1184, %broadcast_in_dim3A_43 : vector<16xi32>
      %and3A_1186 = arith.andi %gt3A_1178, %lt3A_1185 : vector<16xi1>
      %broadcast_in_dim3A_1187 = arith.constant 608 : i32
      %broadcast_in_dim3A_1188 = vector.broadcast %broadcast_in_dim3A_1187 : i32 to vector<16xi32>
      %add3A_1189 = arith.addi %broadcast_in_dim3A_1188, %iota3A : vector<16xi32>
      tpu.vector_store_idx %arg13[%add3A_1184], %add3A_1189 masked %and3A_1186 : memref<64xi32, #tpu.memory_space<vmem>>[vector<16xi32>], vector<16xi32>, vector<16xi1>
      tpu.vector_store_idx %arg16[%add3A_1184], %broadcast_in_dim3A_37 masked %and3A_1186 : memref<64xi32, #tpu.memory_space<vmem>>[vector<16xi32>], vector<16xi32>, vector<16xi1>
      %convert_element_type3A_1190 = arith.extui %and3A_1186 : vector<16xi1> to vector<16xi32>
      %swap3A_1191 = arith.constant 608 : index
      %swap3A_1192 = tpu.vector_load %arg12[%swap3A_1191] {strides = array<i32>} : memref<1024xi32, #tpu.memory_space<vmem>>, vector<16xi32>,
      tpu.vector_store %arg12[%swap3A_1191], %convert_element_type3A_1190 {strides = array<i32>} : memref<1024xi32, #tpu.memory_space<vmem>>, vector<16xi32>,
      %rev3A_1193 = arith.constant 15 : i32
      %rev3A_1194 = vector.broadcast %rev3A_1193 : i32 to vector<16xi32>
      %rev3A_1195 = tpu.iota {dimensions = array<i32: 0>} : vector<16xi32>
      %rev3A_1196 = arith.subi %rev3A_1194, %rev3A_1195 : vector<16xi32>
      %rev3A_1197 = tpu.dynamic_gather %masked_cumsum3A_1182[%rev3A_1196] in [0] : vector<16xi32>, vector<16xi32> -> vector<16xi32>
      %broadcast_in_dim3A_1198 = arith.constant true
      %broadcast_in_dim3A_1199 = vector.broadcast %broadcast_in_dim3A_1198 : i1 to vector<16xi1>
      %masked_cummax3A_1200 = arith.constant -2147483648 : i32
      %masked_cummax3A_1201 = vector.broadcast %masked_cummax3A_1200 : i32 to vector<16xi32>
      %masked_cummax3A_1202 = arith.xori %rev3A_1197, %masked_cummax3A_1201 : vector<16xi32>
      %masked_cummax3A_1203 = tpu.scan <max>, %masked_cummax3A_1202 masked %broadcast_in_dim3A_1199 : vector<16xi32>, vector<16xi1> -> vector<16xi32>
      %masked_cummax3A_1204 = arith.xori %masked_cummax3A_1203, %masked_cummax3A_1201 : vector<16xi32>
      %add3A_1205 = arith.addi %add3A_1175, %masked_cummax3A_1204 : vector<16xi32>
      %get3A_1206 = arith.constant 624 : index
      %get3A_1207 = tpu.vector_load %arg10[%get3A_1206] {strides = array<i32>} : memref<1024xf32, #tpu.memory_space<vmem>>, vector<16xf32>,
      %gt3A_1208 = arith.cmpf ogt, %get3A_1207, %broadcast_in_dim3A_41 : vector<16xf32>
      %convert_element_type3A_1209 = arith.extui %gt3A_1208 : vector<16xi1> to vector<16xi32>
      %broadcast_in_dim3A_1210 = arith.constant true
      %broadcast_in_dim3A_1211 = vector.broadcast %broadcast_in_dim3A_1210 : i1 to vector<16xi1>
      %masked_cumsum3A_1212 = tpu.scan <sum>, %convert_element_type3A_1209 masked %broadcast_in_dim3A_1211 : vector<16xi32>, vector<16xi1> -> vector<16xi32>
      %sub3A_1213 = arith.subi %masked_cumsum3A_1212, %convert_element_type3A_1209 : vector<16xi32>
      %add3A_1214 = arith.addi %sub3A_1213, %add3A_1205 : vector<16xi32>
      %lt3A_1215 = arith.cmpi slt, %add3A_1214, %broadcast_in_dim3A_43 : vector<16xi32>
      %and3A_1216 = arith.andi %gt3A_1208, %lt3A_1215 : vector<16xi1>
      %broadcast_in_dim3A_1217 = arith.constant 624 : i32
      %broadcast_in_dim3A_1218 = vector.broadcast %broadcast_in_dim3A_1217 : i32 to vector<16xi32>
      %add3A_1219 = arith.addi %broadcast_in_dim3A_1218, %iota3A : vector<16xi32>
      tpu.vector_store_idx %arg13[%add3A_1214], %add3A_1219 masked %and3A_1216 : memref<64xi32, #tpu.memory_space<vmem>>[vector<16xi32>], vector<16xi32>, vector<16xi1>
      tpu.vector_store_idx %arg16[%add3A_1214], %broadcast_in_dim3A_37 masked %and3A_1216 : memref<64xi32, #tpu.memory_space<vmem>>[vector<16xi32>], vector<16xi32>, vector<16xi1>
      %convert_element_type3A_1220 = arith.extui %and3A_1216 : vector<16xi1> to vector<16xi32>
      %swap3A_1221 = arith.constant 624 : index
      %swap3A_1222 = tpu.vector_load %arg12[%swap3A_1221] {strides = array<i32>} : memref<1024xi32, #tpu.memory_space<vmem>>, vector<16xi32>,
      tpu.vector_store %arg12[%swap3A_1221], %convert_element_type3A_1220 {strides = array<i32>} : memref<1024xi32, #tpu.memory_space<vmem>>, vector<16xi32>,
      %rev3A_1223 = arith.constant 15 : i32
      %rev3A_1224 = vector.broadcast %rev3A_1223 : i32 to vector<16xi32>
      %rev3A_1225 = tpu.iota {dimensions = array<i32: 0>} : vector<16xi32>
      %rev3A_1226 = arith.subi %rev3A_1224, %rev3A_1225 : vector<16xi32>
      %rev3A_1227 = tpu.dynamic_gather %masked_cumsum3A_1212[%rev3A_1226] in [0] : vector<16xi32>, vector<16xi32> -> vector<16xi32>
      %broadcast_in_dim3A_1228 = arith.constant true
      %broadcast_in_dim3A_1229 = vector.broadcast %broadcast_in_dim3A_1228 : i1 to vector<16xi1>
      %masked_cummax3A_1230 = arith.constant -2147483648 : i32
      %masked_cummax3A_1231 = vector.broadcast %masked_cummax3A_1230 : i32 to vector<16xi32>
      %masked_cummax3A_1232 = arith.xori %rev3A_1227, %masked_cummax3A_1231 : vector<16xi32>
      %masked_cummax3A_1233 = tpu.scan <max>, %masked_cummax3A_1232 masked %broadcast_in_dim3A_1229 : vector<16xi32>, vector<16xi1> -> vector<16xi32>
      %masked_cummax3A_1234 = arith.xori %masked_cummax3A_1233, %masked_cummax3A_1231 : vector<16xi32>
      %add3A_1235 = arith.addi %add3A_1205, %masked_cummax3A_1234 : vector<16xi32>
      %get3A_1236 = arith.constant 640 : index
      %get3A_1237 = tpu.vector_load %arg10[%get3A_1236] {strides = array<i32>} : memref<1024xf32, #tpu.memory_space<vmem>>, vector<16xf32>,
      %gt3A_1238 = arith.cmpf ogt, %get3A_1237, %broadcast_in_dim3A_41 : vector<16xf32>
      %convert_element_type3A_1239 = arith.extui %gt3A_1238 : vector<16xi1> to vector<16xi32>
      %broadcast_in_dim3A_1240 = arith.constant true
      %broadcast_in_dim3A_1241 = vector.broadcast %broadcast_in_dim3A_1240 : i1 to vector<16xi1>
      %masked_cumsum3A_1242 = tpu.scan <sum>, %convert_element_type3A_1239 masked %broadcast_in_dim3A_1241 : vector<16xi32>, vector<16xi1> -> vector<16xi32>
      %sub3A_1243 = arith.subi %masked_cumsum3A_1242, %convert_element_type3A_1239 : vector<16xi32>
      %add3A_1244 = arith.addi %sub3A_1243, %add3A_1235 : vector<16xi32>
      %lt3A_1245 = arith.cmpi slt, %add3A_1244, %broadcast_in_dim3A_43 : vector<16xi32>
      %and3A_1246 = arith.andi %gt3A_1238, %lt3A_1245 : vector<16xi1>
      %broadcast_in_dim3A_1247 = arith.constant 640 : i32
      %broadcast_in_dim3A_1248 = vector.broadcast %broadcast_in_dim3A_1247 : i32 to vector<16xi32>
      %add3A_1249 = arith.addi %broadcast_in_dim3A_1248, %iota3A : vector<16xi32>
      tpu.vector_store_idx %arg13[%add3A_1244], %add3A_1249 masked %and3A_1246 : memref<64xi32, #tpu.memory_space<vmem>>[vector<16xi32>], vector<16xi32>, vector<16xi1>
      tpu.vector_store_idx %arg16[%add3A_1244], %broadcast_in_dim3A_37 masked %and3A_1246 : memref<64xi32, #tpu.memory_space<vmem>>[vector<16xi32>], vector<16xi32>, vector<16xi1>
      %convert_element_type3A_1250 = arith.extui %and3A_1246 : vector<16xi1> to vector<16xi32>
      %swap3A_1251 = arith.constant 640 : index
      %swap3A_1252 = tpu.vector_load %arg12[%swap3A_1251] {strides = array<i32>} : memref<1024xi32, #tpu.memory_space<vmem>>, vector<16xi32>,
      tpu.vector_store %arg12[%swap3A_1251], %convert_element_type3A_1250 {strides = array<i32>} : memref<1024xi32, #tpu.memory_space<vmem>>, vector<16xi32>,
      %rev3A_1253 = arith.constant 15 : i32
      %rev3A_1254 = vector.broadcast %rev3A_1253 : i32 to vector<16xi32>
      %rev3A_1255 = tpu.iota {dimensions = array<i32: 0>} : vector<16xi32>
      %rev3A_1256 = arith.subi %rev3A_1254, %rev3A_1255 : vector<16xi32>
      %rev3A_1257 = tpu.dynamic_gather %masked_cumsum3A_1242[%rev3A_1256] in [0] : vector<16xi32>, vector<16xi32> -> vector<16xi32>
      %broadcast_in_dim3A_1258 = arith.constant true
      %broadcast_in_dim3A_1259 = vector.broadcast %broadcast_in_dim3A_1258 : i1 to vector<16xi1>
      %masked_cummax3A_1260 = arith.constant -2147483648 : i32
      %masked_cummax3A_1261 = vector.broadcast %masked_cummax3A_1260 : i32 to vector<16xi32>
      %masked_cummax3A_1262 = arith.xori %rev3A_1257, %masked_cummax3A_1261 : vector<16xi32>
      %masked_cummax3A_1263 = tpu.scan <max>, %masked_cummax3A_1262 masked %broadcast_in_dim3A_1259 : vector<16xi32>, vector<16xi1> -> vector<16xi32>
      %masked_cummax3A_1264 = arith.xori %masked_cummax3A_1263, %masked_cummax3A_1261 : vector<16xi32>
      %add3A_1265 = arith.addi %add3A_1235, %masked_cummax3A_1264 : vector<16xi32>
      %get3A_1266 = arith.constant 656 : index
      %get3A_1267 = tpu.vector_load %arg10[%get3A_1266] {strides = array<i32>} : memref<1024xf32, #tpu.memory_space<vmem>>, vector<16xf32>,
      %gt3A_1268 = arith.cmpf ogt, %get3A_1267, %broadcast_in_dim3A_41 : vector<16xf32>
      %convert_element_type3A_1269 = arith.extui %gt3A_1268 : vector<16xi1> to vector<16xi32>
      %broadcast_in_dim3A_1270 = arith.constant true
      %broadcast_in_dim3A_1271 = vector.broadcast %broadcast_in_dim3A_1270 : i1 to vector<16xi1>
      %masked_cumsum3A_1272 = tpu.scan <sum>, %convert_element_type3A_1269 masked %broadcast_in_dim3A_1271 : vector<16xi32>, vector<16xi1> -> vector<16xi32>
      %sub3A_1273 = arith.subi %masked_cumsum3A_1272, %convert_element_type3A_1269 : vector<16xi32>
      %add3A_1274 = arith.addi %sub3A_1273, %add3A_1265 : vector<16xi32>
      %lt3A_1275 = arith.cmpi slt, %add3A_1274, %broadcast_in_dim3A_43 : vector<16xi32>
      %and3A_1276 = arith.andi %gt3A_1268, %lt3A_1275 : vector<16xi1>
      %broadcast_in_dim3A_1277 = arith.constant 656 : i32
      %broadcast_in_dim3A_1278 = vector.broadcast %broadcast_in_dim3A_1277 : i32 to vector<16xi32>
      %add3A_1279 = arith.addi %broadcast_in_dim3A_1278, %iota3A : vector<16xi32>
      tpu.vector_store_idx %arg13[%add3A_1274], %add3A_1279 masked %and3A_1276 : memref<64xi32, #tpu.memory_space<vmem>>[vector<16xi32>], vector<16xi32>, vector<16xi1>
      tpu.vector_store_idx %arg16[%add3A_1274], %broadcast_in_dim3A_37 masked %and3A_1276 : memref<64xi32, #tpu.memory_space<vmem>>[vector<16xi32>], vector<16xi32>, vector<16xi1>
      %convert_element_type3A_1280 = arith.extui %and3A_1276 : vector<16xi1> to vector<16xi32>
      %swap3A_1281 = arith.constant 656 : index
      %swap3A_1282 = tpu.vector_load %arg12[%swap3A_1281] {strides = array<i32>} : memref<1024xi32, #tpu.memory_space<vmem>>, vector<16xi32>,
      tpu.vector_store %arg12[%swap3A_1281], %convert_element_type3A_1280 {strides = array<i32>} : memref<1024xi32, #tpu.memory_space<vmem>>, vector<16xi32>,
      %rev3A_1283 = arith.constant 15 : i32
      %rev3A_1284 = vector.broadcast %rev3A_1283 : i32 to vector<16xi32>
      %rev3A_1285 = tpu.iota {dimensions = array<i32: 0>} : vector<16xi32>
      %rev3A_1286 = arith.subi %rev3A_1284, %rev3A_1285 : vector<16xi32>
      %rev3A_1287 = tpu.dynamic_gather %masked_cumsum3A_1272[%rev3A_1286] in [0] : vector<16xi32>, vector<16xi32> -> vector<16xi32>
      %broadcast_in_dim3A_1288 = arith.constant true
      %broadcast_in_dim3A_1289 = vector.broadcast %broadcast_in_dim3A_1288 : i1 to vector<16xi1>
      %masked_cummax3A_1290 = arith.constant -2147483648 : i32
      %masked_cummax3A_1291 = vector.broadcast %masked_cummax3A_1290 : i32 to vector<16xi32>
      %masked_cummax3A_1292 = arith.xori %rev3A_1287, %masked_cummax3A_1291 : vector<16xi32>
      %masked_cummax3A_1293 = tpu.scan <max>, %masked_cummax3A_1292 masked %broadcast_in_dim3A_1289 : vector<16xi32>, vector<16xi1> -> vector<16xi32>
      %masked_cummax3A_1294 = arith.xori %masked_cummax3A_1293, %masked_cummax3A_1291 : vector<16xi32>
      %add3A_1295 = arith.addi %add3A_1265, %masked_cummax3A_1294 : vector<16xi32>
      %get3A_1296 = arith.constant 672 : index
      %get3A_1297 = tpu.vector_load %arg10[%get3A_1296] {strides = array<i32>} : memref<1024xf32, #tpu.memory_space<vmem>>, vector<16xf32>,
      %gt3A_1298 = arith.cmpf ogt, %get3A_1297, %broadcast_in_dim3A_41 : vector<16xf32>
      %convert_element_type3A_1299 = arith.extui %gt3A_1298 : vector<16xi1> to vector<16xi32>
      %broadcast_in_dim3A_1300 = arith.constant true
      %broadcast_in_dim3A_1301 = vector.broadcast %broadcast_in_dim3A_1300 : i1 to vector<16xi1>
      %masked_cumsum3A_1302 = tpu.scan <sum>, %convert_element_type3A_1299 masked %broadcast_in_dim3A_1301 : vector<16xi32>, vector<16xi1> -> vector<16xi32>
      %sub3A_1303 = arith.subi %masked_cumsum3A_1302, %convert_element_type3A_1299 : vector<16xi32>
      %add3A_1304 = arith.addi %sub3A_1303, %add3A_1295 : vector<16xi32>
      %lt3A_1305 = arith.cmpi slt, %add3A_1304, %broadcast_in_dim3A_43 : vector<16xi32>
      %and3A_1306 = arith.andi %gt3A_1298, %lt3A_1305 : vector<16xi1>
      %broadcast_in_dim3A_1307 = arith.constant 672 : i32
      %broadcast_in_dim3A_1308 = vector.broadcast %broadcast_in_dim3A_1307 : i32 to vector<16xi32>
      %add3A_1309 = arith.addi %broadcast_in_dim3A_1308, %iota3A : vector<16xi32>
      tpu.vector_store_idx %arg13[%add3A_1304], %add3A_1309 masked %and3A_1306 : memref<64xi32, #tpu.memory_space<vmem>>[vector<16xi32>], vector<16xi32>, vector<16xi1>
      tpu.vector_store_idx %arg16[%add3A_1304], %broadcast_in_dim3A_37 masked %and3A_1306 : memref<64xi32, #tpu.memory_space<vmem>>[vector<16xi32>], vector<16xi32>, vector<16xi1>
      %convert_element_type3A_1310 = arith.extui %and3A_1306 : vector<16xi1> to vector<16xi32>
      %swap3A_1311 = arith.constant 672 : index
      %swap3A_1312 = tpu.vector_load %arg12[%swap3A_1311] {strides = array<i32>} : memref<1024xi32, #tpu.memory_space<vmem>>, vector<16xi32>,
      tpu.vector_store %arg12[%swap3A_1311], %convert_element_type3A_1310 {strides = array<i32>} : memref<1024xi32, #tpu.memory_space<vmem>>, vector<16xi32>,
      %rev3A_1313 = arith.constant 15 : i32
      %rev3A_1314 = vector.broadcast %rev3A_1313 : i32 to vector<16xi32>
      %rev3A_1315 = tpu.iota {dimensions = array<i32: 0>} : vector<16xi32>
      %rev3A_1316 = arith.subi %rev3A_1314, %rev3A_1315 : vector<16xi32>
      %rev3A_1317 = tpu.dynamic_gather %masked_cumsum3A_1302[%rev3A_1316] in [0] : vector<16xi32>, vector<16xi32> -> vector<16xi32>
      %broadcast_in_dim3A_1318 = arith.constant true
      %broadcast_in_dim3A_1319 = vector.broadcast %broadcast_in_dim3A_1318 : i1 to vector<16xi1>
      %masked_cummax3A_1320 = arith.constant -2147483648 : i32
      %masked_cummax3A_1321 = vector.broadcast %masked_cummax3A_1320 : i32 to vector<16xi32>
      %masked_cummax3A_1322 = arith.xori %rev3A_1317, %masked_cummax3A_1321 : vector<16xi32>
      %masked_cummax3A_1323 = tpu.scan <max>, %masked_cummax3A_1322 masked %broadcast_in_dim3A_1319 : vector<16xi32>, vector<16xi1> -> vector<16xi32>
      %masked_cummax3A_1324 = arith.xori %masked_cummax3A_1323, %masked_cummax3A_1321 : vector<16xi32>
      %add3A_1325 = arith.addi %add3A_1295, %masked_cummax3A_1324 : vector<16xi32>
      %get3A_1326 = arith.constant 688 : index
      %get3A_1327 = tpu.vector_load %arg10[%get3A_1326] {strides = array<i32>} : memref<1024xf32, #tpu.memory_space<vmem>>, vector<16xf32>,
      %gt3A_1328 = arith.cmpf ogt, %get3A_1327, %broadcast_in_dim3A_41 : vector<16xf32>
      %convert_element_type3A_1329 = arith.extui %gt3A_1328 : vector<16xi1> to vector<16xi32>
      %broadcast_in_dim3A_1330 = arith.constant true
      %broadcast_in_dim3A_1331 = vector.broadcast %broadcast_in_dim3A_1330 : i1 to vector<16xi1>
      %masked_cumsum3A_1332 = tpu.scan <sum>, %convert_element_type3A_1329 masked %broadcast_in_dim3A_1331 : vector<16xi32>, vector<16xi1> -> vector<16xi32>
      %sub3A_1333 = arith.subi %masked_cumsum3A_1332, %convert_element_type3A_1329 : vector<16xi32>
      %add3A_1334 = arith.addi %sub3A_1333, %add3A_1325 : vector<16xi32>
      %lt3A_1335 = arith.cmpi slt, %add3A_1334, %broadcast_in_dim3A_43 : vector<16xi32>
      %and3A_1336 = arith.andi %gt3A_1328, %lt3A_1335 : vector<16xi1>
      %broadcast_in_dim3A_1337 = arith.constant 688 : i32
      %broadcast_in_dim3A_1338 = vector.broadcast %broadcast_in_dim3A_1337 : i32 to vector<16xi32>
      %add3A_1339 = arith.addi %broadcast_in_dim3A_1338, %iota3A : vector<16xi32>
      tpu.vector_store_idx %arg13[%add3A_1334], %add3A_1339 masked %and3A_1336 : memref<64xi32, #tpu.memory_space<vmem>>[vector<16xi32>], vector<16xi32>, vector<16xi1>
      tpu.vector_store_idx %arg16[%add3A_1334], %broadcast_in_dim3A_37 masked %and3A_1336 : memref<64xi32, #tpu.memory_space<vmem>>[vector<16xi32>], vector<16xi32>, vector<16xi1>
      %convert_element_type3A_1340 = arith.extui %and3A_1336 : vector<16xi1> to vector<16xi32>
      %swap3A_1341 = arith.constant 688 : index
      %swap3A_1342 = tpu.vector_load %arg12[%swap3A_1341] {strides = array<i32>} : memref<1024xi32, #tpu.memory_space<vmem>>, vector<16xi32>,
      tpu.vector_store %arg12[%swap3A_1341], %convert_element_type3A_1340 {strides = array<i32>} : memref<1024xi32, #tpu.memory_space<vmem>>, vector<16xi32>,
      %rev3A_1343 = arith.constant 15 : i32
      %rev3A_1344 = vector.broadcast %rev3A_1343 : i32 to vector<16xi32>
      %rev3A_1345 = tpu.iota {dimensions = array<i32: 0>} : vector<16xi32>
      %rev3A_1346 = arith.subi %rev3A_1344, %rev3A_1345 : vector<16xi32>
      %rev3A_1347 = tpu.dynamic_gather %masked_cumsum3A_1332[%rev3A_1346] in [0] : vector<16xi32>, vector<16xi32> -> vector<16xi32>
      %broadcast_in_dim3A_1348 = arith.constant true
      %broadcast_in_dim3A_1349 = vector.broadcast %broadcast_in_dim3A_1348 : i1 to vector<16xi1>
      %masked_cummax3A_1350 = arith.constant -2147483648 : i32
      %masked_cummax3A_1351 = vector.broadcast %masked_cummax3A_1350 : i32 to vector<16xi32>
      %masked_cummax3A_1352 = arith.xori %rev3A_1347, %masked_cummax3A_1351 : vector<16xi32>
      %masked_cummax3A_1353 = tpu.scan <max>, %masked_cummax3A_1352 masked %broadcast_in_dim3A_1349 : vector<16xi32>, vector<16xi1> -> vector<16xi32>
      %masked_cummax3A_1354 = arith.xori %masked_cummax3A_1353, %masked_cummax3A_1351 : vector<16xi32>
      %add3A_1355 = arith.addi %add3A_1325, %masked_cummax3A_1354 : vector<16xi32>
      %get3A_1356 = arith.constant 704 : index
      %get3A_1357 = tpu.vector_load %arg10[%get3A_1356] {strides = array<i32>} : memref<1024xf32, #tpu.memory_space<vmem>>, vector<16xf32>,
      %gt3A_1358 = arith.cmpf ogt, %get3A_1357, %broadcast_in_dim3A_41 : vector<16xf32>
      %convert_element_type3A_1359 = arith.extui %gt3A_1358 : vector<16xi1> to vector<16xi32>
      %broadcast_in_dim3A_1360 = arith.constant true
      %broadcast_in_dim3A_1361 = vector.broadcast %broadcast_in_dim3A_1360 : i1 to vector<16xi1>
      %masked_cumsum3A_1362 = tpu.scan <sum>, %convert_element_type3A_1359 masked %broadcast_in_dim3A_1361 : vector<16xi32>, vector<16xi1> -> vector<16xi32>
      %sub3A_1363 = arith.subi %masked_cumsum3A_1362, %convert_element_type3A_1359 : vector<16xi32>
      %add3A_1364 = arith.addi %sub3A_1363, %add3A_1355 : vector<16xi32>
      %lt3A_1365 = arith.cmpi slt, %add3A_1364, %broadcast_in_dim3A_43 : vector<16xi32>
      %and3A_1366 = arith.andi %gt3A_1358, %lt3A_1365 : vector<16xi1>
      %broadcast_in_dim3A_1367 = arith.constant 704 : i32
      %broadcast_in_dim3A_1368 = vector.broadcast %broadcast_in_dim3A_1367 : i32 to vector<16xi32>
      %add3A_1369 = arith.addi %broadcast_in_dim3A_1368, %iota3A : vector<16xi32>
      tpu.vector_store_idx %arg13[%add3A_1364], %add3A_1369 masked %and3A_1366 : memref<64xi32, #tpu.memory_space<vmem>>[vector<16xi32>], vector<16xi32>, vector<16xi1>
      tpu.vector_store_idx %arg16[%add3A_1364], %broadcast_in_dim3A_37 masked %and3A_1366 : memref<64xi32, #tpu.memory_space<vmem>>[vector<16xi32>], vector<16xi32>, vector<16xi1>
      %convert_element_type3A_1370 = arith.extui %and3A_1366 : vector<16xi1> to vector<16xi32>
      %swap3A_1371 = arith.constant 704 : index
      %swap3A_1372 = tpu.vector_load %arg12[%swap3A_1371] {strides = array<i32>} : memref<1024xi32, #tpu.memory_space<vmem>>, vector<16xi32>,
      tpu.vector_store %arg12[%swap3A_1371], %convert_element_type3A_1370 {strides = array<i32>} : memref<1024xi32, #tpu.memory_space<vmem>>, vector<16xi32>,
      %rev3A_1373 = arith.constant 15 : i32
      %rev3A_1374 = vector.broadcast %rev3A_1373 : i32 to vector<16xi32>
      %rev3A_1375 = tpu.iota {dimensions = array<i32: 0>} : vector<16xi32>
      %rev3A_1376 = arith.subi %rev3A_1374, %rev3A_1375 : vector<16xi32>
      %rev3A_1377 = tpu.dynamic_gather %masked_cumsum3A_1362[%rev3A_1376] in [0] : vector<16xi32>, vector<16xi32> -> vector<16xi32>
      %broadcast_in_dim3A_1378 = arith.constant true
      %broadcast_in_dim3A_1379 = vector.broadcast %broadcast_in_dim3A_1378 : i1 to vector<16xi1>
      %masked_cummax3A_1380 = arith.constant -2147483648 : i32
      %masked_cummax3A_1381 = vector.broadcast %masked_cummax3A_1380 : i32 to vector<16xi32>
      %masked_cummax3A_1382 = arith.xori %rev3A_1377, %masked_cummax3A_1381 : vector<16xi32>
      %masked_cummax3A_1383 = tpu.scan <max>, %masked_cummax3A_1382 masked %broadcast_in_dim3A_1379 : vector<16xi32>, vector<16xi1> -> vector<16xi32>
      %masked_cummax3A_1384 = arith.xori %masked_cummax3A_1383, %masked_cummax3A_1381 : vector<16xi32>
      %add3A_1385 = arith.addi %add3A_1355, %masked_cummax3A_1384 : vector<16xi32>
      %get3A_1386 = arith.constant 720 : index
      %get3A_1387 = tpu.vector_load %arg10[%get3A_1386] {strides = array<i32>} : memref<1024xf32, #tpu.memory_space<vmem>>, vector<16xf32>,
      %gt3A_1388 = arith.cmpf ogt, %get3A_1387, %broadcast_in_dim3A_41 : vector<16xf32>
      %convert_element_type3A_1389 = arith.extui %gt3A_1388 : vector<16xi1> to vector<16xi32>
      %broadcast_in_dim3A_1390 = arith.constant true
      %broadcast_in_dim3A_1391 = vector.broadcast %broadcast_in_dim3A_1390 : i1 to vector<16xi1>
      %masked_cumsum3A_1392 = tpu.scan <sum>, %convert_element_type3A_1389 masked %broadcast_in_dim3A_1391 : vector<16xi32>, vector<16xi1> -> vector<16xi32>
      %sub3A_1393 = arith.subi %masked_cumsum3A_1392, %convert_element_type3A_1389 : vector<16xi32>
      %add3A_1394 = arith.addi %sub3A_1393, %add3A_1385 : vector<16xi32>
      %lt3A_1395 = arith.cmpi slt, %add3A_1394, %broadcast_in_dim3A_43 : vector<16xi32>
      %and3A_1396 = arith.andi %gt3A_1388, %lt3A_1395 : vector<16xi1>
      %broadcast_in_dim3A_1397 = arith.constant 720 : i32
      %broadcast_in_dim3A_1398 = vector.broadcast %broadcast_in_dim3A_1397 : i32 to vector<16xi32>
      %add3A_1399 = arith.addi %broadcast_in_dim3A_1398, %iota3A : vector<16xi32>
      tpu.vector_store_idx %arg13[%add3A_1394], %add3A_1399 masked %and3A_1396 : memref<64xi32, #tpu.memory_space<vmem>>[vector<16xi32>], vector<16xi32>, vector<16xi1>
      tpu.vector_store_idx %arg16[%add3A_1394], %broadcast_in_dim3A_37 masked %and3A_1396 : memref<64xi32, #tpu.memory_space<vmem>>[vector<16xi32>], vector<16xi32>, vector<16xi1>
      %convert_element_type3A_1400 = arith.extui %and3A_1396 : vector<16xi1> to vector<16xi32>
      %swap3A_1401 = arith.constant 720 : index
      %swap3A_1402 = tpu.vector_load %arg12[%swap3A_1401] {strides = array<i32>} : memref<1024xi32, #tpu.memory_space<vmem>>, vector<16xi32>,
      tpu.vector_store %arg12[%swap3A_1401], %convert_element_type3A_1400 {strides = array<i32>} : memref<1024xi32, #tpu.memory_space<vmem>>, vector<16xi32>,
      %rev3A_1403 = arith.constant 15 : i32
      %rev3A_1404 = vector.broadcast %rev3A_1403 : i32 to vector<16xi32>
      %rev3A_1405 = tpu.iota {dimensions = array<i32: 0>} : vector<16xi32>
      %rev3A_1406 = arith.subi %rev3A_1404, %rev3A_1405 : vector<16xi32>
      %rev3A_1407 = tpu.dynamic_gather %masked_cumsum3A_1392[%rev3A_1406] in [0] : vector<16xi32>, vector<16xi32> -> vector<16xi32>
      %broadcast_in_dim3A_1408 = arith.constant true
      %broadcast_in_dim3A_1409 = vector.broadcast %broadcast_in_dim3A_1408 : i1 to vector<16xi1>
      %masked_cummax3A_1410 = arith.constant -2147483648 : i32
      %masked_cummax3A_1411 = vector.broadcast %masked_cummax3A_1410 : i32 to vector<16xi32>
      %masked_cummax3A_1412 = arith.xori %rev3A_1407, %masked_cummax3A_1411 : vector<16xi32>
      %masked_cummax3A_1413 = tpu.scan <max>, %masked_cummax3A_1412 masked %broadcast_in_dim3A_1409 : vector<16xi32>, vector<16xi1> -> vector<16xi32>
      %masked_cummax3A_1414 = arith.xori %masked_cummax3A_1413, %masked_cummax3A_1411 : vector<16xi32>
      %add3A_1415 = arith.addi %add3A_1385, %masked_cummax3A_1414 : vector<16xi32>
      %get3A_1416 = arith.constant 736 : index
      %get3A_1417 = tpu.vector_load %arg10[%get3A_1416] {strides = array<i32>} : memref<1024xf32, #tpu.memory_space<vmem>>, vector<16xf32>,
      %gt3A_1418 = arith.cmpf ogt, %get3A_1417, %broadcast_in_dim3A_41 : vector<16xf32>
      %convert_element_type3A_1419 = arith.extui %gt3A_1418 : vector<16xi1> to vector<16xi32>
      %broadcast_in_dim3A_1420 = arith.constant true
      %broadcast_in_dim3A_1421 = vector.broadcast %broadcast_in_dim3A_1420 : i1 to vector<16xi1>
      %masked_cumsum3A_1422 = tpu.scan <sum>, %convert_element_type3A_1419 masked %broadcast_in_dim3A_1421 : vector<16xi32>, vector<16xi1> -> vector<16xi32>
      %sub3A_1423 = arith.subi %masked_cumsum3A_1422, %convert_element_type3A_1419 : vector<16xi32>
      %add3A_1424 = arith.addi %sub3A_1423, %add3A_1415 : vector<16xi32>
      %lt3A_1425 = arith.cmpi slt, %add3A_1424, %broadcast_in_dim3A_43 : vector<16xi32>
      %and3A_1426 = arith.andi %gt3A_1418, %lt3A_1425 : vector<16xi1>
      %broadcast_in_dim3A_1427 = arith.constant 736 : i32
      %broadcast_in_dim3A_1428 = vector.broadcast %broadcast_in_dim3A_1427 : i32 to vector<16xi32>
      %add3A_1429 = arith.addi %broadcast_in_dim3A_1428, %iota3A : vector<16xi32>
      tpu.vector_store_idx %arg13[%add3A_1424], %add3A_1429 masked %and3A_1426 : memref<64xi32, #tpu.memory_space<vmem>>[vector<16xi32>], vector<16xi32>, vector<16xi1>
      tpu.vector_store_idx %arg16[%add3A_1424], %broadcast_in_dim3A_37 masked %and3A_1426 : memref<64xi32, #tpu.memory_space<vmem>>[vector<16xi32>], vector<16xi32>, vector<16xi1>
      %convert_element_type3A_1430 = arith.extui %and3A_1426 : vector<16xi1> to vector<16xi32>
      %swap3A_1431 = arith.constant 736 : index
      %swap3A_1432 = tpu.vector_load %arg12[%swap3A_1431] {strides = array<i32>} : memref<1024xi32, #tpu.memory_space<vmem>>, vector<16xi32>,
      tpu.vector_store %arg12[%swap3A_1431], %convert_element_type3A_1430 {strides = array<i32>} : memref<1024xi32, #tpu.memory_space<vmem>>, vector<16xi32>,
      %rev3A_1433 = arith.constant 15 : i32
      %rev3A_1434 = vector.broadcast %rev3A_1433 : i32 to vector<16xi32>
      %rev3A_1435 = tpu.iota {dimensions = array<i32: 0>} : vector<16xi32>
      %rev3A_1436 = arith.subi %rev3A_1434, %rev3A_1435 : vector<16xi32>
      %rev3A_1437 = tpu.dynamic_gather %masked_cumsum3A_1422[%rev3A_1436] in [0] : vector<16xi32>, vector<16xi32> -> vector<16xi32>
      %broadcast_in_dim3A_1438 = arith.constant true
      %broadcast_in_dim3A_1439 = vector.broadcast %broadcast_in_dim3A_1438 : i1 to vector<16xi1>
      %masked_cummax3A_1440 = arith.constant -2147483648 : i32
      %masked_cummax3A_1441 = vector.broadcast %masked_cummax3A_1440 : i32 to vector<16xi32>
      %masked_cummax3A_1442 = arith.xori %rev3A_1437, %masked_cummax3A_1441 : vector<16xi32>
      %masked_cummax3A_1443 = tpu.scan <max>, %masked_cummax3A_1442 masked %broadcast_in_dim3A_1439 : vector<16xi32>, vector<16xi1> -> vector<16xi32>
      %masked_cummax3A_1444 = arith.xori %masked_cummax3A_1443, %masked_cummax3A_1441 : vector<16xi32>
      %add3A_1445 = arith.addi %add3A_1415, %masked_cummax3A_1444 : vector<16xi32>
      %get3A_1446 = arith.constant 752 : index
      %get3A_1447 = tpu.vector_load %arg10[%get3A_1446] {strides = array<i32>} : memref<1024xf32, #tpu.memory_space<vmem>>, vector<16xf32>,
      %gt3A_1448 = arith.cmpf ogt, %get3A_1447, %broadcast_in_dim3A_41 : vector<16xf32>
      %convert_element_type3A_1449 = arith.extui %gt3A_1448 : vector<16xi1> to vector<16xi32>
      %broadcast_in_dim3A_1450 = arith.constant true
      %broadcast_in_dim3A_1451 = vector.broadcast %broadcast_in_dim3A_1450 : i1 to vector<16xi1>
      %masked_cumsum3A_1452 = tpu.scan <sum>, %convert_element_type3A_1449 masked %broadcast_in_dim3A_1451 : vector<16xi32>, vector<16xi1> -> vector<16xi32>
      %sub3A_1453 = arith.subi %masked_cumsum3A_1452, %convert_element_type3A_1449 : vector<16xi32>
      %add3A_1454 = arith.addi %sub3A_1453, %add3A_1445 : vector<16xi32>
      %lt3A_1455 = arith.cmpi slt, %add3A_1454, %broadcast_in_dim3A_43 : vector<16xi32>
      %and3A_1456 = arith.andi %gt3A_1448, %lt3A_1455 : vector<16xi1>
      %broadcast_in_dim3A_1457 = arith.constant 752 : i32
      %broadcast_in_dim3A_1458 = vector.broadcast %broadcast_in_dim3A_1457 : i32 to vector<16xi32>
      %add3A_1459 = arith.addi %broadcast_in_dim3A_1458, %iota3A : vector<16xi32>
      tpu.vector_store_idx %arg13[%add3A_1454], %add3A_1459 masked %and3A_1456 : memref<64xi32, #tpu.memory_space<vmem>>[vector<16xi32>], vector<16xi32>, vector<16xi1>
      tpu.vector_store_idx %arg16[%add3A_1454], %broadcast_in_dim3A_37 masked %and3A_1456 : memref<64xi32, #tpu.memory_space<vmem>>[vector<16xi32>], vector<16xi32>, vector<16xi1>
      %convert_element_type3A_1460 = arith.extui %and3A_1456 : vector<16xi1> to vector<16xi32>
      %swap3A_1461 = arith.constant 752 : index
      %swap3A_1462 = tpu.vector_load %arg12[%swap3A_1461] {strides = array<i32>} : memref<1024xi32, #tpu.memory_space<vmem>>, vector<16xi32>,
      tpu.vector_store %arg12[%swap3A_1461], %convert_element_type3A_1460 {strides = array<i32>} : memref<1024xi32, #tpu.memory_space<vmem>>, vector<16xi32>,
      %rev3A_1463 = arith.constant 15 : i32
      %rev3A_1464 = vector.broadcast %rev3A_1463 : i32 to vector<16xi32>
      %rev3A_1465 = tpu.iota {dimensions = array<i32: 0>} : vector<16xi32>
      %rev3A_1466 = arith.subi %rev3A_1464, %rev3A_1465 : vector<16xi32>
      %rev3A_1467 = tpu.dynamic_gather %masked_cumsum3A_1452[%rev3A_1466] in [0] : vector<16xi32>, vector<16xi32> -> vector<16xi32>
      %broadcast_in_dim3A_1468 = arith.constant true
      %broadcast_in_dim3A_1469 = vector.broadcast %broadcast_in_dim3A_1468 : i1 to vector<16xi1>
      %masked_cummax3A_1470 = arith.constant -2147483648 : i32
      %masked_cummax3A_1471 = vector.broadcast %masked_cummax3A_1470 : i32 to vector<16xi32>
      %masked_cummax3A_1472 = arith.xori %rev3A_1467, %masked_cummax3A_1471 : vector<16xi32>
      %masked_cummax3A_1473 = tpu.scan <max>, %masked_cummax3A_1472 masked %broadcast_in_dim3A_1469 : vector<16xi32>, vector<16xi1> -> vector<16xi32>
      %masked_cummax3A_1474 = arith.xori %masked_cummax3A_1473, %masked_cummax3A_1471 : vector<16xi32>
      %add3A_1475 = arith.addi %add3A_1445, %masked_cummax3A_1474 : vector<16xi32>
      %get3A_1476 = arith.constant 768 : index
      %get3A_1477 = tpu.vector_load %arg10[%get3A_1476] {strides = array<i32>} : memref<1024xf32, #tpu.memory_space<vmem>>, vector<16xf32>,
      %gt3A_1478 = arith.cmpf ogt, %get3A_1477, %broadcast_in_dim3A_41 : vector<16xf32>
      %convert_element_type3A_1479 = arith.extui %gt3A_1478 : vector<16xi1> to vector<16xi32>
      %broadcast_in_dim3A_1480 = arith.constant true
      %broadcast_in_dim3A_1481 = vector.broadcast %broadcast_in_dim3A_1480 : i1 to vector<16xi1>
      %masked_cumsum3A_1482 = tpu.scan <sum>, %convert_element_type3A_1479 masked %broadcast_in_dim3A_1481 : vector<16xi32>, vector<16xi1> -> vector<16xi32>
      %sub3A_1483 = arith.subi %masked_cumsum3A_1482, %convert_element_type3A_1479 : vector<16xi32>
      %add3A_1484 = arith.addi %sub3A_1483, %add3A_1475 : vector<16xi32>
      %lt3A_1485 = arith.cmpi slt, %add3A_1484, %broadcast_in_dim3A_43 : vector<16xi32>
      %and3A_1486 = arith.andi %gt3A_1478, %lt3A_1485 : vector<16xi1>
      %broadcast_in_dim3A_1487 = arith.constant 768 : i32
      %broadcast_in_dim3A_1488 = vector.broadcast %broadcast_in_dim3A_1487 : i32 to vector<16xi32>
      %add3A_1489 = arith.addi %broadcast_in_dim3A_1488, %iota3A : vector<16xi32>
      tpu.vector_store_idx %arg13[%add3A_1484], %add3A_1489 masked %and3A_1486 : memref<64xi32, #tpu.memory_space<vmem>>[vector<16xi32>], vector<16xi32>, vector<16xi1>
      tpu.vector_store_idx %arg16[%add3A_1484], %broadcast_in_dim3A_37 masked %and3A_1486 : memref<64xi32, #tpu.memory_space<vmem>>[vector<16xi32>], vector<16xi32>, vector<16xi1>
      %convert_element_type3A_1490 = arith.extui %and3A_1486 : vector<16xi1> to vector<16xi32>
      %swap3A_1491 = arith.constant 768 : index
      %swap3A_1492 = tpu.vector_load %arg12[%swap3A_1491] {strides = array<i32>} : memref<1024xi32, #tpu.memory_space<vmem>>, vector<16xi32>,
      tpu.vector_store %arg12[%swap3A_1491], %convert_element_type3A_1490 {strides = array<i32>} : memref<1024xi32, #tpu.memory_space<vmem>>, vector<16xi32>,
      %rev3A_1493 = arith.constant 15 : i32
      %rev3A_1494 = vector.broadcast %rev3A_1493 : i32 to vector<16xi32>
      %rev3A_1495 = tpu.iota {dimensions = array<i32: 0>} : vector<16xi32>
      %rev3A_1496 = arith.subi %rev3A_1494, %rev3A_1495 : vector<16xi32>
      %rev3A_1497 = tpu.dynamic_gather %masked_cumsum3A_1482[%rev3A_1496] in [0] : vector<16xi32>, vector<16xi32> -> vector<16xi32>
      %broadcast_in_dim3A_1498 = arith.constant true
      %broadcast_in_dim3A_1499 = vector.broadcast %broadcast_in_dim3A_1498 : i1 to vector<16xi1>
      %masked_cummax3A_1500 = arith.constant -2147483648 : i32
      %masked_cummax3A_1501 = vector.broadcast %masked_cummax3A_1500 : i32 to vector<16xi32>
      %masked_cummax3A_1502 = arith.xori %rev3A_1497, %masked_cummax3A_1501 : vector<16xi32>
      %masked_cummax3A_1503 = tpu.scan <max>, %masked_cummax3A_1502 masked %broadcast_in_dim3A_1499 : vector<16xi32>, vector<16xi1> -> vector<16xi32>
      %masked_cummax3A_1504 = arith.xori %masked_cummax3A_1503, %masked_cummax3A_1501 : vector<16xi32>
      %add3A_1505 = arith.addi %add3A_1475, %masked_cummax3A_1504 : vector<16xi32>
      %get3A_1506 = arith.constant 784 : index
      %get3A_1507 = tpu.vector_load %arg10[%get3A_1506] {strides = array<i32>} : memref<1024xf32, #tpu.memory_space<vmem>>, vector<16xf32>,
      %gt3A_1508 = arith.cmpf ogt, %get3A_1507, %broadcast_in_dim3A_41 : vector<16xf32>
      %convert_element_type3A_1509 = arith.extui %gt3A_1508 : vector<16xi1> to vector<16xi32>
      %broadcast_in_dim3A_1510 = arith.constant true
      %broadcast_in_dim3A_1511 = vector.broadcast %broadcast_in_dim3A_1510 : i1 to vector<16xi1>
      %masked_cumsum3A_1512 = tpu.scan <sum>, %convert_element_type3A_1509 masked %broadcast_in_dim3A_1511 : vector<16xi32>, vector<16xi1> -> vector<16xi32>
      %sub3A_1513 = arith.subi %masked_cumsum3A_1512, %convert_element_type3A_1509 : vector<16xi32>
      %add3A_1514 = arith.addi %sub3A_1513, %add3A_1505 : vector<16xi32>
      %lt3A_1515 = arith.cmpi slt, %add3A_1514, %broadcast_in_dim3A_43 : vector<16xi32>
      %and3A_1516 = arith.andi %gt3A_1508, %lt3A_1515 : vector<16xi1>
      %broadcast_in_dim3A_1517 = arith.constant 784 : i32
      %broadcast_in_dim3A_1518 = vector.broadcast %broadcast_in_dim3A_1517 : i32 to vector<16xi32>
      %add3A_1519 = arith.addi %broadcast_in_dim3A_1518, %iota3A : vector<16xi32>
      tpu.vector_store_idx %arg13[%add3A_1514], %add3A_1519 masked %and3A_1516 : memref<64xi32, #tpu.memory_space<vmem>>[vector<16xi32>], vector<16xi32>, vector<16xi1>
      tpu.vector_store_idx %arg16[%add3A_1514], %broadcast_in_dim3A_37 masked %and3A_1516 : memref<64xi32, #tpu.memory_space<vmem>>[vector<16xi32>], vector<16xi32>, vector<16xi1>
      %convert_element_type3A_1520 = arith.extui %and3A_1516 : vector<16xi1> to vector<16xi32>
      %swap3A_1521 = arith.constant 784 : index
      %swap3A_1522 = tpu.vector_load %arg12[%swap3A_1521] {strides = array<i32>} : memref<1024xi32, #tpu.memory_space<vmem>>, vector<16xi32>,
      tpu.vector_store %arg12[%swap3A_1521], %convert_element_type3A_1520 {strides = array<i32>} : memref<1024xi32, #tpu.memory_space<vmem>>, vector<16xi32>,
      %rev3A_1523 = arith.constant 15 : i32
      %rev3A_1524 = vector.broadcast %rev3A_1523 : i32 to vector<16xi32>
      %rev3A_1525 = tpu.iota {dimensions = array<i32: 0>} : vector<16xi32>
      %rev3A_1526 = arith.subi %rev3A_1524, %rev3A_1525 : vector<16xi32>
      %rev3A_1527 = tpu.dynamic_gather %masked_cumsum3A_1512[%rev3A_1526] in [0] : vector<16xi32>, vector<16xi32> -> vector<16xi32>
      %broadcast_in_dim3A_1528 = arith.constant true
      %broadcast_in_dim3A_1529 = vector.broadcast %broadcast_in_dim3A_1528 : i1 to vector<16xi1>
      %masked_cummax3A_1530 = arith.constant -2147483648 : i32
      %masked_cummax3A_1531 = vector.broadcast %masked_cummax3A_1530 : i32 to vector<16xi32>
      %masked_cummax3A_1532 = arith.xori %rev3A_1527, %masked_cummax3A_1531 : vector<16xi32>
      %masked_cummax3A_1533 = tpu.scan <max>, %masked_cummax3A_1532 masked %broadcast_in_dim3A_1529 : vector<16xi32>, vector<16xi1> -> vector<16xi32>
      %masked_cummax3A_1534 = arith.xori %masked_cummax3A_1533, %masked_cummax3A_1531 : vector<16xi32>
      %add3A_1535 = arith.addi %add3A_1505, %masked_cummax3A_1534 : vector<16xi32>
      %get3A_1536 = arith.constant 800 : index
      %get3A_1537 = tpu.vector_load %arg10[%get3A_1536] {strides = array<i32>} : memref<1024xf32, #tpu.memory_space<vmem>>, vector<16xf32>,
      %gt3A_1538 = arith.cmpf ogt, %get3A_1537, %broadcast_in_dim3A_41 : vector<16xf32>
      %convert_element_type3A_1539 = arith.extui %gt3A_1538 : vector<16xi1> to vector<16xi32>
      %broadcast_in_dim3A_1540 = arith.constant true
      %broadcast_in_dim3A_1541 = vector.broadcast %broadcast_in_dim3A_1540 : i1 to vector<16xi1>
      %masked_cumsum3A_1542 = tpu.scan <sum>, %convert_element_type3A_1539 masked %broadcast_in_dim3A_1541 : vector<16xi32>, vector<16xi1> -> vector<16xi32>
      %sub3A_1543 = arith.subi %masked_cumsum3A_1542, %convert_element_type3A_1539 : vector<16xi32>
      %add3A_1544 = arith.addi %sub3A_1543, %add3A_1535 : vector<16xi32>
      %lt3A_1545 = arith.cmpi slt, %add3A_1544, %broadcast_in_dim3A_43 : vector<16xi32>
      %and3A_1546 = arith.andi %gt3A_1538, %lt3A_1545 : vector<16xi1>
      %broadcast_in_dim3A_1547 = arith.constant 800 : i32
      %broadcast_in_dim3A_1548 = vector.broadcast %broadcast_in_dim3A_1547 : i32 to vector<16xi32>
      %add3A_1549 = arith.addi %broadcast_in_dim3A_1548, %iota3A : vector<16xi32>
      tpu.vector_store_idx %arg13[%add3A_1544], %add3A_1549 masked %and3A_1546 : memref<64xi32, #tpu.memory_space<vmem>>[vector<16xi32>], vector<16xi32>, vector<16xi1>
      tpu.vector_store_idx %arg16[%add3A_1544], %broadcast_in_dim3A_37 masked %and3A_1546 : memref<64xi32, #tpu.memory_space<vmem>>[vector<16xi32>], vector<16xi32>, vector<16xi1>
      %convert_element_type3A_1550 = arith.extui %and3A_1546 : vector<16xi1> to vector<16xi32>
      %swap3A_1551 = arith.constant 800 : index
      %swap3A_1552 = tpu.vector_load %arg12[%swap3A_1551] {strides = array<i32>} : memref<1024xi32, #tpu.memory_space<vmem>>, vector<16xi32>,
      tpu.vector_store %arg12[%swap3A_1551], %convert_element_type3A_1550 {strides = array<i32>} : memref<1024xi32, #tpu.memory_space<vmem>>, vector<16xi32>,
      %rev3A_1553 = arith.constant 15 : i32
      %rev3A_1554 = vector.broadcast %rev3A_1553 : i32 to vector<16xi32>
      %rev3A_1555 = tpu.iota {dimensions = array<i32: 0>} : vector<16xi32>
      %rev3A_1556 = arith.subi %rev3A_1554, %rev3A_1555 : vector<16xi32>
      %rev3A_1557 = tpu.dynamic_gather %masked_cumsum3A_1542[%rev3A_1556] in [0] : vector<16xi32>, vector<16xi32> -> vector<16xi32>
      %broadcast_in_dim3A_1558 = arith.constant true
      %broadcast_in_dim3A_1559 = vector.broadcast %broadcast_in_dim3A_1558 : i1 to vector<16xi1>
      %masked_cummax3A_1560 = arith.constant -2147483648 : i32
      %masked_cummax3A_1561 = vector.broadcast %masked_cummax3A_1560 : i32 to vector<16xi32>
      %masked_cummax3A_1562 = arith.xori %rev3A_1557, %masked_cummax3A_1561 : vector<16xi32>
      %masked_cummax3A_1563 = tpu.scan <max>, %masked_cummax3A_1562 masked %broadcast_in_dim3A_1559 : vector<16xi32>, vector<16xi1> -> vector<16xi32>
      %masked_cummax3A_1564 = arith.xori %masked_cummax3A_1563, %masked_cummax3A_1561 : vector<16xi32>
      %add3A_1565 = arith.addi %add3A_1535, %masked_cummax3A_1564 : vector<16xi32>
      %get3A_1566 = arith.constant 816 : index
      %get3A_1567 = tpu.vector_load %arg10[%get3A_1566] {strides = array<i32>} : memref<1024xf32, #tpu.memory_space<vmem>>, vector<16xf32>,
      %gt3A_1568 = arith.cmpf ogt, %get3A_1567, %broadcast_in_dim3A_41 : vector<16xf32>
      %convert_element_type3A_1569 = arith.extui %gt3A_1568 : vector<16xi1> to vector<16xi32>
      %broadcast_in_dim3A_1570 = arith.constant true
      %broadcast_in_dim3A_1571 = vector.broadcast %broadcast_in_dim3A_1570 : i1 to vector<16xi1>
      %masked_cumsum3A_1572 = tpu.scan <sum>, %convert_element_type3A_1569 masked %broadcast_in_dim3A_1571 : vector<16xi32>, vector<16xi1> -> vector<16xi32>
      %sub3A_1573 = arith.subi %masked_cumsum3A_1572, %convert_element_type3A_1569 : vector<16xi32>
      %add3A_1574 = arith.addi %sub3A_1573, %add3A_1565 : vector<16xi32>
      %lt3A_1575 = arith.cmpi slt, %add3A_1574, %broadcast_in_dim3A_43 : vector<16xi32>
      %and3A_1576 = arith.andi %gt3A_1568, %lt3A_1575 : vector<16xi1>
      %broadcast_in_dim3A_1577 = arith.constant 816 : i32
      %broadcast_in_dim3A_1578 = vector.broadcast %broadcast_in_dim3A_1577 : i32 to vector<16xi32>
      %add3A_1579 = arith.addi %broadcast_in_dim3A_1578, %iota3A : vector<16xi32>
      tpu.vector_store_idx %arg13[%add3A_1574], %add3A_1579 masked %and3A_1576 : memref<64xi32, #tpu.memory_space<vmem>>[vector<16xi32>], vector<16xi32>, vector<16xi1>
      tpu.vector_store_idx %arg16[%add3A_1574], %broadcast_in_dim3A_37 masked %and3A_1576 : memref<64xi32, #tpu.memory_space<vmem>>[vector<16xi32>], vector<16xi32>, vector<16xi1>
      %convert_element_type3A_1580 = arith.extui %and3A_1576 : vector<16xi1> to vector<16xi32>
      %swap3A_1581 = arith.constant 816 : index
      %swap3A_1582 = tpu.vector_load %arg12[%swap3A_1581] {strides = array<i32>} : memref<1024xi32, #tpu.memory_space<vmem>>, vector<16xi32>,
      tpu.vector_store %arg12[%swap3A_1581], %convert_element_type3A_1580 {strides = array<i32>} : memref<1024xi32, #tpu.memory_space<vmem>>, vector<16xi32>,
      %rev3A_1583 = arith.constant 15 : i32
      %rev3A_1584 = vector.broadcast %rev3A_1583 : i32 to vector<16xi32>
      %rev3A_1585 = tpu.iota {dimensions = array<i32: 0>} : vector<16xi32>
      %rev3A_1586 = arith.subi %rev3A_1584, %rev3A_1585 : vector<16xi32>
      %rev3A_1587 = tpu.dynamic_gather %masked_cumsum3A_1572[%rev3A_1586] in [0] : vector<16xi32>, vector<16xi32> -> vector<16xi32>
      %broadcast_in_dim3A_1588 = arith.constant true
      %broadcast_in_dim3A_1589 = vector.broadcast %broadcast_in_dim3A_1588 : i1 to vector<16xi1>
      %masked_cummax3A_1590 = arith.constant -2147483648 : i32
      %masked_cummax3A_1591 = vector.broadcast %masked_cummax3A_1590 : i32 to vector<16xi32>
      %masked_cummax3A_1592 = arith.xori %rev3A_1587, %masked_cummax3A_1591 : vector<16xi32>
      %masked_cummax3A_1593 = tpu.scan <max>, %masked_cummax3A_1592 masked %broadcast_in_dim3A_1589 : vector<16xi32>, vector<16xi1> -> vector<16xi32>
      %masked_cummax3A_1594 = arith.xori %masked_cummax3A_1593, %masked_cummax3A_1591 : vector<16xi32>
      %add3A_1595 = arith.addi %add3A_1565, %masked_cummax3A_1594 : vector<16xi32>
      %get3A_1596 = arith.constant 832 : index
      %get3A_1597 = tpu.vector_load %arg10[%get3A_1596] {strides = array<i32>} : memref<1024xf32, #tpu.memory_space<vmem>>, vector<16xf32>,
      %gt3A_1598 = arith.cmpf ogt, %get3A_1597, %broadcast_in_dim3A_41 : vector<16xf32>
      %convert_element_type3A_1599 = arith.extui %gt3A_1598 : vector<16xi1> to vector<16xi32>
      %broadcast_in_dim3A_1600 = arith.constant true
      %broadcast_in_dim3A_1601 = vector.broadcast %broadcast_in_dim3A_1600 : i1 to vector<16xi1>
      %masked_cumsum3A_1602 = tpu.scan <sum>, %convert_element_type3A_1599 masked %broadcast_in_dim3A_1601 : vector<16xi32>, vector<16xi1> -> vector<16xi32>
      %sub3A_1603 = arith.subi %masked_cumsum3A_1602, %convert_element_type3A_1599 : vector<16xi32>
      %add3A_1604 = arith.addi %sub3A_1603, %add3A_1595 : vector<16xi32>
      %lt3A_1605 = arith.cmpi slt, %add3A_1604, %broadcast_in_dim3A_43 : vector<16xi32>
      %and3A_1606 = arith.andi %gt3A_1598, %lt3A_1605 : vector<16xi1>
      %broadcast_in_dim3A_1607 = arith.constant 832 : i32
      %broadcast_in_dim3A_1608 = vector.broadcast %broadcast_in_dim3A_1607 : i32 to vector<16xi32>
      %add3A_1609 = arith.addi %broadcast_in_dim3A_1608, %iota3A : vector<16xi32>
      tpu.vector_store_idx %arg13[%add3A_1604], %add3A_1609 masked %and3A_1606 : memref<64xi32, #tpu.memory_space<vmem>>[vector<16xi32>], vector<16xi32>, vector<16xi1>
      tpu.vector_store_idx %arg16[%add3A_1604], %broadcast_in_dim3A_37 masked %and3A_1606 : memref<64xi32, #tpu.memory_space<vmem>>[vector<16xi32>], vector<16xi32>, vector<16xi1>
      %convert_element_type3A_1610 = arith.extui %and3A_1606 : vector<16xi1> to vector<16xi32>
      %swap3A_1611 = arith.constant 832 : index
      %swap3A_1612 = tpu.vector_load %arg12[%swap3A_1611] {strides = array<i32>} : memref<1024xi32, #tpu.memory_space<vmem>>, vector<16xi32>,
      tpu.vector_store %arg12[%swap3A_1611], %convert_element_type3A_1610 {strides = array<i32>} : memref<1024xi32, #tpu.memory_space<vmem>>, vector<16xi32>,
      %rev3A_1613 = arith.constant 15 : i32
      %rev3A_1614 = vector.broadcast %rev3A_1613 : i32 to vector<16xi32>
      %rev3A_1615 = tpu.iota {dimensions = array<i32: 0>} : vector<16xi32>
      %rev3A_1616 = arith.subi %rev3A_1614, %rev3A_1615 : vector<16xi32>
      %rev3A_1617 = tpu.dynamic_gather %masked_cumsum3A_1602[%rev3A_1616] in [0] : vector<16xi32>, vector<16xi32> -> vector<16xi32>
      %broadcast_in_dim3A_1618 = arith.constant true
      %broadcast_in_dim3A_1619 = vector.broadcast %broadcast_in_dim3A_1618 : i1 to vector<16xi1>
      %masked_cummax3A_1620 = arith.constant -2147483648 : i32
      %masked_cummax3A_1621 = vector.broadcast %masked_cummax3A_1620 : i32 to vector<16xi32>
      %masked_cummax3A_1622 = arith.xori %rev3A_1617, %masked_cummax3A_1621 : vector<16xi32>
      %masked_cummax3A_1623 = tpu.scan <max>, %masked_cummax3A_1622 masked %broadcast_in_dim3A_1619 : vector<16xi32>, vector<16xi1> -> vector<16xi32>
      %masked_cummax3A_1624 = arith.xori %masked_cummax3A_1623, %masked_cummax3A_1621 : vector<16xi32>
      %add3A_1625 = arith.addi %add3A_1595, %masked_cummax3A_1624 : vector<16xi32>
      %get3A_1626 = arith.constant 848 : index
      %get3A_1627 = tpu.vector_load %arg10[%get3A_1626] {strides = array<i32>} : memref<1024xf32, #tpu.memory_space<vmem>>, vector<16xf32>,
      %gt3A_1628 = arith.cmpf ogt, %get3A_1627, %broadcast_in_dim3A_41 : vector<16xf32>
      %convert_element_type3A_1629 = arith.extui %gt3A_1628 : vector<16xi1> to vector<16xi32>
      %broadcast_in_dim3A_1630 = arith.constant true
      %broadcast_in_dim3A_1631 = vector.broadcast %broadcast_in_dim3A_1630 : i1 to vector<16xi1>
      %masked_cumsum3A_1632 = tpu.scan <sum>, %convert_element_type3A_1629 masked %broadcast_in_dim3A_1631 : vector<16xi32>, vector<16xi1> -> vector<16xi32>
      %sub3A_1633 = arith.subi %masked_cumsum3A_1632, %convert_element_type3A_1629 : vector<16xi32>
      %add3A_1634 = arith.addi %sub3A_1633, %add3A_1625 : vector<16xi32>
      %lt3A_1635 = arith.cmpi slt, %add3A_1634, %broadcast_in_dim3A_43 : vector<16xi32>
      %and3A_1636 = arith.andi %gt3A_1628, %lt3A_1635 : vector<16xi1>
      %broadcast_in_dim3A_1637 = arith.constant 848 : i32
      %broadcast_in_dim3A_1638 = vector.broadcast %broadcast_in_dim3A_1637 : i32 to vector<16xi32>
      %add3A_1639 = arith.addi %broadcast_in_dim3A_1638, %iota3A : vector<16xi32>
      tpu.vector_store_idx %arg13[%add3A_1634], %add3A_1639 masked %and3A_1636 : memref<64xi32, #tpu.memory_space<vmem>>[vector<16xi32>], vector<16xi32>, vector<16xi1>
      tpu.vector_store_idx %arg16[%add3A_1634], %broadcast_in_dim3A_37 masked %and3A_1636 : memref<64xi32, #tpu.memory_space<vmem>>[vector<16xi32>], vector<16xi32>, vector<16xi1>
      %convert_element_type3A_1640 = arith.extui %and3A_1636 : vector<16xi1> to vector<16xi32>
      %swap3A_1641 = arith.constant 848 : index
      %swap3A_1642 = tpu.vector_load %arg12[%swap3A_1641] {strides = array<i32>} : memref<1024xi32, #tpu.memory_space<vmem>>, vector<16xi32>,
      tpu.vector_store %arg12[%swap3A_1641], %convert_element_type3A_1640 {strides = array<i32>} : memref<1024xi32, #tpu.memory_space<vmem>>, vector<16xi32>,
      %rev3A_1643 = arith.constant 15 : i32
      %rev3A_1644 = vector.broadcast %rev3A_1643 : i32 to vector<16xi32>
      %rev3A_1645 = tpu.iota {dimensions = array<i32: 0>} : vector<16xi32>
      %rev3A_1646 = arith.subi %rev3A_1644, %rev3A_1645 : vector<16xi32>
      %rev3A_1647 = tpu.dynamic_gather %masked_cumsum3A_1632[%rev3A_1646] in [0] : vector<16xi32>, vector<16xi32> -> vector<16xi32>
      %broadcast_in_dim3A_1648 = arith.constant true
      %broadcast_in_dim3A_1649 = vector.broadcast %broadcast_in_dim3A_1648 : i1 to vector<16xi1>
      %masked_cummax3A_1650 = arith.constant -2147483648 : i32
      %masked_cummax3A_1651 = vector.broadcast %masked_cummax3A_1650 : i32 to vector<16xi32>
      %masked_cummax3A_1652 = arith.xori %rev3A_1647, %masked_cummax3A_1651 : vector<16xi32>
      %masked_cummax3A_1653 = tpu.scan <max>, %masked_cummax3A_1652 masked %broadcast_in_dim3A_1649 : vector<16xi32>, vector<16xi1> -> vector<16xi32>
      %masked_cummax3A_1654 = arith.xori %masked_cummax3A_1653, %masked_cummax3A_1651 : vector<16xi32>
      %add3A_1655 = arith.addi %add3A_1625, %masked_cummax3A_1654 : vector<16xi32>
      %get3A_1656 = arith.constant 864 : index
      %get3A_1657 = tpu.vector_load %arg10[%get3A_1656] {strides = array<i32>} : memref<1024xf32, #tpu.memory_space<vmem>>, vector<16xf32>,
      %gt3A_1658 = arith.cmpf ogt, %get3A_1657, %broadcast_in_dim3A_41 : vector<16xf32>
      %convert_element_type3A_1659 = arith.extui %gt3A_1658 : vector<16xi1> to vector<16xi32>
      %broadcast_in_dim3A_1660 = arith.constant true
      %broadcast_in_dim3A_1661 = vector.broadcast %broadcast_in_dim3A_1660 : i1 to vector<16xi1>
      %masked_cumsum3A_1662 = tpu.scan <sum>, %convert_element_type3A_1659 masked %broadcast_in_dim3A_1661 : vector<16xi32>, vector<16xi1> -> vector<16xi32>
      %sub3A_1663 = arith.subi %masked_cumsum3A_1662, %convert_element_type3A_1659 : vector<16xi32>
      %add3A_1664 = arith.addi %sub3A_1663, %add3A_1655 : vector<16xi32>
      %lt3A_1665 = arith.cmpi slt, %add3A_1664, %broadcast_in_dim3A_43 : vector<16xi32>
      %and3A_1666 = arith.andi %gt3A_1658, %lt3A_1665 : vector<16xi1>
      %broadcast_in_dim3A_1667 = arith.constant 864 : i32
      %broadcast_in_dim3A_1668 = vector.broadcast %broadcast_in_dim3A_1667 : i32 to vector<16xi32>
      %add3A_1669 = arith.addi %broadcast_in_dim3A_1668, %iota3A : vector<16xi32>
      tpu.vector_store_idx %arg13[%add3A_1664], %add3A_1669 masked %and3A_1666 : memref<64xi32, #tpu.memory_space<vmem>>[vector<16xi32>], vector<16xi32>, vector<16xi1>
      tpu.vector_store_idx %arg16[%add3A_1664], %broadcast_in_dim3A_37 masked %and3A_1666 : memref<64xi32, #tpu.memory_space<vmem>>[vector<16xi32>], vector<16xi32>, vector<16xi1>
      %convert_element_type3A_1670 = arith.extui %and3A_1666 : vector<16xi1> to vector<16xi32>
      %swap3A_1671 = arith.constant 864 : index
      %swap3A_1672 = tpu.vector_load %arg12[%swap3A_1671] {strides = array<i32>} : memref<1024xi32, #tpu.memory_space<vmem>>, vector<16xi32>,
      tpu.vector_store %arg12[%swap3A_1671], %convert_element_type3A_1670 {strides = array<i32>} : memref<1024xi32, #tpu.memory_space<vmem>>, vector<16xi32>,
      %rev3A_1673 = arith.constant 15 : i32
      %rev3A_1674 = vector.broadcast %rev3A_1673 : i32 to vector<16xi32>
      %rev3A_1675 = tpu.iota {dimensions = array<i32: 0>} : vector<16xi32>
      %rev3A_1676 = arith.subi %rev3A_1674, %rev3A_1675 : vector<16xi32>
      %rev3A_1677 = tpu.dynamic_gather %masked_cumsum3A_1662[%rev3A_1676] in [0] : vector<16xi32>, vector<16xi32> -> vector<16xi32>
      %broadcast_in_dim3A_1678 = arith.constant true
      %broadcast_in_dim3A_1679 = vector.broadcast %broadcast_in_dim3A_1678 : i1 to vector<16xi1>
      %masked_cummax3A_1680 = arith.constant -2147483648 : i32
      %masked_cummax3A_1681 = vector.broadcast %masked_cummax3A_1680 : i32 to vector<16xi32>
      %masked_cummax3A_1682 = arith.xori %rev3A_1677, %masked_cummax3A_1681 : vector<16xi32>
      %masked_cummax3A_1683 = tpu.scan <max>, %masked_cummax3A_1682 masked %broadcast_in_dim3A_1679 : vector<16xi32>, vector<16xi1> -> vector<16xi32>
      %masked_cummax3A_1684 = arith.xori %masked_cummax3A_1683, %masked_cummax3A_1681 : vector<16xi32>
      %add3A_1685 = arith.addi %add3A_1655, %masked_cummax3A_1684 : vector<16xi32>
      %get3A_1686 = arith.constant 880 : index
      %get3A_1687 = tpu.vector_load %arg10[%get3A_1686] {strides = array<i32>} : memref<1024xf32, #tpu.memory_space<vmem>>, vector<16xf32>,
      %gt3A_1688 = arith.cmpf ogt, %get3A_1687, %broadcast_in_dim3A_41 : vector<16xf32>
      %convert_element_type3A_1689 = arith.extui %gt3A_1688 : vector<16xi1> to vector<16xi32>
      %broadcast_in_dim3A_1690 = arith.constant true
      %broadcast_in_dim3A_1691 = vector.broadcast %broadcast_in_dim3A_1690 : i1 to vector<16xi1>
      %masked_cumsum3A_1692 = tpu.scan <sum>, %convert_element_type3A_1689 masked %broadcast_in_dim3A_1691 : vector<16xi32>, vector<16xi1> -> vector<16xi32>
      %sub3A_1693 = arith.subi %masked_cumsum3A_1692, %convert_element_type3A_1689 : vector<16xi32>
      %add3A_1694 = arith.addi %sub3A_1693, %add3A_1685 : vector<16xi32>
      %lt3A_1695 = arith.cmpi slt, %add3A_1694, %broadcast_in_dim3A_43 : vector<16xi32>
      %and3A_1696 = arith.andi %gt3A_1688, %lt3A_1695 : vector<16xi1>
      %broadcast_in_dim3A_1697 = arith.constant 880 : i32
      %broadcast_in_dim3A_1698 = vector.broadcast %broadcast_in_dim3A_1697 : i32 to vector<16xi32>
      %add3A_1699 = arith.addi %broadcast_in_dim3A_1698, %iota3A : vector<16xi32>
      tpu.vector_store_idx %arg13[%add3A_1694], %add3A_1699 masked %and3A_1696 : memref<64xi32, #tpu.memory_space<vmem>>[vector<16xi32>], vector<16xi32>, vector<16xi1>
      tpu.vector_store_idx %arg16[%add3A_1694], %broadcast_in_dim3A_37 masked %and3A_1696 : memref<64xi32, #tpu.memory_space<vmem>>[vector<16xi32>], vector<16xi32>, vector<16xi1>
      %convert_element_type3A_1700 = arith.extui %and3A_1696 : vector<16xi1> to vector<16xi32>
      %swap3A_1701 = arith.constant 880 : index
      %swap3A_1702 = tpu.vector_load %arg12[%swap3A_1701] {strides = array<i32>} : memref<1024xi32, #tpu.memory_space<vmem>>, vector<16xi32>,
      tpu.vector_store %arg12[%swap3A_1701], %convert_element_type3A_1700 {strides = array<i32>} : memref<1024xi32, #tpu.memory_space<vmem>>, vector<16xi32>,
      %rev3A_1703 = arith.constant 15 : i32
      %rev3A_1704 = vector.broadcast %rev3A_1703 : i32 to vector<16xi32>
      %rev3A_1705 = tpu.iota {dimensions = array<i32: 0>} : vector<16xi32>
      %rev3A_1706 = arith.subi %rev3A_1704, %rev3A_1705 : vector<16xi32>
      %rev3A_1707 = tpu.dynamic_gather %masked_cumsum3A_1692[%rev3A_1706] in [0] : vector<16xi32>, vector<16xi32> -> vector<16xi32>
      %broadcast_in_dim3A_1708 = arith.constant true
      %broadcast_in_dim3A_1709 = vector.broadcast %broadcast_in_dim3A_1708 : i1 to vector<16xi1>
      %masked_cummax3A_1710 = arith.constant -2147483648 : i32
      %masked_cummax3A_1711 = vector.broadcast %masked_cummax3A_1710 : i32 to vector<16xi32>
      %masked_cummax3A_1712 = arith.xori %rev3A_1707, %masked_cummax3A_1711 : vector<16xi32>
      %masked_cummax3A_1713 = tpu.scan <max>, %masked_cummax3A_1712 masked %broadcast_in_dim3A_1709 : vector<16xi32>, vector<16xi1> -> vector<16xi32>
      %masked_cummax3A_1714 = arith.xori %masked_cummax3A_1713, %masked_cummax3A_1711 : vector<16xi32>
      %add3A_1715 = arith.addi %add3A_1685, %masked_cummax3A_1714 : vector<16xi32>
      %get3A_1716 = arith.constant 896 : index
      %get3A_1717 = tpu.vector_load %arg10[%get3A_1716] {strides = array<i32>} : memref<1024xf32, #tpu.memory_space<vmem>>, vector<16xf32>,
      %gt3A_1718 = arith.cmpf ogt, %get3A_1717, %broadcast_in_dim3A_41 : vector<16xf32>
      %convert_element_type3A_1719 = arith.extui %gt3A_1718 : vector<16xi1> to vector<16xi32>
      %broadcast_in_dim3A_1720 = arith.constant true
      %broadcast_in_dim3A_1721 = vector.broadcast %broadcast_in_dim3A_1720 : i1 to vector<16xi1>
      %masked_cumsum3A_1722 = tpu.scan <sum>, %convert_element_type3A_1719 masked %broadcast_in_dim3A_1721 : vector<16xi32>, vector<16xi1> -> vector<16xi32>
      %sub3A_1723 = arith.subi %masked_cumsum3A_1722, %convert_element_type3A_1719 : vector<16xi32>
      %add3A_1724 = arith.addi %sub3A_1723, %add3A_1715 : vector<16xi32>
      %lt3A_1725 = arith.cmpi slt, %add3A_1724, %broadcast_in_dim3A_43 : vector<16xi32>
      %and3A_1726 = arith.andi %gt3A_1718, %lt3A_1725 : vector<16xi1>
      %broadcast_in_dim3A_1727 = arith.constant 896 : i32
      %broadcast_in_dim3A_1728 = vector.broadcast %broadcast_in_dim3A_1727 : i32 to vector<16xi32>
      %add3A_1729 = arith.addi %broadcast_in_dim3A_1728, %iota3A : vector<16xi32>
      tpu.vector_store_idx %arg13[%add3A_1724], %add3A_1729 masked %and3A_1726 : memref<64xi32, #tpu.memory_space<vmem>>[vector<16xi32>], vector<16xi32>, vector<16xi1>
      tpu.vector_store_idx %arg16[%add3A_1724], %broadcast_in_dim3A_37 masked %and3A_1726 : memref<64xi32, #tpu.memory_space<vmem>>[vector<16xi32>], vector<16xi32>, vector<16xi1>
      %convert_element_type3A_1730 = arith.extui %and3A_1726 : vector<16xi1> to vector<16xi32>
      %swap3A_1731 = arith.constant 896 : index
      %swap3A_1732 = tpu.vector_load %arg12[%swap3A_1731] {strides = array<i32>} : memref<1024xi32, #tpu.memory_space<vmem>>, vector<16xi32>,
      tpu.vector_store %arg12[%swap3A_1731], %convert_element_type3A_1730 {strides = array<i32>} : memref<1024xi32, #tpu.memory_space<vmem>>, vector<16xi32>,
      %rev3A_1733 = arith.constant 15 : i32
      %rev3A_1734 = vector.broadcast %rev3A_1733 : i32 to vector<16xi32>
      %rev3A_1735 = tpu.iota {dimensions = array<i32: 0>} : vector<16xi32>
      %rev3A_1736 = arith.subi %rev3A_1734, %rev3A_1735 : vector<16xi32>
      %rev3A_1737 = tpu.dynamic_gather %masked_cumsum3A_1722[%rev3A_1736] in [0] : vector<16xi32>, vector<16xi32> -> vector<16xi32>
      %broadcast_in_dim3A_1738 = arith.constant true
      %broadcast_in_dim3A_1739 = vector.broadcast %broadcast_in_dim3A_1738 : i1 to vector<16xi1>
      %masked_cummax3A_1740 = arith.constant -2147483648 : i32
      %masked_cummax3A_1741 = vector.broadcast %masked_cummax3A_1740 : i32 to vector<16xi32>
      %masked_cummax3A_1742 = arith.xori %rev3A_1737, %masked_cummax3A_1741 : vector<16xi32>
      %masked_cummax3A_1743 = tpu.scan <max>, %masked_cummax3A_1742 masked %broadcast_in_dim3A_1739 : vector<16xi32>, vector<16xi1> -> vector<16xi32>
      %masked_cummax3A_1744 = arith.xori %masked_cummax3A_1743, %masked_cummax3A_1741 : vector<16xi32>
      %add3A_1745 = arith.addi %add3A_1715, %masked_cummax3A_1744 : vector<16xi32>
      %get3A_1746 = arith.constant 912 : index
      %get3A_1747 = tpu.vector_load %arg10[%get3A_1746] {strides = array<i32>} : memref<1024xf32, #tpu.memory_space<vmem>>, vector<16xf32>,
      %gt3A_1748 = arith.cmpf ogt, %get3A_1747, %broadcast_in_dim3A_41 : vector<16xf32>
      %convert_element_type3A_1749 = arith.extui %gt3A_1748 : vector<16xi1> to vector<16xi32>
      %broadcast_in_dim3A_1750 = arith.constant true
      %broadcast_in_dim3A_1751 = vector.broadcast %broadcast_in_dim3A_1750 : i1 to vector<16xi1>
      %masked_cumsum3A_1752 = tpu.scan <sum>, %convert_element_type3A_1749 masked %broadcast_in_dim3A_1751 : vector<16xi32>, vector<16xi1> -> vector<16xi32>
      %sub3A_1753 = arith.subi %masked_cumsum3A_1752, %convert_element_type3A_1749 : vector<16xi32>
      %add3A_1754 = arith.addi %sub3A_1753, %add3A_1745 : vector<16xi32>
      %lt3A_1755 = arith.cmpi slt, %add3A_1754, %broadcast_in_dim3A_43 : vector<16xi32>
      %and3A_1756 = arith.andi %gt3A_1748, %lt3A_1755 : vector<16xi1>
      %broadcast_in_dim3A_1757 = arith.constant 912 : i32
      %broadcast_in_dim3A_1758 = vector.broadcast %broadcast_in_dim3A_1757 : i32 to vector<16xi32>
      %add3A_1759 = arith.addi %broadcast_in_dim3A_1758, %iota3A : vector<16xi32>
      tpu.vector_store_idx %arg13[%add3A_1754], %add3A_1759 masked %and3A_1756 : memref<64xi32, #tpu.memory_space<vmem>>[vector<16xi32>], vector<16xi32>, vector<16xi1>
      tpu.vector_store_idx %arg16[%add3A_1754], %broadcast_in_dim3A_37 masked %and3A_1756 : memref<64xi32, #tpu.memory_space<vmem>>[vector<16xi32>], vector<16xi32>, vector<16xi1>
      %convert_element_type3A_1760 = arith.extui %and3A_1756 : vector<16xi1> to vector<16xi32>
      %swap3A_1761 = arith.constant 912 : index
      %swap3A_1762 = tpu.vector_load %arg12[%swap3A_1761] {strides = array<i32>} : memref<1024xi32, #tpu.memory_space<vmem>>, vector<16xi32>,
      tpu.vector_store %arg12[%swap3A_1761], %convert_element_type3A_1760 {strides = array<i32>} : memref<1024xi32, #tpu.memory_space<vmem>>, vector<16xi32>,
      %rev3A_1763 = arith.constant 15 : i32
      %rev3A_1764 = vector.broadcast %rev3A_1763 : i32 to vector<16xi32>
      %rev3A_1765 = tpu.iota {dimensions = array<i32: 0>} : vector<16xi32>
      %rev3A_1766 = arith.subi %rev3A_1764, %rev3A_1765 : vector<16xi32>
      %rev3A_1767 = tpu.dynamic_gather %masked_cumsum3A_1752[%rev3A_1766] in [0] : vector<16xi32>, vector<16xi32> -> vector<16xi32>
      %broadcast_in_dim3A_1768 = arith.constant true
      %broadcast_in_dim3A_1769 = vector.broadcast %broadcast_in_dim3A_1768 : i1 to vector<16xi1>
      %masked_cummax3A_1770 = arith.constant -2147483648 : i32
      %masked_cummax3A_1771 = vector.broadcast %masked_cummax3A_1770 : i32 to vector<16xi32>
      %masked_cummax3A_1772 = arith.xori %rev3A_1767, %masked_cummax3A_1771 : vector<16xi32>
      %masked_cummax3A_1773 = tpu.scan <max>, %masked_cummax3A_1772 masked %broadcast_in_dim3A_1769 : vector<16xi32>, vector<16xi1> -> vector<16xi32>
      %masked_cummax3A_1774 = arith.xori %masked_cummax3A_1773, %masked_cummax3A_1771 : vector<16xi32>
      %add3A_1775 = arith.addi %add3A_1745, %masked_cummax3A_1774 : vector<16xi32>
      %get3A_1776 = arith.constant 928 : index
      %get3A_1777 = tpu.vector_load %arg10[%get3A_1776] {strides = array<i32>} : memref<1024xf32, #tpu.memory_space<vmem>>, vector<16xf32>,
      %gt3A_1778 = arith.cmpf ogt, %get3A_1777, %broadcast_in_dim3A_41 : vector<16xf32>
      %convert_element_type3A_1779 = arith.extui %gt3A_1778 : vector<16xi1> to vector<16xi32>
      %broadcast_in_dim3A_1780 = arith.constant true
      %broadcast_in_dim3A_1781 = vector.broadcast %broadcast_in_dim3A_1780 : i1 to vector<16xi1>
      %masked_cumsum3A_1782 = tpu.scan <sum>, %convert_element_type3A_1779 masked %broadcast_in_dim3A_1781 : vector<16xi32>, vector<16xi1> -> vector<16xi32>
      %sub3A_1783 = arith.subi %masked_cumsum3A_1782, %convert_element_type3A_1779 : vector<16xi32>
      %add3A_1784 = arith.addi %sub3A_1783, %add3A_1775 : vector<16xi32>
      %lt3A_1785 = arith.cmpi slt, %add3A_1784, %broadcast_in_dim3A_43 : vector<16xi32>
      %and3A_1786 = arith.andi %gt3A_1778, %lt3A_1785 : vector<16xi1>
      %broadcast_in_dim3A_1787 = arith.constant 928 : i32
      %broadcast_in_dim3A_1788 = vector.broadcast %broadcast_in_dim3A_1787 : i32 to vector<16xi32>
      %add3A_1789 = arith.addi %broadcast_in_dim3A_1788, %iota3A : vector<16xi32>
      tpu.vector_store_idx %arg13[%add3A_1784], %add3A_1789 masked %and3A_1786 : memref<64xi32, #tpu.memory_space<vmem>>[vector<16xi32>], vector<16xi32>, vector<16xi1>
      tpu.vector_store_idx %arg16[%add3A_1784], %broadcast_in_dim3A_37 masked %and3A_1786 : memref<64xi32, #tpu.memory_space<vmem>>[vector<16xi32>], vector<16xi32>, vector<16xi1>
      %convert_element_type3A_1790 = arith.extui %and3A_1786 : vector<16xi1> to vector<16xi32>
      %swap3A_1791 = arith.constant 928 : index
      %swap3A_1792 = tpu.vector_load %arg12[%swap3A_1791] {strides = array<i32>} : memref<1024xi32, #tpu.memory_space<vmem>>, vector<16xi32>,
      tpu.vector_store %arg12[%swap3A_1791], %convert_element_type3A_1790 {strides = array<i32>} : memref<1024xi32, #tpu.memory_space<vmem>>, vector<16xi32>,
      %rev3A_1793 = arith.constant 15 : i32
      %rev3A_1794 = vector.broadcast %rev3A_1793 : i32 to vector<16xi32>
      %rev3A_1795 = tpu.iota {dimensions = array<i32: 0>} : vector<16xi32>
      %rev3A_1796 = arith.subi %rev3A_1794, %rev3A_1795 : vector<16xi32>
      %rev3A_1797 = tpu.dynamic_gather %masked_cumsum3A_1782[%rev3A_1796] in [0] : vector<16xi32>, vector<16xi32> -> vector<16xi32>
      %broadcast_in_dim3A_1798 = arith.constant true
      %broadcast_in_dim3A_1799 = vector.broadcast %broadcast_in_dim3A_1798 : i1 to vector<16xi1>
      %masked_cummax3A_1800 = arith.constant -2147483648 : i32
      %masked_cummax3A_1801 = vector.broadcast %masked_cummax3A_1800 : i32 to vector<16xi32>
      %masked_cummax3A_1802 = arith.xori %rev3A_1797, %masked_cummax3A_1801 : vector<16xi32>
      %masked_cummax3A_1803 = tpu.scan <max>, %masked_cummax3A_1802 masked %broadcast_in_dim3A_1799 : vector<16xi32>, vector<16xi1> -> vector<16xi32>
      %masked_cummax3A_1804 = arith.xori %masked_cummax3A_1803, %masked_cummax3A_1801 : vector<16xi32>
      %add3A_1805 = arith.addi %add3A_1775, %masked_cummax3A_1804 : vector<16xi32>
      %get3A_1806 = arith.constant 944 : index
      %get3A_1807 = tpu.vector_load %arg10[%get3A_1806] {strides = array<i32>} : memref<1024xf32, #tpu.memory_space<vmem>>, vector<16xf32>,
      %gt3A_1808 = arith.cmpf ogt, %get3A_1807, %broadcast_in_dim3A_41 : vector<16xf32>
      %convert_element_type3A_1809 = arith.extui %gt3A_1808 : vector<16xi1> to vector<16xi32>
      %broadcast_in_dim3A_1810 = arith.constant true
      %broadcast_in_dim3A_1811 = vector.broadcast %broadcast_in_dim3A_1810 : i1 to vector<16xi1>
      %masked_cumsum3A_1812 = tpu.scan <sum>, %convert_element_type3A_1809 masked %broadcast_in_dim3A_1811 : vector<16xi32>, vector<16xi1> -> vector<16xi32>
      %sub3A_1813 = arith.subi %masked_cumsum3A_1812, %convert_element_type3A_1809 : vector<16xi32>
      %add3A_1814 = arith.addi %sub3A_1813, %add3A_1805 : vector<16xi32>
      %lt3A_1815 = arith.cmpi slt, %add3A_1814, %broadcast_in_dim3A_43 : vector<16xi32>
      %and3A_1816 = arith.andi %gt3A_1808, %lt3A_1815 : vector<16xi1>
      %broadcast_in_dim3A_1817 = arith.constant 944 : i32
      %broadcast_in_dim3A_1818 = vector.broadcast %broadcast_in_dim3A_1817 : i32 to vector<16xi32>
      %add3A_1819 = arith.addi %broadcast_in_dim3A_1818, %iota3A : vector<16xi32>
      tpu.vector_store_idx %arg13[%add3A_1814], %add3A_1819 masked %and3A_1816 : memref<64xi32, #tpu.memory_space<vmem>>[vector<16xi32>], vector<16xi32>, vector<16xi1>
      tpu.vector_store_idx %arg16[%add3A_1814], %broadcast_in_dim3A_37 masked %and3A_1816 : memref<64xi32, #tpu.memory_space<vmem>>[vector<16xi32>], vector<16xi32>, vector<16xi1>
      %convert_element_type3A_1820 = arith.extui %and3A_1816 : vector<16xi1> to vector<16xi32>
      %swap3A_1821 = arith.constant 944 : index
      %swap3A_1822 = tpu.vector_load %arg12[%swap3A_1821] {strides = array<i32>} : memref<1024xi32, #tpu.memory_space<vmem>>, vector<16xi32>,
      tpu.vector_store %arg12[%swap3A_1821], %convert_element_type3A_1820 {strides = array<i32>} : memref<1024xi32, #tpu.memory_space<vmem>>, vector<16xi32>,
      %rev3A_1823 = arith.constant 15 : i32
      %rev3A_1824 = vector.broadcast %rev3A_1823 : i32 to vector<16xi32>
      %rev3A_1825 = tpu.iota {dimensions = array<i32: 0>} : vector<16xi32>
      %rev3A_1826 = arith.subi %rev3A_1824, %rev3A_1825 : vector<16xi32>
      %rev3A_1827 = tpu.dynamic_gather %masked_cumsum3A_1812[%rev3A_1826] in [0] : vector<16xi32>, vector<16xi32> -> vector<16xi32>
      %broadcast_in_dim3A_1828 = arith.constant true
      %broadcast_in_dim3A_1829 = vector.broadcast %broadcast_in_dim3A_1828 : i1 to vector<16xi1>
      %masked_cummax3A_1830 = arith.constant -2147483648 : i32
      %masked_cummax3A_1831 = vector.broadcast %masked_cummax3A_1830 : i32 to vector<16xi32>
      %masked_cummax3A_1832 = arith.xori %rev3A_1827, %masked_cummax3A_1831 : vector<16xi32>
      %masked_cummax3A_1833 = tpu.scan <max>, %masked_cummax3A_1832 masked %broadcast_in_dim3A_1829 : vector<16xi32>, vector<16xi1> -> vector<16xi32>
      %masked_cummax3A_1834 = arith.xori %masked_cummax3A_1833, %masked_cummax3A_1831 : vector<16xi32>
      %add3A_1835 = arith.addi %add3A_1805, %masked_cummax3A_1834 : vector<16xi32>
      %get3A_1836 = arith.constant 960 : index
      %get3A_1837 = tpu.vector_load %arg10[%get3A_1836] {strides = array<i32>} : memref<1024xf32, #tpu.memory_space<vmem>>, vector<16xf32>,
      %gt3A_1838 = arith.cmpf ogt, %get3A_1837, %broadcast_in_dim3A_41 : vector<16xf32>
      %convert_element_type3A_1839 = arith.extui %gt3A_1838 : vector<16xi1> to vector<16xi32>
      %broadcast_in_dim3A_1840 = arith.constant true
      %broadcast_in_dim3A_1841 = vector.broadcast %broadcast_in_dim3A_1840 : i1 to vector<16xi1>
      %masked_cumsum3A_1842 = tpu.scan <sum>, %convert_element_type3A_1839 masked %broadcast_in_dim3A_1841 : vector<16xi32>, vector<16xi1> -> vector<16xi32>
      %sub3A_1843 = arith.subi %masked_cumsum3A_1842, %convert_element_type3A_1839 : vector<16xi32>
      %add3A_1844 = arith.addi %sub3A_1843, %add3A_1835 : vector<16xi32>
      %lt3A_1845 = arith.cmpi slt, %add3A_1844, %broadcast_in_dim3A_43 : vector<16xi32>
      %and3A_1846 = arith.andi %gt3A_1838, %lt3A_1845 : vector<16xi1>
      %broadcast_in_dim3A_1847 = arith.constant 960 : i32
      %broadcast_in_dim3A_1848 = vector.broadcast %broadcast_in_dim3A_1847 : i32 to vector<16xi32>
      %add3A_1849 = arith.addi %broadcast_in_dim3A_1848, %iota3A : vector<16xi32>
      tpu.vector_store_idx %arg13[%add3A_1844], %add3A_1849 masked %and3A_1846 : memref<64xi32, #tpu.memory_space<vmem>>[vector<16xi32>], vector<16xi32>, vector<16xi1>
      tpu.vector_store_idx %arg16[%add3A_1844], %broadcast_in_dim3A_37 masked %and3A_1846 : memref<64xi32, #tpu.memory_space<vmem>>[vector<16xi32>], vector<16xi32>, vector<16xi1>
      %convert_element_type3A_1850 = arith.extui %and3A_1846 : vector<16xi1> to vector<16xi32>
      %swap3A_1851 = arith.constant 960 : index
      %swap3A_1852 = tpu.vector_load %arg12[%swap3A_1851] {strides = array<i32>} : memref<1024xi32, #tpu.memory_space<vmem>>, vector<16xi32>,
      tpu.vector_store %arg12[%swap3A_1851], %convert_element_type3A_1850 {strides = array<i32>} : memref<1024xi32, #tpu.memory_space<vmem>>, vector<16xi32>,
      %rev3A_1853 = arith.constant 15 : i32
      %rev3A_1854 = vector.broadcast %rev3A_1853 : i32 to vector<16xi32>
      %rev3A_1855 = tpu.iota {dimensions = array<i32: 0>} : vector<16xi32>
      %rev3A_1856 = arith.subi %rev3A_1854, %rev3A_1855 : vector<16xi32>
      %rev3A_1857 = tpu.dynamic_gather %masked_cumsum3A_1842[%rev3A_1856] in [0] : vector<16xi32>, vector<16xi32> -> vector<16xi32>
      %broadcast_in_dim3A_1858 = arith.constant true
      %broadcast_in_dim3A_1859 = vector.broadcast %broadcast_in_dim3A_1858 : i1 to vector<16xi1>
      %masked_cummax3A_1860 = arith.constant -2147483648 : i32
      %masked_cummax3A_1861 = vector.broadcast %masked_cummax3A_1860 : i32 to vector<16xi32>
      %masked_cummax3A_1862 = arith.xori %rev3A_1857, %masked_cummax3A_1861 : vector<16xi32>
      %masked_cummax3A_1863 = tpu.scan <max>, %masked_cummax3A_1862 masked %broadcast_in_dim3A_1859 : vector<16xi32>, vector<16xi1> -> vector<16xi32>
      %masked_cummax3A_1864 = arith.xori %masked_cummax3A_1863, %masked_cummax3A_1861 : vector<16xi32>
      %add3A_1865 = arith.addi %add3A_1835, %masked_cummax3A_1864 : vector<16xi32>
      %get3A_1866 = arith.constant 976 : index
      %get3A_1867 = tpu.vector_load %arg10[%get3A_1866] {strides = array<i32>} : memref<1024xf32, #tpu.memory_space<vmem>>, vector<16xf32>,
      %gt3A_1868 = arith.cmpf ogt, %get3A_1867, %broadcast_in_dim3A_41 : vector<16xf32>
      %convert_element_type3A_1869 = arith.extui %gt3A_1868 : vector<16xi1> to vector<16xi32>
      %broadcast_in_dim3A_1870 = arith.constant true
      %broadcast_in_dim3A_1871 = vector.broadcast %broadcast_in_dim3A_1870 : i1 to vector<16xi1>
      %masked_cumsum3A_1872 = tpu.scan <sum>, %convert_element_type3A_1869 masked %broadcast_in_dim3A_1871 : vector<16xi32>, vector<16xi1> -> vector<16xi32>
      %sub3A_1873 = arith.subi %masked_cumsum3A_1872, %convert_element_type3A_1869 : vector<16xi32>
      %add3A_1874 = arith.addi %sub3A_1873, %add3A_1865 : vector<16xi32>
      %lt3A_1875 = arith.cmpi slt, %add3A_1874, %broadcast_in_dim3A_43 : vector<16xi32>
      %and3A_1876 = arith.andi %gt3A_1868, %lt3A_1875 : vector<16xi1>
      %broadcast_in_dim3A_1877 = arith.constant 976 : i32
      %broadcast_in_dim3A_1878 = vector.broadcast %broadcast_in_dim3A_1877 : i32 to vector<16xi32>
      %add3A_1879 = arith.addi %broadcast_in_dim3A_1878, %iota3A : vector<16xi32>
      tpu.vector_store_idx %arg13[%add3A_1874], %add3A_1879 masked %and3A_1876 : memref<64xi32, #tpu.memory_space<vmem>>[vector<16xi32>], vector<16xi32>, vector<16xi1>
      tpu.vector_store_idx %arg16[%add3A_1874], %broadcast_in_dim3A_37 masked %and3A_1876 : memref<64xi32, #tpu.memory_space<vmem>>[vector<16xi32>], vector<16xi32>, vector<16xi1>
      %convert_element_type3A_1880 = arith.extui %and3A_1876 : vector<16xi1> to vector<16xi32>
      %swap3A_1881 = arith.constant 976 : index
      %swap3A_1882 = tpu.vector_load %arg12[%swap3A_1881] {strides = array<i32>} : memref<1024xi32, #tpu.memory_space<vmem>>, vector<16xi32>,
      tpu.vector_store %arg12[%swap3A_1881], %convert_element_type3A_1880 {strides = array<i32>} : memref<1024xi32, #tpu.memory_space<vmem>>, vector<16xi32>,
      %rev3A_1883 = arith.constant 15 : i32
      %rev3A_1884 = vector.broadcast %rev3A_1883 : i32 to vector<16xi32>
      %rev3A_1885 = tpu.iota {dimensions = array<i32: 0>} : vector<16xi32>
      %rev3A_1886 = arith.subi %rev3A_1884, %rev3A_1885 : vector<16xi32>
      %rev3A_1887 = tpu.dynamic_gather %masked_cumsum3A_1872[%rev3A_1886] in [0] : vector<16xi32>, vector<16xi32> -> vector<16xi32>
      %broadcast_in_dim3A_1888 = arith.constant true
      %broadcast_in_dim3A_1889 = vector.broadcast %broadcast_in_dim3A_1888 : i1 to vector<16xi1>
      %masked_cummax3A_1890 = arith.constant -2147483648 : i32
      %masked_cummax3A_1891 = vector.broadcast %masked_cummax3A_1890 : i32 to vector<16xi32>
      %masked_cummax3A_1892 = arith.xori %rev3A_1887, %masked_cummax3A_1891 : vector<16xi32>
      %masked_cummax3A_1893 = tpu.scan <max>, %masked_cummax3A_1892 masked %broadcast_in_dim3A_1889 : vector<16xi32>, vector<16xi1> -> vector<16xi32>
      %masked_cummax3A_1894 = arith.xori %masked_cummax3A_1893, %masked_cummax3A_1891 : vector<16xi32>
      %add3A_1895 = arith.addi %add3A_1865, %masked_cummax3A_1894 : vector<16xi32>
      %get3A_1896 = arith.constant 992 : index
      %get3A_1897 = tpu.vector_load %arg10[%get3A_1896] {strides = array<i32>} : memref<1024xf32, #tpu.memory_space<vmem>>, vector<16xf32>,
      %gt3A_1898 = arith.cmpf ogt, %get3A_1897, %broadcast_in_dim3A_41 : vector<16xf32>
      %convert_element_type3A_1899 = arith.extui %gt3A_1898 : vector<16xi1> to vector<16xi32>
      %broadcast_in_dim3A_1900 = arith.constant true
      %broadcast_in_dim3A_1901 = vector.broadcast %broadcast_in_dim3A_1900 : i1 to vector<16xi1>
      %masked_cumsum3A_1902 = tpu.scan <sum>, %convert_element_type3A_1899 masked %broadcast_in_dim3A_1901 : vector<16xi32>, vector<16xi1> -> vector<16xi32>
      %sub3A_1903 = arith.subi %masked_cumsum3A_1902, %convert_element_type3A_1899 : vector<16xi32>
      %add3A_1904 = arith.addi %sub3A_1903, %add3A_1895 : vector<16xi32>
      %lt3A_1905 = arith.cmpi slt, %add3A_1904, %broadcast_in_dim3A_43 : vector<16xi32>
      %and3A_1906 = arith.andi %gt3A_1898, %lt3A_1905 : vector<16xi1>
      %broadcast_in_dim3A_1907 = arith.constant 992 : i32
      %broadcast_in_dim3A_1908 = vector.broadcast %broadcast_in_dim3A_1907 : i32 to vector<16xi32>
      %add3A_1909 = arith.addi %broadcast_in_dim3A_1908, %iota3A : vector<16xi32>
      tpu.vector_store_idx %arg13[%add3A_1904], %add3A_1909 masked %and3A_1906 : memref<64xi32, #tpu.memory_space<vmem>>[vector<16xi32>], vector<16xi32>, vector<16xi1>
      tpu.vector_store_idx %arg16[%add3A_1904], %broadcast_in_dim3A_37 masked %and3A_1906 : memref<64xi32, #tpu.memory_space<vmem>>[vector<16xi32>], vector<16xi32>, vector<16xi1>
      %convert_element_type3A_1910 = arith.extui %and3A_1906 : vector<16xi1> to vector<16xi32>
      %swap3A_1911 = arith.constant 992 : index
      %swap3A_1912 = tpu.vector_load %arg12[%swap3A_1911] {strides = array<i32>} : memref<1024xi32, #tpu.memory_space<vmem>>, vector<16xi32>,
      tpu.vector_store %arg12[%swap3A_1911], %convert_element_type3A_1910 {strides = array<i32>} : memref<1024xi32, #tpu.memory_space<vmem>>, vector<16xi32>,
      %rev3A_1913 = arith.constant 15 : i32
      %rev3A_1914 = vector.broadcast %rev3A_1913 : i32 to vector<16xi32>
      %rev3A_1915 = tpu.iota {dimensions = array<i32: 0>} : vector<16xi32>
      %rev3A_1916 = arith.subi %rev3A_1914, %rev3A_1915 : vector<16xi32>
      %rev3A_1917 = tpu.dynamic_gather %masked_cumsum3A_1902[%rev3A_1916] in [0] : vector<16xi32>, vector<16xi32> -> vector<16xi32>
      %broadcast_in_dim3A_1918 = arith.constant true
      %broadcast_in_dim3A_1919 = vector.broadcast %broadcast_in_dim3A_1918 : i1 to vector<16xi1>
      %masked_cummax3A_1920 = arith.constant -2147483648 : i32
      %masked_cummax3A_1921 = vector.broadcast %masked_cummax3A_1920 : i32 to vector<16xi32>
      %masked_cummax3A_1922 = arith.xori %rev3A_1917, %masked_cummax3A_1921 : vector<16xi32>
      %masked_cummax3A_1923 = tpu.scan <max>, %masked_cummax3A_1922 masked %broadcast_in_dim3A_1919 : vector<16xi32>, vector<16xi1> -> vector<16xi32>
      %masked_cummax3A_1924 = arith.xori %masked_cummax3A_1923, %masked_cummax3A_1921 : vector<16xi32>
      %add3A_1925 = arith.addi %add3A_1895, %masked_cummax3A_1924 : vector<16xi32>
      %get3A_1926 = arith.constant 1008 : index
      %get3A_1927 = tpu.vector_load %arg10[%get3A_1926] {strides = array<i32>} : memref<1024xf32, #tpu.memory_space<vmem>>, vector<16xf32>,
      %gt3A_1928 = arith.cmpf ogt, %get3A_1927, %broadcast_in_dim3A_41 : vector<16xf32>
      %convert_element_type3A_1929 = arith.extui %gt3A_1928 : vector<16xi1> to vector<16xi32>
      %broadcast_in_dim3A_1930 = arith.constant true
      %broadcast_in_dim3A_1931 = vector.broadcast %broadcast_in_dim3A_1930 : i1 to vector<16xi1>
      %masked_cumsum3A_1932 = tpu.scan <sum>, %convert_element_type3A_1929 masked %broadcast_in_dim3A_1931 : vector<16xi32>, vector<16xi1> -> vector<16xi32>
      %sub3A_1933 = arith.subi %masked_cumsum3A_1932, %convert_element_type3A_1929 : vector<16xi32>
      %add3A_1934 = arith.addi %sub3A_1933, %add3A_1925 : vector<16xi32>
      %lt3A_1935 = arith.cmpi slt, %add3A_1934, %broadcast_in_dim3A_43 : vector<16xi32>
      %and3A_1936 = arith.andi %gt3A_1928, %lt3A_1935 : vector<16xi1>
      %broadcast_in_dim3A_1937 = arith.constant 1008 : i32
      %broadcast_in_dim3A_1938 = vector.broadcast %broadcast_in_dim3A_1937 : i32 to vector<16xi32>
      %add3A_1939 = arith.addi %broadcast_in_dim3A_1938, %iota3A : vector<16xi32>
      tpu.vector_store_idx %arg13[%add3A_1934], %add3A_1939 masked %and3A_1936 : memref<64xi32, #tpu.memory_space<vmem>>[vector<16xi32>], vector<16xi32>, vector<16xi1>
      tpu.vector_store_idx %arg16[%add3A_1934], %broadcast_in_dim3A_37 masked %and3A_1936 : memref<64xi32, #tpu.memory_space<vmem>>[vector<16xi32>], vector<16xi32>, vector<16xi1>
      %convert_element_type3A_1940 = arith.extui %and3A_1936 : vector<16xi1> to vector<16xi32>
      %swap3A_1941 = arith.constant 1008 : index
      %swap3A_1942 = tpu.vector_load %arg12[%swap3A_1941] {strides = array<i32>} : memref<1024xi32, #tpu.memory_space<vmem>>, vector<16xi32>,
      tpu.vector_store %arg12[%swap3A_1941], %convert_element_type3A_1940 {strides = array<i32>} : memref<1024xi32, #tpu.memory_space<vmem>>, vector<16xi32>,
      %rev3A_1943 = arith.constant 15 : i32
      %rev3A_1944 = vector.broadcast %rev3A_1943 : i32 to vector<16xi32>
      %rev3A_1945 = tpu.iota {dimensions = array<i32: 0>} : vector<16xi32>
      %rev3A_1946 = arith.subi %rev3A_1944, %rev3A_1945 : vector<16xi32>
      %rev3A_1947 = tpu.dynamic_gather %masked_cumsum3A_1932[%rev3A_1946] in [0] : vector<16xi32>, vector<16xi32> -> vector<16xi32>
      %broadcast_in_dim3A_1948 = arith.constant true
      %broadcast_in_dim3A_1949 = vector.broadcast %broadcast_in_dim3A_1948 : i1 to vector<16xi1>
      %masked_cummax3A_1950 = arith.constant -2147483648 : i32
      %masked_cummax3A_1951 = vector.broadcast %masked_cummax3A_1950 : i32 to vector<16xi32>
      %masked_cummax3A_1952 = arith.xori %rev3A_1947, %masked_cummax3A_1951 : vector<16xi32>
      %masked_cummax3A_1953 = tpu.scan <max>, %masked_cummax3A_1952 masked %broadcast_in_dim3A_1949 : vector<16xi32>, vector<16xi1> -> vector<16xi32>
      %masked_cummax3A_1954 = arith.xori %masked_cummax3A_1953, %masked_cummax3A_1951 : vector<16xi32>
      %add3A_1955 = arith.addi %add3A_1925, %masked_cummax3A_1954 : vector<16xi32>
      %get3A_1956 = arith.constant 0 : index
      %get3A_1957 = tpu.vector_load %arg13[%get3A_1956] {strides = array<i32>} : memref<64xi32, #tpu.memory_space<vmem>>, vector<16xi32>,
      %gather3A = tpu.vector_load_idx %arg10[%get3A_1957] : memref<1024xf32, #tpu.memory_space<vmem>>[vector<16xi32>], vector<16xf32>,
      %swap3A_1958 = arith.constant 0 : index
      %swap3A_1959 = tpu.vector_load %arg14[%swap3A_1958] {strides = array<i32>} : memref<64xf32, #tpu.memory_space<vmem>>, vector<16xf32>,
      tpu.vector_store %arg14[%swap3A_1958], %gather3A {strides = array<i32>} : memref<64xf32, #tpu.memory_space<vmem>>, vector<16xf32>,
      %gather3A_1960 = tpu.vector_load_idx %arg11[%get3A_1957] : memref<1024xi32, #tpu.memory_space<vmem>>[vector<16xi32>], vector<16xi32>,
      %swap3A_1961 = arith.constant 0 : index
      %swap3A_1962 = tpu.vector_load %arg15[%swap3A_1961] {strides = array<i32>} : memref<64xi32, #tpu.memory_space<vmem>>, vector<16xi32>,
      tpu.vector_store %arg15[%swap3A_1961], %gather3A_1960 {strides = array<i32>} : memref<64xi32, #tpu.memory_space<vmem>>, vector<16xi32>,
      %get3A_1963 = arith.constant 16 : index
      %get3A_1964 = tpu.vector_load %arg13[%get3A_1963] {strides = array<i32>} : memref<64xi32, #tpu.memory_space<vmem>>, vector<16xi32>,
      %gather3A_1965 = tpu.vector_load_idx %arg10[%get3A_1964] : memref<1024xf32, #tpu.memory_space<vmem>>[vector<16xi32>], vector<16xf32>,
      %swap3A_1966 = arith.constant 16 : index
      %swap3A_1967 = tpu.vector_load %arg14[%swap3A_1966] {strides = array<i32>} : memref<64xf32, #tpu.memory_space<vmem>>, vector<16xf32>,
      tpu.vector_store %arg14[%swap3A_1966], %gather3A_1965 {strides = array<i32>} : memref<64xf32, #tpu.memory_space<vmem>>, vector<16xf32>,
      %gather3A_1968 = tpu.vector_load_idx %arg11[%get3A_1964] : memref<1024xi32, #tpu.memory_space<vmem>>[vector<16xi32>], vector<16xi32>,
      %swap3A_1969 = arith.constant 16 : index
      %swap3A_1970 = tpu.vector_load %arg15[%swap3A_1969] {strides = array<i32>} : memref<64xi32, #tpu.memory_space<vmem>>, vector<16xi32>,
      tpu.vector_store %arg15[%swap3A_1969], %gather3A_1968 {strides = array<i32>} : memref<64xi32, #tpu.memory_space<vmem>>, vector<16xi32>,
      %get3A_1971 = arith.constant 32 : index
      %get3A_1972 = tpu.vector_load %arg13[%get3A_1971] {strides = array<i32>} : memref<64xi32, #tpu.memory_space<vmem>>, vector<16xi32>,
      %gather3A_1973 = tpu.vector_load_idx %arg10[%get3A_1972] : memref<1024xf32, #tpu.memory_space<vmem>>[vector<16xi32>], vector<16xf32>,
      %swap3A_1974 = arith.constant 32 : index
      %swap3A_1975 = tpu.vector_load %arg14[%swap3A_1974] {strides = array<i32>} : memref<64xf32, #tpu.memory_space<vmem>>, vector<16xf32>,
      tpu.vector_store %arg14[%swap3A_1974], %gather3A_1973 {strides = array<i32>} : memref<64xf32, #tpu.memory_space<vmem>>, vector<16xf32>,
      %gather3A_1976 = tpu.vector_load_idx %arg11[%get3A_1972] : memref<1024xi32, #tpu.memory_space<vmem>>[vector<16xi32>], vector<16xi32>,
      %swap3A_1977 = arith.constant 32 : index
      %swap3A_1978 = tpu.vector_load %arg15[%swap3A_1977] {strides = array<i32>} : memref<64xi32, #tpu.memory_space<vmem>>, vector<16xi32>,
      tpu.vector_store %arg15[%swap3A_1977], %gather3A_1976 {strides = array<i32>} : memref<64xi32, #tpu.memory_space<vmem>>, vector<16xi32>,
      %get3A_1979 = arith.constant 48 : index
      %get3A_1980 = tpu.vector_load %arg13[%get3A_1979] {strides = array<i32>} : memref<64xi32, #tpu.memory_space<vmem>>, vector<16xi32>,
      %gather3A_1981 = tpu.vector_load_idx %arg10[%get3A_1980] : memref<1024xf32, #tpu.memory_space<vmem>>[vector<16xi32>], vector<16xf32>,
      %swap3A_1982 = arith.constant 48 : index
      %swap3A_1983 = tpu.vector_load %arg14[%swap3A_1982] {strides = array<i32>} : memref<64xf32, #tpu.memory_space<vmem>>, vector<16xf32>,
      tpu.vector_store %arg14[%swap3A_1982], %gather3A_1981 {strides = array<i32>} : memref<64xf32, #tpu.memory_space<vmem>>, vector<16xf32>,
      %gather3A_1984 = tpu.vector_load_idx %arg11[%get3A_1980] : memref<1024xi32, #tpu.memory_space<vmem>>[vector<16xi32>], vector<16xi32>,
      %swap3A_1985 = arith.constant 48 : index
      %swap3A_1986 = tpu.vector_load %arg15[%swap3A_1985] {strides = array<i32>} : memref<64xi32, #tpu.memory_space<vmem>>, vector<16xi32>,
      tpu.vector_store %arg15[%swap3A_1985], %gather3A_1984 {strides = array<i32>} : memref<64xi32, #tpu.memory_space<vmem>>, vector<16xi32>,
      "tpu.region"() ({
        %run_scoped3A = tpu.sem_alloc : memref<!tpu.dma_semaphore, #tpu.memory_space<semaphore_mem>>
        tpu.enqueue_dma source(%arg14 : memref<64xf32, #tpu.memory_space<vmem>>) target(%arg6 : memref<64xf32, #tpu.memory_space<hbm>>) target_semaphore(%run_scoped3A : memref<!tpu.dma_semaphore, #tpu.memory_space<semaphore_mem>>)
        tpu.wait_dma2 semaphore(%run_scoped3A : memref<!tpu.dma_semaphore, #tpu.memory_space<semaphore_mem>>) src(%arg14 : memref<64xf32, #tpu.memory_space<vmem>>) dst(%arg6 : memref<64xf32, #tpu.memory_space<hbm>>)
        tpu.yield
      }) : () -> ()
      "tpu.region"() ({
        %run_scoped3A = tpu.sem_alloc : memref<!tpu.dma_semaphore, #tpu.memory_space<semaphore_mem>>
        tpu.enqueue_dma source(%arg15 : memref<64xi32, #tpu.memory_space<vmem>>) target(%arg7 : memref<64xi32, #tpu.memory_space<hbm>>) target_semaphore(%run_scoped3A : memref<!tpu.dma_semaphore, #tpu.memory_space<semaphore_mem>>)
        tpu.wait_dma2 semaphore(%run_scoped3A : memref<!tpu.dma_semaphore, #tpu.memory_space<semaphore_mem>>) src(%arg15 : memref<64xi32, #tpu.memory_space<vmem>>) dst(%arg7 : memref<64xi32, #tpu.memory_space<hbm>>)
        tpu.yield
      }) : () -> ()
      "tpu.region"() ({
        %run_scoped3A = tpu.sem_alloc : memref<!tpu.dma_semaphore, #tpu.memory_space<semaphore_mem>>
        tpu.enqueue_dma source(%arg16 : memref<64xi32, #tpu.memory_space<vmem>>) target(%arg8 : memref<64xi32, #tpu.memory_space<hbm>>) target_semaphore(%run_scoped3A : memref<!tpu.dma_semaphore, #tpu.memory_space<semaphore_mem>>)
        tpu.wait_dma2 semaphore(%run_scoped3A : memref<!tpu.dma_semaphore, #tpu.memory_space<semaphore_mem>>) src(%arg16 : memref<64xi32, #tpu.memory_space<vmem>>) dst(%arg8 : memref<64xi32, #tpu.memory_space<hbm>>)
        tpu.yield
      }) : () -> ()
      "tpu.region"() ({
        %run_scoped3A = tpu.sem_alloc : memref<!tpu.dma_semaphore, #tpu.memory_space<semaphore_mem>>
        tpu.enqueue_dma source(%arg12 : memref<1024xi32, #tpu.memory_space<vmem>>) target(%arg9 : memref<1024xi32, #tpu.memory_space<hbm>>) target_semaphore(%run_scoped3A : memref<!tpu.dma_semaphore, #tpu.memory_space<semaphore_mem>>)
        tpu.wait_dma2 semaphore(%run_scoped3A : memref<!tpu.dma_semaphore, #tpu.memory_space<semaphore_mem>>) src(%arg12 : memref<1024xi32, #tpu.memory_space<vmem>>) dst(%arg9 : memref<1024xi32, #tpu.memory_space<hbm>>)
        tpu.yield
      }) : () -> ()
      "tpu.region"() ({
        %run_scoped3A = tpu.sem_alloc : memref<!tpu.dma_semaphore, #tpu.memory_space<semaphore_mem>>
        tpu.enqueue_dma source(%arg13 : memref<64xi32, #tpu.memory_space<vmem>>) target(%arg19 : memref<64xi32, #tpu.memory_space<vmem_shared>>) target_semaphore(%run_scoped3A : memref<!tpu.dma_semaphore, #tpu.memory_space<semaphore_mem>>)
        tpu.wait_dma2 semaphore(%run_scoped3A : memref<!tpu.dma_semaphore, #tpu.memory_space<semaphore_mem>>) src(%arg13 : memref<64xi32, #tpu.memory_space<vmem>>) dst(%arg19 : memref<64xi32, #tpu.memory_space<vmem_shared>>)
        tpu.yield
      }) : () -> ()
    } else {
    }
    %barrier3A = arith.constant 0 : index
    tpu.barrier barrier_id(%barrier3A)
    %lt3A = arith.constant 8 : i32
    %lt3A_2 = arith.cmpi slt, %arg1, %lt3A : i32
    %convert_element_type3A_3 = arith.extui %lt3A_2 : i1 to i32
    %cond3A_4 = arith.constant 0 : i32
    %cond3A_5 = arith.cmpi ne, %convert_element_type3A_3, %cond3A_4 : i32
    scf.if %cond3A_5 {
      %mul3A = arith.constant 8 : i32
      %mul3A_6 = arith.muli %arg1, %mul3A : i32
      "tpu.region"() ({
        %run_scoped3A = tpu.sem_alloc : memref<!tpu.dma_semaphore, #tpu.memory_space<semaphore_mem>>
        %dma_start3A_11 = tpu.memref_slice %arg19[%mul3A_6] : memref<64xi32, #tpu.memory_space<vmem_shared>> -> memref<8xi32, #tpu.memory_space<vmem_shared>>
        %dma_start3A_12 = tpu.memref_slice %arg19[%mul3A_6] : memref<64xi32, #tpu.memory_space<vmem_shared>> -> memref<8xi32, #tpu.memory_space<vmem_shared>>
        tpu.enqueue_dma source(%dma_start3A_12 : memref<8xi32, #tpu.memory_space<vmem_shared>>) target(%arg17 : memref<8xi32, #tpu.memory_space<vmem>>) target_semaphore(%run_scoped3A : memref<!tpu.dma_semaphore, #tpu.memory_space<semaphore_mem>>)
        %dma_wait3A_13 = tpu.memref_slice %arg19[%mul3A_6] : memref<64xi32, #tpu.memory_space<vmem_shared>> -> memref<8xi32, #tpu.memory_space<vmem_shared>>
        %dma_wait3A_14 = tpu.memref_slice %arg19[%mul3A_6] : memref<64xi32, #tpu.memory_space<vmem_shared>> -> memref<8xi32, #tpu.memory_space<vmem_shared>>
        tpu.wait_dma2 semaphore(%run_scoped3A : memref<!tpu.dma_semaphore, #tpu.memory_space<semaphore_mem>>) src(%dma_wait3A_14 : memref<8xi32, #tpu.memory_space<vmem_shared>>) dst(%arg17 : memref<8xi32, #tpu.memory_space<vmem>>)
        tpu.yield
      }) : () -> ()
      %dma_start3A = arith.constant 0 : i32
      %dma_start3A_7 = arith.constant 0 : i32
      %dma_start3A_8 = tpu.memref_slice %arg3[%dma_start3A, %dma_start3A_7] : memref<1024x1024xf32, #tpu.memory_space<hbm>> -> memref<1024x1024xf32, #tpu.memory_space<hbm>>
      tpu.enqueue_indirect_dma source(%dma_start3A_8 : memref<1024x1024xf32, #tpu.memory_space<hbm>>) target(%arg18 : memref<8x1024xf32, #tpu.memory_space<vmem>>) offsets(%arg17 : memref<8xi32, #tpu.memory_space<vmem>>) semaphore(%arg20 : memref<!tpu.dma_semaphore, #tpu.memory_space<semaphore_mem>>)
      %dma_wait3A = arith.constant 0 : i32
      %dma_wait3A_9 = arith.constant 0 : i32
      %dma_wait3A_10 = tpu.memref_slice %arg3[%dma_wait3A, %dma_wait3A_9] : memref<1024x1024xf32, #tpu.memory_space<hbm>> -> memref<1024x1024xf32, #tpu.memory_space<hbm>>
      tpu.wait_indirect_dma semaphore(%arg20 : memref<!tpu.dma_semaphore, #tpu.memory_space<semaphore_mem>>) src(%dma_wait3A_10 : memref<1024x1024xf32, #tpu.memory_space<hbm>>) dst(%arg18 : memref<8x1024xf32, #tpu.memory_space<vmem>>)
      "tpu.region"() ({
        %run_scoped3A = tpu.sem_alloc : memref<!tpu.dma_semaphore, #tpu.memory_space<semaphore_mem>>
        %dma_start3A_11 = arith.constant 0 : i32
        %dma_start3A_12 = tpu.memref_slice %arg5[%mul3A_6, %dma_start3A_11] : memref<64x1024xf32, #tpu.memory_space<hbm>> -> memref<8x1024xf32, #tpu.memory_space<hbm>>
        %dma_start3A_13 = arith.constant 0 : i32
        %dma_start3A_14 = tpu.memref_slice %arg5[%mul3A_6, %dma_start3A_13] : memref<64x1024xf32, #tpu.memory_space<hbm>> -> memref<8x1024xf32, #tpu.memory_space<hbm>>
        tpu.enqueue_dma source(%arg18 : memref<8x1024xf32, #tpu.memory_space<vmem>>) target(%dma_start3A_14 : memref<8x1024xf32, #tpu.memory_space<hbm>>) target_semaphore(%run_scoped3A : memref<!tpu.dma_semaphore, #tpu.memory_space<semaphore_mem>>)
        %dma_wait3A_15 = arith.constant 0 : i32
        %dma_wait3A_16 = tpu.memref_slice %arg5[%mul3A_6, %dma_wait3A_15] : memref<64x1024xf32, #tpu.memory_space<hbm>> -> memref<8x1024xf32, #tpu.memory_space<hbm>>
        %dma_wait3A_17 = arith.constant 0 : i32
        %dma_wait3A_18 = tpu.memref_slice %arg5[%mul3A_6, %dma_wait3A_17] : memref<64x1024xf32, #tpu.memory_space<hbm>> -> memref<8x1024xf32, #tpu.memory_space<hbm>>
        tpu.wait_dma2 semaphore(%run_scoped3A : memref<!tpu.dma_semaphore, #tpu.memory_space<semaphore_mem>>) src(%arg18 : memref<8x1024xf32, #tpu.memory_space<vmem>>) dst(%dma_wait3A_18 : memref<8x1024xf32, #tpu.memory_space<hbm>>)
        tpu.yield
      }) : () -> ()
    } else {
    }
    return
  }
}

module attributes {stable_mosaic.version = 14 : i64} {
  func.func @_count_body(%arg0: i32, %arg1: memref<1024x1xf32, #tpu.memory_space<vmem>>, %arg2: memref<1024x1xi32, #tpu.memory_space<vmem>>, %arg3: memref<1024x1024xbf16, #tpu.memory_space<vmem>>, %arg4: memref<4000x1024xf32, #tpu.memory_space<vmem>>, %arg5: memref<64x1024xf32, #tpu.memory_space<vmem>>, %arg6: memref<1x64xf32, #tpu.memory_space<vmem>>, %arg7: memref<1x64xi32, #tpu.memory_space<vmem>>, %arg8: memref<1x64xi32, #tpu.memory_space<vmem>>, %arg9: memref<1x1xf32, #tpu.memory_space<vmem>>, %arg10: memref<64x1024xbf16, #tpu.memory_space<vmem>>, %arg11: memref<64x1024xbf16, #tpu.memory_space<vmem>>, %arg12: memref<1024x1xi32, #tpu.memory_space<vmem>>, %arg13: memref<1x64xi32, #tpu.memory_space<vmem>>) attributes {dimension_semantics = [#tpu.dimension_semantics<arbitrary>], iteration_bounds = array<i64: 25>, scalar_prefetch = 0 : i64, scratch_operands = 4 : i64, tpu.core_type = #tpu.core_type<tc>, window_params = [{pipeline_mode = #tpu.pipeline_mode<synchronous>, transform_indices = @transform_0, window_bounds = array<i64: 1024, 1>}, {pipeline_mode = #tpu.pipeline_mode<synchronous>, transform_indices = @transform_1, window_bounds = array<i64: 1024, 1>}, {pipeline_mode = #tpu.pipeline_mode<synchronous>, transform_indices = @transform_2, window_bounds = array<i64: 1024, 1024>}, {transform_indices = @transform_3, window_bounds = array<i64: 4000, 1024>}, {pipeline_mode = #tpu.pipeline_mode<synchronous>, transform_indices = @transform_4, window_bounds = array<i64: 64, 1024>}, {pipeline_mode = #tpu.pipeline_mode<synchronous>, transform_indices = @transform_5, window_bounds = array<i64: 1, 64>}, {pipeline_mode = #tpu.pipeline_mode<synchronous>, transform_indices = @transform_6, window_bounds = array<i64: 1, 64>}, {pipeline_mode = #tpu.pipeline_mode<synchronous>, transform_indices = @transform_7, window_bounds = array<i64: 1, 64>}, {pipeline_mode = #tpu.pipeline_mode<synchronous>, transform_indices = @transform_8, window_bounds = array<i64: 1, 1>}]} {
    %eq3A = arith.constant 0 : i32
    %eq3A_0 = arith.cmpi eq, %arg0, %eq3A : i32
    %convert_element_type3A = arith.extui %eq3A_0 : i1 to i32
    %cond3A = arith.constant 0 : i32
    %cond3A_1 = arith.cmpi ne, %convert_element_type3A, %cond3A : i32
    scf.if %cond3A_1 {
      %get3A_78 = arith.constant 0 : index
      %get3A_79 = arith.constant 0 : index
      %get3A_80 = vector.load %arg5[%get3A_78, %get3A_79] : memref<64x1024xf32, #tpu.memory_space<vmem>>, vector<64x1024xf32>
      %convert_element_type3A_81 = arith.truncf %get3A_80 : vector<64x1024xf32> to vector<64x1024xbf16>
      %swap3A_82 = arith.constant 0 : index
      %swap3A_83 = arith.constant 0 : index
      %swap3A_84 = vector.load %arg10[%swap3A_82, %swap3A_83] : memref<64x1024xbf16, #tpu.memory_space<vmem>>, vector<64x1024xbf16>
      tpu.vector_store %arg10[%swap3A_82, %swap3A_83], %convert_element_type3A_81 {strides = array<i32>} : memref<64x1024xbf16, #tpu.memory_space<vmem>>, vector<64x1024xbf16>,
      %convert_element_type3A_85 = arith.extf %convert_element_type3A_81 : vector<64x1024xbf16> to vector<64x1024xf32>
      %sub3A_86 = arith.subf %get3A_80, %convert_element_type3A_85 : vector<64x1024xf32>
      %convert_element_type3A_87 = arith.truncf %sub3A_86 : vector<64x1024xf32> to vector<64x1024xbf16>
      %swap3A_88 = arith.constant 0 : index
      %swap3A_89 = arith.constant 0 : index
      %swap3A_90 = vector.load %arg11[%swap3A_88, %swap3A_89] : memref<64x1024xbf16, #tpu.memory_space<vmem>>, vector<64x1024xbf16>
      tpu.vector_store %arg11[%swap3A_88, %swap3A_89], %convert_element_type3A_87 {strides = array<i32>} : memref<64x1024xbf16, #tpu.memory_space<vmem>>, vector<64x1024xbf16>,
      %broadcast_in_dim3A_91 = arith.constant 0 : i32
      %broadcast_in_dim3A_92 = vector.broadcast %broadcast_in_dim3A_91 : i32 to vector<1024x1xi32>
      %swap3A_93 = arith.constant 0 : index
      %swap3A_94 = arith.constant 0 : index
      %swap3A_95 = vector.load %arg12[%swap3A_93, %swap3A_94] : memref<1024x1xi32, #tpu.memory_space<vmem>>, vector<1024x1xi32>
      tpu.vector_store %arg12[%swap3A_93, %swap3A_94], %broadcast_in_dim3A_92 {strides = array<i32>} : memref<1024x1xi32, #tpu.memory_space<vmem>>, vector<1024x1xi32>,
      %broadcast_in_dim3A_96 = arith.constant 0 : i32
      %broadcast_in_dim3A_97 = vector.broadcast %broadcast_in_dim3A_96 : i32 to vector<1x64xi32>
      %swap3A_98 = arith.constant 0 : index
      %swap3A_99 = arith.constant 0 : index
      %swap3A_100 = vector.load %arg13[%swap3A_98, %swap3A_99] : memref<1x64xi32, #tpu.memory_space<vmem>>, vector<1x64xi32>
      tpu.vector_store %arg13[%swap3A_98, %swap3A_99], %broadcast_in_dim3A_97 {strides = array<i32>} : memref<1x64xi32, #tpu.memory_space<vmem>>, vector<1x64xi32>,
    } else {
    }
    %get3A = arith.constant 0 : index
    %get3A_2 = arith.constant 0 : index
    %get3A_3 = vector.load %arg4[%get3A, %get3A_2] : memref<4000x1024xf32, #tpu.memory_space<vmem>>, vector<4000x1024xf32>
    %mul3A = arith.mulf %get3A_3, %get3A_3 : vector<4000x1024xf32>
    %reduce_sum3A = arith.constant dense<0.000000e+00> : vector<4000xf32>
    %reduce_sum3A_4 = vector.multi_reduction <add>, %mul3A, %reduce_sum3A [1] : vector<4000x1024xf32> to vector<4000xf32>
    %broadcast_in_dim3A = vector.shape_cast %reduce_sum3A_4 : vector<4000xf32> to vector<4000x1xf32>
    %sqrt3A = math.sqrt %broadcast_in_dim3A : vector<4000x1xf32>
    %add3A = arith.constant 9.99999996E-13 : f32
    %add3A_5 = vector.broadcast %add3A : f32 to vector<4000x1xf32>
    %add3A_6 = arith.addf %sqrt3A, %add3A_5 : vector<4000x1xf32>
    %div3A = arith.constant 1.000000e+00 : f32
    %div3A_7 = vector.broadcast %div3A : f32 to vector<4000x1xf32>
    %div3A_8 = arith.divf %div3A_7, %add3A_6 : vector<4000x1xf32>
    %mul3A_9 = vector.broadcast %div3A_8 : vector<4000x1xf32> to vector<4000x1024xf32>
    %mul3A_10 = arith.mulf %get3A_3, %mul3A_9 : vector<4000x1024xf32>
    %convert_element_type3A_11 = arith.truncf %mul3A_10 : vector<4000x1024xf32> to vector<4000x1024xbf16>
    %get3A_12 = arith.constant 0 : index
    %get3A_13 = arith.constant 0 : index
    %get3A_14 = vector.load %arg3[%get3A_12, %get3A_13] : memref<1024x1024xbf16, #tpu.memory_space<vmem>>, vector<1024x1024xbf16>
    %dot_general3A = arith.constant dense<0.000000e+00> : vector<1024x4000xf32>
    %dot_general3A_15 = tpu.matmul %get3A_14, %convert_element_type3A_11, %dot_general3A {dimension_numbers = #tpu.dot_dimension_numbers<[1], [1], [0], [0], [0, 0, 1, 0], [], []>, transpose_lhs_hint = false} : vector<1024x1024xbf16>, vector<4000x1024xbf16>, vector<1024x4000xf32> -> vector<1024x4000xf32>
    %get3A_16 = arith.constant 0 : index
    %get3A_17 = arith.constant 0 : index
    %get3A_18 = vector.load %arg12[%get3A_16, %get3A_17] : memref<1024x1xi32, #tpu.memory_space<vmem>>, vector<1024x1xi32>
    %get3A_19 = arith.constant 0 : index
    %get3A_20 = arith.constant 0 : index
    %get3A_21 = vector.load %arg1[%get3A_19, %get3A_20] : memref<1024x1xf32, #tpu.memory_space<vmem>>, vector<1024x1xf32>
    %gt3A = vector.broadcast %get3A_21 : vector<1024x1xf32> to vector<1024x4000xf32>
    %gt3A_22 = arith.cmpf ogt, %dot_general3A_15, %gt3A : vector<1024x4000xf32>
    %convert_element_type3A_23 = arith.extui %gt3A_22 : vector<1024x4000xi1> to vector<1024x4000xi32>
    %reduce_sum3A_24 = arith.constant dense<0> : vector<1024xi32>
    %reduce_sum3A_25 = vector.multi_reduction <add>, %convert_element_type3A_23, %reduce_sum3A_24 [1] : vector<1024x4000xi32> to vector<1024xi32>
    %broadcast_in_dim3A_26 = vector.shape_cast %reduce_sum3A_25 : vector<1024xi32> to vector<1024x1xi32>
    %add3A_27 = arith.addi %get3A_18, %broadcast_in_dim3A_26 : vector<1024x1xi32>
    %swap3A = arith.constant 0 : index
    %swap3A_28 = arith.constant 0 : index
    %swap3A_29 = vector.load %arg12[%swap3A, %swap3A_28] : memref<1024x1xi32, #tpu.memory_space<vmem>>, vector<1024x1xi32>
    tpu.vector_store %arg12[%swap3A, %swap3A_28], %add3A_27 {strides = array<i32>} : memref<1024x1xi32, #tpu.memory_space<vmem>>, vector<1024x1xi32>,
    %convert_element_type3A_30 = arith.extf %convert_element_type3A_11 : vector<4000x1024xbf16> to vector<4000x1024xf32>
    %sub3A = arith.subf %mul3A_10, %convert_element_type3A_30 : vector<4000x1024xf32>
    %convert_element_type3A_31 = arith.truncf %sub3A : vector<4000x1024xf32> to vector<4000x1024xbf16>
    %get3A_32 = arith.constant 0 : index
    %get3A_33 = arith.constant 0 : index
    %get3A_34 = vector.load %arg10[%get3A_32, %get3A_33] : memref<64x1024xbf16, #tpu.memory_space<vmem>>, vector<64x1024xbf16>
    %dot_general3A_35 = arith.constant dense<0.000000e+00> : vector<4000x64xf32>
    %dot_general3A_36 = tpu.matmul %convert_element_type3A_11, %get3A_34, %dot_general3A_35 {dimension_numbers = #tpu.dot_dimension_numbers<[1], [1], [0], [0], [0, 0, 1, 0], [], []>, transpose_lhs_hint = false} : vector<4000x1024xbf16>, vector<64x1024xbf16>, vector<4000x64xf32> -> vector<4000x64xf32>
    %get3A_37 = arith.constant 0 : index
    %get3A_38 = arith.constant 0 : index
    %get3A_39 = vector.load %arg10[%get3A_37, %get3A_38] : memref<64x1024xbf16, #tpu.memory_space<vmem>>, vector<64x1024xbf16>
    %dot_general3A_40 = arith.constant dense<0.000000e+00> : vector<4000x64xf32>
    %dot_general3A_41 = tpu.matmul %convert_element_type3A_31, %get3A_39, %dot_general3A_40 {dimension_numbers = #tpu.dot_dimension_numbers<[1], [1], [0], [0], [0, 0, 1, 0], [], []>, transpose_lhs_hint = false} : vector<4000x1024xbf16>, vector<64x1024xbf16>, vector<4000x64xf32> -> vector<4000x64xf32>
    %add3A_42 = arith.addf %dot_general3A_36, %dot_general3A_41 : vector<4000x64xf32>
    %get3A_43 = arith.constant 0 : index
    %get3A_44 = arith.constant 0 : index
    %get3A_45 = vector.load %arg11[%get3A_43, %get3A_44] : memref<64x1024xbf16, #tpu.memory_space<vmem>>, vector<64x1024xbf16>
    %dot_general3A_46 = arith.constant dense<0.000000e+00> : vector<4000x64xf32>
    %dot_general3A_47 = tpu.matmul %convert_element_type3A_11, %get3A_45, %dot_general3A_46 {dimension_numbers = #tpu.dot_dimension_numbers<[1], [1], [0], [0], [0, 0, 1, 0], [], []>, transpose_lhs_hint = false} : vector<4000x1024xbf16>, vector<64x1024xbf16>, vector<4000x64xf32> -> vector<4000x64xf32>
    %add3A_48 = arith.addf %add3A_42, %dot_general3A_47 : vector<4000x64xf32>
    %mul3A_49 = arith.constant 4000 : i32
    %mul3A_50 = arith.muli %arg0, %mul3A_49 : i32
    %iota3A = tpu.iota {dimensions = array<i32: 0>} : vector<4000x64xi32>
    %add3A_51 = vector.broadcast %mul3A_50 : i32 to vector<4000x64xi32>
    %add3A_52 = arith.addi %add3A_51, %iota3A : vector<4000x64xi32>
    %get3A_53 = arith.constant 0 : index
    %get3A_54 = arith.constant 0 : index
    %get3A_55 = vector.load %arg6[%get3A_53, %get3A_54] : memref<1x64xf32, #tpu.memory_space<vmem>>, vector<1x64xf32>
    %gt3A_56 = vector.broadcast %get3A_55 : vector<1x64xf32> to vector<4000x64xf32>
    %gt3A_57 = arith.cmpf ogt, %add3A_48, %gt3A_56 : vector<4000x64xf32>
    %get3A_58 = arith.constant 0 : index
    %get3A_59 = arith.constant 0 : index
    %get3A_60 = vector.load %arg7[%get3A_58, %get3A_59] : memref<1x64xi32, #tpu.memory_space<vmem>>, vector<1x64xi32>
    %ne3A = vector.broadcast %get3A_60 : vector<1x64xi32> to vector<4000x64xi32>
    %ne3A_61 = arith.cmpi ne, %add3A_52, %ne3A : vector<4000x64xi32>
    %and3A = arith.andi %gt3A_57, %ne3A_61 : vector<4000x64xi1>
    %get3A_62 = arith.constant 0 : index
    %get3A_63 = arith.constant 0 : index
    %get3A_64 = vector.load %arg13[%get3A_62, %get3A_63] : memref<1x64xi32, #tpu.memory_space<vmem>>, vector<1x64xi32>
    %convert_element_type3A_65 = arith.extui %and3A : vector<4000x64xi1> to vector<4000x64xi32>
    %reduce_sum3A_66 = arith.constant dense<0> : vector<64xi32>
    %reduce_sum3A_67 = vector.multi_reduction <add>, %convert_element_type3A_65, %reduce_sum3A_66 [0] : vector<4000x64xi32> to vector<64xi32>
    %broadcast_in_dim3A_68 = vector.shape_cast %reduce_sum3A_67 : vector<64xi32> to vector<1x64xi32>
    %add3A_69 = arith.addi %get3A_64, %broadcast_in_dim3A_68 : vector<1x64xi32>
    %swap3A_70 = arith.constant 0 : index
    %swap3A_71 = arith.constant 0 : index
    %swap3A_72 = vector.load %arg13[%swap3A_70, %swap3A_71] : memref<1x64xi32, #tpu.memory_space<vmem>>, vector<1x64xi32>
    tpu.vector_store %arg13[%swap3A_70, %swap3A_71], %add3A_69 {strides = array<i32>} : memref<1x64xi32, #tpu.memory_space<vmem>>, vector<1x64xi32>,
    %eq3A_73 = arith.constant 24 : i32
    %eq3A_74 = arith.cmpi eq, %arg0, %eq3A_73 : i32
    %convert_element_type3A_75 = arith.extui %eq3A_74 : i1 to i32
    %cond3A_76 = arith.constant 0 : i32
    %cond3A_77 = arith.cmpi ne, %convert_element_type3A_75, %cond3A_76 : i32
    scf.if %cond3A_77 {
      %get3A_78 = arith.constant 0 : index
      %get3A_79 = arith.constant 0 : index
      %get3A_80 = vector.load %arg12[%get3A_78, %get3A_79] : memref<1024x1xi32, #tpu.memory_space<vmem>>, vector<1024x1xi32>
      %add3A_81 = arith.constant 1 : i32
      %add3A_82 = vector.broadcast %add3A_81 : i32 to vector<1024x1xi32>
      %add3A_83 = arith.addi %get3A_80, %add3A_82 : vector<1024x1xi32>
      %convert_element_type3A_84 = arith.sitofp %add3A_83 : vector<1024x1xi32> to vector<1024x1xf32>
      %get3A_85 = arith.constant 0 : index
      %get3A_86 = arith.constant 0 : index
      %get3A_87 = vector.load %arg2[%get3A_85, %get3A_86] : memref<1024x1xi32, #tpu.memory_space<vmem>>, vector<1024x1xi32>
      %sub3A_88 = arith.constant 1 : i32
      %sub3A_89 = vector.broadcast %sub3A_88 : i32 to vector<1024x1xi32>
      %sub3A_90 = arith.subi %sub3A_89, %get3A_87 : vector<1024x1xi32>
      %convert_element_type3A_91 = arith.sitofp %sub3A_90 : vector<1024x1xi32> to vector<1024x1xf32>
      %div3A_92 = arith.divf %convert_element_type3A_91, %convert_element_type3A_84 : vector<1024x1xf32>
      %reduce_sum3A_93 = vector.shape_cast %div3A_92 : vector<1024x1xf32> to vector<1x1024x1xf32>
      %reduce_sum3A_94 = arith.constant dense<0.000000e+00> : vector<1xf32>
      %reduce_sum3A_95 = vector.multi_reduction <add>, %reduce_sum3A_93, %reduce_sum3A_94 [1, 2] : vector<1x1024x1xf32> to vector<1xf32>
      %reduce_sum3A_96 = vector.shape_cast %reduce_sum3A_95 : vector<1xf32> to vector<1x1x1xf32>
      %reduce_sum3A_97 = vector.extract %reduce_sum3A_96[0, 0, 0] : f32 from vector<1x1x1xf32>
      %get3A_98 = arith.constant 0 : index
      %get3A_99 = arith.constant 0 : index
      %get3A_100 = vector.load %arg13[%get3A_98, %get3A_99] : memref<1x64xi32, #tpu.memory_space<vmem>>, vector<1x64xi32>
      %add3A_101 = arith.constant 1 : i32
      %add3A_102 = vector.broadcast %add3A_101 : i32 to vector<1x64xi32>
      %add3A_103 = arith.addi %get3A_100, %add3A_102 : vector<1x64xi32>
      %convert_element_type3A_104 = arith.sitofp %add3A_103 : vector<1x64xi32> to vector<1x64xf32>
      %get3A_105 = arith.constant 0 : index
      %get3A_106 = arith.constant 0 : index
      %get3A_107 = vector.load %arg8[%get3A_105, %get3A_106] : memref<1x64xi32, #tpu.memory_space<vmem>>, vector<1x64xi32>
      %convert_element_type3A_108 = arith.sitofp %get3A_107 : vector<1x64xi32> to vector<1x64xf32>
      %div3A_109 = arith.divf %convert_element_type3A_108, %convert_element_type3A_104 : vector<1x64xf32>
      %reduce_sum3A_110 = vector.shape_cast %div3A_109 : vector<1x64xf32> to vector<1x1x64xf32>
      %reduce_sum3A_111 = arith.constant dense<0.000000e+00> : vector<1xf32>
      %reduce_sum3A_112 = vector.multi_reduction <add>, %reduce_sum3A_110, %reduce_sum3A_111 [1, 2] : vector<1x1x64xf32> to vector<1xf32>
      %reduce_sum3A_113 = vector.shape_cast %reduce_sum3A_112 : vector<1xf32> to vector<1x1x1xf32>
      %reduce_sum3A_114 = vector.extract %reduce_sum3A_113[0, 0, 0] : f32 from vector<1x1x1xf32>
      %add3A_115 = arith.addf %reduce_sum3A_97, %reduce_sum3A_114 : f32
      %div3A_116 = arith.constant 1.024000e+03 : f32
      %div3A_117 = arith.divf %add3A_115, %div3A_116 : f32
      %reshape3A = vector.broadcast %div3A_117 : f32 to vector<1x1xf32>
      %swap3A_118 = arith.constant 0 : index
      %swap3A_119 = arith.constant 0 : index
      %swap3A_120 = vector.load %arg9[%swap3A_118, %swap3A_119] : memref<1x1xf32, #tpu.memory_space<vmem>>, vector<1x1xf32>
      tpu.vector_store %arg9[%swap3A_118, %swap3A_119], %reshape3A {strides = array<i32>} : memref<1x1xf32, #tpu.memory_space<vmem>>, vector<1x1xf32>,
    } else {
    }
    return
  }
  func.func @transform_0(%arg0: i32) -> (i32, i32) {
    %c0_i32 = arith.constant 0 : i32
    %c0_i32_0 = arith.constant 0 : i32
    %c0_i32_1 = arith.constant 0 : i32
    return %c0_i32, %c0_i32_0 : i32, i32
  }
  func.func @transform_1(%arg0: i32) -> (i32, i32) {
    %c0_i32 = arith.constant 0 : i32
    %c0_i32_0 = arith.constant 0 : i32
    %c0_i32_1 = arith.constant 0 : i32
    return %c0_i32, %c0_i32_0 : i32, i32
  }
  func.func @transform_2(%arg0: i32) -> (i32, i32) {
    %c0_i32 = arith.constant 0 : i32
    %c0_i32_0 = arith.constant 0 : i32
    %c0_i32_1 = arith.constant 0 : i32
    return %c0_i32, %c0_i32_0 : i32, i32
  }
  func.func @transform_3(%arg0: i32) -> (i32, i32) {
    %c0_i32 = arith.constant 0 : i32
    %c0_i32_0 = arith.constant 0 : i32
    return %arg0, %c0_i32 : i32, i32
  }
  func.func @transform_4(%arg0: i32) -> (i32, i32) {
    %c0_i32 = arith.constant 0 : i32
    %c0_i32_0 = arith.constant 0 : i32
    %c0_i32_1 = arith.constant 0 : i32
    return %c0_i32, %c0_i32_0 : i32, i32
  }
  func.func @transform_5(%arg0: i32) -> (i32, i32) {
    %c0_i32 = arith.constant 0 : i32
    %c0_i32_0 = arith.constant 0 : i32
    %c0_i32_1 = arith.constant 0 : i32
    return %c0_i32, %c0_i32_0 : i32, i32
  }
  func.func @transform_6(%arg0: i32) -> (i32, i32) {
    %c0_i32 = arith.constant 0 : i32
    %c0_i32_0 = arith.constant 0 : i32
    %c0_i32_1 = arith.constant 0 : i32
    return %c0_i32, %c0_i32_0 : i32, i32
  }
  func.func @transform_7(%arg0: i32) -> (i32, i32) {
    %c0_i32 = arith.constant 0 : i32
    %c0_i32_0 = arith.constant 0 : i32
    %c0_i32_1 = arith.constant 0 : i32
    return %c0_i32, %c0_i32_0 : i32, i32
  }
  func.func @transform_8(%arg0: i32) -> (i32, i32) {
    %c0_i32 = arith.constant 0 : i32
    %c0_i32_0 = arith.constant 0 : i32
    %c0_i32_1 = arith.constant 0 : i32
    return %c0_i32, %c0_i32_0 : i32, i32
  }
}

module attributes {stable_mosaic.version = 14 : i64} {
  func.func @_prep_body(%arg0: memref<1024x1024xf32, #tpu.memory_space<vmem>>, %arg1: memref<1024x1024xf32, #tpu.memory_space<vmem>>, %arg2: memref<1024x1xf32, #tpu.memory_space<vmem>>, %arg3: memref<1024x1024xf32, #tpu.memory_space<vmem>>, %arg4: memref<1024x1024xbf16, #tpu.memory_space<vmem>>) attributes {dimension_semantics = [], scalar_prefetch = 0 : i64, scratch_operands = 0 : i64, tpu.core_type = #tpu.core_type<tc>} {
    %get3A = arith.constant 0 : index
    %get3A_0 = arith.constant 0 : index
    %get3A_1 = vector.load %arg0[%get3A, %get3A_0] : memref<1024x1024xf32, #tpu.memory_space<vmem>>, vector<1024x1024xf32>
    %mul3A = arith.mulf %get3A_1, %get3A_1 : vector<1024x1024xf32>
    %reduce_sum3A = arith.constant dense<0.000000e+00> : vector<1024xf32>
    %reduce_sum3A_2 = vector.multi_reduction <add>, %mul3A, %reduce_sum3A [1] : vector<1024x1024xf32> to vector<1024xf32>
    %broadcast_in_dim3A = vector.shape_cast %reduce_sum3A_2 : vector<1024xf32> to vector<1024x1xf32>
    %sqrt3A = math.sqrt %broadcast_in_dim3A : vector<1024x1xf32>
    %add3A = arith.constant 9.99999996E-13 : f32
    %add3A_3 = vector.broadcast %add3A : f32 to vector<1024x1xf32>
    %add3A_4 = arith.addf %sqrt3A, %add3A_3 : vector<1024x1xf32>
    %div3A = vector.broadcast %add3A_4 : vector<1024x1xf32> to vector<1024x1024xf32>
    %div3A_5 = arith.divf %get3A_1, %div3A : vector<1024x1024xf32>
    %swap3A = arith.constant 0 : index
    %swap3A_6 = arith.constant 0 : index
    %swap3A_7 = vector.load %arg3[%swap3A, %swap3A_6] : memref<1024x1024xf32, #tpu.memory_space<vmem>>, vector<1024x1024xf32>
    tpu.vector_store %arg3[%swap3A, %swap3A_6], %div3A_5 {strides = array<i32>} : memref<1024x1024xf32, #tpu.memory_space<vmem>>, vector<1024x1024xf32>,
    %convert_element_type3A = arith.truncf %div3A_5 : vector<1024x1024xf32> to vector<1024x1024xbf16>
    %swap3A_8 = arith.constant 0 : index
    %swap3A_9 = arith.constant 0 : index
    %swap3A_10 = vector.load %arg4[%swap3A_8, %swap3A_9] : memref<1024x1024xbf16, #tpu.memory_space<vmem>>, vector<1024x1024xbf16>
    tpu.vector_store %arg4[%swap3A_8, %swap3A_9], %convert_element_type3A {strides = array<i32>} : memref<1024x1024xbf16, #tpu.memory_space<vmem>>, vector<1024x1024xbf16>,
    %get3A_11 = arith.constant 0 : index
    %get3A_12 = arith.constant 0 : index
    %get3A_13 = vector.load %arg1[%get3A_11, %get3A_12] : memref<1024x1024xf32, #tpu.memory_space<vmem>>, vector<1024x1024xf32>
    %mul3A_14 = arith.mulf %get3A_13, %get3A_13 : vector<1024x1024xf32>
    %reduce_sum3A_15 = arith.constant dense<0.000000e+00> : vector<1024xf32>
    %reduce_sum3A_16 = vector.multi_reduction <add>, %mul3A_14, %reduce_sum3A_15 [1] : vector<1024x1024xf32> to vector<1024xf32>
    %broadcast_in_dim3A_17 = vector.shape_cast %reduce_sum3A_16 : vector<1024xf32> to vector<1024x1xf32>
    %sqrt3A_18 = math.sqrt %broadcast_in_dim3A_17 : vector<1024x1xf32>
    %add3A_19 = arith.constant 9.99999996E-13 : f32
    %add3A_20 = vector.broadcast %add3A_19 : f32 to vector<1024x1xf32>
    %add3A_21 = arith.addf %sqrt3A_18, %add3A_20 : vector<1024x1xf32>
    %div3A_22 = vector.broadcast %add3A_21 : vector<1024x1xf32> to vector<1024x1024xf32>
    %div3A_23 = arith.divf %get3A_13, %div3A_22 : vector<1024x1024xf32>
    %mul3A_24 = arith.mulf %div3A_5, %div3A_23 : vector<1024x1024xf32>
    %reduce_sum3A_25 = arith.constant dense<0.000000e+00> : vector<1024xf32>
    %reduce_sum3A_26 = vector.multi_reduction <add>, %mul3A_24, %reduce_sum3A_25 [1] : vector<1024x1024xf32> to vector<1024xf32>
    %broadcast_in_dim3A_27 = vector.shape_cast %reduce_sum3A_26 : vector<1024xf32> to vector<1024x1xf32>
    %swap3A_28 = arith.constant 0 : index
    %swap3A_29 = arith.constant 0 : index
    %swap3A_30 = vector.load %arg2[%swap3A_28, %swap3A_29] : memref<1024x1xf32, #tpu.memory_space<vmem>>, vector<1024x1xf32>
    tpu.vector_store %arg2[%swap3A_28, %swap3A_29], %broadcast_in_dim3A_27 {strides = array<i32>} : memref<1024x1xf32, #tpu.memory_space<vmem>>, vector<1024x1xf32>,
    return
  }
}

</mosaic_0001>

<sc_bundles>
// kernel: kernel.6.cloned.1.call-start
scs
__scs_entry_jumppad:
0x0: {  	(pc) =	sbr.rel $0x88, $3  }
0x1: {  	(tag) =	ssettag $0x0;
	lr =	simm.s32 $0x1  }
0x2: {  	[smem:$0x3F9E] =	sst lr;
	_ =	strace $0xD0000000  }
0x3: {  	_ = 	snop  }
0x4: {  	_ = 	snop  }
0x5: {  	_ = 	snop  }
0x6: {  	_ = 	snop  }
0x7: {  	_ = 	snop  }
__scs_overlays_trampoline_lowered:
0x8: {  	[smem:$0x3FAD] =	sst s0  }
0x9: {  	[smem:$0x3FAE] =	sst s1  }
0xa: {  	[smem:$0x3FAF] =	sst s2  }
0xb: {  	[smem:$0x3FB0] =	sst s3  }
0xc: {  	[smem:$0x3FB1] =	sst s4  }
0xd: {  	[smem:$0x3FB2] =	sst s5  }
0xe: {  	[smem:$0x3FB3] =	sst s6  }
0xf: {  	[smem:$0x3FB4] =	sst s7  }
0x10: {  	[smem:$0x3FB5] =	sst s8  }
0x11: {  	[smem:$0x3FB6] =	sst s9;
	s0 =	simm.s32 @!p0 $0x0  }
0x12: {  	s1 =	sld [smem:$0x3F9C];
	s0 =	simm.s32 @p0 $0x1  }
0x13: {  	[smem:$0x3FB7] =	sst s0;
	s0 =	simm.s32 @!p1 $0x0  }
0x14: {  	s2 =	sld [smem:$0x3F9B];
	s0 =	simm.s32 @p1 $0x1  }
0x15: {  	[smem:$0x3FB8] =	sst s0;
	s0 =	simm.s32 @!p2 $0x0  }
0x16: {  	s3 =	sld [smem:$0x3FDB];
	s0 =	simm.s32 @p2 $0x1  }
0x17: {  	s4 =	simm.s32 $0x1BF5;
	[smem:$0x3FBA] =	sst s0  }
0x18: {  	s0 =	sld [smem:$0x3F9D];
	_ =	swait.ge [sflag:s4], $0x0  }
0x19: {  	s7 =	sld [smem:$0x3F9E]  }
0x1a: {  	s8 =	sadd.s32 $0xFFFFE003, lr  }
0x1b: {  	s9 =	sadd.s32 $0xFFFFFEF7, lr;
	s5 =	simm.s32 $0xFFFFFFFF;
	p2 =	slt.u32 s8, $0xFFFFF086  }
0x1c: {  	p1 =	slt.u32 s9, $0xF7A;
	s5 =	simm.s32 @!p2 $0x0  }
0x1d: {  	s5 =	simm.s32 @p1 $0x1;
	p0 =	seq.s32 s7, s2  }
0x1e: {  	s7 =	smul.u32 @!p0 $0xF7A, s2;
	p2 =	seq.s32 @!p0 s5, $0x0  }
0x1f: {  	s9 =	smul.u32 $0xF7A, s1;
	s8 =	simm.s32 @!p0 $0x1BF5;
	p2 =	por !p2, p0  }
0x20: {  	[sflag:s8] =	ssyncset.s32 @!p0 $0xFFFFF086;
	s6 =	sadd.s32 @!p0 s3, s7;
	s7 =	simm.s32 @!p0 $0x108  }
0x21: {  	s3 =	sadd.s32 s3, s9;
	s6 =	sadd.s32 @!p0 $0x88, s6;
	s7 =	simm.s32 @p2 $0x1082  }
0x22: {  	[simem:s7], [sflag:s8] =	dma.local @!p0 [hbm:s6], $0xF7A  }
0x23: {  	s9 =	sor.u32 $0xD0000000, s2;
	s6 =	simm.s32 $0x108;
	_ =	swait.ge @!p0 [sflag:s8], $0x0  }
0x24: {  	s3 =	sadd.s32 $0x88, s3;
	s6 =	simm.s32 @!p1 $0x1082;
	[sflag:s4] =	ssyncset.s32 $0xFFFFF086  }
0x25: {  	[simem:s6], [sflag:s4] =	dma.local [hbm:s3], $0xF7A  }
0x26: {  	[smem:$0x3F9E] =	sst s1;
	(tag) =	ssettag s2;
	_ =	strace s9  }
0x27: {  	s1 =	sld [smem:$0x3FAE]  }
0x28: {  	s2 =	sld [smem:$0x3FAF]  }
0x29: {  	s4 =	sld [smem:$0x3FB1]  }
0x2a: {  	p0 =	seq.s32 s5, $0x0;
	s5 =	sld [smem:$0x3FB2]  }
0x2b: {  	s6 =	sld [smem:$0x3FB3]  }
0x2c: {  	s7 =	sld [smem:$0x3FB4]  }
0x2d: {  	s3 =	simm.s32 $0x108;
	s8 =	sld [smem:$0x3FB5]  }
0x2e: {  	s3 =	simm.s32 @!p0 $0x1082;
	s9 =	sld [smem:$0x3FB6]  }
0x2f: {  	lr =	sadd.s32 s0, s3;
	s0 =	sld [smem:$0x3FAD]  }
0x30: {  	s3 =	sld [smem:$0x3FB0]  }
0x31: {  	[smem:$0x3FB9] =	sst s10  }
0x32: {  	s10 =	sld [smem:$0x3FB7];
	_ =	sdelay $0x3  }
0x33: {  	p0 =	seq.s32 s10, $0x1;
	s10 =	sld [smem:$0x3FB9];
	_ =	sdelay $0x3  }
0x34: {  	[smem:$0x3FB9] =	sst s10  }
0x35: {  	s10 =	sld [smem:$0x3FB8];
	_ =	sdelay $0x3  }
0x36: {  	p1 =	seq.s32 s10, $0x1;
	s10 =	sld [smem:$0x3FB9];
	_ =	sdelay $0x3  }
0x37: {  	[smem:$0x3FB9] =	sst s10  }
0x38: {  	s10 =	sld [smem:$0x3FBA]  }
0x39: {  	_ = 	snop;
	(pc) =	sbr.ind lr, $3  }
0x3a: {  	_ = 	snop  }
0x3b: {  	_ = 	snop  }
0x3c: {  	p2 =	seq.s32 s10, $0x1;
	s10 =	sld [smem:$0x3FB9]  }
0x3d: {  	_ =	shalt  }
0x3e: {  	_ =	shalt  }
0x3f: {  	_ =	shalt  }
0x40: {  	_ =	shalt  }
0x41: {  	_ =	shalt  }
0x42: {  	_ =	shalt  }
0x43: {  	_ =	shalt  }
0x44: {  	_ =	shalt  }
0x45: {  	_ =	shalt  }
0x46: {  	_ =	shalt  }
0x47: {  	_ =	shalt  }
0x48: {  	_ =	shalt  }
0x49: {  	_ =	shalt  }
0x4a: {  	_ =	shalt  }
0x4b: {  	_ =	shalt  }
0x4c: {  	_ =	shalt  }
0x4d: {  	_ =	shalt  }
0x4e: {  	_ =	shalt  }
0x4f: {  	_ =	shalt  }
0x50: {  	_ =	shalt  }
0x51: {  	_ =	shalt  }
0x52: {  	_ =	shalt  }
0x53: {  	_ =	shalt  }
0x54: {  	_ =	shalt  }
0x55: {  	_ =	shalt  }
0x56: {  	_ =	shalt  }
0x57: {  	_ =	shalt  }
0x58: {  	_ =	shalt  }
0x59: {  	_ =	shalt  }
0x5a: {  	_ =	shalt  }
0x5b: {  	_ =	shalt  }
0x5c: {  	_ =	shalt  }
0x5d: {  	_ =	shalt  }
0x5e: {  	_ =	shalt  }
0x5f: {  	_ =	shalt  }
0x60: {  	_ =	shalt  }
0x61: {  	_ =	shalt  }
0x62: {  	_ =	shalt  }
0x63: {  	_ =	shalt  }
0x64: {  	_ =	shalt  }
0x65: {  	_ =	shalt  }
0x66: {  	_ =	shalt  }
0x67: {  	_ =	shalt  }
0x68: {  	_ =	shalt  }
0x69: {  	_ =	shalt  }
0x6a: {  	_ =	shalt  }
0x6b: {  	_ =	shalt  }
0x6c: {  	_ =	shalt  }
0x6d: {  	_ =	shalt  }
0x6e: {  	_ =	shalt  }
0x6f: {  	_ =	shalt  }
0x70: {  	_ =	shalt  }
0x71: {  	_ =	shalt  }
0x72: {  	_ =	shalt  }
0x73: {  	_ =	shalt  }
0x74: {  	_ =	shalt  }
0x75: {  	_ =	shalt  }
0x76: {  	_ =	shalt  }
0x77: {  	_ =	shalt  }
0x78: {  	_ =	shalt  }
0x79: {  	_ =	shalt  }
0x7a: {  	_ =	shalt  }
0x7b: {  	_ =	shalt  }
0x7c: {  	_ =	shalt  }
0x7d: {  	_ =	shalt  }
0x7e: {  	_ =	shalt  }
0x7f: {  	_ =	shalt  }
0x80: {  	_ =	shalt  }
0x81: {  	_ =	shalt  }
0x82: {  	_ =	shalt  }
0x83: {  	_ =	shalt  }
0x84: {  	_ =	shalt  }
0x85: {  	_ =	shalt  }
0x86: {  	_ =	shalt  }
0x87: {  	_ =	shalt  }
.Lfunc_end0:
.L_simem_size_0:
called_computation_lowered:
.L_overlay_start_0:
0x88: {  	s2 =	sld [smem:$0x3FD9]  }
0x89: {  	s3 =	sld [smem:$0x3FFE];
	_ =	sdelay $0x1  }
0x8a: {  	s1 =	srdreg.scid  }
0x8b: {  	s0 =	sand.u32 $0x1, s1  }
0x8c: {  	s17 =	sshll.u32 s0, $0xA;
	s2 =	sadd.s32 s3, s2  }
0x8d: {  	s2 =	sadd.s32 s2, s17  }
0x8e: {  	[smem:$0x3FC5] =	sst s2  }
0x8f: {  	_ = 	snop  }
0x90: {  	s2 =	sld [smem:$0x3FC8]  }
0x91: {  	s18 =	sld [smem:$0x3FC7];
	(tm) =	ssettm $0x1  }
0x92: {  	s4 =	sld [smem:$0x3FFB];
	_ =	sdelay $0x3  }
0x93: {  	_ =	strace s4  }
0x94: {  	s4 =	sld [smem:$0x3FFC];
	_ =	sdelay $0x3  }
0x95: {  	_ =	strace s4  }
0x96: {  	s4 =	sld [smem:$0x3FFD];
	_ =	sdelay $0x3  }
0x97: {  	_ =	strace s4  }
0x98: {  	_ =	strace $0x8FFFFFFF  }
0x99: {  	s19 =	sld [smem:$0x3FDB];
	_ =	sdelay $0x1  }
0x9a: {  	s5 =	simm.s32 $_scs_section_size  }
0x9b: {  	s6 =	simm.s32 $_size__tile_overlayer_lowered;
	s7 =	simm.s32 $_tile_overlayer_lowered  }
0x9c: {  	s22 =	simm.s32 $0x1BFF;
	s21 =	sshll.u32 s7, $0x1;
	s4 =	sadd.s32 s5, s19  }
0x9d: {  	s8 =	simm.s32 $0x0;
	s20 =	sshll.u32 s6, $0x1;
	s6 =	sadd.s32 s21, s4  }
0x9e: {  	[timem:s8], [sflag:s22] =	dma.local [hbm:s6], s20  }
0x9f: {  	_ =	swait.ge [sflag:s22], s20  }
0xa0: {  	s5 =	ssub.s32 $0x0, s20;
	[sflag:s22] =	ssyncset.done $0x0  }
0xa1: {  	[sflag:s22] =	ssyncadd.s32 s5;
	_ =	sdelay $0x1  }
0xa2: {  	s23 =	simm.s32 $0x1B8B  }
0xa3: {  	_ =	swait.ge [sflag:s23], $0x1  }
0xa4: {  	[sflag:s23] =	ssyncset.done $0x0  }
0xa5: {  	s25 =	simm.s32 $0x1B8E;
	s24 =	sld [smem:$0x3FFE];
	[sflag:s23] =	ssyncadd.s32 $0xFFFFFFFF  }
0xa6: {  	s26 =	simm.s32 $execute0_lowered;
	[smem:$0x3FD2] =	sst s25  }
0xa7: {  	s6 =	sshll.u32 s26, $0x1;
	_ =	strace $0x80000046;
	[dreg:$0x1] =	wrdreg $0xFFFFFFFF  }
0xa8: {  	s28 =	simm.s32 $_size_execute0_lowered;
	s4 =	sadd.s32 s4, s6;
	[dreg:$0x0] =	wrdreg $0x0  }
0xa9: {  	s6 =	sshll.u32 s28, $0x1;
	[dreg:$0x2] =	wrdreg s4  }
0xaa: {  	[dreg:$0x3] =	wrdreg s6  }
0xab: {  	[dreg:$0x4] =	wrdreg $0xC0  }
0xac: {  	_ =	task [dreg:s8], $0x5FFFF  }
0xad: {  	[dreg:$0x1] =	wrdreg $0xFFFFFFFF  }
0xae: {  	[dreg:$0x0] =	wrdreg $0x60  }
0xaf: {  	[dreg:$0x2] =	wrdreg s2  }
0xb0: {  	[dreg:$0x3] =	wrdreg s18  }
0xb1: {  	[dreg:$0x4] =	wrdreg s24  }
0xb2: {  	[dreg:$0x5] =	wrdreg $0x9  }
0xb3: {  	_ =	task.clear_ibuf [dreg:s8], $0x6FFFF;
	_ =	strace $0x90000046  }
0xb4: {  	s29 =	simm.s32 $0x9;
	_ =	strace $0x80000048  }
0xb5: {  	_ =	swait.ge [sflag:s29], $0x1  }
0xb6: {  	[sflag:s29] =	ssyncadd.s32 $0xFFFFFFFF  }
0xb7: {  	_ =	strace $0x90000048  }
0xb8: {  	_ =	sfence  }
0xb9: {  	s30 =	sld [smem:$0x0];
	_ =	sdelay $0x2  }
0xba: {  	s31 =	sshll.u32 s1, $0xD;
	s1 =	sshrl.u32 s1, $0x2  }
0xbb: {  	s3 =	sand.u32 $0x4000, s31;
	s1 =	sadd.s32 s1, s30  }
0xbc: {  	s0 =	sor.u32 s3, s0;
	s1 =	sshll.u32 s1, $0x11  }
0xbd: {  	s0 =	sor.u32 s1, s0  }
0xbe: {  	s0 =	sadd.s32 $0x8F2B, s0  }
0xbf: {  	[sflag:s0] =	ssyncadd.remote.s32 $0x1  }
0xc0: {  	_ =	sfence.sel $0xFFFF  }
0xc1: {  	[dreg:$0x0] =	wrdreg $0xFFFFFFFF;
	(pc) =	sbr.abs _section_cstart, $3  }
0xc2: {  	[dreg:$0x1] =	wrdreg $0xFFFFFFFF  }
0xc3: {  	_ =	task.clear_ibuf [dreg:s8], $0x2FFFF;
	_ =	strace $0x9FFFFFFF  }
0xc4: {  	(tm) =	ssettm $0x7FFFFFFF  }
0xc5: {  	_ =	shalt  }
tec
execute0_lowered:
.L_overlay_start_1:
0x0: {  	(tag) =	ssettag $0x1  }
0x1: {  	s1 =	rddreg [dreg:$0x0]  }
0x2: {  	s4 =	rddreg [dreg:$0x1]  }
0x3: {  	s5 =	rddreg [dreg:$0x2];
	s3 =	srdreg.scid  }
0x4: {  	s0 =	rddreg [dreg:$0x3];
	s2 =	stileid.u32;
	s10 =	simm.s32 $0x2  }
0x5: {  	s11 =	simm.s32 $0x80;
	s12 =	simm.s32 $0x880;
	s13 =	simm.s32 $0x1080  }
0x6: {  	s14 =	simm.s32 $0x1880;
	s15 =	simm.s32 $0x2080;
	s16 =	simm.s32 $0x2880  }
0x7: {  	s17 =	simm.s32 $0x3080;
	s18 =	simm.s32 $0x3880;
	s19 =	simm.s32 $0x4080  }
0x8: {  	s20 =	simm.s32 $0x4880;
	s21 =	simm.s32 $0x5080;
	s22 =	simm.s32 $0x5880  }
0x9: {  	s23 =	simm.s32 $0x6080;
	s24 =	simm.s32 $0x6880;
	s25 =	simm.s32 $0x7080  }
0xa: {  	s26 =	simm.s32 $0x7880;
	s28 =	simm.s32 $0x1;
	s6 =	sand.u32 $0x1, s3  }
0xb: {  	s3 =	simm.s32 $0x0;
	s7 =	sshll.u32 s2, $0x6;
	s8 =	sshll.u32 s6, $0x5  }
0xc: {  	[smem:$0x7FF] =	sst s3;
	s6 =	ssub.s32 $0x2, s6;
	s7 =	sor.u32 s8, s7  }
0xd: {  	_ =	strace $0x80000047;
	s9 =	sshrl.u32 s6, $0x1;
	s8 =	sshll.u32 s7, $0x7  }
0xe: {  	v2 =	vlaneseq.u32;
	s9 =	ssub.s32 s6, s9;
	s31 =	sshrl.u32 s7, $0x3;
	s6 =	sadd.s32 $0x200, s1  }
0xf: {  	vm0 =	vmmov $0xffff;
	v1 =	vshrl.u32 v2, $0x3;
	s7 =	sadd.s32 $0x300, s1;
	s8 =	sadd.s32 s8, s5;
	s4 =	sadd.s32 s4, s31  }
0x10: {  	v0 =	vand.u32 $0x7, v2;
	v2 =	vor.u32 $0x8, v2;
	v1 =	vmul.u32 $0x8, v1;
	s5 =	sadd.s32 $0x100, s1;
	s9 =	smax.u32 s9, $0x1;
	s8 =	sadd.s32 $0x1400, s8  }
.LBB2_1:
0x11: {  	[tilespmem:s3], [sflag:$0x2] =	stream.linear.gather [hbm4b:s4+s3], $0x20, $0x38;
	[tilespmem:$0x8080] =	vst v63  }
0x12: {  	_ =	swait.ge [sflag:s10], $0x20  }
0x13: {  	[sflag:s10] =	ssyncset.done $0x0  }
0x14: {  	[sflag:s10] =	ssyncadd.s32 $0xFFFFFFE0  }
0x15: {  	v3 =	vld [tilespmem:$0x0];
	_ =	sdelay $0x4  }
0x16: {  	v4 =	vshll.u32 v3, $0x3  }
0x17: {  	v3 =	vand.u32 $0x7, v3;
	v4 =	vand.u32 $0xFFFFFFC0, v4  }
0x18: {  	v3 =	vor.u32 v3, v4  }
0x19: {  	v4 =	vperm.xlane v3, v0;
	_ =	sdelay $0x1  }
0x1a: {  	v4 =	vadd.s32 v1, v4;
	_ =	sdelay $0x4  }
0x1b: {  	[tilespmem:s11], [sflag:$0x1] =	stream.indirect_vreg.gather [hbm4b:s1+s3], $0x80, v4, vm0, $0xb8;
	[tilespmem:$0x8080] =	vst v63  }
0x1c: {  	v3 =	vperm.xlane v3, v2  }
0x1d: {  	[tilespmem:s12], [sflag:$0x1] =	stream.indirect_vreg.gather [hbm4b:s5+s3], $0x80, v4, vm0, $0xb8;
	[tilespmem:$0x8080] =	vst v63  }
0x1e: {  	v3 =	vadd.s32 v1, v3  }
0x1f: {  	[tilespmem:s13], [sflag:$0x1] =	stream.indirect_vreg.gather [hbm4b:s6+s3], $0x80, v4, vm0, $0xb8;
	[tilespmem:$0x8080] =	vst v63  }
0x20: {  	_ = 	snop  }
0x21: {  	[tilespmem:s14], [sflag:$0x1] =	stream.indirect_vreg.gather [hbm4b:s7+s3], $0x80, v4, vm0, $0xb8;
	[tilespmem:$0x8080] =	vst v63  }
0x22: {  	_ = 	snop  }
0x23: {  	[tilespmem:s15], [sflag:$0x1] =	stream.indirect_vreg.gather [hbm4b:s1+s3], $0x80, v3, vm0, $0xb8;
	[tilespmem:$0x8080] =	vst v63  }
0x24: {  	_ = 	snop  }
0x25: {  	[tilespmem:s16], [sflag:$0x1] =	stream.indirect_vreg.gather [hbm4b:s5+s3], $0x80, v3, vm0, $0xb8;
	[tilespmem:$0x8080] =	vst v63  }
0x26: {  	_ = 	snop  }
0x27: {  	[tilespmem:s17], [sflag:$0x1] =	stream.indirect_vreg.gather [hbm4b:s6+s3], $0x80, v3, vm0, $0xb8;
	[tilespmem:$0x8080] =	vst v63  }
0x28: {  	_ = 	snop  }
0x29: {  	[tilespmem:s18], [sflag:$0x1] =	stream.indirect_vreg.gather [hbm4b:s7+s3], $0x80, v3, vm0, $0xb8;
	[tilespmem:$0x8080] =	vst v63  }
0x2a: {  	v3 =	vld [tilespmem:$0x10];
	_ =	sdelay $0x4  }
0x2b: {  	v63 =	vshll.u32 v3, $0x3  }
0x2c: {  	v3 =	vand.u32 $0x7, v3;
	v4 =	vand.u32 $0xFFFFFFC0, v63  }
0x2d: {  	v3 =	vor.u32 v3, v4  }
0x2e: {  	v4 =	vperm.xlane v3, v0;
	_ =	sdelay $0x1  }
0x2f: {  	v4 =	vadd.s32 v1, v4;
	_ =	sdelay $0x4  }
0x30: {  	[tilespmem:s19], [sflag:$0x1] =	stream.indirect_vreg.gather [hbm4b:s1+s3], $0x80, v4, vm0, $0xb8;
	[tilespmem:$0x8080] =	vst v63  }
0x31: {  	v3 =	vperm.xlane v3, v2  }
0x32: {  	[tilespmem:s20], [sflag:$0x1] =	stream.indirect_vreg.gather [hbm4b:s5+s3], $0x80, v4, vm0, $0xb8;
	[tilespmem:$0x8080] =	vst v63  }
0x33: {  	v3 =	vadd.s32 v1, v3  }
0x34: {  	[tilespmem:s21], [sflag:$0x1] =	stream.indirect_vreg.gather [hbm4b:s6+s3], $0x80, v4, vm0, $0xb8;
	[tilespmem:$0x8080] =	vst v63  }
0x35: {  	_ = 	snop  }
0x36: {  	[tilespmem:s22], [sflag:$0x1] =	stream.indirect_vreg.gather [hbm4b:s7+s3], $0x80, v4, vm0, $0xb8;
	[tilespmem:$0x8080] =	vst v63  }
0x37: {  	_ = 	snop  }
0x38: {  	[tilespmem:s23], [sflag:$0x1] =	stream.indirect_vreg.gather [hbm4b:s1+s3], $0x80, v3, vm0, $0xb8;
	[tilespmem:$0x8080] =	vst v63  }
0x39: {  	_ = 	snop  }
0x3a: {  	[tilespmem:s24], [sflag:$0x1] =	stream.indirect_vreg.gather [hbm4b:s5+s3], $0x80, v3, vm0, $0xb8;
	[tilespmem:$0x8080] =	vst v63  }
0x3b: {  	_ = 	snop  }
0x3c: {  	[tilespmem:s25], [sflag:$0x1] =	stream.indirect_vreg.gather [hbm4b:s6+s3], $0x80, v3, vm0, $0xb8;
	[tilespmem:$0x8080] =	vst v63  }
0x3d: {  	_ = 	snop  }
0x3e: {  	[tilespmem:s26], [sflag:$0x1] =	stream.indirect_vreg.gather [hbm4b:s7+s3], $0x80, v3, vm0, $0xb8;
	[tilespmem:$0x8080] =	vst v63  }
0x3f: {  	_ =	swait.ge [sflag:s28], $0x8000  }
0x40: {  	p0 =	sne.s32 s9, $0x1;
	[sflag:s28] =	ssyncset.done $0x0  }
.Ltmp0:
0x41: {  	[sflag:s28] =	ssyncadd.s32 $0xFFFF8000;
	(pc) =	sbr.rel @p0 .LBB2_1-.Ltmp0, $4  }
0x42: {  	[hbm4b:s8+s3] =	stream.linear.scatter [tilespmem:s11], [sflag:$0x2], $0x8000, $0x38;
	[tilespmem:$0x8080] =	vst v63  }
0x43: {  	_ =	swait.ge [sflag:s10], $0x8000  }
0x44: {  	[sflag:s10] =	ssyncset.done $0x0  }
0x45: {  	s9 =	sadd.s32 $0xFFFFFFFF, s9;
	[sflag:s10] =	ssyncadd.s32 $0xFFFF8000  }
0x46: {  	_ =	sfence.sel $0x180000  }
0x47: {  	[bflag:$0x0] =	sbarrier.arrive $0xFFFF  }
0x48: {  	p0 =	sne.s32 s2, $0x0;
	_ =	strace $0x90000047  }
0x49: {  	s0 =	sadd.s32 @!p0 $0x100000, s0;
	[bflag:$0x2] =	sbarrier.arrive $0xFFFF  }
0x4a: {  	[sflag:s0] =	ssyncadd.tile.s32 @!p0 $0x1;
	_ =	shalt  }
.Lfunc_end2:
_tile_overlayer_lowered:
.L_overlay_start_2:
0x4b: {  	(tag) =	ssettag $0x2  }
0x4c: {  	s0 =	rddreg [dreg:$0x0];
	s2 =	stileid.u32  }
0x4d: {  	s1 =	rddreg [dreg:$0x1];
	p0 =	sne.s32 s2, $0x0  }
0x4e: {  	s3 =	rddreg [dreg:$0x2];
	[bflag:$0x3] =	sbarrier.arrive $0xFFFF;
	s2 =	simm.s32 @!p0 $0x1C02  }
0x4f: {  	[timem:s3], [sflag:s2] =	dma.local @!p0 [hbm:s0], s1  }
0x50: {  	s0 =	simm.s32 @!p0 $0x2  }
0x51: {  	_ =	swait.ge @!p0 [sflag:s0], s1  }
0x52: {  	s1 =	ssub.s32 @!p0 $0x0, s1;
	[sflag:s0] =	ssyncset.done @!p0 $0x0  }
0x53: {  	[sflag:s0] =	ssyncadd.s32 @!p0 s1  }
0x54: {  	[bflag:$0x3] =	sbarrier.arrive $0xFFFF  }
0x55: {  	_ =	shalt  }

// kernel: kernel.9.cloned.1.call-start
scs
__scs_entry_jumppad:
0x0: {  	(pc) =	sbr.rel $0x88, $3  }
0x1: {  	(tag) =	ssettag $0x0;
	lr =	simm.s32 $0x1  }
0x2: {  	[smem:$0x3F9E] =	sst lr;
	_ =	strace $0xD0000000  }
0x3: {  	_ = 	snop  }
0x4: {  	_ = 	snop  }
0x5: {  	_ = 	snop  }
0x6: {  	_ = 	snop  }
0x7: {  	_ = 	snop  }
__scs_overlays_trampoline_lowered:
0x8: {  	[smem:$0x3FAD] =	sst s0  }
0x9: {  	[smem:$0x3FAE] =	sst s1  }
0xa: {  	[smem:$0x3FAF] =	sst s2  }
0xb: {  	[smem:$0x3FB0] =	sst s3  }
0xc: {  	[smem:$0x3FB1] =	sst s4  }
0xd: {  	[smem:$0x3FB2] =	sst s5  }
0xe: {  	[smem:$0x3FB3] =	sst s6  }
0xf: {  	[smem:$0x3FB4] =	sst s7  }
0x10: {  	[smem:$0x3FB5] =	sst s8  }
0x11: {  	[smem:$0x3FB6] =	sst s9;
	s0 =	simm.s32 @!p0 $0x0  }
0x12: {  	s1 =	sld [smem:$0x3F9C];
	s0 =	simm.s32 @p0 $0x1  }
0x13: {  	[smem:$0x3FB7] =	sst s0;
	s0 =	simm.s32 @!p1 $0x0  }
0x14: {  	s2 =	sld [smem:$0x3F9B];
	s0 =	simm.s32 @p1 $0x1  }
0x15: {  	[smem:$0x3FB8] =	sst s0;
	s0 =	simm.s32 @!p2 $0x0  }
0x16: {  	s3 =	sld [smem:$0x3FDB];
	s0 =	simm.s32 @p2 $0x1  }
0x17: {  	s4 =	simm.s32 $0x1BF5;
	[smem:$0x3FBA] =	sst s0  }
0x18: {  	s0 =	sld [smem:$0x3F9D];
	_ =	swait.ge [sflag:s4], $0x0  }
0x19: {  	s7 =	sld [smem:$0x3F9E]  }
0x1a: {  	s8 =	sadd.s32 $0xFFFFE003, lr  }
0x1b: {  	s9 =	sadd.s32 $0xFFFFFEF7, lr;
	s5 =	simm.s32 $0xFFFFFFFF;
	p2 =	slt.u32 s8, $0xFFFFF086  }
0x1c: {  	p1 =	slt.u32 s9, $0xF7A;
	s5 =	simm.s32 @!p2 $0x0  }
0x1d: {  	s5 =	simm.s32 @p1 $0x1;
	p0 =	seq.s32 s7, s2  }
0x1e: {  	s7 =	smul.u32 @!p0 $0xF7A, s2;
	p2 =	seq.s32 @!p0 s5, $0x0  }
0x1f: {  	s9 =	smul.u32 $0xF7A, s1;
	s8 =	simm.s32 @!p0 $0x1BF5;
	p2 =	por !p2, p0  }
0x20: {  	[sflag:s8] =	ssyncset.s32 @!p0 $0xFFFFF086;
	s6 =	sadd.s32 @!p0 s3, s7;
	s7 =	simm.s32 @!p0 $0x108  }
0x21: {  	s3 =	sadd.s32 s3, s9;
	s6 =	sadd.s32 @!p0 $0x88, s6;
	s7 =	simm.s32 @p2 $0x1082  }
0x22: {  	[simem:s7], [sflag:s8] =	dma.local @!p0 [hbm:s6], $0xF7A  }
0x23: {  	s9 =	sor.u32 $0xD0000000, s2;
	s6 =	simm.s32 $0x108;
	_ =	swait.ge @!p0 [sflag:s8], $0x0  }
0x24: {  	s3 =	sadd.s32 $0x88, s3;
	s6 =	simm.s32 @!p1 $0x1082;
	[sflag:s4] =	ssyncset.s32 $0xFFFFF086  }
0x25: {  	[simem:s6], [sflag:s4] =	dma.local [hbm:s3], $0xF7A  }
0x26: {  	[smem:$0x3F9E] =	sst s1;
	(tag) =	ssettag s2;
	_ =	strace s9  }
0x27: {  	s1 =	sld [smem:$0x3FAE]  }
0x28: {  	s2 =	sld [smem:$0x3FAF]  }
0x29: {  	s4 =	sld [smem:$0x3FB1]  }
0x2a: {  	p0 =	seq.s32 s5, $0x0;
	s5 =	sld [smem:$0x3FB2]  }
0x2b: {  	s6 =	sld [smem:$0x3FB3]  }
0x2c: {  	s7 =	sld [smem:$0x3FB4]  }
0x2d: {  	s3 =	simm.s32 $0x108;
	s8 =	sld [smem:$0x3FB5]  }
0x2e: {  	s3 =	simm.s32 @!p0 $0x1082;
	s9 =	sld [smem:$0x3FB6]  }
0x2f: {  	lr =	sadd.s32 s0, s3;
	s0 =	sld [smem:$0x3FAD]  }
0x30: {  	s3 =	sld [smem:$0x3FB0]  }
0x31: {  	[smem:$0x3FB9] =	sst s10  }
0x32: {  	s10 =	sld [smem:$0x3FB7];
	_ =	sdelay $0x3  }
0x33: {  	p0 =	seq.s32 s10, $0x1;
	s10 =	sld [smem:$0x3FB9];
	_ =	sdelay $0x3  }
0x34: {  	[smem:$0x3FB9] =	sst s10  }
0x35: {  	s10 =	sld [smem:$0x3FB8];
	_ =	sdelay $0x3  }
0x36: {  	p1 =	seq.s32 s10, $0x1;
	s10 =	sld [smem:$0x3FB9];
	_ =	sdelay $0x3  }
0x37: {  	[smem:$0x3FB9] =	sst s10  }
0x38: {  	s10 =	sld [smem:$0x3FBA]  }
0x39: {  	_ = 	snop;
	(pc) =	sbr.ind lr, $3  }
0x3a: {  	_ = 	snop  }
0x3b: {  	_ = 	snop  }
0x3c: {  	p2 =	seq.s32 s10, $0x1;
	s10 =	sld [smem:$0x3FB9]  }
0x3d: {  	_ =	shalt  }
0x3e: {  	_ =	shalt  }
0x3f: {  	_ =	shalt  }
0x40: {  	_ =	shalt  }
0x41: {  	_ =	shalt  }
0x42: {  	_ =	shalt  }
0x43: {  	_ =	shalt  }
0x44: {  	_ =	shalt  }
0x45: {  	_ =	shalt  }
0x46: {  	_ =	shalt  }
0x47: {  	_ =	shalt  }
0x48: {  	_ =	shalt  }
0x49: {  	_ =	shalt  }
0x4a: {  	_ =	shalt  }
0x4b: {  	_ =	shalt  }
0x4c: {  	_ =	shalt  }
0x4d: {  	_ =	shalt  }
0x4e: {  	_ =	shalt  }
0x4f: {  	_ =	shalt  }
0x50: {  	_ =	shalt  }
0x51: {  	_ =	shalt  }
0x52: {  	_ =	shalt  }
0x53: {  	_ =	shalt  }
0x54: {  	_ =	shalt  }
0x55: {  	_ =	shalt  }
0x56: {  	_ =	shalt  }
0x57: {  	_ =	shalt  }
0x58: {  	_ =	shalt  }
0x59: {  	_ =	shalt  }
0x5a: {  	_ =	shalt  }
0x5b: {  	_ =	shalt  }
0x5c: {  	_ =	shalt  }
0x5d: {  	_ =	shalt  }
0x5e: {  	_ =	shalt  }
0x5f: {  	_ =	shalt  }
0x60: {  	_ =	shalt  }
0x61: {  	_ =	shalt  }
0x62: {  	_ =	shalt  }
0x63: {  	_ =	shalt  }
0x64: {  	_ =	shalt  }
0x65: {  	_ =	shalt  }
0x66: {  	_ =	shalt  }
0x67: {  	_ =	shalt  }
0x68: {  	_ =	shalt  }
0x69: {  	_ =	shalt  }
0x6a: {  	_ =	shalt  }
0x6b: {  	_ =	shalt  }
0x6c: {  	_ =	shalt  }
0x6d: {  	_ =	shalt  }
0x6e: {  	_ =	shalt  }
0x6f: {  	_ =	shalt  }
0x70: {  	_ =	shalt  }
0x71: {  	_ =	shalt  }
0x72: {  	_ =	shalt  }
0x73: {  	_ =	shalt  }
0x74: {  	_ =	shalt  }
0x75: {  	_ =	shalt  }
0x76: {  	_ =	shalt  }
0x77: {  	_ =	shalt  }
0x78: {  	_ =	shalt  }
0x79: {  	_ =	shalt  }
0x7a: {  	_ =	shalt  }
0x7b: {  	_ =	shalt  }
0x7c: {  	_ =	shalt  }
0x7d: {  	_ =	shalt  }
0x7e: {  	_ =	shalt  }
0x7f: {  	_ =	shalt  }
0x80: {  	_ =	shalt  }
0x81: {  	_ =	shalt  }
0x82: {  	_ =	shalt  }
0x83: {  	_ =	shalt  }
0x84: {  	_ =	shalt  }
0x85: {  	_ =	shalt  }
0x86: {  	_ =	shalt  }
0x87: {  	_ =	shalt  }
.Lfunc_end0:
.L_simem_size_0:
called_computation.1_lowered:
.L_overlay_start_0:
0x88: {  	s0 =	sld [smem:$0x3FD9]  }
0x89: {  	s1 =	sld [smem:$0x3FFE];
	_ =	sdelay $0x3  }
0x8a: {  	s0 =	sadd.s32 s1, s0  }
0x8b: {  	[smem:$0x3FC5] =	sst s0  }
0x8c: {  	_ = 	snop  }
0x8d: {  	s0 =	sld [smem:$0x3FC7];
	(tm) =	ssettm $0x1  }
0x8e: {  	s16 =	sld [smem:$0x3FFB];
	_ =	sdelay $0x3  }
0x8f: {  	_ =	strace s16  }
0x90: {  	s1 =	sld [smem:$0x3FFC];
	_ =	sdelay $0x3  }
0x91: {  	_ =	strace s1  }
0x92: {  	s1 =	sld [smem:$0x3FFD];
	_ =	sdelay $0x3  }
0x93: {  	_ =	strace s1  }
0x94: {  	_ =	strace $0x8FFFFFFF  }
0x95: {  	s17 =	sld [smem:$0x3FDB];
	_ =	sdelay $0x1  }
0x96: {  	s2 =	simm.s32 $_scs_section_size  }
0x97: {  	s3 =	simm.s32 $_size__tile_overlayer_lowered;
	s4 =	simm.s32 $_tile_overlayer_lowered  }
0x98: {  	s20 =	simm.s32 $0x1BFF;
	s19 =	sshll.u32 s4, $0x1;
	s1 =	sadd.s32 s2, s17  }
0x99: {  	s5 =	simm.s32 $0x0;
	s18 =	sshll.u32 s3, $0x1;
	s3 =	sadd.s32 s19, s1  }
0x9a: {  	[timem:s5], [sflag:s20] =	dma.local [hbm:s3], s18  }
0x9b: {  	_ =	swait.ge [sflag:s20], s18  }
0x9c: {  	s2 =	ssub.s32 $0x0, s18;
	[sflag:s20] =	ssyncset.done $0x0  }
0x9d: {  	[sflag:s20] =	ssyncadd.s32 s2;
	_ =	sdelay $0x1  }
0x9e: {  	s21 =	simm.s32 $0x1B8B  }
0x9f: {  	_ =	swait.ge [sflag:s21], $0x1  }
0xa0: {  	[sflag:s21] =	ssyncset.done $0x0  }
0xa1: {  	s23 =	simm.s32 $0x1B8E;
	s22 =	sld [smem:$0x3FFE];
	[sflag:s21] =	ssyncadd.s32 $0xFFFFFFFF  }
0xa2: {  	s24 =	simm.s32 $execute0_lowered;
	[smem:$0x3FD2] =	sst s23  }
0xa3: {  	s3 =	sshll.u32 s24, $0x1;
	_ =	strace $0x80000049;
	[dreg:$0x1] =	wrdreg $0xFFFFFFFF  }
0xa4: {  	s25 =	simm.s32 $_size_execute0_lowered;
	s1 =	sadd.s32 s1, s3;
	[dreg:$0x0] =	wrdreg $0x0  }
0xa5: {  	s3 =	sshll.u32 s25, $0x1;
	[dreg:$0x2] =	wrdreg s1  }
0xa6: {  	[dreg:$0x3] =	wrdreg s3  }
0xa7: {  	[dreg:$0x4] =	wrdreg $0xC0  }
0xa8: {  	_ =	task [dreg:s5], $0x5FFFF  }
0xa9: {  	[dreg:$0x1] =	wrdreg $0xFFFFFFFF  }
0xaa: {  	[dreg:$0x0] =	wrdreg $0x60  }
0xab: {  	[dreg:$0x2] =	wrdreg s22  }
0xac: {  	[dreg:$0x3] =	wrdreg s0  }
0xad: {  	[dreg:$0x4] =	wrdreg $0x2E800  }
0xae: {  	[dreg:$0x5] =	wrdreg $0x9  }
0xaf: {  	_ =	task.clear_ibuf [dreg:s5], $0x6FFFF;
	_ =	strace $0x90000049  }
0xb0: {  	s26 =	simm.s32 $0x9;
	_ =	strace $0x8000004B  }
0xb1: {  	_ =	swait.ge [sflag:s26], $0x1  }
0xb2: {  	[sflag:s26] =	ssyncadd.s32 $0xFFFFFFFF  }
0xb3: {  	_ =	strace $0x9000004B  }
0xb4: {  	_ =	sfence  }
0xb5: {  	s28 =	sld [smem:$0x0];
	_ =	sdelay $0x1  }
0xb6: {  	s29 =	srdreg.scid  }
0xb7: {  	s30 =	sshll.u32 s29, $0xD;
	s31 =	sshrl.u32 s29, $0x2  }
0xb8: {  	s2 =	sand.u32 $0x4000, s30;
	s1 =	sand.u32 $0x1, s29;
	s0 =	sadd.s32 s31, s28  }
0xb9: {  	s1 =	sor.u32 s2, s1;
	s0 =	sshll.u32 s0, $0x11  }
0xba: {  	s0 =	sor.u32 s0, s1  }
0xbb: {  	s0 =	sadd.s32 $0x8F2B, s0  }
0xbc: {  	[sflag:s0] =	ssyncadd.remote.s32 $0x1  }
0xbd: {  	_ =	sfence.sel $0xFFFF  }
0xbe: {  	[dreg:$0x0] =	wrdreg $0xFFFFFFFF;
	(pc) =	sbr.abs _section_cstart, $3  }
0xbf: {  	[dreg:$0x1] =	wrdreg $0xFFFFFFFF  }
0xc0: {  	_ =	task.clear_ibuf [dreg:s5], $0x2FFFF;
	_ =	strace $0x9FFFFFFF  }
0xc1: {  	(tm) =	ssettm $0x7FFFFFFF  }
tec
execute0_lowered:
.L_overlay_start_1:
0x0: {  	(tag) =	ssettag $0x1  }
0x1: {  	s2 =	stileid.u32  }
0x2: {  	p0 =	sne.s32 s2, $0x0  }
.Ltmp0:
0x3: {  	s1 =	rddreg [dreg:$0x0];
	(pc) =	sbr.rel @!p0 .LBB2_1-.Ltmp0, $4  }
0x4: {  	s6 =	rddreg [dreg:$0x1]  }
0x5: {  	s3 =	rddreg [dreg:$0x2];
	s4 =	simm.s32 $0x0  }
0x6: {  	[smem:$0x7FF] =	sst s4  }
0x7: {  	s0 =	rddreg [dreg:$0x3];
	_ =	strace $0x8000004A  }
0x8: {  	p1 =	sgt.u32 s2, $0x7  }
.Ltmp1:
0x9: {  	_ = 	snop;
	(pc) =	sbr.rel @p1 .LBB2_4-.Ltmp1, $4  }
.Ltmp2:
0xa: {  	_ = 	snop;
	(pc) =	sbr.rel @!p1 .LBB2_3-.Ltmp2, $4  }
0xb: {  	_ = 	snop  }
0xc: {  	[bflag:$0x0] =	sbarrier.arrive $0xFFFF  }
0xd: {  	_ = 	snop  }
0xe: {  	_ = 	snop  }
.LBB2_1:
0xf: {  	s5 =	sadd.s32 $0x35400, s1;
	s23 =	simm.s32 $0x2  }
0x10: {  	[tilespmem:s4], [sflag:$0x2] =	stream.linear.gather [hbm4b:s5+s4], $0x400, $0x38;
	[tilespmem:$0x2E88] =	vst v63  }
0x11: {  	_ =	swait.ge [sflag:s23], $0x400  }
0x12: {  	[sflag:s23] =	ssyncset.done $0x0  }
0x13: {  	s7 =	simm.s32 $0x400;
	[sflag:s23] =	ssyncadd.s32 $0xFFFFFC00  }
0x14: {  	[tilespmem:s7], [sflag:$0x2] =	stream.linear.gather [hbm4b:s6+s4], $0x400, $0x38;
	[tilespmem:$0x2E88] =	vst v63  }
0x15: {  	_ =	swait.ge [sflag:s23], $0x400  }
0x16: {  	[sflag:s23] =	ssyncset.done $0x0  }
0x17: {  	[sflag:s23] =	ssyncadd.s32 $0xFFFFFC00  }
0x18: {  	v1 =	vld [tilespmem:$0x0];
	_ =	sdelay $0x4  }
0x19: {  	v0 =	vimm.s32 $0x0;
	vm0 =	vgt.f32 v1, $6.387295570e-02  }
0x1a: {  	v1 =	vsel vm0, $0x1, v0  }
0x1b: {  	(xrf0) =	vadd.scan.msk.s32 $0xffff, v1;
	_ =	sdelay $0x5  }
0x1c: {  	v4, _, _ =	vpop (xrf0)  }
0x1d: {  	[tilespmem:$0xC00] =	vst v0;
	v3 =	vsub.s32 v4, v1  }
0x1e: {  	[tilespmem:$0xD80] =	vst v0;
	vm1 =	vlt.s32 v3, $0x40  }
0x1f: {  	[tilespmem:$0xC10] =	vst v0;
	vm0 =	vmand vm0, vm1  }
0x20: {  	[tilespmem:$0xD90] =	vst v0  }
0x21: {  	[tilespmem:$0xC20] =	vst v0  }
0x22: {  	[tilespmem:$0xDA0] =	vst v0  }
0x23: {  	[tilespmem:$0xC30] =	vst v0  }
0x24: {  	s24 =	simm.s32 $0xC00;
	[tilespmem:$0xDB0] =	vst v0;
	v1 =	vlaneseq.u32  }
0x25: {  	v2 =	vimm.s32 $0x1;
	s8 =	simm.s32 $0xD80;
	[tilespmem:v3+s24+$0x0] =	vst.idx.msk vm0, v1  }
0x26: {  	[tilespmem:v3+s8+$0x0] =	vst.idx.msk vm0, v2  }
0x27: {  	v31 =	vmul.u32 $0xFFFFFFFF, v1;
	v5 =	vld [tilespmem:$0x10];
	_ =	sdelay $0x1  }
0x28: {  	v3 =	vadd.s32 $0xF, v31  }
0x29: {  	v4 =	vperm.xlane v4, v3;
	_ =	sdelay $0x1  }
0x2a: {  	v4 =	vxor.u32 $0x80000000, v4;
	vm11 =	vgt.f32 v5, $6.387295570e-02  }
0x2b: {  	(xrf0) =	vmax.scan.msk.u32 $0xffff, v4;
	v32 =	vsel vm11, $0x1, v0  }
0x2c: {  	(xrf0) =	vadd.scan.msk.s32 $0xffff, v32;
	_ =	sdelay $0x4  }
0x2d: {  	v33, _, _ =	vpop (xrf0)  }
0x2e: {  	v6, _, _ =	vpop (xrf0)  }
0x2f: {  	v5 =	vxor.u32 $0x80000000, v33;
	v4 =	vsub.s32 v6, v32  }
0x30: {  	v4 =	vadd.s32 v5, v4  }
0x31: {  	vm2 =	vlt.s32 v4, $0x40  }
0x32: {  	vm1 =	vmand vm11, vm2;
	_ =	sdelay $0x3  }
0x33: {  	v7 =	vsel vm0, $0x1, v0  }
0x34: {  	v34 =	vor.u32 $0x10, v1;
	[tilespmem:$0x800] =	vst v7  }
0x35: {  	[tilespmem:v4+s24+$0x0] =	vst.idx.msk vm1, v34  }
0x36: {  	[tilespmem:v4+s8+$0x0] =	vst.idx.msk vm1, v2  }
0x37: {  	v4 =	vld [tilespmem:$0x20];
	_ =	sdelay $0x2  }
0x38: {  	v6 =	vperm.xlane v6, v3;
	_ =	sdelay $0x1  }
0x39: {  	v6 =	vxor.u32 $0x80000000, v6;
	vm12 =	vgt.f32 v4, $6.387295570e-02  }
0x3a: {  	(xrf0) =	vmax.scan.msk.u32 $0xffff, v6;
	v4 =	vsel vm12, $0x1, v0  }
0x3b: {  	(xrf0) =	vadd.scan.msk.s32 $0xffff, v4;
	_ =	sdelay $0x4  }
0x3c: {  	v6, _, _ =	vpop (xrf0)  }
0x3d: {  	v6 =	vxor.u32 $0x80000000, v6;
	v35, _, _ =	vpop (xrf0)  }
0x3e: {  	v5 =	vadd.s32 v5, v6;
	v4 =	vsub.s32 v35, v4  }
0x3f: {  	v4 =	vadd.s32 v5, v4  }
0x40: {  	vm13 =	vlt.s32 v4, $0x40  }
0x41: {  	vm0 =	vmand vm12, vm13;
	_ =	sdelay $0x3  }
0x42: {  	v36 =	vsel vm1, $0x1, v0  }
0x43: {  	v37 =	vor.u32 $0x20, v1;
	[tilespmem:$0x810] =	vst v36  }
0x44: {  	[tilespmem:v4+s24+$0x0] =	vst.idx.msk vm0, v37  }
0x45: {  	[tilespmem:v4+s8+$0x0] =	vst.idx.msk vm0, v2  }
0x46: {  	v4 =	vld [tilespmem:$0x30];
	_ =	sdelay $0x2  }
0x47: {  	v38 =	vperm.xlane v35, v3;
	_ =	sdelay $0x1  }
0x48: {  	v6 =	vxor.u32 $0x80000000, v38;
	vm14 =	vgt.f32 v4, $6.387295570e-02  }
0x49: {  	(xrf0) =	vmax.scan.msk.u32 $0xffff, v6;
	v4 =	vsel vm14, $0x1, v0  }
0x4a: {  	(xrf0) =	vadd.scan.msk.s32 $0xffff, v4;
	_ =	sdelay $0x4  }
0x4b: {  	v6, _, _ =	vpop (xrf0)  }
0x4c: {  	v6 =	vxor.u32 $0x80000000, v6;
	v39, _, _ =	vpop (xrf0)  }
0x4d: {  	v5 =	vadd.s32 v5, v6;
	v4 =	vsub.s32 v39, v4  }
0x4e: {  	v4 =	vadd.s32 v5, v4  }
0x4f: {  	vm15 =	vlt.s32 v4, $0x40  }
0x50: {  	vm1 =	vmand vm14, vm15;
	_ =	sdelay $0x3  }
0x51: {  	v40 =	vsel vm0, $0x1, v0  }
0x52: {  	v41 =	vor.u32 $0x30, v1;
	[tilespmem:$0x820] =	vst v40  }
0x53: {  	[tilespmem:v4+s24+$0x0] =	vst.idx.msk vm1, v41  }
0x54: {  	[tilespmem:v4+s8+$0x0] =	vst.idx.msk vm1, v2  }
0x55: {  	v4 =	vld [tilespmem:$0x40];
	_ =	sdelay $0x2  }
0x56: {  	v42 =	vperm.xlane v39, v3;
	_ =	sdelay $0x1  }
0x57: {  	v6 =	vxor.u32 $0x80000000, v42;
	vm4 =	vgt.f32 v4, $6.387295570e-02  }
0x58: {  	(xrf0) =	vmax.scan.msk.u32 $0xffff, v6;
	v4 =	vsel vm4, $0x1, v0  }
0x59: {  	(xrf0) =	vadd.scan.msk.s32 $0xffff, v4;
	_ =	sdelay $0x4  }
0x5a: {  	v6, _, _ =	vpop (xrf0)  }
0x5b: {  	v6 =	vxor.u32 $0x80000000, v6;
	v43, _, _ =	vpop (xrf0)  }
0x5c: {  	v5 =	vadd.s32 v5, v6;
	v4 =	vsub.s32 v43, v4  }
0x5d: {  	v4 =	vadd.s32 v5, v4  }
0x5e: {  	vm5 =	vlt.s32 v4, $0x40  }
0x5f: {  	vm0 =	vmand vm4, vm5;
	_ =	sdelay $0x3  }
0x60: {  	v44 =	vsel vm1, $0x1, v0  }
0x61: {  	v45 =	vor.u32 $0x40, v1;
	[tilespmem:$0x830] =	vst v44  }
0x62: {  	[tilespmem:v4+s24+$0x0] =	vst.idx.msk vm0, v45  }
0x63: {  	[tilespmem:v4+s8+$0x0] =	vst.idx.msk vm0, v2  }
0x64: {  	v4 =	vld [tilespmem:$0x50];
	_ =	sdelay $0x2  }
0x65: {  	v46 =	vperm.xlane v43, v3;
	_ =	sdelay $0x1  }
0x66: {  	v6 =	vxor.u32 $0x80000000, v46;
	vm6 =	vgt.f32 v4, $6.387295570e-02  }
0x67: {  	(xrf0) =	vmax.scan.msk.u32 $0xffff, v6;
	v4 =	vsel vm6, $0x1, v0  }
0x68: {  	(xrf0) =	vadd.scan.msk.s32 $0xffff, v4;
	_ =	sdelay $0x4  }
0x69: {  	v6, _, _ =	vpop (xrf0)  }
0x6a: {  	v6 =	vxor.u32 $0x80000000, v6;
	v47, _, _ =	vpop (xrf0)  }
0x6b: {  	v5 =	vadd.s32 v5, v6;
	v4 =	vsub.s32 v47, v4  }
0x6c: {  	v4 =	vadd.s32 v5, v4  }
0x6d: {  	vm7 =	vlt.s32 v4, $0x40  }
0x6e: {  	vm1 =	vmand vm6, vm7;
	_ =	sdelay $0x3  }
0x6f: {  	v48 =	vsel vm0, $0x1, v0  }
0x70: {  	v49 =	vor.u32 $0x50, v1;
	[tilespmem:$0x840] =	vst v48  }
0x71: {  	[tilespmem:v4+s24+$0x0] =	vst.idx.msk vm1, v49  }
0x72: {  	v50 =	vsel vm1, $0x1, v0;
	[tilespmem:v4+s8+$0x0] =	vst.idx.msk vm1, v2  }
0x73: {  	[tilespmem:$0x850] =	vst v50  }
0x74: {  	v4 =	vld [tilespmem:$0x60];
	_ =	sdelay $0x2  }
0x75: {  	v51 =	vperm.xlane v47, v3;
	_ =	sdelay $0x1  }
0x76: {  	v6 =	vxor.u32 $0x80000000, v51;
	vm8 =	vgt.f32 v4, $6.387295570e-02  }
0x77: {  	(xrf0) =	vmax.scan.msk.u32 $0xffff, v6;
	v4 =	vsel vm8, $0x1, v0  }
0x78: {  	(xrf0) =	vadd.scan.msk.s32 $0xffff, v4;
	_ =	sdelay $0x4  }
0x79: {  	v6, _, _ =	vpop (xrf0)  }
0x7a: {  	v6 =	vxor.u32 $0x80000000, v6;
	v52, _, _ =	vpop (xrf0)  }
0x7b: {  	v5 =	vadd.s32 v5, v6;
	v4 =	vsub.s32 v52, v4  }
0x7c: {  	v4 =	vadd.s32 v5, v4  }
0x7d: {  	vm9 =	vlt.s32 v4, $0x40  }
0x7e: {  	vm0 =	vmand vm8, vm9;
	_ =	sdelay $0x4  }
0x7f: {  	v53 =	vor.u32 $0x60, v1  }
0x80: {  	[tilespmem:v4+s24+$0x0] =	vst.idx.msk vm0, v53  }
0x81: {  	[tilespmem:v4+s8+$0x0] =	vst.idx.msk vm0, v2  }
0x82: {  	v4 =	vld [tilespmem:$0x70];
	_ =	sdelay $0x2  }
0x83: {  	v54 =	vperm.xlane v52, v3;
	_ =	sdelay $0x1  }
0x84: {  	v6 =	vxor.u32 $0x80000000, v54;
	vm10 =	vgt.f32 v4, $6.387295570e-02  }
0x85: {  	(xrf0) =	vmax.scan.msk.u32 $0xffff, v6;
	v4 =	vsel vm10, $0x1, v0  }
0x86: {  	(xrf0) =	vadd.scan.msk.s32 $0xffff, v4;
	_ =	sdelay $0x4  }
0x87: {  	v6, _, _ =	vpop (xrf0)  }
0x88: {  	v6 =	vxor.u32 $0x80000000, v6;
	v55, _, _ =	vpop (xrf0)  }
0x89: {  	v5 =	vadd.s32 v5, v6;
	v4 =	vsub.s32 v55, v4  }
0x8a: {  	v4 =	vadd.s32 v5, v4  }
0x8b: {  	vm11 =	vlt.s32 v4, $0x40  }
0x8c: {  	vm1 =	vmand vm10, vm11;
	_ =	sdelay $0x3  }
0x8d: {  	v56 =	vsel vm0, $0x1, v0  }
0x8e: {  	v57 =	vor.u32 $0x70, v1;
	[tilespmem:$0x860] =	vst v56  }
0x8f: {  	[tilespmem:v4+s24+$0x0] =	vst.idx.msk vm1, v57  }
0x90: {  	[tilespmem:v4+s8+$0x0] =	vst.idx.msk vm1, v2  }
0x91: {  	v4 =	vld [tilespmem:$0x80];
	_ =	sdelay $0x2  }
0x92: {  	v58 =	vperm.xlane v55, v3;
	_ =	sdelay $0x1  }
0x93: {  	v6 =	vxor.u32 $0x80000000, v58;
	vm12 =	vgt.f32 v4, $6.387295570e-02  }
0x94: {  	(xrf0) =	vmax.scan.msk.u32 $0xffff, v6;
	v4 =	vsel vm12, $0x1, v0  }
0x95: {  	(xrf0) =	vadd.scan.msk.s32 $0xffff, v4;
	_ =	sdelay $0x4  }
0x96: {  	v6, _, _ =	vpop (xrf0)  }
0x97: {  	v6 =	vxor.u32 $0x80000000, v6;
	v59, _, _ =	vpop (xrf0)  }
0x98: {  	v5 =	vadd.s32 v5, v6;
	v4 =	vsub.s32 v59, v4  }
0x99: {  	v4 =	vadd.s32 v5, v4  }
0x9a: {  	vm13 =	vlt.s32 v4, $0x40  }
0x9b: {  	vm0 =	vmand vm12, vm13;
	_ =	sdelay $0x3  }
0x9c: {  	v60 =	vsel vm1, $0x1, v0  }
0x9d: {  	v61 =	vor.u32 $0x80, v1;
	[tilespmem:$0x870] =	vst v60  }
0x9e: {  	[tilespmem:v4+s24+$0x0] =	vst.idx.msk vm0, v61  }
0x9f: {  	[tilespmem:v4+s8+$0x0] =	vst.idx.msk vm0, v2  }
0xa0: {  	v4 =	vld [tilespmem:$0x90];
	_ =	sdelay $0x2  }
0xa1: {  	v62 =	vperm.xlane v59, v3;
	_ =	sdelay $0x1  }
0xa2: {  	v6 =	vxor.u32 $0x80000000, v62;
	vm14 =	vgt.f32 v4, $6.387295570e-02  }
0xa3: {  	(xrf0) =	vmax.scan.msk.u32 $0xffff, v6;
	v4 =	vsel vm14, $0x1, v0  }
0xa4: {  	(xrf0) =	vadd.scan.msk.s32 $0xffff, v4;
	_ =	sdelay $0x4  }
0xa5: {  	v6, _, _ =	vpop (xrf0)  }
0xa6: {  	v6 =	vxor.u32 $0x80000000, v6;
	v63, _, _ =	vpop (xrf0)  }
0xa7: {  	v5 =	vadd.s32 v5, v6;
	v4 =	vsub.s32 v63, v4  }
0xa8: {  	v4 =	vadd.s32 v5, v4  }
0xa9: {  	vm15 =	vlt.s32 v4, $0x40  }
0xaa: {  	vm1 =	vmand vm14, vm15;
	_ =	sdelay $0x3  }
0xab: {  	v9 =	vsel vm0, $0x1, v0  }
0xac: {  	v10 =	vor.u32 $0x90, v1;
	[tilespmem:$0x880] =	vst v9  }
0xad: {  	[tilespmem:v4+s24+$0x0] =	vst.idx.msk vm1, v10  }
0xae: {  	[tilespmem:v4+s8+$0x0] =	vst.idx.msk vm1, v2  }
0xaf: {  	v4 =	vld [tilespmem:$0xA0];
	_ =	sdelay $0x2  }
0xb0: {  	v11 =	vperm.xlane v63, v3;
	_ =	sdelay $0x1  }
0xb1: {  	v6 =	vxor.u32 $0x80000000, v11;
	vm4 =	vgt.f32 v4, $6.387295570e-02  }
0xb2: {  	(xrf0) =	vmax.scan.msk.u32 $0xffff, v6;
	v4 =	vsel vm4, $0x1, v0  }
0xb3: {  	(xrf0) =	vadd.scan.msk.s32 $0xffff, v4;
	_ =	sdelay $0x4  }
0xb4: {  	v6, _, _ =	vpop (xrf0)  }
0xb5: {  	v6 =	vxor.u32 $0x80000000, v6;
	v12, _, _ =	vpop (xrf0)  }
0xb6: {  	v5 =	vadd.s32 v5, v6;
	v4 =	vsub.s32 v12, v4  }
0xb7: {  	v4 =	vadd.s32 v5, v4  }
0xb8: {  	vm5 =	vlt.s32 v4, $0x40  }
0xb9: {  	vm0 =	vmand vm4, vm5;
	_ =	sdelay $0x3  }
0xba: {  	v13 =	vsel vm1, $0x1, v0  }
0xbb: {  	v14 =	vor.u32 $0xA0, v1;
	[tilespmem:$0x890] =	vst v13  }
0xbc: {  	[tilespmem:v4+s24+$0x0] =	vst.idx.msk vm0, v14  }
0xbd: {  	[tilespmem:v4+s8+$0x0] =	vst.idx.msk vm0, v2  }
0xbe: {  	v4 =	vld [tilespmem:$0xB0];
	_ =	sdelay $0x2  }
0xbf: {  	v15 =	vperm.xlane v12, v3;
	_ =	sdelay $0x1  }
0xc0: {  	v6 =	vxor.u32 $0x80000000, v15;
	vm6 =	vgt.f32 v4, $6.387295570e-02  }
0xc1: {  	(xrf0) =	vmax.scan.msk.u32 $0xffff, v6;
	v4 =	vsel vm6, $0x1, v0  }
0xc2: {  	(xrf0) =	vadd.scan.msk.s32 $0xffff, v4;
	_ =	sdelay $0x4  }
0xc3: {  	v6, _, _ =	vpop (xrf0)  }
0xc4: {  	v6 =	vxor.u32 $0x80000000, v6;
	v16, _, _ =	vpop (xrf0)  }
0xc5: {  	v5 =	vadd.s32 v5, v6;
	v4 =	vsub.s32 v16, v4  }
0xc6: {  	v4 =	vadd.s32 v5, v4  }
0xc7: {  	vm7 =	vlt.s32 v4, $0x40  }
0xc8: {  	vm1 =	vmand vm6, vm7;
	_ =	sdelay $0x3  }
0xc9: {  	v17 =	vsel vm0, $0x1, v0  }
0xca: {  	v18 =	vor.u32 $0xB0, v1;
	[tilespmem:$0x8A0] =	vst v17  }
0xcb: {  	[tilespmem:v4+s24+$0x0] =	vst.idx.msk vm1, v18  }
0xcc: {  	[tilespmem:v4+s8+$0x0] =	vst.idx.msk vm1, v2  }
0xcd: {  	v4 =	vld [tilespmem:$0xC0];
	_ =	sdelay $0x2  }
0xce: {  	v19 =	vperm.xlane v16, v3;
	_ =	sdelay $0x1  }
0xcf: {  	v6 =	vxor.u32 $0x80000000, v19;
	vm8 =	vgt.f32 v4, $6.387295570e-02  }
0xd0: {  	(xrf0) =	vmax.scan.msk.u32 $0xffff, v6;
	v4 =	vsel vm8, $0x1, v0  }
0xd1: {  	(xrf0) =	vadd.scan.msk.s32 $0xffff, v4;
	_ =	sdelay $0x4  }
0xd2: {  	v6, _, _ =	vpop (xrf0)  }
0xd3: {  	v6 =	vxor.u32 $0x80000000, v6;
	v20, _, _ =	vpop (xrf0)  }
0xd4: {  	v5 =	vadd.s32 v5, v6;
	v4 =	vsub.s32 v20, v4  }
0xd5: {  	v4 =	vadd.s32 v5, v4  }
0xd6: {  	vm9 =	vlt.s32 v4, $0x40  }
0xd7: {  	vm0 =	vmand vm8, vm9;
	_ =	sdelay $0x3  }
0xd8: {  	v21 =	vsel vm1, $0x1, v0  }
0xd9: {  	v22 =	vor.u32 $0xC0, v1;
	[tilespmem:$0x8B0] =	vst v21  }
0xda: {  	[tilespmem:v4+s24+$0x0] =	vst.idx.msk vm0, v22  }
0xdb: {  	[tilespmem:v4+s8+$0x0] =	vst.idx.msk vm0, v2  }
0xdc: {  	v4 =	vld [tilespmem:$0xD0];
	_ =	sdelay $0x2  }
0xdd: {  	v23 =	vperm.xlane v20, v3;
	_ =	sdelay $0x1  }
0xde: {  	v6 =	vxor.u32 $0x80000000, v23;
	vm10 =	vgt.f32 v4, $6.387295570e-02  }
0xdf: {  	(xrf0) =	vmax.scan.msk.u32 $0xffff, v6;
	v4 =	vsel vm10, $0x1, v0  }
0xe0: {  	(xrf0) =	vadd.scan.msk.s32 $0xffff, v4;
	_ =	sdelay $0x4  }
0xe1: {  	v6, _, _ =	vpop (xrf0)  }
0xe2: {  	v6 =	vxor.u32 $0x80000000, v6;
	v24, _, _ =	vpop (xrf0)  }
0xe3: {  	v5 =	vadd.s32 v5, v6;
	v4 =	vsub.s32 v24, v4  }
0xe4: {  	v4 =	vadd.s32 v5, v4  }
0xe5: {  	vm11 =	vlt.s32 v4, $0x40  }
0xe6: {  	vm1 =	vmand vm10, vm11;
	_ =	sdelay $0x3  }
0xe7: {  	v25 =	vsel vm0, $0x1, v0  }
0xe8: {  	v26 =	vor.u32 $0xD0, v1;
	[tilespmem:$0x8C0] =	vst v25  }
0xe9: {  	[tilespmem:v4+s24+$0x0] =	vst.idx.msk vm1, v26  }
0xea: {  	[tilespmem:v4+s8+$0x0] =	vst.idx.msk vm1, v2  }
0xeb: {  	v4 =	vld [tilespmem:$0xE0];
	_ =	sdelay $0x2  }
0xec: {  	v27 =	vperm.xlane v24, v3;
	_ =	sdelay $0x1  }
0xed: {  	v6 =	vxor.u32 $0x80000000, v27;
	vm12 =	vgt.f32 v4, $6.387295570e-02  }
0xee: {  	(xrf0) =	vmax.scan.msk.u32 $0xffff, v6;
	v4 =	vsel vm12, $0x1, v0  }
0xef: {  	(xrf0) =	vadd.scan.msk.s32 $0xffff, v4;
	_ =	sdelay $0x4  }
0xf0: {  	v6, _, _ =	vpop (xrf0)  }
0xf1: {  	v6 =	vxor.u32 $0x80000000, v6;
	v28, _, _ =	vpop (xrf0)  }
0xf2: {  	v5 =	vadd.s32 v5, v6;
	v4 =	vsub.s32 v28, v4  }
0xf3: {  	v4 =	vadd.s32 v5, v4  }
0xf4: {  	vm13 =	vlt.s32 v4, $0x40  }
0xf5: {  	vm0 =	vmand vm12, vm13;
	_ =	sdelay $0x3  }
0xf6: {  	v29 =	vsel vm1, $0x1, v0  }
0xf7: {  	v30 =	vor.u32 $0xE0, v1;
	[tilespmem:$0x8D0] =	vst v29  }
0xf8: {  	[tilespmem:v4+s24+$0x0] =	vst.idx.msk vm0, v30  }
0xf9: {  	[tilespmem:v4+s8+$0x0] =	vst.idx.msk vm0, v2  }
0xfa: {  	v4 =	vld [tilespmem:$0xF0];
	_ =	sdelay $0x2  }
0xfb: {  	v31 =	vperm.xlane v28, v3;
	_ =	sdelay $0x1  }
0xfc: {  	v6 =	vxor.u32 $0x80000000, v31;
	vm14 =	vgt.f32 v4, $6.387295570e-02  }
0xfd: {  	(xrf0) =	vmax.scan.msk.u32 $0xffff, v6;
	v4 =	vsel vm14, $0x1, v0  }
0xfe: {  	(xrf0) =	vadd.scan.msk.s32 $0xffff, v4;
	_ =	sdelay $0x4  }
0xff: {  	v6, _, _ =	vpop (xrf0)  }
0x100: {  	v6 =	vxor.u32 $0x80000000, v6;
	v32, _, _ =	vpop (xrf0)  }
0x101: {  	v5 =	vadd.s32 v5, v6;
	v4 =	vsub.s32 v32, v4  }
0x102: {  	v4 =	vadd.s32 v5, v4  }
0x103: {  	vm15 =	vlt.s32 v4, $0x40  }
0x104: {  	vm1 =	vmand vm14, vm15;
	_ =	sdelay $0x3  }
0x105: {  	v33 =	vsel vm0, $0x1, v0  }
0x106: {  	v34 =	vor.u32 $0xF0, v1;
	[tilespmem:$0x8E0] =	vst v33  }
0x107: {  	[tilespmem:v4+s24+$0x0] =	vst.idx.msk vm1, v34  }
0x108: {  	[tilespmem:v4+s8+$0x0] =	vst.idx.msk vm1, v2  }
0x109: {  	v4 =	vld [tilespmem:$0x100];
	_ =	sdelay $0x2  }
0x10a: {  	v35 =	vperm.xlane v32, v3;
	_ =	sdelay $0x1  }
0x10b: {  	v6 =	vxor.u32 $0x80000000, v35;
	vm4 =	vgt.f32 v4, $6.387295570e-02  }
0x10c: {  	(xrf0) =	vmax.scan.msk.u32 $0xffff, v6;
	v4 =	vsel vm4, $0x1, v0  }
0x10d: {  	(xrf0) =	vadd.scan.msk.s32 $0xffff, v4;
	_ =	sdelay $0x4  }
0x10e: {  	v6, _, _ =	vpop (xrf0)  }
0x10f: {  	v6 =	vxor.u32 $0x80000000, v6;
	v36, _, _ =	vpop (xrf0)  }
0x110: {  	v5 =	vadd.s32 v5, v6;
	v4 =	vsub.s32 v36, v4  }
0x111: {  	v4 =	vadd.s32 v5, v4  }
0x112: {  	vm5 =	vlt.s32 v4, $0x40  }
0x113: {  	vm0 =	vmand vm4, vm5;
	_ =	sdelay $0x3  }
0x114: {  	v37 =	vsel vm1, $0x1, v0  }
0x115: {  	v38 =	vor.u32 $0x100, v1;
	[tilespmem:$0x8F0] =	vst v37  }
0x116: {  	[tilespmem:v4+s24+$0x0] =	vst.idx.msk vm0, v38  }
0x117: {  	[tilespmem:v4+s8+$0x0] =	vst.idx.msk vm0, v2  }
0x118: {  	v4 =	vld [tilespmem:$0x110];
	_ =	sdelay $0x2  }
0x119: {  	v39 =	vperm.xlane v36, v3;
	_ =	sdelay $0x1  }
0x11a: {  	v6 =	vxor.u32 $0x80000000, v39;
	vm6 =	vgt.f32 v4, $6.387295570e-02  }
0x11b: {  	(xrf0) =	vmax.scan.msk.u32 $0xffff, v6;
	v4 =	vsel vm6, $0x1, v0  }
0x11c: {  	(xrf0) =	vadd.scan.msk.s32 $0xffff, v4;
	_ =	sdelay $0x4  }
0x11d: {  	v6, _, _ =	vpop (xrf0)  }
0x11e: {  	v6 =	vxor.u32 $0x80000000, v6;
	v40, _, _ =	vpop (xrf0)  }
0x11f: {  	v5 =	vadd.s32 v5, v6;
	v4 =	vsub.s32 v40, v4  }
0x120: {  	v4 =	vadd.s32 v5, v4  }
0x121: {  	vm7 =	vlt.s32 v4, $0x40  }
0x122: {  	vm1 =	vmand vm6, vm7;
	_ =	sdelay $0x3  }
0x123: {  	v41 =	vsel vm0, $0x1, v0  }
0x124: {  	v42 =	vor.u32 $0x110, v1;
	[tilespmem:$0x900] =	vst v41  }
0x125: {  	[tilespmem:v4+s24+$0x0] =	vst.idx.msk vm1, v42  }
0x126: {  	[tilespmem:v4+s8+$0x0] =	vst.idx.msk vm1, v2  }
0x127: {  	v4 =	vld [tilespmem:$0x120];
	_ =	sdelay $0x2  }
0x128: {  	v43 =	vperm.xlane v40, v3;
	_ =	sdelay $0x1  }
0x129: {  	v6 =	vxor.u32 $0x80000000, v43;
	vm8 =	vgt.f32 v4, $6.387295570e-02  }
0x12a: {  	(xrf0) =	vmax.scan.msk.u32 $0xffff, v6;
	v4 =	vsel vm8, $0x1, v0  }
0x12b: {  	(xrf0) =	vadd.scan.msk.s32 $0xffff, v4;
	_ =	sdelay $0x4  }
0x12c: {  	v6, _, _ =	vpop (xrf0)  }
0x12d: {  	v6 =	vxor.u32 $0x80000000, v6;
	v44, _, _ =	vpop (xrf0)  }
0x12e: {  	v5 =	vadd.s32 v5, v6;
	v4 =	vsub.s32 v44, v4  }
0x12f: {  	v4 =	vadd.s32 v5, v4  }
0x130: {  	vm9 =	vlt.s32 v4, $0x40  }
0x131: {  	vm0 =	vmand vm8, vm9;
	_ =	sdelay $0x3  }
0x132: {  	v45 =	vsel vm1, $0x1, v0  }
0x133: {  	v46 =	vor.u32 $0x120, v1;
	[tilespmem:$0x910] =	vst v45  }
0x134: {  	[tilespmem:v4+s24+$0x0] =	vst.idx.msk vm0, v46  }
0x135: {  	[tilespmem:v4+s8+$0x0] =	vst.idx.msk vm0, v2  }
0x136: {  	v4 =	vld [tilespmem:$0x130];
	_ =	sdelay $0x2  }
0x137: {  	v47 =	vperm.xlane v44, v3;
	_ =	sdelay $0x1  }
0x138: {  	v6 =	vxor.u32 $0x80000000, v47;
	vm10 =	vgt.f32 v4, $6.387295570e-02  }
0x139: {  	(xrf0) =	vmax.scan.msk.u32 $0xffff, v6;
	v4 =	vsel vm10, $0x1, v0  }
0x13a: {  	(xrf0) =	vadd.scan.msk.s32 $0xffff, v4;
	_ =	sdelay $0x4  }
0x13b: {  	v6, _, _ =	vpop (xrf0)  }
0x13c: {  	v6 =	vxor.u32 $0x80000000, v6;
	v48, _, _ =	vpop (xrf0)  }
0x13d: {  	v5 =	vadd.s32 v5, v6;
	v4 =	vsub.s32 v48, v4  }
0x13e: {  	v4 =	vadd.s32 v5, v4  }
0x13f: {  	vm11 =	vlt.s32 v4, $0x40  }
0x140: {  	vm1 =	vmand vm10, vm11;
	_ =	sdelay $0x3  }
0x141: {  	v49 =	vsel vm0, $0x1, v0  }
0x142: {  	v50 =	vor.u32 $0x130, v1;
	[tilespmem:$0x920] =	vst v49  }
0x143: {  	[tilespmem:v4+s24+$0x0] =	vst.idx.msk vm1, v50  }
0x144: {  	[tilespmem:v4+s8+$0x0] =	vst.idx.msk vm1, v2  }
0x145: {  	v4 =	vld [tilespmem:$0x140];
	_ =	sdelay $0x2  }
0x146: {  	v51 =	vperm.xlane v48, v3;
	_ =	sdelay $0x1  }
0x147: {  	v6 =	vxor.u32 $0x80000000, v51;
	vm12 =	vgt.f32 v4, $6.387295570e-02  }
0x148: {  	(xrf0) =	vmax.scan.msk.u32 $0xffff, v6;
	v4 =	vsel vm12, $0x1, v0  }
0x149: {  	(xrf0) =	vadd.scan.msk.s32 $0xffff, v4;
	_ =	sdelay $0x4  }
0x14a: {  	v6, _, _ =	vpop (xrf0)  }
0x14b: {  	v6 =	vxor.u32 $0x80000000, v6;
	v52, _, _ =	vpop (xrf0)  }
0x14c: {  	v5 =	vadd.s32 v5, v6;
	v4 =	vsub.s32 v52, v4  }
0x14d: {  	v4 =	vadd.s32 v5, v4  }
0x14e: {  	vm13 =	vlt.s32 v4, $0x40  }
0x14f: {  	vm0 =	vmand vm12, vm13;
	_ =	sdelay $0x3  }
0x150: {  	v53 =	vsel vm1, $0x1, v0  }
0x151: {  	v54 =	vor.u32 $0x140, v1;
	[tilespmem:$0x930] =	vst v53  }
0x152: {  	[tilespmem:v4+s24+$0x0] =	vst.idx.msk vm0, v54  }
0x153: {  	[tilespmem:v4+s8+$0x0] =	vst.idx.msk vm0, v2  }
0x154: {  	v4 =	vld [tilespmem:$0x150];
	_ =	sdelay $0x2  }
0x155: {  	v55 =	vperm.xlane v52, v3;
	_ =	sdelay $0x1  }
0x156: {  	v6 =	vxor.u32 $0x80000000, v55;
	vm14 =	vgt.f32 v4, $6.387295570e-02  }
0x157: {  	(xrf0) =	vmax.scan.msk.u32 $0xffff, v6;
	v4 =	vsel vm14, $0x1, v0  }
0x158: {  	(xrf0) =	vadd.scan.msk.s32 $0xffff, v4;
	_ =	sdelay $0x4  }
0x159: {  	v6, _, _ =	vpop (xrf0)  }
0x15a: {  	v6 =	vxor.u32 $0x80000000, v6;
	v56, _, _ =	vpop (xrf0)  }
0x15b: {  	v5 =	vadd.s32 v5, v6;
	v4 =	vsub.s32 v56, v4  }
0x15c: {  	v4 =	vadd.s32 v5, v4  }
0x15d: {  	vm15 =	vlt.s32 v4, $0x40  }
0x15e: {  	vm1 =	vmand vm14, vm15;
	_ =	sdelay $0x3  }
0x15f: {  	v57 =	vsel vm0, $0x1, v0  }
0x160: {  	v58 =	vor.u32 $0x150, v1;
	[tilespmem:$0x940] =	vst v57  }
0x161: {  	[tilespmem:v4+s24+$0x0] =	vst.idx.msk vm1, v58  }
0x162: {  	[tilespmem:v4+s8+$0x0] =	vst.idx.msk vm1, v2  }
0x163: {  	v4 =	vld [tilespmem:$0x160];
	_ =	sdelay $0x2  }
0x164: {  	v59 =	vperm.xlane v56, v3;
	_ =	sdelay $0x1  }
0x165: {  	v6 =	vxor.u32 $0x80000000, v59;
	vm4 =	vgt.f32 v4, $6.387295570e-02  }
0x166: {  	(xrf0) =	vmax.scan.msk.u32 $0xffff, v6;
	v4 =	vsel vm4, $0x1, v0  }
0x167: {  	(xrf0) =	vadd.scan.msk.s32 $0xffff, v4;
	_ =	sdelay $0x4  }
0x168: {  	v6, _, _ =	vpop (xrf0)  }
0x169: {  	v6 =	vxor.u32 $0x80000000, v6;
	v60, _, _ =	vpop (xrf0)  }
0x16a: {  	v5 =	vadd.s32 v5, v6;
	v4 =	vsub.s32 v60, v4  }
0x16b: {  	v4 =	vadd.s32 v5, v4  }
0x16c: {  	vm5 =	vlt.s32 v4, $0x40  }
0x16d: {  	vm0 =	vmand vm4, vm5;
	_ =	sdelay $0x3  }
0x16e: {  	v61 =	vsel vm1, $0x1, v0  }
0x16f: {  	v62 =	vor.u32 $0x160, v1;
	[tilespmem:$0x950] =	vst v61  }
0x170: {  	[tilespmem:v4+s24+$0x0] =	vst.idx.msk vm0, v62  }
0x171: {  	[tilespmem:v4+s8+$0x0] =	vst.idx.msk vm0, v2  }
0x172: {  	v4 =	vld [tilespmem:$0x170];
	_ =	sdelay $0x2  }
0x173: {  	v63 =	vperm.xlane v60, v3;
	_ =	sdelay $0x1  }
0x174: {  	v6 =	vxor.u32 $0x80000000, v63;
	vm6 =	vgt.f32 v4, $6.387295570e-02  }
0x175: {  	(xrf0) =	vmax.scan.msk.u32 $0xffff, v6;
	v4 =	vsel vm6, $0x1, v0  }
0x176: {  	(xrf0) =	vadd.scan.msk.s32 $0xffff, v4;
	_ =	sdelay $0x4  }
0x177: {  	v6, _, _ =	vpop (xrf0)  }
0x178: {  	v6 =	vxor.u32 $0x80000000, v6;
	v9, _, _ =	vpop (xrf0)  }
0x179: {  	v5 =	vadd.s32 v5, v6;
	v4 =	vsub.s32 v9, v4  }
0x17a: {  	v4 =	vadd.s32 v5, v4  }
0x17b: {  	vm7 =	vlt.s32 v4, $0x40  }
0x17c: {  	vm1 =	vmand vm6, vm7;
	_ =	sdelay $0x3  }
0x17d: {  	v10 =	vsel vm0, $0x1, v0  }
0x17e: {  	v11 =	vor.u32 $0x170, v1;
	[tilespmem:$0x960] =	vst v10  }
0x17f: {  	[tilespmem:v4+s24+$0x0] =	vst.idx.msk vm1, v11  }
0x180: {  	[tilespmem:v4+s8+$0x0] =	vst.idx.msk vm1, v2  }
0x181: {  	v4 =	vld [tilespmem:$0x180];
	_ =	sdelay $0x2  }
0x182: {  	v12 =	vperm.xlane v9, v3;
	_ =	sdelay $0x1  }
0x183: {  	v6 =	vxor.u32 $0x80000000, v12;
	vm8 =	vgt.f32 v4, $6.387295570e-02  }
0x184: {  	(xrf0) =	vmax.scan.msk.u32 $0xffff, v6;
	v4 =	vsel vm8, $0x1, v0  }
0x185: {  	(xrf0) =	vadd.scan.msk.s32 $0xffff, v4;
	_ =	sdelay $0x4  }
0x186: {  	v6, _, _ =	vpop (xrf0)  }
0x187: {  	v6 =	vxor.u32 $0x80000000, v6;
	v13, _, _ =	vpop (xrf0)  }
0x188: {  	v5 =	vadd.s32 v5, v6;
	v4 =	vsub.s32 v13, v4  }
0x189: {  	v4 =	vadd.s32 v5, v4  }
0x18a: {  	vm9 =	vlt.s32 v4, $0x40  }
0x18b: {  	vm0 =	vmand vm8, vm9;
	_ =	sdelay $0x3  }
0x18c: {  	v14 =	vsel vm1, $0x1, v0  }
0x18d: {  	v15 =	vor.u32 $0x180, v1;
	[tilespmem:$0x970] =	vst v14  }
0x18e: {  	[tilespmem:v4+s24+$0x0] =	vst.idx.msk vm0, v15  }
0x18f: {  	[tilespmem:v4+s8+$0x0] =	vst.idx.msk vm0, v2  }
0x190: {  	v4 =	vld [tilespmem:$0x190];
	_ =	sdelay $0x2  }
0x191: {  	v16 =	vperm.xlane v13, v3;
	_ =	sdelay $0x1  }
0x192: {  	v6 =	vxor.u32 $0x80000000, v16;
	vm10 =	vgt.f32 v4, $6.387295570e-02  }
0x193: {  	(xrf0) =	vmax.scan.msk.u32 $0xffff, v6;
	v4 =	vsel vm10, $0x1, v0  }
0x194: {  	(xrf0) =	vadd.scan.msk.s32 $0xffff, v4;
	_ =	sdelay $0x4  }
0x195: {  	v6, _, _ =	vpop (xrf0)  }
0x196: {  	v6 =	vxor.u32 $0x80000000, v6;
	v17, _, _ =	vpop (xrf0)  }
0x197: {  	v5 =	vadd.s32 v5, v6;
	v4 =	vsub.s32 v17, v4  }
0x198: {  	v4 =	vadd.s32 v5, v4  }
0x199: {  	vm11 =	vlt.s32 v4, $0x40  }
0x19a: {  	vm1 =	vmand vm10, vm11;
	_ =	sdelay $0x3  }
0x19b: {  	v18 =	vsel vm0, $0x1, v0  }
0x19c: {  	v19 =	vor.u32 $0x190, v1;
	[tilespmem:$0x980] =	vst v18  }
0x19d: {  	[tilespmem:v4+s24+$0x0] =	vst.idx.msk vm1, v19  }
0x19e: {  	[tilespmem:v4+s8+$0x0] =	vst.idx.msk vm1, v2  }
0x19f: {  	v4 =	vld [tilespmem:$0x1A0];
	_ =	sdelay $0x2  }
0x1a0: {  	v20 =	vperm.xlane v17, v3;
	_ =	sdelay $0x1  }
0x1a1: {  	v6 =	vxor.u32 $0x80000000, v20;
	vm12 =	vgt.f32 v4, $6.387295570e-02  }
0x1a2: {  	(xrf0) =	vmax.scan.msk.u32 $0xffff, v6;
	v4 =	vsel vm12, $0x1, v0  }
0x1a3: {  	(xrf0) =	vadd.scan.msk.s32 $0xffff, v4;
	_ =	sdelay $0x4  }
0x1a4: {  	v6, _, _ =	vpop (xrf0)  }
0x1a5: {  	v6 =	vxor.u32 $0x80000000, v6;
	v21, _, _ =	vpop (xrf0)  }
0x1a6: {  	v5 =	vadd.s32 v5, v6;
	v4 =	vsub.s32 v21, v4  }
0x1a7: {  	v4 =	vadd.s32 v5, v4  }
0x1a8: {  	vm13 =	vlt.s32 v4, $0x40  }
0x1a9: {  	vm0 =	vmand vm12, vm13;
	_ =	sdelay $0x3  }
0x1aa: {  	v22 =	vsel vm1, $0x1, v0  }
0x1ab: {  	v23 =	vor.u32 $0x1A0, v1;
	[tilespmem:$0x990] =	vst v22  }
0x1ac: {  	[tilespmem:v4+s24+$0x0] =	vst.idx.msk vm0, v23  }
0x1ad: {  	[tilespmem:v4+s8+$0x0] =	vst.idx.msk vm0, v2  }
0x1ae: {  	v4 =	vld [tilespmem:$0x1B0];
	_ =	sdelay $0x2  }
0x1af: {  	v24 =	vperm.xlane v21, v3;
	_ =	sdelay $0x1  }
0x1b0: {  	v6 =	vxor.u32 $0x80000000, v24;
	vm14 =	vgt.f32 v4, $6.387295570e-02  }
0x1b1: {  	(xrf0) =	vmax.scan.msk.u32 $0xffff, v6;
	v4 =	vsel vm14, $0x1, v0  }
0x1b2: {  	(xrf0) =	vadd.scan.msk.s32 $0xffff, v4;
	_ =	sdelay $0x4  }
0x1b3: {  	v6, _, _ =	vpop (xrf0)  }
0x1b4: {  	v6 =	vxor.u32 $0x80000000, v6;
	v25, _, _ =	vpop (xrf0)  }
0x1b5: {  	v5 =	vadd.s32 v5, v6;
	v4 =	vsub.s32 v25, v4  }
0x1b6: {  	v4 =	vadd.s32 v5, v4  }
0x1b7: {  	vm15 =	vlt.s32 v4, $0x40  }
0x1b8: {  	vm1 =	vmand vm14, vm15;
	_ =	sdelay $0x3  }
0x1b9: {  	v26 =	vsel vm0, $0x1, v0  }
0x1ba: {  	v27 =	vor.u32 $0x1B0, v1;
	[tilespmem:$0x9A0] =	vst v26  }
0x1bb: {  	[tilespmem:v4+s24+$0x0] =	vst.idx.msk vm1, v27  }
0x1bc: {  	[tilespmem:v4+s8+$0x0] =	vst.idx.msk vm1, v2  }
0x1bd: {  	v4 =	vld [tilespmem:$0x1C0];
	_ =	sdelay $0x2  }
0x1be: {  	v28 =	vperm.xlane v25, v3;
	_ =	sdelay $0x1  }
0x1bf: {  	v6 =	vxor.u32 $0x80000000, v28;
	vm4 =	vgt.f32 v4, $6.387295570e-02  }
0x1c0: {  	(xrf0) =	vmax.scan.msk.u32 $0xffff, v6;
	v4 =	vsel vm4, $0x1, v0  }
0x1c1: {  	(xrf0) =	vadd.scan.msk.s32 $0xffff, v4;
	_ =	sdelay $0x4  }
0x1c2: {  	v6, _, _ =	vpop (xrf0)  }
0x1c3: {  	v6 =	vxor.u32 $0x80000000, v6;
	v29, _, _ =	vpop (xrf0)  }
0x1c4: {  	v5 =	vadd.s32 v5, v6;
	v4 =	vsub.s32 v29, v4  }
0x1c5: {  	v4 =	vadd.s32 v5, v4  }
0x1c6: {  	vm5 =	vlt.s32 v4, $0x40  }
0x1c7: {  	vm0 =	vmand vm4, vm5;
	_ =	sdelay $0x3  }
0x1c8: {  	v30 =	vsel vm1, $0x1, v0  }
0x1c9: {  	v31 =	vor.u32 $0x1C0, v1;
	[tilespmem:$0x9B0] =	vst v30  }
0x1ca: {  	[tilespmem:v4+s24+$0x0] =	vst.idx.msk vm0, v31  }
0x1cb: {  	[tilespmem:v4+s8+$0x0] =	vst.idx.msk vm0, v2  }
0x1cc: {  	v4 =	vld [tilespmem:$0x1D0];
	_ =	sdelay $0x2  }
0x1cd: {  	v32 =	vperm.xlane v29, v3;
	_ =	sdelay $0x1  }
0x1ce: {  	v6 =	vxor.u32 $0x80000000, v32;
	vm6 =	vgt.f32 v4, $6.387295570e-02  }
0x1cf: {  	(xrf0) =	vmax.scan.msk.u32 $0xffff, v6;
	v4 =	vsel vm6, $0x1, v0  }
0x1d0: {  	(xrf0) =	vadd.scan.msk.s32 $0xffff, v4;
	_ =	sdelay $0x4  }
0x1d1: {  	v6, _, _ =	vpop (xrf0)  }
0x1d2: {  	v6 =	vxor.u32 $0x80000000, v6;
	v33, _, _ =	vpop (xrf0)  }
0x1d3: {  	v5 =	vadd.s32 v5, v6;
	v4 =	vsub.s32 v33, v4  }
0x1d4: {  	v4 =	vadd.s32 v5, v4  }
0x1d5: {  	vm7 =	vlt.s32 v4, $0x40  }
0x1d6: {  	vm1 =	vmand vm6, vm7;
	_ =	sdelay $0x3  }
0x1d7: {  	v34 =	vsel vm0, $0x1, v0  }
0x1d8: {  	v35 =	vor.u32 $0x1D0, v1;
	[tilespmem:$0x9C0] =	vst v34  }
0x1d9: {  	[tilespmem:v4+s24+$0x0] =	vst.idx.msk vm1, v35  }
0x1da: {  	[tilespmem:v4+s8+$0x0] =	vst.idx.msk vm1, v2  }
0x1db: {  	v4 =	vld [tilespmem:$0x1E0];
	_ =	sdelay $0x2  }
0x1dc: {  	v36 =	vperm.xlane v33, v3;
	_ =	sdelay $0x1  }
0x1dd: {  	v6 =	vxor.u32 $0x80000000, v36;
	vm8 =	vgt.f32 v4, $6.387295570e-02  }
0x1de: {  	(xrf0) =	vmax.scan.msk.u32 $0xffff, v6;
	v4 =	vsel vm8, $0x1, v0  }
0x1df: {  	(xrf0) =	vadd.scan.msk.s32 $0xffff, v4;
	_ =	sdelay $0x4  }
0x1e0: {  	v6, _, _ =	vpop (xrf0)  }
0x1e1: {  	v6 =	vxor.u32 $0x80000000, v6;
	v37, _, _ =	vpop (xrf0)  }
0x1e2: {  	v5 =	vadd.s32 v5, v6;
	v4 =	vsub.s32 v37, v4  }
0x1e3: {  	v4 =	vadd.s32 v5, v4  }
0x1e4: {  	vm9 =	vlt.s32 v4, $0x40  }
0x1e5: {  	vm0 =	vmand vm8, vm9;
	_ =	sdelay $0x3  }
0x1e6: {  	v38 =	vsel vm1, $0x1, v0  }
0x1e7: {  	v39 =	vor.u32 $0x1E0, v1;
	[tilespmem:$0x9D0] =	vst v38  }
0x1e8: {  	[tilespmem:v4+s24+$0x0] =	vst.idx.msk vm0, v39  }
0x1e9: {  	[tilespmem:v4+s8+$0x0] =	vst.idx.msk vm0, v2  }
0x1ea: {  	v4 =	vld [tilespmem:$0x1F0];
	_ =	sdelay $0x2  }
0x1eb: {  	v40 =	vperm.xlane v37, v3;
	_ =	sdelay $0x1  }
0x1ec: {  	v6 =	vxor.u32 $0x80000000, v40;
	vm10 =	vgt.f32 v4, $6.387295570e-02  }
0x1ed: {  	(xrf0) =	vmax.scan.msk.u32 $0xffff, v6;
	v4 =	vsel vm10, $0x1, v0  }
0x1ee: {  	(xrf0) =	vadd.scan.msk.s32 $0xffff, v4;
	_ =	sdelay $0x4  }
0x1ef: {  	v6, _, _ =	vpop (xrf0)  }
0x1f0: {  	v6 =	vxor.u32 $0x80000000, v6;
	v41, _, _ =	vpop (xrf0)  }
0x1f1: {  	v5 =	vadd.s32 v5, v6;
	v4 =	vsub.s32 v41, v4  }
0x1f2: {  	v4 =	vadd.s32 v5, v4  }
0x1f3: {  	vm11 =	vlt.s32 v4, $0x40  }
0x1f4: {  	vm1 =	vmand vm10, vm11;
	_ =	sdelay $0x3  }
0x1f5: {  	v42 =	vsel vm0, $0x1, v0  }
0x1f6: {  	v43 =	vor.u32 $0x1F0, v1;
	[tilespmem:$0x9E0] =	vst v42  }
0x1f7: {  	[tilespmem:v4+s24+$0x0] =	vst.idx.msk vm1, v43  }
0x1f8: {  	[tilespmem:v4+s8+$0x0] =	vst.idx.msk vm1, v2  }
0x1f9: {  	v4 =	vld [tilespmem:$0x200];
	_ =	sdelay $0x2  }
0x1fa: {  	v44 =	vperm.xlane v41, v3;
	_ =	sdelay $0x1  }
0x1fb: {  	v6 =	vxor.u32 $0x80000000, v44;
	vm12 =	vgt.f32 v4, $6.387295570e-02  }
0x1fc: {  	(xrf0) =	vmax.scan.msk.u32 $0xffff, v6;
	v4 =	vsel vm12, $0x1, v0  }
0x1fd: {  	(xrf0) =	vadd.scan.msk.s32 $0xffff, v4;
	_ =	sdelay $0x4  }
0x1fe: {  	v6, _, _ =	vpop (xrf0)  }
0x1ff: {  	v6 =	vxor.u32 $0x80000000, v6;
	v45, _, _ =	vpop (xrf0)  }
0x200: {  	v5 =	vadd.s32 v5, v6;
	v4 =	vsub.s32 v45, v4  }
0x201: {  	v4 =	vadd.s32 v5, v4  }
0x202: {  	vm13 =	vlt.s32 v4, $0x40  }
0x203: {  	vm0 =	vmand vm12, vm13;
	_ =	sdelay $0x3  }
0x204: {  	v46 =	vsel vm1, $0x1, v0  }
0x205: {  	v47 =	vor.u32 $0x200, v1;
	[tilespmem:$0x9F0] =	vst v46  }
0x206: {  	[tilespmem:v4+s24+$0x0] =	vst.idx.msk vm0, v47  }
0x207: {  	[tilespmem:v4+s8+$0x0] =	vst.idx.msk vm0, v2  }
0x208: {  	v4 =	vld [tilespmem:$0x210];
	_ =	sdelay $0x2  }
0x209: {  	v48 =	vperm.xlane v45, v3;
	_ =	sdelay $0x1  }
0x20a: {  	v6 =	vxor.u32 $0x80000000, v48;
	vm14 =	vgt.f32 v4, $6.387295570e-02  }
0x20b: {  	(xrf0) =	vmax.scan.msk.u32 $0xffff, v6;
	v4 =	vsel vm14, $0x1, v0  }
0x20c: {  	(xrf0) =	vadd.scan.msk.s32 $0xffff, v4;
	_ =	sdelay $0x4  }
0x20d: {  	v6, _, _ =	vpop (xrf0)  }
0x20e: {  	v6 =	vxor.u32 $0x80000000, v6;
	v49, _, _ =	vpop (xrf0)  }
0x20f: {  	v5 =	vadd.s32 v5, v6;
	v4 =	vsub.s32 v49, v4  }
0x210: {  	v4 =	vadd.s32 v5, v4  }
0x211: {  	vm15 =	vlt.s32 v4, $0x40  }
0x212: {  	vm1 =	vmand vm14, vm15;
	_ =	sdelay $0x3  }
0x213: {  	v50 =	vsel vm0, $0x1, v0  }
0x214: {  	v51 =	vor.u32 $0x210, v1;
	[tilespmem:$0xA00] =	vst v50  }
0x215: {  	[tilespmem:v4+s24+$0x0] =	vst.idx.msk vm1, v51  }
0x216: {  	[tilespmem:v4+s8+$0x0] =	vst.idx.msk vm1, v2  }
0x217: {  	v4 =	vld [tilespmem:$0x220];
	_ =	sdelay $0x2  }
0x218: {  	v52 =	vperm.xlane v49, v3;
	_ =	sdelay $0x1  }
0x219: {  	v6 =	vxor.u32 $0x80000000, v52;
	vm4 =	vgt.f32 v4, $6.387295570e-02  }
0x21a: {  	(xrf0) =	vmax.scan.msk.u32 $0xffff, v6;
	v4 =	vsel vm4, $0x1, v0  }
0x21b: {  	(xrf0) =	vadd.scan.msk.s32 $0xffff, v4;
	_ =	sdelay $0x4  }
0x21c: {  	v6, _, _ =	vpop (xrf0)  }
0x21d: {  	v6 =	vxor.u32 $0x80000000, v6;
	v53, _, _ =	vpop (xrf0)  }
0x21e: {  	v5 =	vadd.s32 v5, v6;
	v4 =	vsub.s32 v53, v4  }
0x21f: {  	v4 =	vadd.s32 v5, v4  }
0x220: {  	vm5 =	vlt.s32 v4, $0x40  }
0x221: {  	vm0 =	vmand vm4, vm5;
	_ =	sdelay $0x3  }
0x222: {  	v54 =	vsel vm1, $0x1, v0  }
0x223: {  	v55 =	vor.u32 $0x220, v1;
	[tilespmem:$0xA10] =	vst v54  }
0x224: {  	[tilespmem:v4+s24+$0x0] =	vst.idx.msk vm0, v55  }
0x225: {  	[tilespmem:v4+s8+$0x0] =	vst.idx.msk vm0, v2  }
0x226: {  	v4 =	vld [tilespmem:$0x230];
	_ =	sdelay $0x2  }
0x227: {  	v56 =	vperm.xlane v53, v3;
	_ =	sdelay $0x1  }
0x228: {  	v6 =	vxor.u32 $0x80000000, v56;
	vm6 =	vgt.f32 v4, $6.387295570e-02  }
0x229: {  	(xrf0) =	vmax.scan.msk.u32 $0xffff, v6;
	v4 =	vsel vm6, $0x1, v0  }
0x22a: {  	(xrf0) =	vadd.scan.msk.s32 $0xffff, v4;
	_ =	sdelay $0x4  }
0x22b: {  	v6, _, _ =	vpop (xrf0)  }
0x22c: {  	v6 =	vxor.u32 $0x80000000, v6;
	v57, _, _ =	vpop (xrf0)  }
0x22d: {  	v5 =	vadd.s32 v5, v6;
	v4 =	vsub.s32 v57, v4  }
0x22e: {  	v4 =	vadd.s32 v5, v4  }
0x22f: {  	vm7 =	vlt.s32 v4, $0x40  }
0x230: {  	vm1 =	vmand vm6, vm7;
	_ =	sdelay $0x3  }
0x231: {  	v58 =	vsel vm0, $0x1, v0  }
0x232: {  	v59 =	vor.u32 $0x230, v1;
	[tilespmem:$0xA20] =	vst v58  }
0x233: {  	[tilespmem:v4+s24+$0x0] =	vst.idx.msk vm1, v59  }
0x234: {  	[tilespmem:v4+s8+$0x0] =	vst.idx.msk vm1, v2  }
0x235: {  	v4 =	vld [tilespmem:$0x240];
	_ =	sdelay $0x2  }
0x236: {  	v60 =	vperm.xlane v57, v3;
	_ =	sdelay $0x1  }
0x237: {  	v6 =	vxor.u32 $0x80000000, v60;
	vm8 =	vgt.f32 v4, $6.387295570e-02  }
0x238: {  	(xrf0) =	vmax.scan.msk.u32 $0xffff, v6;
	v4 =	vsel vm8, $0x1, v0  }
0x239: {  	(xrf0) =	vadd.scan.msk.s32 $0xffff, v4;
	_ =	sdelay $0x4  }
0x23a: {  	v6, _, _ =	vpop (xrf0)  }
0x23b: {  	v6 =	vxor.u32 $0x80000000, v6;
	v61, _, _ =	vpop (xrf0)  }
0x23c: {  	v5 =	vadd.s32 v5, v6;
	v4 =	vsub.s32 v61, v4  }
0x23d: {  	v4 =	vadd.s32 v5, v4  }
0x23e: {  	vm9 =	vlt.s32 v4, $0x40  }
0x23f: {  	vm0 =	vmand vm8, vm9;
	_ =	sdelay $0x3  }
0x240: {  	v62 =	vsel vm1, $0x1, v0  }
0x241: {  	v63 =	vor.u32 $0x240, v1;
	[tilespmem:$0xA30] =	vst v62  }
0x242: {  	[tilespmem:v4+s24+$0x0] =	vst.idx.msk vm0, v63  }
0x243: {  	[tilespmem:v4+s8+$0x0] =	vst.idx.msk vm0, v2  }
0x244: {  	v4 =	vld [tilespmem:$0x250];
	_ =	sdelay $0x2  }
0x245: {  	v9 =	vperm.xlane v61, v3;
	_ =	sdelay $0x1  }
0x246: {  	v6 =	vxor.u32 $0x80000000, v9;
	vm10 =	vgt.f32 v4, $6.387295570e-02  }
0x247: {  	(xrf0) =	vmax.scan.msk.u32 $0xffff, v6;
	v4 =	vsel vm10, $0x1, v0  }
0x248: {  	(xrf0) =	vadd.scan.msk.s32 $0xffff, v4;
	_ =	sdelay $0x4  }
0x249: {  	v6, _, _ =	vpop (xrf0)  }
0x24a: {  	v6 =	vxor.u32 $0x80000000, v6;
	v10, _, _ =	vpop (xrf0)  }
0x24b: {  	v5 =	vadd.s32 v5, v6;
	v4 =	vsub.s32 v10, v4  }
0x24c: {  	v4 =	vadd.s32 v5, v4  }
0x24d: {  	vm11 =	vlt.s32 v4, $0x40  }
0x24e: {  	vm1 =	vmand vm10, vm11;
	_ =	sdelay $0x3  }
0x24f: {  	v11 =	vsel vm0, $0x1, v0  }
0x250: {  	v12 =	vor.u32 $0x250, v1;
	[tilespmem:$0xA40] =	vst v11  }
0x251: {  	[tilespmem:v4+s24+$0x0] =	vst.idx.msk vm1, v12  }
0x252: {  	[tilespmem:v4+s8+$0x0] =	vst.idx.msk vm1, v2  }
0x253: {  	v4 =	vld [tilespmem:$0x260];
	_ =	sdelay $0x2  }
0x254: {  	v13 =	vperm.xlane v10, v3;
	_ =	sdelay $0x1  }
0x255: {  	v6 =	vxor.u32 $0x80000000, v13;
	vm12 =	vgt.f32 v4, $6.387295570e-02  }
0x256: {  	(xrf0) =	vmax.scan.msk.u32 $0xffff, v6;
	v4 =	vsel vm12, $0x1, v0  }
0x257: {  	(xrf0) =	vadd.scan.msk.s32 $0xffff, v4;
	_ =	sdelay $0x4  }
0x258: {  	v6, _, _ =	vpop (xrf0)  }
0x259: {  	v6 =	vxor.u32 $0x80000000, v6;
	v14, _, _ =	vpop (xrf0)  }
0x25a: {  	v5 =	vadd.s32 v5, v6;
	v4 =	vsub.s32 v14, v4  }
0x25b: {  	v4 =	vadd.s32 v5, v4  }
0x25c: {  	vm13 =	vlt.s32 v4, $0x40  }
0x25d: {  	vm0 =	vmand vm12, vm13;
	_ =	sdelay $0x3  }
0x25e: {  	v15 =	vsel vm1, $0x1, v0  }
0x25f: {  	v16 =	vor.u32 $0x260, v1;
	[tilespmem:$0xA50] =	vst v15  }
0x260: {  	[tilespmem:v4+s24+$0x0] =	vst.idx.msk vm0, v16  }
0x261: {  	[tilespmem:v4+s8+$0x0] =	vst.idx.msk vm0, v2  }
0x262: {  	v4 =	vld [tilespmem:$0x270];
	_ =	sdelay $0x2  }
0x263: {  	v17 =	vperm.xlane v14, v3;
	_ =	sdelay $0x1  }
0x264: {  	v6 =	vxor.u32 $0x80000000, v17;
	vm14 =	vgt.f32 v4, $6.387295570e-02  }
0x265: {  	(xrf0) =	vmax.scan.msk.u32 $0xffff, v6;
	v4 =	vsel vm14, $0x1, v0  }
0x266: {  	(xrf0) =	vadd.scan.msk.s32 $0xffff, v4;
	_ =	sdelay $0x4  }
0x267: {  	v6, _, _ =	vpop (xrf0)  }
0x268: {  	v6 =	vxor.u32 $0x80000000, v6;
	v18, _, _ =	vpop (xrf0)  }
0x269: {  	v5 =	vadd.s32 v5, v6;
	v4 =	vsub.s32 v18, v4  }
0x26a: {  	v4 =	vadd.s32 v5, v4  }
0x26b: {  	vm15 =	vlt.s32 v4, $0x40  }
0x26c: {  	vm1 =	vmand vm14, vm15;
	_ =	sdelay $0x3  }
0x26d: {  	v19 =	vsel vm0, $0x1, v0  }
0x26e: {  	v20 =	vor.u32 $0x270, v1;
	[tilespmem:$0xA60] =	vst v19  }
0x26f: {  	[tilespmem:v4+s24+$0x0] =	vst.idx.msk vm1, v20  }
0x270: {  	[tilespmem:v4+s8+$0x0] =	vst.idx.msk vm1, v2  }
0x271: {  	v4 =	vld [tilespmem:$0x280];
	_ =	sdelay $0x2  }
0x272: {  	v21 =	vperm.xlane v18, v3;
	_ =	sdelay $0x1  }
0x273: {  	v6 =	vxor.u32 $0x80000000, v21;
	vm4 =	vgt.f32 v4, $6.387295570e-02  }
0x274: {  	(xrf0) =	vmax.scan.msk.u32 $0xffff, v6;
	v4 =	vsel vm4, $0x1, v0  }
0x275: {  	(xrf0) =	vadd.scan.msk.s32 $0xffff, v4;
	_ =	sdelay $0x4  }
0x276: {  	v6, _, _ =	vpop (xrf0)  }
0x277: {  	v6 =	vxor.u32 $0x80000000, v6;
	v22, _, _ =	vpop (xrf0)  }
0x278: {  	v5 =	vadd.s32 v5, v6;
	v4 =	vsub.s32 v22, v4  }
0x279: {  	v4 =	vadd.s32 v5, v4  }
0x27a: {  	vm5 =	vlt.s32 v4, $0x40  }
0x27b: {  	vm0 =	vmand vm4, vm5;
	_ =	sdelay $0x3  }
0x27c: {  	v23 =	vsel vm1, $0x1, v0  }
0x27d: {  	v24 =	vor.u32 $0x280, v1;
	[tilespmem:$0xA70] =	vst v23  }
0x27e: {  	[tilespmem:v4+s24+$0x0] =	vst.idx.msk vm0, v24  }
0x27f: {  	[tilespmem:v4+s8+$0x0] =	vst.idx.msk vm0, v2  }
0x280: {  	v4 =	vld [tilespmem:$0x290];
	_ =	sdelay $0x2  }
0x281: {  	v25 =	vperm.xlane v22, v3;
	_ =	sdelay $0x1  }
0x282: {  	v6 =	vxor.u32 $0x80000000, v25;
	vm6 =	vgt.f32 v4, $6.387295570e-02  }
0x283: {  	(xrf0) =	vmax.scan.msk.u32 $0xffff, v6;
	v4 =	vsel vm6, $0x1, v0  }
0x284: {  	(xrf0) =	vadd.scan.msk.s32 $0xffff, v4;
	_ =	sdelay $0x4  }
0x285: {  	v6, _, _ =	vpop (xrf0)  }
0x286: {  	v6 =	vxor.u32 $0x80000000, v6;
	v26, _, _ =	vpop (xrf0)  }
0x287: {  	v5 =	vadd.s32 v5, v6;
	v4 =	vsub.s32 v26, v4  }
0x288: {  	v4 =	vadd.s32 v5, v4  }
0x289: {  	vm7 =	vlt.s32 v4, $0x40  }
0x28a: {  	vm1 =	vmand vm6, vm7;
	_ =	sdelay $0x3  }
0x28b: {  	v27 =	vsel vm0, $0x1, v0  }
0x28c: {  	v28 =	vor.u32 $0x290, v1;
	[tilespmem:$0xA80] =	vst v27  }
0x28d: {  	[tilespmem:v4+s24+$0x0] =	vst.idx.msk vm1, v28  }
0x28e: {  	[tilespmem:v4+s8+$0x0] =	vst.idx.msk vm1, v2  }
0x28f: {  	v4 =	vld [tilespmem:$0x2A0];
	_ =	sdelay $0x2  }
0x290: {  	v29 =	vperm.xlane v26, v3;
	_ =	sdelay $0x1  }
0x291: {  	v6 =	vxor.u32 $0x80000000, v29;
	vm8 =	vgt.f32 v4, $6.387295570e-02  }
0x292: {  	(xrf0) =	vmax.scan.msk.u32 $0xffff, v6;
	v4 =	vsel vm8, $0x1, v0  }
0x293: {  	(xrf0) =	vadd.scan.msk.s32 $0xffff, v4;
	_ =	sdelay $0x4  }
0x294: {  	v6, _, _ =	vpop (xrf0)  }
0x295: {  	v6 =	vxor.u32 $0x80000000, v6;
	v30, _, _ =	vpop (xrf0)  }
0x296: {  	v5 =	vadd.s32 v5, v6;
	v4 =	vsub.s32 v30, v4  }
0x297: {  	v4 =	vadd.s32 v5, v4  }
0x298: {  	vm9 =	vlt.s32 v4, $0x40  }
0x299: {  	vm0 =	vmand vm8, vm9;
	_ =	sdelay $0x3  }
0x29a: {  	v31 =	vsel vm1, $0x1, v0  }
0x29b: {  	v32 =	vor.u32 $0x2A0, v1;
	[tilespmem:$0xA90] =	vst v31  }
0x29c: {  	[tilespmem:v4+s24+$0x0] =	vst.idx.msk vm0, v32  }
0x29d: {  	[tilespmem:v4+s8+$0x0] =	vst.idx.msk vm0, v2  }
0x29e: {  	v4 =	vld [tilespmem:$0x2B0];
	_ =	sdelay $0x2  }
0x29f: {  	v33 =	vperm.xlane v30, v3;
	_ =	sdelay $0x1  }
0x2a0: {  	v6 =	vxor.u32 $0x80000000, v33;
	vm10 =	vgt.f32 v4, $6.387295570e-02  }
0x2a1: {  	(xrf0) =	vmax.scan.msk.u32 $0xffff, v6;
	v4 =	vsel vm10, $0x1, v0  }
0x2a2: {  	(xrf0) =	vadd.scan.msk.s32 $0xffff, v4;
	_ =	sdelay $0x4  }
0x2a3: {  	v6, _, _ =	vpop (xrf0)  }
0x2a4: {  	v6 =	vxor.u32 $0x80000000, v6;
	v34, _, _ =	vpop (xrf0)  }
0x2a5: {  	v5 =	vadd.s32 v5, v6;
	v4 =	vsub.s32 v34, v4  }
0x2a6: {  	v4 =	vadd.s32 v5, v4  }
0x2a7: {  	vm11 =	vlt.s32 v4, $0x40  }
0x2a8: {  	vm1 =	vmand vm10, vm11;
	_ =	sdelay $0x3  }
0x2a9: {  	v35 =	vsel vm0, $0x1, v0  }
0x2aa: {  	v36 =	vor.u32 $0x2B0, v1;
	[tilespmem:$0xAA0] =	vst v35  }
0x2ab: {  	[tilespmem:v4+s24+$0x0] =	vst.idx.msk vm1, v36  }
0x2ac: {  	[tilespmem:v4+s8+$0x0] =	vst.idx.msk vm1, v2  }
0x2ad: {  	v4 =	vld [tilespmem:$0x2C0];
	_ =	sdelay $0x2  }
0x2ae: {  	v37 =	vperm.xlane v34, v3;
	_ =	sdelay $0x1  }
0x2af: {  	v6 =	vxor.u32 $0x80000000, v37;
	vm12 =	vgt.f32 v4, $6.387295570e-02  }
0x2b0: {  	(xrf0) =	vmax.scan.msk.u32 $0xffff, v6;
	v4 =	vsel vm12, $0x1, v0  }
0x2b1: {  	(xrf0) =	vadd.scan.msk.s32 $0xffff, v4;
	_ =	sdelay $0x4  }
0x2b2: {  	v6, _, _ =	vpop (xrf0)  }
0x2b3: {  	v6 =	vxor.u32 $0x80000000, v6;
	v38, _, _ =	vpop (xrf0)  }
0x2b4: {  	v5 =	vadd.s32 v5, v6;
	v4 =	vsub.s32 v38, v4  }
0x2b5: {  	v4 =	vadd.s32 v5, v4  }
0x2b6: {  	vm13 =	vlt.s32 v4, $0x40  }
0x2b7: {  	vm0 =	vmand vm12, vm13;
	_ =	sdelay $0x3  }
0x2b8: {  	v39 =	vsel vm1, $0x1, v0  }
0x2b9: {  	v40 =	vor.u32 $0x2C0, v1;
	[tilespmem:$0xAB0] =	vst v39  }
0x2ba: {  	[tilespmem:v4+s24+$0x0] =	vst.idx.msk vm0, v40  }
0x2bb: {  	[tilespmem:v4+s8+$0x0] =	vst.idx.msk vm0, v2  }
0x2bc: {  	v4 =	vld [tilespmem:$0x2D0];
	_ =	sdelay $0x2  }
0x2bd: {  	v41 =	vperm.xlane v38, v3;
	_ =	sdelay $0x1  }
0x2be: {  	v6 =	vxor.u32 $0x80000000, v41;
	vm14 =	vgt.f32 v4, $6.387295570e-02  }
0x2bf: {  	(xrf0) =	vmax.scan.msk.u32 $0xffff, v6;
	v4 =	vsel vm14, $0x1, v0  }
0x2c0: {  	(xrf0) =	vadd.scan.msk.s32 $0xffff, v4;
	_ =	sdelay $0x4  }
0x2c1: {  	v6, _, _ =	vpop (xrf0)  }
0x2c2: {  	v6 =	vxor.u32 $0x80000000, v6;
	v42, _, _ =	vpop (xrf0)  }
0x2c3: {  	v5 =	vadd.s32 v5, v6;
	v4 =	vsub.s32 v42, v4  }
0x2c4: {  	v4 =	vadd.s32 v5, v4  }
0x2c5: {  	vm15 =	vlt.s32 v4, $0x40  }
0x2c6: {  	vm1 =	vmand vm14, vm15;
	_ =	sdelay $0x3  }
0x2c7: {  	v43 =	vsel vm0, $0x1, v0  }
0x2c8: {  	v44 =	vor.u32 $0x2D0, v1;
	[tilespmem:$0xAC0] =	vst v43  }
0x2c9: {  	[tilespmem:v4+s24+$0x0] =	vst.idx.msk vm1, v44  }
0x2ca: {  	[tilespmem:v4+s8+$0x0] =	vst.idx.msk vm1, v2  }
0x2cb: {  	v4 =	vld [tilespmem:$0x2E0];
	_ =	sdelay $0x2  }
0x2cc: {  	v45 =	vperm.xlane v42, v3;
	_ =	sdelay $0x1  }
0x2cd: {  	v6 =	vxor.u32 $0x80000000, v45;
	vm4 =	vgt.f32 v4, $6.387295570e-02  }
0x2ce: {  	(xrf0) =	vmax.scan.msk.u32 $0xffff, v6;
	v4 =	vsel vm4, $0x1, v0  }
0x2cf: {  	(xrf0) =	vadd.scan.msk.s32 $0xffff, v4;
	_ =	sdelay $0x4  }
0x2d0: {  	v6, _, _ =	vpop (xrf0)  }
0x2d1: {  	v6 =	vxor.u32 $0x80000000, v6;
	v46, _, _ =	vpop (xrf0)  }
0x2d2: {  	v5 =	vadd.s32 v5, v6;
	v4 =	vsub.s32 v46, v4  }
0x2d3: {  	v4 =	vadd.s32 v5, v4  }
0x2d4: {  	vm5 =	vlt.s32 v4, $0x40  }
0x2d5: {  	vm0 =	vmand vm4, vm5;
	_ =	sdelay $0x3  }
0x2d6: {  	v47 =	vsel vm1, $0x1, v0  }
0x2d7: {  	v48 =	vor.u32 $0x2E0, v1;
	[tilespmem:$0xAD0] =	vst v47  }
0x2d8: {  	[tilespmem:v4+s24+$0x0] =	vst.idx.msk vm0, v48  }
0x2d9: {  	[tilespmem:v4+s8+$0x0] =	vst.idx.msk vm0, v2  }
0x2da: {  	v4 =	vld [tilespmem:$0x2F0];
	_ =	sdelay $0x2  }
0x2db: {  	v49 =	vperm.xlane v46, v3;
	_ =	sdelay $0x1  }
0x2dc: {  	v6 =	vxor.u32 $0x80000000, v49;
	vm6 =	vgt.f32 v4, $6.387295570e-02  }
0x2dd: {  	(xrf0) =	vmax.scan.msk.u32 $0xffff, v6;
	v4 =	vsel vm6, $0x1, v0  }
0x2de: {  	(xrf0) =	vadd.scan.msk.s32 $0xffff, v4;
	_ =	sdelay $0x4  }
0x2df: {  	v6, _, _ =	vpop (xrf0)  }
0x2e0: {  	v6 =	vxor.u32 $0x80000000, v6;
	v50, _, _ =	vpop (xrf0)  }
0x2e1: {  	v5 =	vadd.s32 v5, v6;
	v4 =	vsub.s32 v50, v4  }
0x2e2: {  	v4 =	vadd.s32 v5, v4  }
0x2e3: {  	vm7 =	vlt.s32 v4, $0x40  }
0x2e4: {  	vm1 =	vmand vm6, vm7;
	_ =	sdelay $0x3  }
0x2e5: {  	v51 =	vsel vm0, $0x1, v0  }
0x2e6: {  	v52 =	vor.u32 $0x2F0, v1;
	[tilespmem:$0xAE0] =	vst v51  }
0x2e7: {  	[tilespmem:v4+s24+$0x0] =	vst.idx.msk vm1, v52  }
0x2e8: {  	[tilespmem:v4+s8+$0x0] =	vst.idx.msk vm1, v2  }
0x2e9: {  	v4 =	vld [tilespmem:$0x300];
	_ =	sdelay $0x2  }
0x2ea: {  	v53 =	vperm.xlane v50, v3;
	_ =	sdelay $0x1  }
0x2eb: {  	v6 =	vxor.u32 $0x80000000, v53;
	vm8 =	vgt.f32 v4, $6.387295570e-02  }
0x2ec: {  	(xrf0) =	vmax.scan.msk.u32 $0xffff, v6;
	v4 =	vsel vm8, $0x1, v0  }
0x2ed: {  	(xrf0) =	vadd.scan.msk.s32 $0xffff, v4;
	_ =	sdelay $0x4  }
0x2ee: {  	v6, _, _ =	vpop (xrf0)  }
0x2ef: {  	v6 =	vxor.u32 $0x80000000, v6;
	v54, _, _ =	vpop (xrf0)  }
0x2f0: {  	v5 =	vadd.s32 v5, v6;
	v4 =	vsub.s32 v54, v4  }
0x2f1: {  	v4 =	vadd.s32 v5, v4  }
0x2f2: {  	vm9 =	vlt.s32 v4, $0x40  }
0x2f3: {  	vm0 =	vmand vm8, vm9;
	_ =	sdelay $0x3  }
0x2f4: {  	v55 =	vsel vm1, $0x1, v0  }
0x2f5: {  	v56 =	vor.u32 $0x300, v1;
	[tilespmem:$0xAF0] =	vst v55  }
0x2f6: {  	[tilespmem:v4+s24+$0x0] =	vst.idx.msk vm0, v56  }
0x2f7: {  	[tilespmem:v4+s8+$0x0] =	vst.idx.msk vm0, v2  }
0x2f8: {  	v4 =	vld [tilespmem:$0x310];
	_ =	sdelay $0x2  }
0x2f9: {  	v57 =	vperm.xlane v54, v3;
	_ =	sdelay $0x1  }
0x2fa: {  	v6 =	vxor.u32 $0x80000000, v57;
	vm10 =	vgt.f32 v4, $6.387295570e-02  }
0x2fb: {  	(xrf0) =	vmax.scan.msk.u32 $0xffff, v6;
	v4 =	vsel vm10, $0x1, v0  }
0x2fc: {  	(xrf0) =	vadd.scan.msk.s32 $0xffff, v4;
	_ =	sdelay $0x4  }
0x2fd: {  	v6, _, _ =	vpop (xrf0)  }
0x2fe: {  	v6 =	vxor.u32 $0x80000000, v6;
	v58, _, _ =	vpop (xrf0)  }
0x2ff: {  	v5 =	vadd.s32 v5, v6;
	v4 =	vsub.s32 v58, v4  }
0x300: {  	v4 =	vadd.s32 v5, v4  }
0x301: {  	vm11 =	vlt.s32 v4, $0x40  }
0x302: {  	vm1 =	vmand vm10, vm11;
	_ =	sdelay $0x3  }
0x303: {  	v59 =	vsel vm0, $0x1, v0  }
0x304: {  	v60 =	vor.u32 $0x310, v1;
	[tilespmem:$0xB00] =	vst v59  }
0x305: {  	[tilespmem:v4+s24+$0x0] =	vst.idx.msk vm1, v60  }
0x306: {  	[tilespmem:v4+s8+$0x0] =	vst.idx.msk vm1, v2  }
0x307: {  	v4 =	vld [tilespmem:$0x320];
	_ =	sdelay $0x2  }
0x308: {  	v61 =	vperm.xlane v58, v3;
	_ =	sdelay $0x1  }
0x309: {  	v6 =	vxor.u32 $0x80000000, v61;
	vm12 =	vgt.f32 v4, $6.387295570e-02  }
0x30a: {  	(xrf0) =	vmax.scan.msk.u32 $0xffff, v6;
	v4 =	vsel vm12, $0x1, v0  }
0x30b: {  	(xrf0) =	vadd.scan.msk.s32 $0xffff, v4;
	_ =	sdelay $0x4  }
0x30c: {  	v6, _, _ =	vpop (xrf0)  }
0x30d: {  	v6 =	vxor.u32 $0x80000000, v6;
	v62, _, _ =	vpop (xrf0)  }
0x30e: {  	v5 =	vadd.s32 v5, v6;
	v4 =	vsub.s32 v62, v4  }
0x30f: {  	v4 =	vadd.s32 v5, v4  }
0x310: {  	vm13 =	vlt.s32 v4, $0x40  }
0x311: {  	vm0 =	vmand vm12, vm13;
	_ =	sdelay $0x3  }
0x312: {  	v63 =	vsel vm1, $0x1, v0  }
0x313: {  	v9 =	vor.u32 $0x320, v1;
	[tilespmem:$0xB10] =	vst v63  }
0x314: {  	[tilespmem:v4+s24+$0x0] =	vst.idx.msk vm0, v9  }
0x315: {  	[tilespmem:v4+s8+$0x0] =	vst.idx.msk vm0, v2  }
0x316: {  	v4 =	vld [tilespmem:$0x330];
	_ =	sdelay $0x2  }
0x317: {  	v10 =	vperm.xlane v62, v3;
	_ =	sdelay $0x1  }
0x318: {  	v6 =	vxor.u32 $0x80000000, v10;
	vm14 =	vgt.f32 v4, $6.387295570e-02  }
0x319: {  	(xrf0) =	vmax.scan.msk.u32 $0xffff, v6;
	v4 =	vsel vm14, $0x1, v0  }
0x31a: {  	(xrf0) =	vadd.scan.msk.s32 $0xffff, v4;
	_ =	sdelay $0x4  }
0x31b: {  	v6, _, _ =	vpop (xrf0)  }
0x31c: {  	v6 =	vxor.u32 $0x80000000, v6;
	v11, _, _ =	vpop (xrf0)  }
0x31d: {  	v5 =	vadd.s32 v5, v6;
	v4 =	vsub.s32 v11, v4  }
0x31e: {  	v4 =	vadd.s32 v5, v4  }
0x31f: {  	vm15 =	vlt.s32 v4, $0x40  }
0x320: {  	vm1 =	vmand vm14, vm15;
	_ =	sdelay $0x3  }
0x321: {  	v12 =	vsel vm0, $0x1, v0  }
0x322: {  	v13 =	vor.u32 $0x330, v1;
	[tilespmem:$0xB20] =	vst v12  }
0x323: {  	[tilespmem:v4+s24+$0x0] =	vst.idx.msk vm1, v13  }
0x324: {  	[tilespmem:v4+s8+$0x0] =	vst.idx.msk vm1, v2  }
0x325: {  	v4 =	vld [tilespmem:$0x340];
	_ =	sdelay $0x2  }
0x326: {  	v14 =	vperm.xlane v11, v3;
	_ =	sdelay $0x1  }
0x327: {  	v6 =	vxor.u32 $0x80000000, v14;
	vm4 =	vgt.f32 v4, $6.387295570e-02  }
0x328: {  	(xrf0) =	vmax.scan.msk.u32 $0xffff, v6;
	v4 =	vsel vm4, $0x1, v0  }
0x329: {  	(xrf0) =	vadd.scan.msk.s32 $0xffff, v4;
	_ =	sdelay $0x4  }
0x32a: {  	v6, _, _ =	vpop (xrf0)  }
0x32b: {  	v6 =	vxor.u32 $0x80000000, v6;
	v15, _, _ =	vpop (xrf0)  }
0x32c: {  	v5 =	vadd.s32 v5, v6;
	v4 =	vsub.s32 v15, v4  }
0x32d: {  	v4 =	vadd.s32 v5, v4  }
0x32e: {  	vm5 =	vlt.s32 v4, $0x40  }
0x32f: {  	vm0 =	vmand vm4, vm5;
	_ =	sdelay $0x3  }
0x330: {  	v16 =	vsel vm1, $0x1, v0  }
0x331: {  	v17 =	vor.u32 $0x340, v1;
	[tilespmem:$0xB30] =	vst v16  }
0x332: {  	[tilespmem:v4+s24+$0x0] =	vst.idx.msk vm0, v17  }
0x333: {  	[tilespmem:v4+s8+$0x0] =	vst.idx.msk vm0, v2  }
0x334: {  	v4 =	vld [tilespmem:$0x350];
	_ =	sdelay $0x2  }
0x335: {  	v18 =	vperm.xlane v15, v3;
	_ =	sdelay $0x1  }
0x336: {  	v6 =	vxor.u32 $0x80000000, v18;
	vm6 =	vgt.f32 v4, $6.387295570e-02  }
0x337: {  	(xrf0) =	vmax.scan.msk.u32 $0xffff, v6;
	v4 =	vsel vm6, $0x1, v0  }
0x338: {  	(xrf0) =	vadd.scan.msk.s32 $0xffff, v4;
	_ =	sdelay $0x4  }
0x339: {  	v6, _, _ =	vpop (xrf0)  }
0x33a: {  	v6 =	vxor.u32 $0x80000000, v6;
	v19, _, _ =	vpop (xrf0)  }
0x33b: {  	v5 =	vadd.s32 v5, v6;
	v4 =	vsub.s32 v19, v4  }
0x33c: {  	v4 =	vadd.s32 v5, v4  }
0x33d: {  	vm7 =	vlt.s32 v4, $0x40  }
0x33e: {  	vm1 =	vmand vm6, vm7;
	_ =	sdelay $0x3  }
0x33f: {  	v20 =	vsel vm0, $0x1, v0  }
0x340: {  	v21 =	vor.u32 $0x350, v1;
	[tilespmem:$0xB40] =	vst v20  }
0x341: {  	[tilespmem:v4+s24+$0x0] =	vst.idx.msk vm1, v21  }
0x342: {  	[tilespmem:v4+s8+$0x0] =	vst.idx.msk vm1, v2  }
0x343: {  	v4 =	vld [tilespmem:$0x360];
	_ =	sdelay $0x2  }
0x344: {  	v22 =	vperm.xlane v19, v3;
	_ =	sdelay $0x1  }
0x345: {  	v6 =	vxor.u32 $0x80000000, v22;
	vm8 =	vgt.f32 v4, $6.387295570e-02  }
0x346: {  	(xrf0) =	vmax.scan.msk.u32 $0xffff, v6;
	v4 =	vsel vm8, $0x1, v0  }
0x347: {  	(xrf0) =	vadd.scan.msk.s32 $0xffff, v4;
	_ =	sdelay $0x4  }
0x348: {  	v6, _, _ =	vpop (xrf0)  }
0x349: {  	v6 =	vxor.u32 $0x80000000, v6;
	v23, _, _ =	vpop (xrf0)  }
0x34a: {  	v5 =	vadd.s32 v5, v6;
	v4 =	vsub.s32 v23, v4  }
0x34b: {  	v4 =	vadd.s32 v5, v4  }
0x34c: {  	vm9 =	vlt.s32 v4, $0x40  }
0x34d: {  	vm0 =	vmand vm8, vm9;
	_ =	sdelay $0x3  }
0x34e: {  	v24 =	vsel vm1, $0x1, v0  }
0x34f: {  	v25 =	vor.u32 $0x360, v1;
	[tilespmem:$0xB50] =	vst v24  }
0x350: {  	[tilespmem:v4+s24+$0x0] =	vst.idx.msk vm0, v25  }
0x351: {  	[tilespmem:v4+s8+$0x0] =	vst.idx.msk vm0, v2  }
0x352: {  	v4 =	vld [tilespmem:$0x370];
	_ =	sdelay $0x2  }
0x353: {  	v26 =	vperm.xlane v23, v3;
	_ =	sdelay $0x1  }
0x354: {  	v6 =	vxor.u32 $0x80000000, v26;
	vm10 =	vgt.f32 v4, $6.387295570e-02  }
0x355: {  	(xrf0) =	vmax.scan.msk.u32 $0xffff, v6;
	v4 =	vsel vm10, $0x1, v0  }
0x356: {  	(xrf0) =	vadd.scan.msk.s32 $0xffff, v4;
	_ =	sdelay $0x4  }
0x357: {  	v6, _, _ =	vpop (xrf0)  }
0x358: {  	v6 =	vxor.u32 $0x80000000, v6;
	v27, _, _ =	vpop (xrf0)  }
0x359: {  	v5 =	vadd.s32 v5, v6;
	v4 =	vsub.s32 v27, v4  }
0x35a: {  	v4 =	vadd.s32 v5, v4  }
0x35b: {  	vm11 =	vlt.s32 v4, $0x40  }
0x35c: {  	vm1 =	vmand vm10, vm11;
	_ =	sdelay $0x3  }
0x35d: {  	v28 =	vsel vm0, $0x1, v0  }
0x35e: {  	v29 =	vor.u32 $0x370, v1;
	[tilespmem:$0xB60] =	vst v28  }
0x35f: {  	[tilespmem:v4+s24+$0x0] =	vst.idx.msk vm1, v29  }
0x360: {  	[tilespmem:v4+s8+$0x0] =	vst.idx.msk vm1, v2  }
0x361: {  	v4 =	vld [tilespmem:$0x380];
	_ =	sdelay $0x2  }
0x362: {  	v30 =	vperm.xlane v27, v3;
	_ =	sdelay $0x1  }
0x363: {  	v6 =	vxor.u32 $0x80000000, v30;
	vm12 =	vgt.f32 v4, $6.387295570e-02  }
0x364: {  	(xrf0) =	vmax.scan.msk.u32 $0xffff, v6;
	v4 =	vsel vm12, $0x1, v0  }
0x365: {  	(xrf0) =	vadd.scan.msk.s32 $0xffff, v4;
	_ =	sdelay $0x4  }
0x366: {  	v6, _, _ =	vpop (xrf0)  }
0x367: {  	v6 =	vxor.u32 $0x80000000, v6;
	v31, _, _ =	vpop (xrf0)  }
0x368: {  	v5 =	vadd.s32 v5, v6;
	v4 =	vsub.s32 v31, v4  }
0x369: {  	v4 =	vadd.s32 v5, v4  }
0x36a: {  	vm13 =	vlt.s32 v4, $0x40  }
0x36b: {  	vm0 =	vmand vm12, vm13;
	_ =	sdelay $0x3  }
0x36c: {  	v32 =	vsel vm1, $0x1, v0  }
0x36d: {  	v33 =	vor.u32 $0x380, v1;
	[tilespmem:$0xB70] =	vst v32  }
0x36e: {  	[tilespmem:v4+s24+$0x0] =	vst.idx.msk vm0, v33  }
0x36f: {  	[tilespmem:v4+s8+$0x0] =	vst.idx.msk vm0, v2  }
0x370: {  	v4 =	vld [tilespmem:$0x390];
	_ =	sdelay $0x2  }
0x371: {  	v34 =	vperm.xlane v31, v3;
	_ =	sdelay $0x1  }
0x372: {  	v6 =	vxor.u32 $0x80000000, v34;
	vm14 =	vgt.f32 v4, $6.387295570e-02  }
0x373: {  	(xrf0) =	vmax.scan.msk.u32 $0xffff, v6;
	v4 =	vsel vm14, $0x1, v0  }
0x374: {  	(xrf0) =	vadd.scan.msk.s32 $0xffff, v4;
	_ =	sdelay $0x4  }
0x375: {  	v6, _, _ =	vpop (xrf0)  }
0x376: {  	v6 =	vxor.u32 $0x80000000, v6;
	v35, _, _ =	vpop (xrf0)  }
0x377: {  	v5 =	vadd.s32 v5, v6;
	v4 =	vsub.s32 v35, v4  }
0x378: {  	v4 =	vadd.s32 v5, v4  }
0x379: {  	vm15 =	vlt.s32 v4, $0x40  }
0x37a: {  	vm1 =	vmand vm14, vm15;
	_ =	sdelay $0x3  }
0x37b: {  	v36 =	vsel vm0, $0x1, v0  }
0x37c: {  	v37 =	vor.u32 $0x390, v1;
	[tilespmem:$0xB80] =	vst v36  }
0x37d: {  	[tilespmem:v4+s24+$0x0] =	vst.idx.msk vm1, v37  }
0x37e: {  	[tilespmem:v4+s8+$0x0] =	vst.idx.msk vm1, v2  }
0x37f: {  	v4 =	vld [tilespmem:$0x3A0];
	_ =	sdelay $0x2  }
0x380: {  	v38 =	vperm.xlane v35, v3;
	_ =	sdelay $0x1  }
0x381: {  	v6 =	vxor.u32 $0x80000000, v38;
	vm4 =	vgt.f32 v4, $6.387295570e-02  }
0x382: {  	(xrf0) =	vmax.scan.msk.u32 $0xffff, v6;
	v4 =	vsel vm4, $0x1, v0  }
0x383: {  	(xrf0) =	vadd.scan.msk.s32 $0xffff, v4;
	_ =	sdelay $0x4  }
0x384: {  	v6, _, _ =	vpop (xrf0)  }
0x385: {  	v6 =	vxor.u32 $0x80000000, v6;
	v39, _, _ =	vpop (xrf0)  }
0x386: {  	v5 =	vadd.s32 v5, v6;
	v4 =	vsub.s32 v39, v4  }
0x387: {  	v4 =	vadd.s32 v5, v4  }
0x388: {  	vm5 =	vlt.s32 v4, $0x40  }
0x389: {  	vm0 =	vmand vm4, vm5;
	_ =	sdelay $0x3  }
0x38a: {  	v40 =	vsel vm1, $0x1, v0  }
0x38b: {  	v41 =	vor.u32 $0x3A0, v1;
	[tilespmem:$0xB90] =	vst v40  }
0x38c: {  	[tilespmem:v4+s24+$0x0] =	vst.idx.msk vm0, v41  }
0x38d: {  	[tilespmem:v4+s8+$0x0] =	vst.idx.msk vm0, v2  }
0x38e: {  	v4 =	vld [tilespmem:$0x3B0];
	_ =	sdelay $0x2  }
0x38f: {  	v42 =	vperm.xlane v39, v3;
	_ =	sdelay $0x1  }
0x390: {  	v6 =	vxor.u32 $0x80000000, v42;
	vm6 =	vgt.f32 v4, $6.387295570e-02  }
0x391: {  	(xrf0) =	vmax.scan.msk.u32 $0xffff, v6;
	v4 =	vsel vm6, $0x1, v0  }
0x392: {  	(xrf0) =	vadd.scan.msk.s32 $0xffff, v4;
	_ =	sdelay $0x4  }
0x393: {  	v6, _, _ =	vpop (xrf0)  }
0x394: {  	v6 =	vxor.u32 $0x80000000, v6;
	v43, _, _ =	vpop (xrf0)  }
0x395: {  	v5 =	vadd.s32 v5, v6;
	v4 =	vsub.s32 v43, v4  }
0x396: {  	v4 =	vadd.s32 v5, v4  }
0x397: {  	vm7 =	vlt.s32 v4, $0x40  }
0x398: {  	vm1 =	vmand vm6, vm7;
	_ =	sdelay $0x3  }
0x399: {  	v44 =	vsel vm0, $0x1, v0  }
0x39a: {  	v45 =	vor.u32 $0x3B0, v1;
	[tilespmem:$0xBA0] =	vst v44  }
0x39b: {  	[tilespmem:v4+s24+$0x0] =	vst.idx.msk vm1, v45  }
0x39c: {  	[tilespmem:v4+s8+$0x0] =	vst.idx.msk vm1, v2  }
0x39d: {  	v4 =	vld [tilespmem:$0x3C0];
	_ =	sdelay $0x2  }
0x39e: {  	v46 =	vperm.xlane v43, v3;
	_ =	sdelay $0x1  }
0x39f: {  	v6 =	vxor.u32 $0x80000000, v46;
	vm8 =	vgt.f32 v4, $6.387295570e-02  }
0x3a0: {  	(xrf0) =	vmax.scan.msk.u32 $0xffff, v6;
	v4 =	vsel vm8, $0x1, v0  }
0x3a1: {  	(xrf0) =	vadd.scan.msk.s32 $0xffff, v4;
	_ =	sdelay $0x4  }
0x3a2: {  	v6, _, _ =	vpop (xrf0)  }
0x3a3: {  	v6 =	vxor.u32 $0x80000000, v6;
	v47, _, _ =	vpop (xrf0)  }
0x3a4: {  	v5 =	vadd.s32 v5, v6;
	v4 =	vsub.s32 v47, v4  }
0x3a5: {  	v4 =	vadd.s32 v5, v4  }
0x3a6: {  	vm9 =	vlt.s32 v4, $0x40  }
0x3a7: {  	vm0 =	vmand vm8, vm9;
	_ =	sdelay $0x3  }
0x3a8: {  	v48 =	vsel vm1, $0x1, v0  }
0x3a9: {  	v49 =	vor.u32 $0x3C0, v1;
	[tilespmem:$0xBB0] =	vst v48  }
0x3aa: {  	[tilespmem:v4+s24+$0x0] =	vst.idx.msk vm0, v49  }
0x3ab: {  	[tilespmem:v4+s8+$0x0] =	vst.idx.msk vm0, v2  }
0x3ac: {  	v4 =	vld [tilespmem:$0x3D0];
	_ =	sdelay $0x2  }
0x3ad: {  	v50 =	vperm.xlane v47, v3;
	_ =	sdelay $0x1  }
0x3ae: {  	v6 =	vxor.u32 $0x80000000, v50;
	vm10 =	vgt.f32 v4, $6.387295570e-02  }
0x3af: {  	(xrf0) =	vmax.scan.msk.u32 $0xffff, v6;
	v4 =	vsel vm10, $0x1, v0  }
0x3b0: {  	(xrf0) =	vadd.scan.msk.s32 $0xffff, v4;
	_ =	sdelay $0x4  }
0x3b1: {  	v6, _, _ =	vpop (xrf0)  }
0x3b2: {  	v6 =	vxor.u32 $0x80000000, v6;
	v51, _, _ =	vpop (xrf0)  }
0x3b3: {  	v5 =	vadd.s32 v5, v6;
	v4 =	vsub.s32 v51, v4  }
0x3b4: {  	v4 =	vadd.s32 v5, v4  }
0x3b5: {  	vm11 =	vlt.s32 v4, $0x40  }
0x3b6: {  	vm1 =	vmand vm10, vm11;
	_ =	sdelay $0x3  }
0x3b7: {  	v52 =	vsel vm0, $0x1, v0  }
0x3b8: {  	v53 =	vor.u32 $0x3D0, v1;
	[tilespmem:$0xBC0] =	vst v52  }
0x3b9: {  	[tilespmem:v4+s24+$0x0] =	vst.idx.msk vm1, v53  }
0x3ba: {  	[tilespmem:v4+s8+$0x0] =	vst.idx.msk vm1, v2  }
0x3bb: {  	v4 =	vld [tilespmem:$0x3E0];
	_ =	sdelay $0x2  }
0x3bc: {  	v54 =	vperm.xlane v51, v3;
	_ =	sdelay $0x1  }
0x3bd: {  	v6 =	vxor.u32 $0x80000000, v54;
	vm12 =	vgt.f32 v4, $6.387295570e-02  }
0x3be: {  	(xrf0) =	vmax.scan.msk.u32 $0xffff, v6;
	v4 =	vsel vm12, $0x1, v0  }
0x3bf: {  	(xrf0) =	vadd.scan.msk.s32 $0xffff, v4;
	_ =	sdelay $0x4  }
0x3c0: {  	v6, _, _ =	vpop (xrf0)  }
0x3c1: {  	v6 =	vxor.u32 $0x80000000, v6;
	v55, _, _ =	vpop (xrf0)  }
0x3c2: {  	v5 =	vadd.s32 v5, v6;
	v4 =	vsub.s32 v55, v4  }
0x3c3: {  	v4 =	vadd.s32 v5, v4  }
0x3c4: {  	vm13 =	vlt.s32 v4, $0x40  }
0x3c5: {  	vm0 =	vmand vm12, vm13;
	_ =	sdelay $0x3  }
0x3c6: {  	v56 =	vsel vm1, $0x1, v0  }
0x3c7: {  	v57 =	vor.u32 $0x3E0, v1;
	[tilespmem:$0xBD0] =	vst v56  }
0x3c8: {  	[tilespmem:v4+s24+$0x0] =	vst.idx.msk vm0, v57  }
0x3c9: {  	[tilespmem:v4+s8+$0x0] =	vst.idx.msk vm0, v2  }
0x3ca: {  	v4 =	vld [tilespmem:$0x3F0];
	_ =	sdelay $0x2  }
0x3cb: {  	v3 =	vperm.xlane v55, v3;
	_ =	sdelay $0x1  }
0x3cc: {  	v3 =	vxor.u32 $0x80000000, v3;
	vm14 =	vgt.f32 v4, $6.387295570e-02  }
0x3cd: {  	(xrf0) =	vmax.scan.msk.u32 $0xffff, v3;
	v58 =	vsel vm14, $0x1, v0  }
0x3ce: {  	(xrf0) =	vadd.scan.msk.s32 $0xffff, v58;
	_ =	sdelay $0x4  }
0x3cf: {  	v59, _, _ =	vpop (xrf0)  }
0x3d0: {  	v4 =	vxor.u32 $0x80000000, v59;
	v60, _, _ =	vpop (xrf0)  }
0x3d1: {  	v4 =	vadd.s32 v5, v4;
	v3 =	vsub.s32 v60, v58  }
0x3d2: {  	v3 =	vadd.s32 v3, v4  }
0x3d3: {  	vm15 =	vlt.s32 v3, $0x40  }
0x3d4: {  	vm1 =	vmand vm14, vm15;
	_ =	sdelay $0x3  }
0x3d5: {  	v61 =	vsel vm0, $0x1, v0  }
0x3d6: {  	v1 =	vor.u32 $0x3F0, v1;
	[tilespmem:$0xBE0] =	vst v61  }
0x3d7: {  	[tilespmem:v3+s24+$0x0] =	vst.idx.msk vm1, v1  }
0x3d8: {  	[tilespmem:v3+s8+$0x0] =	vst.idx.msk vm1, v2  }
0x3d9: {  	v1 =	vld [tilespmem:$0xC00];
	_ =	sdelay $0x5  }
0x3da: {  	v0 =	vsel vm1, $0x1, v0  }
0x3db: {  	[tilespmem:$0xBF0] =	vst v0  }
0x3dc: {  	v0 =	vld.idx.msk [tilespmem:v1+s4+$0x0], $0xffff;
	_ =	sdelay $0x3  }
0x3dd: {  	v2 =	vld [tilespmem:$0xC10]  }
0x3de: {  	[tilespmem:$0xC80] =	vst v0  }
0x3df: {  	v0 =	vld.idx.msk [tilespmem:v1+s7+$0x0], $0xffff;
	_ =	sdelay $0x4  }
0x3e0: {  	[tilespmem:$0xD00] =	vst v0  }
0x3e1: {  	v0 =	vld.idx.msk [tilespmem:v2+s4+$0x0], $0xffff;
	_ =	sdelay $0x3  }
0x3e2: {  	v62 =	vld [tilespmem:$0xC20]  }
0x3e3: {  	[tilespmem:$0xC90] =	vst v0  }
0x3e4: {  	v0 =	vld.idx.msk [tilespmem:v2+s7+$0x0], $0xffff;
	_ =	sdelay $0x4  }
0x3e5: {  	[tilespmem:$0xD10] =	vst v0  }
0x3e6: {  	v0 =	vld.idx.msk [tilespmem:v62+s4+$0x0], $0xffff;
	_ =	sdelay $0x3  }
0x3e7: {  	v63 =	vld [tilespmem:$0xC30]  }
0x3e8: {  	[tilespmem:$0xCA0] =	vst v0  }
0x3e9: {  	v0 =	vld.idx.msk [tilespmem:v62+s7+$0x0], $0xffff;
	_ =	sdelay $0x4  }
0x3ea: {  	[tilespmem:$0xD20] =	vst v0  }
0x3eb: {  	v0 =	vld.idx.msk [tilespmem:v63+s4+$0x0], $0xffff;
	_ =	sdelay $0x4  }
0x3ec: {  	[tilespmem:$0xCB0] =	vst v0  }
0x3ed: {  	v0 =	vld.idx.msk [tilespmem:v63+s7+$0x0], $0xffff;
	_ =	sdelay $0x4  }
0x3ee: {  	s25 =	sadd.s32 $0x37800, s1;
	s9 =	simm.s32 $0xC80;
	[tilespmem:$0xD30] =	vst v0  }
0x3ef: {  	[hbm4b:s25+s4] =	stream.linear.scatter [tilespmem:s9], [sflag:$0x2], $0x80, $0x38;
	[tilespmem:$0x2E88] =	vst v63  }
0x3f0: {  	_ =	swait.ge [sflag:s23], $0x80  }
0x3f1: {  	[sflag:s23] =	ssyncset.done $0x0  }
0x3f2: {  	s26 =	sadd.s32 $0x37A00, s1;
	s28 =	simm.s32 $0xD00;
	[sflag:s23] =	ssyncadd.s32 $0xFFFFFF80  }
0x3f3: {  	[hbm4b:s26+s4] =	stream.linear.scatter [tilespmem:s28], [sflag:$0x2], $0x80, $0x38;
	[tilespmem:$0x2E88] =	vst v63  }
0x3f4: {  	_ =	swait.ge [sflag:s23], $0x80  }
0x3f5: {  	[sflag:s23] =	ssyncset.done $0x0  }
0x3f6: {  	s29 =	sadd.s32 $0x37C00, s1;
	[sflag:s23] =	ssyncadd.s32 $0xFFFFFF80  }
0x3f7: {  	[hbm4b:s29+s4] =	stream.linear.scatter [tilespmem:s8], [sflag:$0x2], $0x80, $0x38;
	[tilespmem:$0x2E88] =	vst v63  }
0x3f8: {  	_ =	swait.ge [sflag:s23], $0x80  }
0x3f9: {  	[sflag:s23] =	ssyncset.done $0x0  }
0x3fa: {  	s30 =	sadd.s32 $0x35600, s1;
	s31 =	simm.s32 $0x800;
	[sflag:s23] =	ssyncadd.s32 $0xFFFFFF80  }
0x3fb: {  	[hbm4b:s30+s4] =	stream.linear.scatter [tilespmem:s31], [sflag:$0x2], $0x400, $0x38;
	[tilespmem:$0x2E88] =	vst v63  }
0x3fc: {  	_ =	swait.ge [sflag:s23], $0x400  }
0x3fd: {  	[sflag:s23] =	ssyncset.done $0x0  }
0x3fe: {  	[sflag:s23] =	ssyncadd.s32 $0xFFFFFC00  }
0x3ff: {  	[spmem:s3] =	stream.linear.scatter [tilespmem:s24], [sflag:$0x2], $0x80, $0x38;
	[tilespmem:$0x2E88] =	vst v63  }
0x400: {  	_ =	swait.ge [sflag:s23], $0x80  }
0x401: {  	[sflag:s23] =	ssyncset.done $0x0  }
0x402: {  	[sflag:s23] =	ssyncadd.s32 $0xFFFFFF80  }
0x403: {  	[bflag:$0x0] =	sbarrier.arrive $0xFFFF  }
.LBB2_3:
0x404: {  	s4 =	sshll.u32 s2, $0x3  }
0x405: {  	s20 =	simm.s32 $0xE00;
	s21 =	simm.s32 $0x2;
	s3 =	sadd.s32 s4, s3  }
0x406: {  	[tilespmem:s20], [sflag:$0x2] =	stream.linear.gather [spmem:s3], $0x8, $0x38;
	[tilespmem:$0x2E88] =	vst v63  }
0x407: {  	_ =	swait.ge [sflag:s21], $0x8  }
0x408: {  	[sflag:s21] =	ssyncset.done $0x0  }
0x409: {  	[sflag:s21] =	ssyncadd.s32 $0xFFFFFFF8  }
0x40a: {  	v0 =	vld.msk [tilespmem:$0xE00], $0xff;
	_ =	sdelay $0x4  }
0x40b: {  	v1 =	vshll.u32 v0, $0x3  }
0x40c: {  	v2 =	vlaneseq.u32;
	v0 =	vand.u32 $0x7, v0;
	v1 =	vand.u32 $0xFFFFFFC0, v1  }
0x40d: {  	v62 =	vand.u32 $0x7, v2;
	v2 =	vshrl.u32 v2, $0x3;
	v0 =	vor.u32 v0, v1  }
0x40e: {  	v63 =	vmul.u32 $0x8, v2;
	v0 =	vperm.xlane v0, v62;
	_ =	sdelay $0x1  }
0x40f: {  	v0 =	vadd.s32 v63, v0;
	_ =	sdelay $0x3  }
0x410: {  	s22 =	sadd.s32 $0x1400, s1;
	vm0 =	vmmov $0xffff;
	s5 =	simm.s32 $0x0;
	s6 =	simm.s32 $0xE80  }
0x411: {  	[tilespmem:s6], [sflag:$0x1] =	stream.indirect_vreg.gather [hbm4b:s22+s5], $0x80, v0, vm0, $0xb8;
	[tilespmem:$0x2E88] =	vst v63  }
0x412: {  	s23 =	sadd.s32 $0x1500, s1;
	s7 =	simm.s32 $0x1680  }
0x413: {  	[tilespmem:s7], [sflag:$0x1] =	stream.indirect_vreg.gather [hbm4b:s23+s5], $0x80, v0, vm0, $0xb8;
	[tilespmem:$0x2E88] =	vst v63  }
0x414: {  	s24 =	sadd.s32 $0x1600, s1;
	s25 =	simm.s32 $0x1E80  }
0x415: {  	[tilespmem:s25], [sflag:$0x1] =	stream.indirect_vreg.gather [hbm4b:s24+s5], $0x80, v0, vm0, $0xb8;
	[tilespmem:$0x2E88] =	vst v63  }
0x416: {  	s26 =	sadd.s32 $0x1700, s1;
	s28 =	simm.s32 $0x2680;
	s29 =	simm.s32 $0x1  }
0x417: {  	[tilespmem:s28], [sflag:$0x1] =	stream.indirect_vreg.gather [hbm4b:s26+s5], $0x80, v0, vm0, $0xb8;
	[tilespmem:$0x2E88] =	vst v63  }
0x418: {  	s30 =	sshll.u32 s2, $0xA;
	_ =	swait.ge [sflag:s29], $0x2000  }
0x419: {  	s31 =	sadd.s32 s30, s1;
	[sflag:s29] =	ssyncset.done $0x0  }
0x41a: {  	s1 =	sadd.s32 $0x35800, s31;
	[sflag:s29] =	ssyncadd.s32 $0xFFFFE000  }
0x41b: {  	[hbm4b:s1+s5] =	stream.linear.scatter [tilespmem:s6], [sflag:$0x2], $0x2000, $0x38;
	[tilespmem:$0x2E88] =	vst v63  }
0x41c: {  	_ =	swait.ge [sflag:s21], $0x2000  }
0x41d: {  	[sflag:s21] =	ssyncset.done $0x0  }
0x41e: {  	[sflag:s21] =	ssyncadd.s32 $0xFFFFE000  }
.LBB2_4:
0x41f: {  	_ =	sfence.sel $0x180000  }
0x420: {  	[bflag:$0x0] =	sbarrier.arrive $0xFFFF  }
0x421: {  	_ =	strace $0x9000004A  }
0x422: {  	s0 =	sadd.s32 @!p0 $0x100000, s0;
	[bflag:$0x2] =	sbarrier.arrive $0xFFFF  }
0x423: {  	[sflag:s0] =	ssyncadd.tile.s32 @!p0 $0x1;
	_ =	shalt  }
.Lfunc_end2:
_tile_overlayer_lowered:
.L_overlay_start_2:
0x424: {  	(tag) =	ssettag $0x2  }
0x425: {  	s0 =	rddreg [dreg:$0x0];
	s2 =	stileid.u32  }
0x426: {  	s1 =	rddreg [dreg:$0x1];
	p0 =	sne.s32 s2, $0x0  }
0x427: {  	s3 =	rddreg [dreg:$0x2];
	[bflag:$0x3] =	sbarrier.arrive $0xFFFF;
	s2 =	simm.s32 @!p0 $0x1C02  }
0x428: {  	[timem:s3], [sflag:s2] =	dma.local @!p0 [hbm:s0], s1  }
0x429: {  	s0 =	simm.s32 @!p0 $0x2  }
0x42a: {  	_ =	swait.ge @!p0 [sflag:s0], s1  }
0x42b: {  	s1 =	ssub.s32 @!p0 $0x0, s1;
	[sflag:s0] =	ssyncset.done @!p0 $0x0  }
0x42c: {  	[sflag:s0] =	ssyncadd.s32 @!p0 s1  }
0x42d: {  	[bflag:$0x3] =	sbarrier.arrive $0xFFFF  }
0x42e: {  	_ =	shalt  }

</sc_bundles>
